<compile_context>
chip_gen: v7x
topology: tpu7x:2x2x1
jax: 0.10.2.dev20260603
libtpu: 0.0.44.dev20260713+nightly
codegen_flags: <defaults>
</compile_context>

<pallas_src>
import functools

import jax
import jax.numpy as jnp
from jax import lax
from jax.experimental import pallas as pl
from jax.experimental.pallas import tpu as pltpu
from jax.experimental.pallas import tpu_sc as plsc

D = 128
NMIN = 60
NHOUR = 24
NC = 2
NS = 16
NW = NC * NS
L = 16
CHUNK = 128
NFEAT = 5
MIN_CH = 3
HOUR_CH = 2


def _idx_kernel(xt_ref, minute_ref, hour_ref, idx_ref, c_ref):
    @pl.when(pl.program_id(0) == 0)
    def _():
        c_ref[...] = minute_ref[...][:, None, :] + hour_ref[...][None, :, :]

    m = (xt_ref[MIN_CH] * 59.0).astype(jnp.int32)
    h = (xt_ref[HOUR_CH] * 23.0).astype(jnp.int32)
    idx_ref[0] = m * NHOUR + h


def _token_idx(x_mark, minute_embed, hour_embed):
    b, t, _ = x_mark.shape
    xt = jnp.transpose(x_mark, (2, 1, 0))
    idx, c = pl.pallas_call(
        _idx_kernel,
        grid=(b // CHUNK,),
        in_specs=[
            pl.BlockSpec((NFEAT, t, CHUNK), lambda g: (0, 0, g)),
            pl.BlockSpec((NMIN, D), lambda g: (0, 0)),
            pl.BlockSpec((NHOUR, D), lambda g: (0, 0)),
        ],
        out_specs=[
            pl.BlockSpec((1, t, CHUNK), lambda g: (g, 0, 0)),
            pl.BlockSpec((NMIN, NHOUR, D), lambda g: (0, 0, 0)),
        ],
        out_shape=[
            jax.ShapeDtypeStruct((b // CHUNK, t, CHUNK), jnp.int32),
            jax.ShapeDtypeStruct((NMIN, NHOUR, D), jnp.float32),
        ],
    )(xt, minute_embed, hour_embed)
    return idx, c.reshape(NMIN * NHOUR, D)


def _make_gather(n_b, n_t):
    assert n_b == NW * CHUNK
    n_tok = n_b * n_t
    mesh = plsc.VectorSubcoreMesh(
        core_axis_name="c", subcore_axis_name="s", num_cores=NC, num_subcores=NS
    )

    @functools.partial(
        pl.kernel,
        out_type=jax.ShapeDtypeStruct((n_tok, D), jnp.float32),
        mesh=mesh,
        scratch_types=(
            [pltpu.VMEM((n_t, CHUNK), jnp.int32)]
            + [pltpu.VMEM((CHUNK,), jnp.int32) for _ in range(5)]
            + [pltpu.VMEM((CHUNK, D), jnp.float32) for _ in range(5)]
            + [pltpu.SemaphoreType.DMA for _ in range(10)]
            + [pltpu.VMEM_SHARED((NMIN * NHOUR, D), jnp.float32)]
        ),
        compiler_params=pltpu.CompilerParams(needs_layout_passes=False),
    )
    def gather(idx_hbm, c_hbm, out_hbm, slab,
               i0, i1, i2, i3, i4, r0, r1, r2, r3, r4,
               gs0, gs1, gs2, gs3, gs4, ss0, ss1, ss2, ss3, ss4, c_sp):
        ib = [i0, i1, i2, i3, i4]
        rb = [r0, r1, r2, r3, r4]
        gs = [gs0, gs1, gs2, gs3, gs4]
        ss = [ss0, ss1, ss2, ss3, ss4]
        wid = lax.axis_index("s") * NC + lax.axis_index("c")
        w_base = wid * n_t * CHUNK

        @pl.when(lax.axis_index("s") == 0)
        def _():
            pltpu.sync_copy(c_hbm, c_sp)

        pltpu.sync_copy(idx_hbm.at[wid], slab)
        plsc.subcore_barrier()

        def fire(ri, ib, rows, gsem):
            for jj in range(CHUNK // L):
                q = lax.iota(jnp.int32, L) + (CHUNK * ri + L * jj)
                b_loc = q // n_t
                t = q - b_loc * n_t
                ib[pl.ds(L * jj, L)] = plsc.load_gather(slab, [t, b_loc])
            pltpu.async_copy(c_sp.at[ib], rows, gsem)

        def wait_g(ib, rows, gsem):
            pltpu.make_async_copy(c_sp.at[ib], rows, gsem).wait()

        def scatter(ti, rows, ssem):
            pltpu.async_copy(
                rows, out_hbm.at[pl.ds(w_base + ti * CHUNK, CHUNK)], ssem
            )

        def wait_s(ti, rows, ssem):
            pltpu.make_async_copy(
                rows, out_hbm.at[pl.ds(w_base + ti * CHUNK, CHUNK)], ssem
            ).wait()

        NB = 5
        n_chunks = n_t
        n_groups = n_chunks // NB
        for k in range(NB - 1):
            fire(k, ib[k], rb[k], gs[k])

        def body(g, carry):
            c0 = NB * g
            for k in range(NB):
                c = c0 + k
                s3 = (k + NB - 1) % NB
                wait_g(ib[k], rb[k], gs[k])
                scatter(c, rb[k], ss[k])

                @pl.when(c + NB - 1 < n_chunks)
                def _():
                    @pl.when(c >= 1)
                    def _():
                        wait_s(c - 1, rb[s3], ss[s3])

                    fire(c + NB - 1, ib[s3], rb[s3], gs[s3])

            return carry

        lax.fori_loop(0, n_groups, body, 0)
        for j in range(NB):
            c = n_chunks - NB + j
            wait_s(c, rb[c % NB], ss[c % NB])

    return gather


def kernel(x_mark, minute_embed, hour_embed):
    b, t, _ = x_mark.shape
    idx, c_table = _token_idx(x_mark, minute_embed, hour_embed)
    out = _make_gather(b, t)(idx, c_table)
    return out.reshape(b, t, D)

# --- scband reference (transcript-rebuilt; emitter-appended) ---
"""Pipeline reference for scband-crypto-time-embedding-403726926415 (READ-ONLY COPY).

The authoritative reference and input builder live on the scoring server;
editing this copy changes nothing except your own understanding.
"""

import jax, jax.numpy as jnp
import numpy as np

D_MODEL = 128

def setup_inputs(seed: int = 0) -> dict:
    key = jax.random.key(seed)
    k1, k2, k3 = jax.random.split(key, 3)
    x_mark = jax.random.uniform(k1, (4096, 200, 5), dtype=jnp.float32)
    minute_embed = jax.random.normal(k2, (60, D_MODEL), dtype=jnp.float32)
    hour_embed = jax.random.normal(k3, (24, D_MODEL), dtype=jnp.float32)
    return {"x_mark": x_mark, "minute_embed": minute_embed, "hour_embed": hour_embed}

def reference(x_mark, minute_embed, hour_embed):
    n_feat = x_mark.shape[-1]
    minute_idx = min(3, n_feat - 1)
    hour_idx = min(2, n_feat - 1)
    minutes = (x_mark[..., minute_idx] * 59).astype(jnp.int32)
    hours = (x_mark[..., hour_idx] * 23).astype(jnp.int32)
    return jnp.take(minute_embed, minutes, axis=0) + jnp.take(hour_embed, hours, axis=0)

if __name__ == "__main__":
    import jax
    _d = setup_inputs()
    print(jax.jit(kernel)(*tuple(_d.values())))

</pallas_src>

<mosaic_0001>
#map = affine_map<(d0, d1) -> (0, 0, 0)>
#map1 = affine_map<(d0, d1) -> (0, 0)>
module attributes {stable_mosaic.version = 14 : i64} {
  func.func @gather(%arg0: i32, %arg1: i32, %arg2: memref<32x200x128xi32, #tpu.memory_space<hbm>>, %arg3: memref<1440x128xf32, #tpu.memory_space<hbm>>, %arg4: memref<819200x128xf32, #tpu.memory_space<hbm>>, %arg5: memref<200x128xi32, #tpu.memory_space<vmem>>, %arg6: memref<128xi32, #tpu.memory_space<vmem>>, %arg7: memref<128xi32, #tpu.memory_space<vmem>>, %arg8: memref<128xi32, #tpu.memory_space<vmem>>, %arg9: memref<128xi32, #tpu.memory_space<vmem>>, %arg10: memref<128xi32, #tpu.memory_space<vmem>>, %arg11: memref<128x128xf32, #tpu.memory_space<vmem>>, %arg12: memref<128x128xf32, #tpu.memory_space<vmem>>, %arg13: memref<128x128xf32, #tpu.memory_space<vmem>>, %arg14: memref<128x128xf32, #tpu.memory_space<vmem>>, %arg15: memref<128x128xf32, #tpu.memory_space<vmem>>, %arg16: memref<!tpu.dma_semaphore, #tpu.memory_space<semaphore_mem>>, %arg17: memref<!tpu.dma_semaphore, #tpu.memory_space<semaphore_mem>>, %arg18: memref<!tpu.dma_semaphore, #tpu.memory_space<semaphore_mem>>, %arg19: memref<!tpu.dma_semaphore, #tpu.memory_space<semaphore_mem>>, %arg20: memref<!tpu.dma_semaphore, #tpu.memory_space<semaphore_mem>>, %arg21: memref<!tpu.dma_semaphore, #tpu.memory_space<semaphore_mem>>, %arg22: memref<!tpu.dma_semaphore, #tpu.memory_space<semaphore_mem>>, %arg23: memref<!tpu.dma_semaphore, #tpu.memory_space<semaphore_mem>>, %arg24: memref<!tpu.dma_semaphore, #tpu.memory_space<semaphore_mem>>, %arg25: memref<!tpu.dma_semaphore, #tpu.memory_space<semaphore_mem>>, %arg26: memref<1440x128xf32, #tpu.memory_space<vmem_shared>>) attributes {dimension_semantics = [#tpu.dimension_semantics<core_parallel>, #tpu.dimension_semantics<subcore_parallel>], iteration_bounds = array<i64: 2, 16>, scalar_prefetch = 0 : i64, scratch_operands = 22 : i64, tpu.core_type = #tpu.core_type<sc_vector_subcore>, window_params = [{transform_indices = #map}, {transform_indices = #map1}, {transform_indices = #map1}]} {
    %mul3A = arith.constant 2 : i32
    %mul3A_0 = arith.muli %arg1, %mul3A : i32
    %add3A = arith.addi %mul3A_0, %arg0 : i32
    %mul3A_1 = arith.constant 200 : i32
    %mul3A_2 = arith.muli %add3A, %mul3A_1 : i32
    %mul3A_3 = arith.constant 128 : i32
    %mul3A_4 = arith.muli %mul3A_2, %mul3A_3 : i32
    %eq3A = arith.constant 0 : i32
    %eq3A_5 = arith.cmpi eq, %arg1, %eq3A : i32
    %convert_element_type3A = arith.extui %eq3A_5 : i1 to i32
    %cond3A = arith.constant 0 : i32
    %cond3A_6 = arith.cmpi ne, %convert_element_type3A, %cond3A : i32
    scf.if %cond3A_6 {
      "tpu.region"() ({
        %run_scoped3A = tpu.sem_alloc : memref<!tpu.dma_semaphore, #tpu.memory_space<semaphore_mem>>
        tpu.enqueue_dma source(%arg3 : memref<1440x128xf32, #tpu.memory_space<hbm>>) target(%arg26 : memref<1440x128xf32, #tpu.memory_space<vmem_shared>>) target_semaphore(%run_scoped3A : memref<!tpu.dma_semaphore, #tpu.memory_space<semaphore_mem>>)
        tpu.wait_dma2 semaphore(%run_scoped3A : memref<!tpu.dma_semaphore, #tpu.memory_space<semaphore_mem>>) src(%arg3 : memref<1440x128xf32, #tpu.memory_space<hbm>>) dst(%arg26 : memref<1440x128xf32, #tpu.memory_space<vmem_shared>>)
        tpu.yield
      }) : () -> ()
    } else {
    }
    "tpu.region"() ({
      %run_scoped3A = tpu.sem_alloc : memref<!tpu.dma_semaphore, #tpu.memory_space<semaphore_mem>>
      %dma_start3A_1385 = arith.constant 0 : i32
      %dma_start3A_1386 = arith.constant 0 : i32
      %dma_start3A_1387 = tpu.memref_slice %arg2[%add3A, %dma_start3A_1385, %dma_start3A_1386] : memref<32x200x128xi32, #tpu.memory_space<hbm>> -> memref<1x200x128xi32, #tpu.memory_space<hbm>>
      %dma_start3A_1388 = tpu.memref_squeeze %dma_start3A_1387 : memref<1x200x128xi32, #tpu.memory_space<hbm>> -> memref<200x128xi32, #tpu.memory_space<hbm>>
      %dma_start3A_1389 = arith.constant 0 : i32
      %dma_start3A_1390 = arith.constant 0 : i32
      %dma_start3A_1391 = tpu.memref_slice %arg2[%add3A, %dma_start3A_1389, %dma_start3A_1390] : memref<32x200x128xi32, #tpu.memory_space<hbm>> -> memref<1x200x128xi32, #tpu.memory_space<hbm>>
      %dma_start3A_1392 = tpu.memref_squeeze %dma_start3A_1391 : memref<1x200x128xi32, #tpu.memory_space<hbm>> -> memref<200x128xi32, #tpu.memory_space<hbm>>
      tpu.enqueue_dma source(%dma_start3A_1392 : memref<200x128xi32, #tpu.memory_space<hbm>>) target(%arg5 : memref<200x128xi32, #tpu.memory_space<vmem>>) target_semaphore(%run_scoped3A : memref<!tpu.dma_semaphore, #tpu.memory_space<semaphore_mem>>)
      %dma_wait3A_1393 = arith.constant 0 : i32
      %dma_wait3A_1394 = arith.constant 0 : i32
      %dma_wait3A_1395 = tpu.memref_slice %arg2[%add3A, %dma_wait3A_1393, %dma_wait3A_1394] : memref<32x200x128xi32, #tpu.memory_space<hbm>> -> memref<1x200x128xi32, #tpu.memory_space<hbm>>
      %dma_wait3A_1396 = tpu.memref_squeeze %dma_wait3A_1395 : memref<1x200x128xi32, #tpu.memory_space<hbm>> -> memref<200x128xi32, #tpu.memory_space<hbm>>
      %dma_wait3A_1397 = arith.constant 0 : i32
      %dma_wait3A_1398 = arith.constant 0 : i32
      %dma_wait3A_1399 = tpu.memref_slice %arg2[%add3A, %dma_wait3A_1397, %dma_wait3A_1398] : memref<32x200x128xi32, #tpu.memory_space<hbm>> -> memref<1x200x128xi32, #tpu.memory_space<hbm>>
      %dma_wait3A_1400 = tpu.memref_squeeze %dma_wait3A_1399 : memref<1x200x128xi32, #tpu.memory_space<hbm>> -> memref<200x128xi32, #tpu.memory_space<hbm>>
      tpu.wait_dma2 semaphore(%run_scoped3A : memref<!tpu.dma_semaphore, #tpu.memory_space<semaphore_mem>>) src(%dma_wait3A_1400 : memref<200x128xi32, #tpu.memory_space<hbm>>) dst(%arg5 : memref<200x128xi32, #tpu.memory_space<vmem>>)
      tpu.yield
    }) : () -> ()
    %barrier3A = arith.constant 0 : index
    tpu.barrier barrier_id(%barrier3A)
    %iota3A = tpu.iota {dimensions = array<i32: 0>} : vector<16xi32>
    %add3A_7 = arith.constant 0 : i32
    %add3A_8 = vector.broadcast %add3A_7 : i32 to vector<16xi32>
    %add3A_9 = arith.addi %iota3A, %add3A_8 : vector<16xi32>
    %jit3A = arith.constant 200 : i32
    %div3A = vector.broadcast %jit3A : i32 to vector<16xi32>
    %div3A_10 = arith.divsi %add3A_9, %div3A : vector<16xi32>
    %sign3A = arith.constant 0 : i32
    %sign3A_11 = vector.broadcast %sign3A : i32 to vector<16xi32>
    %sign3A_12 = arith.cmpi sgt, %add3A_9, %sign3A_11 : vector<16xi32>
    %sign3A_13 = arith.extui %sign3A_12 : vector<16xi1> to vector<16xi32>
    %sign3A_14 = arith.constant 0 : i32
    %sign3A_15 = vector.broadcast %sign3A_14 : i32 to vector<16xi32>
    %sign3A_16 = arith.cmpi slt, %add3A_9, %sign3A_15 : vector<16xi32>
    %sign3A_17 = arith.extui %sign3A_16 : vector<16xi1> to vector<16xi32>
    %sign3A_18 = arith.subi %sign3A_13, %sign3A_17 : vector<16xi32>
    %sign3A_19 = arith.constant 0 : i32
    %sign3A_20 = arith.cmpi sgt, %jit3A, %sign3A_19 : i32
    %sign3A_21 = arith.extui %sign3A_20 : i1 to i32
    %sign3A_22 = arith.constant 0 : i32
    %sign3A_23 = arith.cmpi slt, %jit3A, %sign3A_22 : i32
    %sign3A_24 = arith.extui %sign3A_23 : i1 to i32
    %sign3A_25 = arith.subi %sign3A_21, %sign3A_24 : i32
    %ne3A = vector.broadcast %sign3A_25 : i32 to vector<16xi32>
    %ne3A_26 = arith.cmpi ne, %sign3A_18, %ne3A : vector<16xi32>
    %rem3A = vector.broadcast %jit3A : i32 to vector<16xi32>
    %rem3A_27 = arith.remsi %add3A_9, %rem3A : vector<16xi32>
    %ne3A_28 = arith.constant 0 : i32
    %ne3A_29 = vector.broadcast %ne3A_28 : i32 to vector<16xi32>
    %ne3A_30 = arith.cmpi ne, %rem3A_27, %ne3A_29 : vector<16xi32>
    %and3A = arith.andi %ne3A_26, %ne3A_30 : vector<16xi1>
    %sub3A = arith.constant 1 : i32
    %sub3A_31 = vector.broadcast %sub3A : i32 to vector<16xi32>
    %sub3A_32 = arith.subi %div3A_10, %sub3A_31 : vector<16xi32>
    %select_n3A = arith.select %and3A, %sub3A_32, %div3A_10 : vector<16xi1>, vector<16xi32>
    %mul3A_33 = arith.constant 200 : i32
    %mul3A_34 = vector.broadcast %mul3A_33 : i32 to vector<16xi32>
    %mul3A_35 = arith.muli %select_n3A, %mul3A_34 : vector<16xi32>
    %sub3A_36 = arith.subi %add3A_9, %mul3A_35 : vector<16xi32>
    %gather3A = tpu.vector_load_idx %arg5[%sub3A_36, %select_n3A] : memref<200x128xi32, #tpu.memory_space<vmem>>[vector<16xi32>, vector<16xi32>], vector<16xi32>,
    %swap3A = arith.constant 0 : index
    %swap3A_37 = tpu.vector_load %arg6[%swap3A] {strides = array<i32>} : memref<128xi32, #tpu.memory_space<vmem>>, vector<16xi32>,
    tpu.vector_store %arg6[%swap3A], %gather3A {strides = array<i32>} : memref<128xi32, #tpu.memory_space<vmem>>, vector<16xi32>,
    %iota3A_38 = tpu.iota {dimensions = array<i32: 0>} : vector<16xi32>
    %add3A_39 = arith.constant 16 : i32
    %add3A_40 = vector.broadcast %add3A_39 : i32 to vector<16xi32>
    %add3A_41 = arith.addi %iota3A_38, %add3A_40 : vector<16xi32>
    %jit3A_42 = arith.constant 200 : i32
    %div3A_43 = vector.broadcast %jit3A_42 : i32 to vector<16xi32>
    %div3A_44 = arith.divsi %add3A_41, %div3A_43 : vector<16xi32>
    %sign3A_45 = arith.constant 0 : i32
    %sign3A_46 = vector.broadcast %sign3A_45 : i32 to vector<16xi32>
    %sign3A_47 = arith.cmpi sgt, %add3A_41, %sign3A_46 : vector<16xi32>
    %sign3A_48 = arith.extui %sign3A_47 : vector<16xi1> to vector<16xi32>
    %sign3A_49 = arith.constant 0 : i32
    %sign3A_50 = vector.broadcast %sign3A_49 : i32 to vector<16xi32>
    %sign3A_51 = arith.cmpi slt, %add3A_41, %sign3A_50 : vector<16xi32>
    %sign3A_52 = arith.extui %sign3A_51 : vector<16xi1> to vector<16xi32>
    %sign3A_53 = arith.subi %sign3A_48, %sign3A_52 : vector<16xi32>
    %sign3A_54 = arith.constant 0 : i32
    %sign3A_55 = arith.cmpi sgt, %jit3A_42, %sign3A_54 : i32
    %sign3A_56 = arith.extui %sign3A_55 : i1 to i32
    %sign3A_57 = arith.constant 0 : i32
    %sign3A_58 = arith.cmpi slt, %jit3A_42, %sign3A_57 : i32
    %sign3A_59 = arith.extui %sign3A_58 : i1 to i32
    %sign3A_60 = arith.subi %sign3A_56, %sign3A_59 : i32
    %ne3A_61 = vector.broadcast %sign3A_60 : i32 to vector<16xi32>
    %ne3A_62 = arith.cmpi ne, %sign3A_53, %ne3A_61 : vector<16xi32>
    %rem3A_63 = vector.broadcast %jit3A_42 : i32 to vector<16xi32>
    %rem3A_64 = arith.remsi %add3A_41, %rem3A_63 : vector<16xi32>
    %ne3A_65 = arith.constant 0 : i32
    %ne3A_66 = vector.broadcast %ne3A_65 : i32 to vector<16xi32>
    %ne3A_67 = arith.cmpi ne, %rem3A_64, %ne3A_66 : vector<16xi32>
    %and3A_68 = arith.andi %ne3A_62, %ne3A_67 : vector<16xi1>
    %sub3A_69 = arith.constant 1 : i32
    %sub3A_70 = vector.broadcast %sub3A_69 : i32 to vector<16xi32>
    %sub3A_71 = arith.subi %div3A_44, %sub3A_70 : vector<16xi32>
    %select_n3A_72 = arith.select %and3A_68, %sub3A_71, %div3A_44 : vector<16xi1>, vector<16xi32>
    %mul3A_73 = arith.constant 200 : i32
    %mul3A_74 = vector.broadcast %mul3A_73 : i32 to vector<16xi32>
    %mul3A_75 = arith.muli %select_n3A_72, %mul3A_74 : vector<16xi32>
    %sub3A_76 = arith.subi %add3A_41, %mul3A_75 : vector<16xi32>
    %gather3A_77 = tpu.vector_load_idx %arg5[%sub3A_76, %select_n3A_72] : memref<200x128xi32, #tpu.memory_space<vmem>>[vector<16xi32>, vector<16xi32>], vector<16xi32>,
    %swap3A_78 = arith.constant 16 : index
    %swap3A_79 = tpu.vector_load %arg6[%swap3A_78] {strides = array<i32>} : memref<128xi32, #tpu.memory_space<vmem>>, vector<16xi32>,
    tpu.vector_store %arg6[%swap3A_78], %gather3A_77 {strides = array<i32>} : memref<128xi32, #tpu.memory_space<vmem>>, vector<16xi32>,
    %iota3A_80 = tpu.iota {dimensions = array<i32: 0>} : vector<16xi32>
    %add3A_81 = arith.constant 32 : i32
    %add3A_82 = vector.broadcast %add3A_81 : i32 to vector<16xi32>
    %add3A_83 = arith.addi %iota3A_80, %add3A_82 : vector<16xi32>
    %jit3A_84 = arith.constant 200 : i32
    %div3A_85 = vector.broadcast %jit3A_84 : i32 to vector<16xi32>
    %div3A_86 = arith.divsi %add3A_83, %div3A_85 : vector<16xi32>
    %sign3A_87 = arith.constant 0 : i32
    %sign3A_88 = vector.broadcast %sign3A_87 : i32 to vector<16xi32>
    %sign3A_89 = arith.cmpi sgt, %add3A_83, %sign3A_88 : vector<16xi32>
    %sign3A_90 = arith.extui %sign3A_89 : vector<16xi1> to vector<16xi32>
    %sign3A_91 = arith.constant 0 : i32
    %sign3A_92 = vector.broadcast %sign3A_91 : i32 to vector<16xi32>
    %sign3A_93 = arith.cmpi slt, %add3A_83, %sign3A_92 : vector<16xi32>
    %sign3A_94 = arith.extui %sign3A_93 : vector<16xi1> to vector<16xi32>
    %sign3A_95 = arith.subi %sign3A_90, %sign3A_94 : vector<16xi32>
    %sign3A_96 = arith.constant 0 : i32
    %sign3A_97 = arith.cmpi sgt, %jit3A_84, %sign3A_96 : i32
    %sign3A_98 = arith.extui %sign3A_97 : i1 to i32
    %sign3A_99 = arith.constant 0 : i32
    %sign3A_100 = arith.cmpi slt, %jit3A_84, %sign3A_99 : i32
    %sign3A_101 = arith.extui %sign3A_100 : i1 to i32
    %sign3A_102 = arith.subi %sign3A_98, %sign3A_101 : i32
    %ne3A_103 = vector.broadcast %sign3A_102 : i32 to vector<16xi32>
    %ne3A_104 = arith.cmpi ne, %sign3A_95, %ne3A_103 : vector<16xi32>
    %rem3A_105 = vector.broadcast %jit3A_84 : i32 to vector<16xi32>
    %rem3A_106 = arith.remsi %add3A_83, %rem3A_105 : vector<16xi32>
    %ne3A_107 = arith.constant 0 : i32
    %ne3A_108 = vector.broadcast %ne3A_107 : i32 to vector<16xi32>
    %ne3A_109 = arith.cmpi ne, %rem3A_106, %ne3A_108 : vector<16xi32>
    %and3A_110 = arith.andi %ne3A_104, %ne3A_109 : vector<16xi1>
    %sub3A_111 = arith.constant 1 : i32
    %sub3A_112 = vector.broadcast %sub3A_111 : i32 to vector<16xi32>
    %sub3A_113 = arith.subi %div3A_86, %sub3A_112 : vector<16xi32>
    %select_n3A_114 = arith.select %and3A_110, %sub3A_113, %div3A_86 : vector<16xi1>, vector<16xi32>
    %mul3A_115 = arith.constant 200 : i32
    %mul3A_116 = vector.broadcast %mul3A_115 : i32 to vector<16xi32>
    %mul3A_117 = arith.muli %select_n3A_114, %mul3A_116 : vector<16xi32>
    %sub3A_118 = arith.subi %add3A_83, %mul3A_117 : vector<16xi32>
    %gather3A_119 = tpu.vector_load_idx %arg5[%sub3A_118, %select_n3A_114] : memref<200x128xi32, #tpu.memory_space<vmem>>[vector<16xi32>, vector<16xi32>], vector<16xi32>,
    %swap3A_120 = arith.constant 32 : index
    %swap3A_121 = tpu.vector_load %arg6[%swap3A_120] {strides = array<i32>} : memref<128xi32, #tpu.memory_space<vmem>>, vector<16xi32>,
    tpu.vector_store %arg6[%swap3A_120], %gather3A_119 {strides = array<i32>} : memref<128xi32, #tpu.memory_space<vmem>>, vector<16xi32>,
    %iota3A_122 = tpu.iota {dimensions = array<i32: 0>} : vector<16xi32>
    %add3A_123 = arith.constant 48 : i32
    %add3A_124 = vector.broadcast %add3A_123 : i32 to vector<16xi32>
    %add3A_125 = arith.addi %iota3A_122, %add3A_124 : vector<16xi32>
    %jit3A_126 = arith.constant 200 : i32
    %div3A_127 = vector.broadcast %jit3A_126 : i32 to vector<16xi32>
    %div3A_128 = arith.divsi %add3A_125, %div3A_127 : vector<16xi32>
    %sign3A_129 = arith.constant 0 : i32
    %sign3A_130 = vector.broadcast %sign3A_129 : i32 to vector<16xi32>
    %sign3A_131 = arith.cmpi sgt, %add3A_125, %sign3A_130 : vector<16xi32>
    %sign3A_132 = arith.extui %sign3A_131 : vector<16xi1> to vector<16xi32>
    %sign3A_133 = arith.constant 0 : i32
    %sign3A_134 = vector.broadcast %sign3A_133 : i32 to vector<16xi32>
    %sign3A_135 = arith.cmpi slt, %add3A_125, %sign3A_134 : vector<16xi32>
    %sign3A_136 = arith.extui %sign3A_135 : vector<16xi1> to vector<16xi32>
    %sign3A_137 = arith.subi %sign3A_132, %sign3A_136 : vector<16xi32>
    %sign3A_138 = arith.constant 0 : i32
    %sign3A_139 = arith.cmpi sgt, %jit3A_126, %sign3A_138 : i32
    %sign3A_140 = arith.extui %sign3A_139 : i1 to i32
    %sign3A_141 = arith.constant 0 : i32
    %sign3A_142 = arith.cmpi slt, %jit3A_126, %sign3A_141 : i32
    %sign3A_143 = arith.extui %sign3A_142 : i1 to i32
    %sign3A_144 = arith.subi %sign3A_140, %sign3A_143 : i32
    %ne3A_145 = vector.broadcast %sign3A_144 : i32 to vector<16xi32>
    %ne3A_146 = arith.cmpi ne, %sign3A_137, %ne3A_145 : vector<16xi32>
    %rem3A_147 = vector.broadcast %jit3A_126 : i32 to vector<16xi32>
    %rem3A_148 = arith.remsi %add3A_125, %rem3A_147 : vector<16xi32>
    %ne3A_149 = arith.constant 0 : i32
    %ne3A_150 = vector.broadcast %ne3A_149 : i32 to vector<16xi32>
    %ne3A_151 = arith.cmpi ne, %rem3A_148, %ne3A_150 : vector<16xi32>
    %and3A_152 = arith.andi %ne3A_146, %ne3A_151 : vector<16xi1>
    %sub3A_153 = arith.constant 1 : i32
    %sub3A_154 = vector.broadcast %sub3A_153 : i32 to vector<16xi32>
    %sub3A_155 = arith.subi %div3A_128, %sub3A_154 : vector<16xi32>
    %select_n3A_156 = arith.select %and3A_152, %sub3A_155, %div3A_128 : vector<16xi1>, vector<16xi32>
    %mul3A_157 = arith.constant 200 : i32
    %mul3A_158 = vector.broadcast %mul3A_157 : i32 to vector<16xi32>
    %mul3A_159 = arith.muli %select_n3A_156, %mul3A_158 : vector<16xi32>
    %sub3A_160 = arith.subi %add3A_125, %mul3A_159 : vector<16xi32>
    %gather3A_161 = tpu.vector_load_idx %arg5[%sub3A_160, %select_n3A_156] : memref<200x128xi32, #tpu.memory_space<vmem>>[vector<16xi32>, vector<16xi32>], vector<16xi32>,
    %swap3A_162 = arith.constant 48 : index
    %swap3A_163 = tpu.vector_load %arg6[%swap3A_162] {strides = array<i32>} : memref<128xi32, #tpu.memory_space<vmem>>, vector<16xi32>,
    tpu.vector_store %arg6[%swap3A_162], %gather3A_161 {strides = array<i32>} : memref<128xi32, #tpu.memory_space<vmem>>, vector<16xi32>,
    %iota3A_164 = tpu.iota {dimensions = array<i32: 0>} : vector<16xi32>
    %add3A_165 = arith.constant 64 : i32
    %add3A_166 = vector.broadcast %add3A_165 : i32 to vector<16xi32>
    %add3A_167 = arith.addi %iota3A_164, %add3A_166 : vector<16xi32>
    %jit3A_168 = arith.constant 200 : i32
    %div3A_169 = vector.broadcast %jit3A_168 : i32 to vector<16xi32>
    %div3A_170 = arith.divsi %add3A_167, %div3A_169 : vector<16xi32>
    %sign3A_171 = arith.constant 0 : i32
    %sign3A_172 = vector.broadcast %sign3A_171 : i32 to vector<16xi32>
    %sign3A_173 = arith.cmpi sgt, %add3A_167, %sign3A_172 : vector<16xi32>
    %sign3A_174 = arith.extui %sign3A_173 : vector<16xi1> to vector<16xi32>
    %sign3A_175 = arith.constant 0 : i32
    %sign3A_176 = vector.broadcast %sign3A_175 : i32 to vector<16xi32>
    %sign3A_177 = arith.cmpi slt, %add3A_167, %sign3A_176 : vector<16xi32>
    %sign3A_178 = arith.extui %sign3A_177 : vector<16xi1> to vector<16xi32>
    %sign3A_179 = arith.subi %sign3A_174, %sign3A_178 : vector<16xi32>
    %sign3A_180 = arith.constant 0 : i32
    %sign3A_181 = arith.cmpi sgt, %jit3A_168, %sign3A_180 : i32
    %sign3A_182 = arith.extui %sign3A_181 : i1 to i32
    %sign3A_183 = arith.constant 0 : i32
    %sign3A_184 = arith.cmpi slt, %jit3A_168, %sign3A_183 : i32
    %sign3A_185 = arith.extui %sign3A_184 : i1 to i32
    %sign3A_186 = arith.subi %sign3A_182, %sign3A_185 : i32
    %ne3A_187 = vector.broadcast %sign3A_186 : i32 to vector<16xi32>
    %ne3A_188 = arith.cmpi ne, %sign3A_179, %ne3A_187 : vector<16xi32>
    %rem3A_189 = vector.broadcast %jit3A_168 : i32 to vector<16xi32>
    %rem3A_190 = arith.remsi %add3A_167, %rem3A_189 : vector<16xi32>
    %ne3A_191 = arith.constant 0 : i32
    %ne3A_192 = vector.broadcast %ne3A_191 : i32 to vector<16xi32>
    %ne3A_193 = arith.cmpi ne, %rem3A_190, %ne3A_192 : vector<16xi32>
    %and3A_194 = arith.andi %ne3A_188, %ne3A_193 : vector<16xi1>
    %sub3A_195 = arith.constant 1 : i32
    %sub3A_196 = vector.broadcast %sub3A_195 : i32 to vector<16xi32>
    %sub3A_197 = arith.subi %div3A_170, %sub3A_196 : vector<16xi32>
    %select_n3A_198 = arith.select %and3A_194, %sub3A_197, %div3A_170 : vector<16xi1>, vector<16xi32>
    %mul3A_199 = arith.constant 200 : i32
    %mul3A_200 = vector.broadcast %mul3A_199 : i32 to vector<16xi32>
    %mul3A_201 = arith.muli %select_n3A_198, %mul3A_200 : vector<16xi32>
    %sub3A_202 = arith.subi %add3A_167, %mul3A_201 : vector<16xi32>
    %gather3A_203 = tpu.vector_load_idx %arg5[%sub3A_202, %select_n3A_198] : memref<200x128xi32, #tpu.memory_space<vmem>>[vector<16xi32>, vector<16xi32>], vector<16xi32>,
    %swap3A_204 = arith.constant 64 : index
    %swap3A_205 = tpu.vector_load %arg6[%swap3A_204] {strides = array<i32>} : memref<128xi32, #tpu.memory_space<vmem>>, vector<16xi32>,
    tpu.vector_store %arg6[%swap3A_204], %gather3A_203 {strides = array<i32>} : memref<128xi32, #tpu.memory_space<vmem>>, vector<16xi32>,
    %iota3A_206 = tpu.iota {dimensions = array<i32: 0>} : vector<16xi32>
    %add3A_207 = arith.constant 80 : i32
    %add3A_208 = vector.broadcast %add3A_207 : i32 to vector<16xi32>
    %add3A_209 = arith.addi %iota3A_206, %add3A_208 : vector<16xi32>
    %jit3A_210 = arith.constant 200 : i32
    %div3A_211 = vector.broadcast %jit3A_210 : i32 to vector<16xi32>
    %div3A_212 = arith.divsi %add3A_209, %div3A_211 : vector<16xi32>
    %sign3A_213 = arith.constant 0 : i32
    %sign3A_214 = vector.broadcast %sign3A_213 : i32 to vector<16xi32>
    %sign3A_215 = arith.cmpi sgt, %add3A_209, %sign3A_214 : vector<16xi32>
    %sign3A_216 = arith.extui %sign3A_215 : vector<16xi1> to vector<16xi32>
    %sign3A_217 = arith.constant 0 : i32
    %sign3A_218 = vector.broadcast %sign3A_217 : i32 to vector<16xi32>
    %sign3A_219 = arith.cmpi slt, %add3A_209, %sign3A_218 : vector<16xi32>
    %sign3A_220 = arith.extui %sign3A_219 : vector<16xi1> to vector<16xi32>
    %sign3A_221 = arith.subi %sign3A_216, %sign3A_220 : vector<16xi32>
    %sign3A_222 = arith.constant 0 : i32
    %sign3A_223 = arith.cmpi sgt, %jit3A_210, %sign3A_222 : i32
    %sign3A_224 = arith.extui %sign3A_223 : i1 to i32
    %sign3A_225 = arith.constant 0 : i32
    %sign3A_226 = arith.cmpi slt, %jit3A_210, %sign3A_225 : i32
    %sign3A_227 = arith.extui %sign3A_226 : i1 to i32
    %sign3A_228 = arith.subi %sign3A_224, %sign3A_227 : i32
    %ne3A_229 = vector.broadcast %sign3A_228 : i32 to vector<16xi32>
    %ne3A_230 = arith.cmpi ne, %sign3A_221, %ne3A_229 : vector<16xi32>
    %rem3A_231 = vector.broadcast %jit3A_210 : i32 to vector<16xi32>
    %rem3A_232 = arith.remsi %add3A_209, %rem3A_231 : vector<16xi32>
    %ne3A_233 = arith.constant 0 : i32
    %ne3A_234 = vector.broadcast %ne3A_233 : i32 to vector<16xi32>
    %ne3A_235 = arith.cmpi ne, %rem3A_232, %ne3A_234 : vector<16xi32>
    %and3A_236 = arith.andi %ne3A_230, %ne3A_235 : vector<16xi1>
    %sub3A_237 = arith.constant 1 : i32
    %sub3A_238 = vector.broadcast %sub3A_237 : i32 to vector<16xi32>
    %sub3A_239 = arith.subi %div3A_212, %sub3A_238 : vector<16xi32>
    %select_n3A_240 = arith.select %and3A_236, %sub3A_239, %div3A_212 : vector<16xi1>, vector<16xi32>
    %mul3A_241 = arith.constant 200 : i32
    %mul3A_242 = vector.broadcast %mul3A_241 : i32 to vector<16xi32>
    %mul3A_243 = arith.muli %select_n3A_240, %mul3A_242 : vector<16xi32>
    %sub3A_244 = arith.subi %add3A_209, %mul3A_243 : vector<16xi32>
    %gather3A_245 = tpu.vector_load_idx %arg5[%sub3A_244, %select_n3A_240] : memref<200x128xi32, #tpu.memory_space<vmem>>[vector<16xi32>, vector<16xi32>], vector<16xi32>,
    %swap3A_246 = arith.constant 80 : index
    %swap3A_247 = tpu.vector_load %arg6[%swap3A_246] {strides = array<i32>} : memref<128xi32, #tpu.memory_space<vmem>>, vector<16xi32>,
    tpu.vector_store %arg6[%swap3A_246], %gather3A_245 {strides = array<i32>} : memref<128xi32, #tpu.memory_space<vmem>>, vector<16xi32>,
    %iota3A_248 = tpu.iota {dimensions = array<i32: 0>} : vector<16xi32>
    %add3A_249 = arith.constant 96 : i32
    %add3A_250 = vector.broadcast %add3A_249 : i32 to vector<16xi32>
    %add3A_251 = arith.addi %iota3A_248, %add3A_250 : vector<16xi32>
    %jit3A_252 = arith.constant 200 : i32
    %div3A_253 = vector.broadcast %jit3A_252 : i32 to vector<16xi32>
    %div3A_254 = arith.divsi %add3A_251, %div3A_253 : vector<16xi32>
    %sign3A_255 = arith.constant 0 : i32
    %sign3A_256 = vector.broadcast %sign3A_255 : i32 to vector<16xi32>
    %sign3A_257 = arith.cmpi sgt, %add3A_251, %sign3A_256 : vector<16xi32>
    %sign3A_258 = arith.extui %sign3A_257 : vector<16xi1> to vector<16xi32>
    %sign3A_259 = arith.constant 0 : i32
    %sign3A_260 = vector.broadcast %sign3A_259 : i32 to vector<16xi32>
    %sign3A_261 = arith.cmpi slt, %add3A_251, %sign3A_260 : vector<16xi32>
    %sign3A_262 = arith.extui %sign3A_261 : vector<16xi1> to vector<16xi32>
    %sign3A_263 = arith.subi %sign3A_258, %sign3A_262 : vector<16xi32>
    %sign3A_264 = arith.constant 0 : i32
    %sign3A_265 = arith.cmpi sgt, %jit3A_252, %sign3A_264 : i32
    %sign3A_266 = arith.extui %sign3A_265 : i1 to i32
    %sign3A_267 = arith.constant 0 : i32
    %sign3A_268 = arith.cmpi slt, %jit3A_252, %sign3A_267 : i32
    %sign3A_269 = arith.extui %sign3A_268 : i1 to i32
    %sign3A_270 = arith.subi %sign3A_266, %sign3A_269 : i32
    %ne3A_271 = vector.broadcast %sign3A_270 : i32 to vector<16xi32>
    %ne3A_272 = arith.cmpi ne, %sign3A_263, %ne3A_271 : vector<16xi32>
    %rem3A_273 = vector.broadcast %jit3A_252 : i32 to vector<16xi32>
    %rem3A_274 = arith.remsi %add3A_251, %rem3A_273 : vector<16xi32>
    %ne3A_275 = arith.constant 0 : i32
    %ne3A_276 = vector.broadcast %ne3A_275 : i32 to vector<16xi32>
    %ne3A_277 = arith.cmpi ne, %rem3A_274, %ne3A_276 : vector<16xi32>
    %and3A_278 = arith.andi %ne3A_272, %ne3A_277 : vector<16xi1>
    %sub3A_279 = arith.constant 1 : i32
    %sub3A_280 = vector.broadcast %sub3A_279 : i32 to vector<16xi32>
    %sub3A_281 = arith.subi %div3A_254, %sub3A_280 : vector<16xi32>
    %select_n3A_282 = arith.select %and3A_278, %sub3A_281, %div3A_254 : vector<16xi1>, vector<16xi32>
    %mul3A_283 = arith.constant 200 : i32
    %mul3A_284 = vector.broadcast %mul3A_283 : i32 to vector<16xi32>
    %mul3A_285 = arith.muli %select_n3A_282, %mul3A_284 : vector<16xi32>
    %sub3A_286 = arith.subi %add3A_251, %mul3A_285 : vector<16xi32>
    %gather3A_287 = tpu.vector_load_idx %arg5[%sub3A_286, %select_n3A_282] : memref<200x128xi32, #tpu.memory_space<vmem>>[vector<16xi32>, vector<16xi32>], vector<16xi32>,
    %swap3A_288 = arith.constant 96 : index
    %swap3A_289 = tpu.vector_load %arg6[%swap3A_288] {strides = array<i32>} : memref<128xi32, #tpu.memory_space<vmem>>, vector<16xi32>,
    tpu.vector_store %arg6[%swap3A_288], %gather3A_287 {strides = array<i32>} : memref<128xi32, #tpu.memory_space<vmem>>, vector<16xi32>,
    %iota3A_290 = tpu.iota {dimensions = array<i32: 0>} : vector<16xi32>
    %add3A_291 = arith.constant 112 : i32
    %add3A_292 = vector.broadcast %add3A_291 : i32 to vector<16xi32>
    %add3A_293 = arith.addi %iota3A_290, %add3A_292 : vector<16xi32>
    %jit3A_294 = arith.constant 200 : i32
    %div3A_295 = vector.broadcast %jit3A_294 : i32 to vector<16xi32>
    %div3A_296 = arith.divsi %add3A_293, %div3A_295 : vector<16xi32>
    %sign3A_297 = arith.constant 0 : i32
    %sign3A_298 = vector.broadcast %sign3A_297 : i32 to vector<16xi32>
    %sign3A_299 = arith.cmpi sgt, %add3A_293, %sign3A_298 : vector<16xi32>
    %sign3A_300 = arith.extui %sign3A_299 : vector<16xi1> to vector<16xi32>
    %sign3A_301 = arith.constant 0 : i32
    %sign3A_302 = vector.broadcast %sign3A_301 : i32 to vector<16xi32>
    %sign3A_303 = arith.cmpi slt, %add3A_293, %sign3A_302 : vector<16xi32>
    %sign3A_304 = arith.extui %sign3A_303 : vector<16xi1> to vector<16xi32>
    %sign3A_305 = arith.subi %sign3A_300, %sign3A_304 : vector<16xi32>
    %sign3A_306 = arith.constant 0 : i32
    %sign3A_307 = arith.cmpi sgt, %jit3A_294, %sign3A_306 : i32
    %sign3A_308 = arith.extui %sign3A_307 : i1 to i32
    %sign3A_309 = arith.constant 0 : i32
    %sign3A_310 = arith.cmpi slt, %jit3A_294, %sign3A_309 : i32
    %sign3A_311 = arith.extui %sign3A_310 : i1 to i32
    %sign3A_312 = arith.subi %sign3A_308, %sign3A_311 : i32
    %ne3A_313 = vector.broadcast %sign3A_312 : i32 to vector<16xi32>
    %ne3A_314 = arith.cmpi ne, %sign3A_305, %ne3A_313 : vector<16xi32>
    %rem3A_315 = vector.broadcast %jit3A_294 : i32 to vector<16xi32>
    %rem3A_316 = arith.remsi %add3A_293, %rem3A_315 : vector<16xi32>
    %ne3A_317 = arith.constant 0 : i32
    %ne3A_318 = vector.broadcast %ne3A_317 : i32 to vector<16xi32>
    %ne3A_319 = arith.cmpi ne, %rem3A_316, %ne3A_318 : vector<16xi32>
    %and3A_320 = arith.andi %ne3A_314, %ne3A_319 : vector<16xi1>
    %sub3A_321 = arith.constant 1 : i32
    %sub3A_322 = vector.broadcast %sub3A_321 : i32 to vector<16xi32>
    %sub3A_323 = arith.subi %div3A_296, %sub3A_322 : vector<16xi32>
    %select_n3A_324 = arith.select %and3A_320, %sub3A_323, %div3A_296 : vector<16xi1>, vector<16xi32>
    %mul3A_325 = arith.constant 200 : i32
    %mul3A_326 = vector.broadcast %mul3A_325 : i32 to vector<16xi32>
    %mul3A_327 = arith.muli %select_n3A_324, %mul3A_326 : vector<16xi32>
    %sub3A_328 = arith.subi %add3A_293, %mul3A_327 : vector<16xi32>
    %gather3A_329 = tpu.vector_load_idx %arg5[%sub3A_328, %select_n3A_324] : memref<200x128xi32, #tpu.memory_space<vmem>>[vector<16xi32>, vector<16xi32>], vector<16xi32>,
    %swap3A_330 = arith.constant 112 : index
    %swap3A_331 = tpu.vector_load %arg6[%swap3A_330] {strides = array<i32>} : memref<128xi32, #tpu.memory_space<vmem>>, vector<16xi32>,
    tpu.vector_store %arg6[%swap3A_330], %gather3A_329 {strides = array<i32>} : memref<128xi32, #tpu.memory_space<vmem>>, vector<16xi32>,
    %dma_start3A = arith.constant 0 : i32
    %dma_start3A_332 = arith.constant 0 : i32
    %dma_start3A_333 = tpu.memref_slice %arg26[%dma_start3A, %dma_start3A_332] : memref<1440x128xf32, #tpu.memory_space<vmem_shared>> -> memref<1440x128xf32, #tpu.memory_space<vmem_shared>>
    tpu.enqueue_indirect_dma source(%dma_start3A_333 : memref<1440x128xf32, #tpu.memory_space<vmem_shared>>) target(%arg11 : memref<128x128xf32, #tpu.memory_space<vmem>>) offsets(%arg6 : memref<128xi32, #tpu.memory_space<vmem>>) semaphore(%arg16 : memref<!tpu.dma_semaphore, #tpu.memory_space<semaphore_mem>>)
    %iota3A_334 = tpu.iota {dimensions = array<i32: 0>} : vector<16xi32>
    %add3A_335 = arith.constant 128 : i32
    %add3A_336 = vector.broadcast %add3A_335 : i32 to vector<16xi32>
    %add3A_337 = arith.addi %iota3A_334, %add3A_336 : vector<16xi32>
    %jit3A_338 = arith.constant 200 : i32
    %div3A_339 = vector.broadcast %jit3A_338 : i32 to vector<16xi32>
    %div3A_340 = arith.divsi %add3A_337, %div3A_339 : vector<16xi32>
    %sign3A_341 = arith.constant 0 : i32
    %sign3A_342 = vector.broadcast %sign3A_341 : i32 to vector<16xi32>
    %sign3A_343 = arith.cmpi sgt, %add3A_337, %sign3A_342 : vector<16xi32>
    %sign3A_344 = arith.extui %sign3A_343 : vector<16xi1> to vector<16xi32>
    %sign3A_345 = arith.constant 0 : i32
    %sign3A_346 = vector.broadcast %sign3A_345 : i32 to vector<16xi32>
    %sign3A_347 = arith.cmpi slt, %add3A_337, %sign3A_346 : vector<16xi32>
    %sign3A_348 = arith.extui %sign3A_347 : vector<16xi1> to vector<16xi32>
    %sign3A_349 = arith.subi %sign3A_344, %sign3A_348 : vector<16xi32>
    %sign3A_350 = arith.constant 0 : i32
    %sign3A_351 = arith.cmpi sgt, %jit3A_338, %sign3A_350 : i32
    %sign3A_352 = arith.extui %sign3A_351 : i1 to i32
    %sign3A_353 = arith.constant 0 : i32
    %sign3A_354 = arith.cmpi slt, %jit3A_338, %sign3A_353 : i32
    %sign3A_355 = arith.extui %sign3A_354 : i1 to i32
    %sign3A_356 = arith.subi %sign3A_352, %sign3A_355 : i32
    %ne3A_357 = vector.broadcast %sign3A_356 : i32 to vector<16xi32>
    %ne3A_358 = arith.cmpi ne, %sign3A_349, %ne3A_357 : vector<16xi32>
    %rem3A_359 = vector.broadcast %jit3A_338 : i32 to vector<16xi32>
    %rem3A_360 = arith.remsi %add3A_337, %rem3A_359 : vector<16xi32>
    %ne3A_361 = arith.constant 0 : i32
    %ne3A_362 = vector.broadcast %ne3A_361 : i32 to vector<16xi32>
    %ne3A_363 = arith.cmpi ne, %rem3A_360, %ne3A_362 : vector<16xi32>
    %and3A_364 = arith.andi %ne3A_358, %ne3A_363 : vector<16xi1>
    %sub3A_365 = arith.constant 1 : i32
    %sub3A_366 = vector.broadcast %sub3A_365 : i32 to vector<16xi32>
    %sub3A_367 = arith.subi %div3A_340, %sub3A_366 : vector<16xi32>
    %select_n3A_368 = arith.select %and3A_364, %sub3A_367, %div3A_340 : vector<16xi1>, vector<16xi32>
    %mul3A_369 = arith.constant 200 : i32
    %mul3A_370 = vector.broadcast %mul3A_369 : i32 to vector<16xi32>
    %mul3A_371 = arith.muli %select_n3A_368, %mul3A_370 : vector<16xi32>
    %sub3A_372 = arith.subi %add3A_337, %mul3A_371 : vector<16xi32>
    %gather3A_373 = tpu.vector_load_idx %arg5[%sub3A_372, %select_n3A_368] : memref<200x128xi32, #tpu.memory_space<vmem>>[vector<16xi32>, vector<16xi32>], vector<16xi32>,
    %swap3A_374 = arith.constant 0 : index
    %swap3A_375 = tpu.vector_load %arg7[%swap3A_374] {strides = array<i32>} : memref<128xi32, #tpu.memory_space<vmem>>, vector<16xi32>,
    tpu.vector_store %arg7[%swap3A_374], %gather3A_373 {strides = array<i32>} : memref<128xi32, #tpu.memory_space<vmem>>, vector<16xi32>,
    %iota3A_376 = tpu.iota {dimensions = array<i32: 0>} : vector<16xi32>
    %add3A_377 = arith.constant 144 : i32
    %add3A_378 = vector.broadcast %add3A_377 : i32 to vector<16xi32>
    %add3A_379 = arith.addi %iota3A_376, %add3A_378 : vector<16xi32>
    %jit3A_380 = arith.constant 200 : i32
    %div3A_381 = vector.broadcast %jit3A_380 : i32 to vector<16xi32>
    %div3A_382 = arith.divsi %add3A_379, %div3A_381 : vector<16xi32>
    %sign3A_383 = arith.constant 0 : i32
    %sign3A_384 = vector.broadcast %sign3A_383 : i32 to vector<16xi32>
    %sign3A_385 = arith.cmpi sgt, %add3A_379, %sign3A_384 : vector<16xi32>
    %sign3A_386 = arith.extui %sign3A_385 : vector<16xi1> to vector<16xi32>
    %sign3A_387 = arith.constant 0 : i32
    %sign3A_388 = vector.broadcast %sign3A_387 : i32 to vector<16xi32>
    %sign3A_389 = arith.cmpi slt, %add3A_379, %sign3A_388 : vector<16xi32>
    %sign3A_390 = arith.extui %sign3A_389 : vector<16xi1> to vector<16xi32>
    %sign3A_391 = arith.subi %sign3A_386, %sign3A_390 : vector<16xi32>
    %sign3A_392 = arith.constant 0 : i32
    %sign3A_393 = arith.cmpi sgt, %jit3A_380, %sign3A_392 : i32
    %sign3A_394 = arith.extui %sign3A_393 : i1 to i32
    %sign3A_395 = arith.constant 0 : i32
    %sign3A_396 = arith.cmpi slt, %jit3A_380, %sign3A_395 : i32
    %sign3A_397 = arith.extui %sign3A_396 : i1 to i32
    %sign3A_398 = arith.subi %sign3A_394, %sign3A_397 : i32
    %ne3A_399 = vector.broadcast %sign3A_398 : i32 to vector<16xi32>
    %ne3A_400 = arith.cmpi ne, %sign3A_391, %ne3A_399 : vector<16xi32>
    %rem3A_401 = vector.broadcast %jit3A_380 : i32 to vector<16xi32>
    %rem3A_402 = arith.remsi %add3A_379, %rem3A_401 : vector<16xi32>
    %ne3A_403 = arith.constant 0 : i32
    %ne3A_404 = vector.broadcast %ne3A_403 : i32 to vector<16xi32>
    %ne3A_405 = arith.cmpi ne, %rem3A_402, %ne3A_404 : vector<16xi32>
    %and3A_406 = arith.andi %ne3A_400, %ne3A_405 : vector<16xi1>
    %sub3A_407 = arith.constant 1 : i32
    %sub3A_408 = vector.broadcast %sub3A_407 : i32 to vector<16xi32>
    %sub3A_409 = arith.subi %div3A_382, %sub3A_408 : vector<16xi32>
    %select_n3A_410 = arith.select %and3A_406, %sub3A_409, %div3A_382 : vector<16xi1>, vector<16xi32>
    %mul3A_411 = arith.constant 200 : i32
    %mul3A_412 = vector.broadcast %mul3A_411 : i32 to vector<16xi32>
    %mul3A_413 = arith.muli %select_n3A_410, %mul3A_412 : vector<16xi32>
    %sub3A_414 = arith.subi %add3A_379, %mul3A_413 : vector<16xi32>
    %gather3A_415 = tpu.vector_load_idx %arg5[%sub3A_414, %select_n3A_410] : memref<200x128xi32, #tpu.memory_space<vmem>>[vector<16xi32>, vector<16xi32>], vector<16xi32>,
    %swap3A_416 = arith.constant 16 : index
    %swap3A_417 = tpu.vector_load %arg7[%swap3A_416] {strides = array<i32>} : memref<128xi32, #tpu.memory_space<vmem>>, vector<16xi32>,
    tpu.vector_store %arg7[%swap3A_416], %gather3A_415 {strides = array<i32>} : memref<128xi32, #tpu.memory_space<vmem>>, vector<16xi32>,
    %iota3A_418 = tpu.iota {dimensions = array<i32: 0>} : vector<16xi32>
    %add3A_419 = arith.constant 160 : i32
    %add3A_420 = vector.broadcast %add3A_419 : i32 to vector<16xi32>
    %add3A_421 = arith.addi %iota3A_418, %add3A_420 : vector<16xi32>
    %jit3A_422 = arith.constant 200 : i32
    %div3A_423 = vector.broadcast %jit3A_422 : i32 to vector<16xi32>
    %div3A_424 = arith.divsi %add3A_421, %div3A_423 : vector<16xi32>
    %sign3A_425 = arith.constant 0 : i32
    %sign3A_426 = vector.broadcast %sign3A_425 : i32 to vector<16xi32>
    %sign3A_427 = arith.cmpi sgt, %add3A_421, %sign3A_426 : vector<16xi32>
    %sign3A_428 = arith.extui %sign3A_427 : vector<16xi1> to vector<16xi32>
    %sign3A_429 = arith.constant 0 : i32
    %sign3A_430 = vector.broadcast %sign3A_429 : i32 to vector<16xi32>
    %sign3A_431 = arith.cmpi slt, %add3A_421, %sign3A_430 : vector<16xi32>
    %sign3A_432 = arith.extui %sign3A_431 : vector<16xi1> to vector<16xi32>
    %sign3A_433 = arith.subi %sign3A_428, %sign3A_432 : vector<16xi32>
    %sign3A_434 = arith.constant 0 : i32
    %sign3A_435 = arith.cmpi sgt, %jit3A_422, %sign3A_434 : i32
    %sign3A_436 = arith.extui %sign3A_435 : i1 to i32
    %sign3A_437 = arith.constant 0 : i32
    %sign3A_438 = arith.cmpi slt, %jit3A_422, %sign3A_437 : i32
    %sign3A_439 = arith.extui %sign3A_438 : i1 to i32
    %sign3A_440 = arith.subi %sign3A_436, %sign3A_439 : i32
    %ne3A_441 = vector.broadcast %sign3A_440 : i32 to vector<16xi32>
    %ne3A_442 = arith.cmpi ne, %sign3A_433, %ne3A_441 : vector<16xi32>
    %rem3A_443 = vector.broadcast %jit3A_422 : i32 to vector<16xi32>
    %rem3A_444 = arith.remsi %add3A_421, %rem3A_443 : vector<16xi32>
    %ne3A_445 = arith.constant 0 : i32
    %ne3A_446 = vector.broadcast %ne3A_445 : i32 to vector<16xi32>
    %ne3A_447 = arith.cmpi ne, %rem3A_444, %ne3A_446 : vector<16xi32>
    %and3A_448 = arith.andi %ne3A_442, %ne3A_447 : vector<16xi1>
    %sub3A_449 = arith.constant 1 : i32
    %sub3A_450 = vector.broadcast %sub3A_449 : i32 to vector<16xi32>
    %sub3A_451 = arith.subi %div3A_424, %sub3A_450 : vector<16xi32>
    %select_n3A_452 = arith.select %and3A_448, %sub3A_451, %div3A_424 : vector<16xi1>, vector<16xi32>
    %mul3A_453 = arith.constant 200 : i32
    %mul3A_454 = vector.broadcast %mul3A_453 : i32 to vector<16xi32>
    %mul3A_455 = arith.muli %select_n3A_452, %mul3A_454 : vector<16xi32>
    %sub3A_456 = arith.subi %add3A_421, %mul3A_455 : vector<16xi32>
    %gather3A_457 = tpu.vector_load_idx %arg5[%sub3A_456, %select_n3A_452] : memref<200x128xi32, #tpu.memory_space<vmem>>[vector<16xi32>, vector<16xi32>], vector<16xi32>,
    %swap3A_458 = arith.constant 32 : index
    %swap3A_459 = tpu.vector_load %arg7[%swap3A_458] {strides = array<i32>} : memref<128xi32, #tpu.memory_space<vmem>>, vector<16xi32>,
    tpu.vector_store %arg7[%swap3A_458], %gather3A_457 {strides = array<i32>} : memref<128xi32, #tpu.memory_space<vmem>>, vector<16xi32>,
    %iota3A_460 = tpu.iota {dimensions = array<i32: 0>} : vector<16xi32>
    %add3A_461 = arith.constant 176 : i32
    %add3A_462 = vector.broadcast %add3A_461 : i32 to vector<16xi32>
    %add3A_463 = arith.addi %iota3A_460, %add3A_462 : vector<16xi32>
    %jit3A_464 = arith.constant 200 : i32
    %div3A_465 = vector.broadcast %jit3A_464 : i32 to vector<16xi32>
    %div3A_466 = arith.divsi %add3A_463, %div3A_465 : vector<16xi32>
    %sign3A_467 = arith.constant 0 : i32
    %sign3A_468 = vector.broadcast %sign3A_467 : i32 to vector<16xi32>
    %sign3A_469 = arith.cmpi sgt, %add3A_463, %sign3A_468 : vector<16xi32>
    %sign3A_470 = arith.extui %sign3A_469 : vector<16xi1> to vector<16xi32>
    %sign3A_471 = arith.constant 0 : i32
    %sign3A_472 = vector.broadcast %sign3A_471 : i32 to vector<16xi32>
    %sign3A_473 = arith.cmpi slt, %add3A_463, %sign3A_472 : vector<16xi32>
    %sign3A_474 = arith.extui %sign3A_473 : vector<16xi1> to vector<16xi32>
    %sign3A_475 = arith.subi %sign3A_470, %sign3A_474 : vector<16xi32>
    %sign3A_476 = arith.constant 0 : i32
    %sign3A_477 = arith.cmpi sgt, %jit3A_464, %sign3A_476 : i32
    %sign3A_478 = arith.extui %sign3A_477 : i1 to i32
    %sign3A_479 = arith.constant 0 : i32
    %sign3A_480 = arith.cmpi slt, %jit3A_464, %sign3A_479 : i32
    %sign3A_481 = arith.extui %sign3A_480 : i1 to i32
    %sign3A_482 = arith.subi %sign3A_478, %sign3A_481 : i32
    %ne3A_483 = vector.broadcast %sign3A_482 : i32 to vector<16xi32>
    %ne3A_484 = arith.cmpi ne, %sign3A_475, %ne3A_483 : vector<16xi32>
    %rem3A_485 = vector.broadcast %jit3A_464 : i32 to vector<16xi32>
    %rem3A_486 = arith.remsi %add3A_463, %rem3A_485 : vector<16xi32>
    %ne3A_487 = arith.constant 0 : i32
    %ne3A_488 = vector.broadcast %ne3A_487 : i32 to vector<16xi32>
    %ne3A_489 = arith.cmpi ne, %rem3A_486, %ne3A_488 : vector<16xi32>
    %and3A_490 = arith.andi %ne3A_484, %ne3A_489 : vector<16xi1>
    %sub3A_491 = arith.constant 1 : i32
    %sub3A_492 = vector.broadcast %sub3A_491 : i32 to vector<16xi32>
    %sub3A_493 = arith.subi %div3A_466, %sub3A_492 : vector<16xi32>
    %select_n3A_494 = arith.select %and3A_490, %sub3A_493, %div3A_466 : vector<16xi1>, vector<16xi32>
    %mul3A_495 = arith.constant 200 : i32
    %mul3A_496 = vector.broadcast %mul3A_495 : i32 to vector<16xi32>
    %mul3A_497 = arith.muli %select_n3A_494, %mul3A_496 : vector<16xi32>
    %sub3A_498 = arith.subi %add3A_463, %mul3A_497 : vector<16xi32>
    %gather3A_499 = tpu.vector_load_idx %arg5[%sub3A_498, %select_n3A_494] : memref<200x128xi32, #tpu.memory_space<vmem>>[vector<16xi32>, vector<16xi32>], vector<16xi32>,
    %swap3A_500 = arith.constant 48 : index
    %swap3A_501 = tpu.vector_load %arg7[%swap3A_500] {strides = array<i32>} : memref<128xi32, #tpu.memory_space<vmem>>, vector<16xi32>,
    tpu.vector_store %arg7[%swap3A_500], %gather3A_499 {strides = array<i32>} : memref<128xi32, #tpu.memory_space<vmem>>, vector<16xi32>,
    %iota3A_502 = tpu.iota {dimensions = array<i32: 0>} : vector<16xi32>
    %add3A_503 = arith.constant 192 : i32
    %add3A_504 = vector.broadcast %add3A_503 : i32 to vector<16xi32>
    %add3A_505 = arith.addi %iota3A_502, %add3A_504 : vector<16xi32>
    %jit3A_506 = arith.constant 200 : i32
    %div3A_507 = vector.broadcast %jit3A_506 : i32 to vector<16xi32>
    %div3A_508 = arith.divsi %add3A_505, %div3A_507 : vector<16xi32>
    %sign3A_509 = arith.constant 0 : i32
    %sign3A_510 = vector.broadcast %sign3A_509 : i32 to vector<16xi32>
    %sign3A_511 = arith.cmpi sgt, %add3A_505, %sign3A_510 : vector<16xi32>
    %sign3A_512 = arith.extui %sign3A_511 : vector<16xi1> to vector<16xi32>
    %sign3A_513 = arith.constant 0 : i32
    %sign3A_514 = vector.broadcast %sign3A_513 : i32 to vector<16xi32>
    %sign3A_515 = arith.cmpi slt, %add3A_505, %sign3A_514 : vector<16xi32>
    %sign3A_516 = arith.extui %sign3A_515 : vector<16xi1> to vector<16xi32>
    %sign3A_517 = arith.subi %sign3A_512, %sign3A_516 : vector<16xi32>
    %sign3A_518 = arith.constant 0 : i32
    %sign3A_519 = arith.cmpi sgt, %jit3A_506, %sign3A_518 : i32
    %sign3A_520 = arith.extui %sign3A_519 : i1 to i32
    %sign3A_521 = arith.constant 0 : i32
    %sign3A_522 = arith.cmpi slt, %jit3A_506, %sign3A_521 : i32
    %sign3A_523 = arith.extui %sign3A_522 : i1 to i32
    %sign3A_524 = arith.subi %sign3A_520, %sign3A_523 : i32
    %ne3A_525 = vector.broadcast %sign3A_524 : i32 to vector<16xi32>
    %ne3A_526 = arith.cmpi ne, %sign3A_517, %ne3A_525 : vector<16xi32>
    %rem3A_527 = vector.broadcast %jit3A_506 : i32 to vector<16xi32>
    %rem3A_528 = arith.remsi %add3A_505, %rem3A_527 : vector<16xi32>
    %ne3A_529 = arith.constant 0 : i32
    %ne3A_530 = vector.broadcast %ne3A_529 : i32 to vector<16xi32>
    %ne3A_531 = arith.cmpi ne, %rem3A_528, %ne3A_530 : vector<16xi32>
    %and3A_532 = arith.andi %ne3A_526, %ne3A_531 : vector<16xi1>
    %sub3A_533 = arith.constant 1 : i32
    %sub3A_534 = vector.broadcast %sub3A_533 : i32 to vector<16xi32>
    %sub3A_535 = arith.subi %div3A_508, %sub3A_534 : vector<16xi32>
    %select_n3A_536 = arith.select %and3A_532, %sub3A_535, %div3A_508 : vector<16xi1>, vector<16xi32>
    %mul3A_537 = arith.constant 200 : i32
    %mul3A_538 = vector.broadcast %mul3A_537 : i32 to vector<16xi32>
    %mul3A_539 = arith.muli %select_n3A_536, %mul3A_538 : vector<16xi32>
    %sub3A_540 = arith.subi %add3A_505, %mul3A_539 : vector<16xi32>
    %gather3A_541 = tpu.vector_load_idx %arg5[%sub3A_540, %select_n3A_536] : memref<200x128xi32, #tpu.memory_space<vmem>>[vector<16xi32>, vector<16xi32>], vector<16xi32>,
    %swap3A_542 = arith.constant 64 : index
    %swap3A_543 = tpu.vector_load %arg7[%swap3A_542] {strides = array<i32>} : memref<128xi32, #tpu.memory_space<vmem>>, vector<16xi32>,
    tpu.vector_store %arg7[%swap3A_542], %gather3A_541 {strides = array<i32>} : memref<128xi32, #tpu.memory_space<vmem>>, vector<16xi32>,
    %iota3A_544 = tpu.iota {dimensions = array<i32: 0>} : vector<16xi32>
    %add3A_545 = arith.constant 208 : i32
    %add3A_546 = vector.broadcast %add3A_545 : i32 to vector<16xi32>
    %add3A_547 = arith.addi %iota3A_544, %add3A_546 : vector<16xi32>
    %jit3A_548 = arith.constant 200 : i32
    %div3A_549 = vector.broadcast %jit3A_548 : i32 to vector<16xi32>
    %div3A_550 = arith.divsi %add3A_547, %div3A_549 : vector<16xi32>
    %sign3A_551 = arith.constant 0 : i32
    %sign3A_552 = vector.broadcast %sign3A_551 : i32 to vector<16xi32>
    %sign3A_553 = arith.cmpi sgt, %add3A_547, %sign3A_552 : vector<16xi32>
    %sign3A_554 = arith.extui %sign3A_553 : vector<16xi1> to vector<16xi32>
    %sign3A_555 = arith.constant 0 : i32
    %sign3A_556 = vector.broadcast %sign3A_555 : i32 to vector<16xi32>
    %sign3A_557 = arith.cmpi slt, %add3A_547, %sign3A_556 : vector<16xi32>
    %sign3A_558 = arith.extui %sign3A_557 : vector<16xi1> to vector<16xi32>
    %sign3A_559 = arith.subi %sign3A_554, %sign3A_558 : vector<16xi32>
    %sign3A_560 = arith.constant 0 : i32
    %sign3A_561 = arith.cmpi sgt, %jit3A_548, %sign3A_560 : i32
    %sign3A_562 = arith.extui %sign3A_561 : i1 to i32
    %sign3A_563 = arith.constant 0 : i32
    %sign3A_564 = arith.cmpi slt, %jit3A_548, %sign3A_563 : i32
    %sign3A_565 = arith.extui %sign3A_564 : i1 to i32
    %sign3A_566 = arith.subi %sign3A_562, %sign3A_565 : i32
    %ne3A_567 = vector.broadcast %sign3A_566 : i32 to vector<16xi32>
    %ne3A_568 = arith.cmpi ne, %sign3A_559, %ne3A_567 : vector<16xi32>
    %rem3A_569 = vector.broadcast %jit3A_548 : i32 to vector<16xi32>
    %rem3A_570 = arith.remsi %add3A_547, %rem3A_569 : vector<16xi32>
    %ne3A_571 = arith.constant 0 : i32
    %ne3A_572 = vector.broadcast %ne3A_571 : i32 to vector<16xi32>
    %ne3A_573 = arith.cmpi ne, %rem3A_570, %ne3A_572 : vector<16xi32>
    %and3A_574 = arith.andi %ne3A_568, %ne3A_573 : vector<16xi1>
    %sub3A_575 = arith.constant 1 : i32
    %sub3A_576 = vector.broadcast %sub3A_575 : i32 to vector<16xi32>
    %sub3A_577 = arith.subi %div3A_550, %sub3A_576 : vector<16xi32>
    %select_n3A_578 = arith.select %and3A_574, %sub3A_577, %div3A_550 : vector<16xi1>, vector<16xi32>
    %mul3A_579 = arith.constant 200 : i32
    %mul3A_580 = vector.broadcast %mul3A_579 : i32 to vector<16xi32>
    %mul3A_581 = arith.muli %select_n3A_578, %mul3A_580 : vector<16xi32>
    %sub3A_582 = arith.subi %add3A_547, %mul3A_581 : vector<16xi32>
    %gather3A_583 = tpu.vector_load_idx %arg5[%sub3A_582, %select_n3A_578] : memref<200x128xi32, #tpu.memory_space<vmem>>[vector<16xi32>, vector<16xi32>], vector<16xi32>,
    %swap3A_584 = arith.constant 80 : index
    %swap3A_585 = tpu.vector_load %arg7[%swap3A_584] {strides = array<i32>} : memref<128xi32, #tpu.memory_space<vmem>>, vector<16xi32>,
    tpu.vector_store %arg7[%swap3A_584], %gather3A_583 {strides = array<i32>} : memref<128xi32, #tpu.memory_space<vmem>>, vector<16xi32>,
    %iota3A_586 = tpu.iota {dimensions = array<i32: 0>} : vector<16xi32>
    %add3A_587 = arith.constant 224 : i32
    %add3A_588 = vector.broadcast %add3A_587 : i32 to vector<16xi32>
    %add3A_589 = arith.addi %iota3A_586, %add3A_588 : vector<16xi32>
    %jit3A_590 = arith.constant 200 : i32
    %div3A_591 = vector.broadcast %jit3A_590 : i32 to vector<16xi32>
    %div3A_592 = arith.divsi %add3A_589, %div3A_591 : vector<16xi32>
    %sign3A_593 = arith.constant 0 : i32
    %sign3A_594 = vector.broadcast %sign3A_593 : i32 to vector<16xi32>
    %sign3A_595 = arith.cmpi sgt, %add3A_589, %sign3A_594 : vector<16xi32>
    %sign3A_596 = arith.extui %sign3A_595 : vector<16xi1> to vector<16xi32>
    %sign3A_597 = arith.constant 0 : i32
    %sign3A_598 = vector.broadcast %sign3A_597 : i32 to vector<16xi32>
    %sign3A_599 = arith.cmpi slt, %add3A_589, %sign3A_598 : vector<16xi32>
    %sign3A_600 = arith.extui %sign3A_599 : vector<16xi1> to vector<16xi32>
    %sign3A_601 = arith.subi %sign3A_596, %sign3A_600 : vector<16xi32>
    %sign3A_602 = arith.constant 0 : i32
    %sign3A_603 = arith.cmpi sgt, %jit3A_590, %sign3A_602 : i32
    %sign3A_604 = arith.extui %sign3A_603 : i1 to i32
    %sign3A_605 = arith.constant 0 : i32
    %sign3A_606 = arith.cmpi slt, %jit3A_590, %sign3A_605 : i32
    %sign3A_607 = arith.extui %sign3A_606 : i1 to i32
    %sign3A_608 = arith.subi %sign3A_604, %sign3A_607 : i32
    %ne3A_609 = vector.broadcast %sign3A_608 : i32 to vector<16xi32>
    %ne3A_610 = arith.cmpi ne, %sign3A_601, %ne3A_609 : vector<16xi32>
    %rem3A_611 = vector.broadcast %jit3A_590 : i32 to vector<16xi32>
    %rem3A_612 = arith.remsi %add3A_589, %rem3A_611 : vector<16xi32>
    %ne3A_613 = arith.constant 0 : i32
    %ne3A_614 = vector.broadcast %ne3A_613 : i32 to vector<16xi32>
    %ne3A_615 = arith.cmpi ne, %rem3A_612, %ne3A_614 : vector<16xi32>
    %and3A_616 = arith.andi %ne3A_610, %ne3A_615 : vector<16xi1>
    %sub3A_617 = arith.constant 1 : i32
    %sub3A_618 = vector.broadcast %sub3A_617 : i32 to vector<16xi32>
    %sub3A_619 = arith.subi %div3A_592, %sub3A_618 : vector<16xi32>
    %select_n3A_620 = arith.select %and3A_616, %sub3A_619, %div3A_592 : vector<16xi1>, vector<16xi32>
    %mul3A_621 = arith.constant 200 : i32
    %mul3A_622 = vector.broadcast %mul3A_621 : i32 to vector<16xi32>
    %mul3A_623 = arith.muli %select_n3A_620, %mul3A_622 : vector<16xi32>
    %sub3A_624 = arith.subi %add3A_589, %mul3A_623 : vector<16xi32>
    %gather3A_625 = tpu.vector_load_idx %arg5[%sub3A_624, %select_n3A_620] : memref<200x128xi32, #tpu.memory_space<vmem>>[vector<16xi32>, vector<16xi32>], vector<16xi32>,
    %swap3A_626 = arith.constant 96 : index
    %swap3A_627 = tpu.vector_load %arg7[%swap3A_626] {strides = array<i32>} : memref<128xi32, #tpu.memory_space<vmem>>, vector<16xi32>,
    tpu.vector_store %arg7[%swap3A_626], %gather3A_625 {strides = array<i32>} : memref<128xi32, #tpu.memory_space<vmem>>, vector<16xi32>,
    %iota3A_628 = tpu.iota {dimensions = array<i32: 0>} : vector<16xi32>
    %add3A_629 = arith.constant 240 : i32
    %add3A_630 = vector.broadcast %add3A_629 : i32 to vector<16xi32>
    %add3A_631 = arith.addi %iota3A_628, %add3A_630 : vector<16xi32>
    %jit3A_632 = arith.constant 200 : i32
    %div3A_633 = vector.broadcast %jit3A_632 : i32 to vector<16xi32>
    %div3A_634 = arith.divsi %add3A_631, %div3A_633 : vector<16xi32>
    %sign3A_635 = arith.constant 0 : i32
    %sign3A_636 = vector.broadcast %sign3A_635 : i32 to vector<16xi32>
    %sign3A_637 = arith.cmpi sgt, %add3A_631, %sign3A_636 : vector<16xi32>
    %sign3A_638 = arith.extui %sign3A_637 : vector<16xi1> to vector<16xi32>
    %sign3A_639 = arith.constant 0 : i32
    %sign3A_640 = vector.broadcast %sign3A_639 : i32 to vector<16xi32>
    %sign3A_641 = arith.cmpi slt, %add3A_631, %sign3A_640 : vector<16xi32>
    %sign3A_642 = arith.extui %sign3A_641 : vector<16xi1> to vector<16xi32>
    %sign3A_643 = arith.subi %sign3A_638, %sign3A_642 : vector<16xi32>
    %sign3A_644 = arith.constant 0 : i32
    %sign3A_645 = arith.cmpi sgt, %jit3A_632, %sign3A_644 : i32
    %sign3A_646 = arith.extui %sign3A_645 : i1 to i32
    %sign3A_647 = arith.constant 0 : i32
    %sign3A_648 = arith.cmpi slt, %jit3A_632, %sign3A_647 : i32
    %sign3A_649 = arith.extui %sign3A_648 : i1 to i32
    %sign3A_650 = arith.subi %sign3A_646, %sign3A_649 : i32
    %ne3A_651 = vector.broadcast %sign3A_650 : i32 to vector<16xi32>
    %ne3A_652 = arith.cmpi ne, %sign3A_643, %ne3A_651 : vector<16xi32>
    %rem3A_653 = vector.broadcast %jit3A_632 : i32 to vector<16xi32>
    %rem3A_654 = arith.remsi %add3A_631, %rem3A_653 : vector<16xi32>
    %ne3A_655 = arith.constant 0 : i32
    %ne3A_656 = vector.broadcast %ne3A_655 : i32 to vector<16xi32>
    %ne3A_657 = arith.cmpi ne, %rem3A_654, %ne3A_656 : vector<16xi32>
    %and3A_658 = arith.andi %ne3A_652, %ne3A_657 : vector<16xi1>
    %sub3A_659 = arith.constant 1 : i32
    %sub3A_660 = vector.broadcast %sub3A_659 : i32 to vector<16xi32>
    %sub3A_661 = arith.subi %div3A_634, %sub3A_660 : vector<16xi32>
    %select_n3A_662 = arith.select %and3A_658, %sub3A_661, %div3A_634 : vector<16xi1>, vector<16xi32>
    %mul3A_663 = arith.constant 200 : i32
    %mul3A_664 = vector.broadcast %mul3A_663 : i32 to vector<16xi32>
    %mul3A_665 = arith.muli %select_n3A_662, %mul3A_664 : vector<16xi32>
    %sub3A_666 = arith.subi %add3A_631, %mul3A_665 : vector<16xi32>
    %gather3A_667 = tpu.vector_load_idx %arg5[%sub3A_666, %select_n3A_662] : memref<200x128xi32, #tpu.memory_space<vmem>>[vector<16xi32>, vector<16xi32>], vector<16xi32>,
    %swap3A_668 = arith.constant 112 : index
    %swap3A_669 = tpu.vector_load %arg7[%swap3A_668] {strides = array<i32>} : memref<128xi32, #tpu.memory_space<vmem>>, vector<16xi32>,
    tpu.vector_store %arg7[%swap3A_668], %gather3A_667 {strides = array<i32>} : memref<128xi32, #tpu.memory_space<vmem>>, vector<16xi32>,
    %dma_start3A_670 = arith.constant 0 : i32
    %dma_start3A_671 = arith.constant 0 : i32
    %dma_start3A_672 = tpu.memref_slice %arg26[%dma_start3A_670, %dma_start3A_671] : memref<1440x128xf32, #tpu.memory_space<vmem_shared>> -> memref<1440x128xf32, #tpu.memory_space<vmem_shared>>
    tpu.enqueue_indirect_dma source(%dma_start3A_672 : memref<1440x128xf32, #tpu.memory_space<vmem_shared>>) target(%arg12 : memref<128x128xf32, #tpu.memory_space<vmem>>) offsets(%arg7 : memref<128xi32, #tpu.memory_space<vmem>>) semaphore(%arg17 : memref<!tpu.dma_semaphore, #tpu.memory_space<semaphore_mem>>)
    %iota3A_673 = tpu.iota {dimensions = array<i32: 0>} : vector<16xi32>
    %add3A_674 = arith.constant 256 : i32
    %add3A_675 = vector.broadcast %add3A_674 : i32 to vector<16xi32>
    %add3A_676 = arith.addi %iota3A_673, %add3A_675 : vector<16xi32>
    %jit3A_677 = arith.constant 200 : i32
    %div3A_678 = vector.broadcast %jit3A_677 : i32 to vector<16xi32>
    %div3A_679 = arith.divsi %add3A_676, %div3A_678 : vector<16xi32>
    %sign3A_680 = arith.constant 0 : i32
    %sign3A_681 = vector.broadcast %sign3A_680 : i32 to vector<16xi32>
    %sign3A_682 = arith.cmpi sgt, %add3A_676, %sign3A_681 : vector<16xi32>
    %sign3A_683 = arith.extui %sign3A_682 : vector<16xi1> to vector<16xi32>
    %sign3A_684 = arith.constant 0 : i32
    %sign3A_685 = vector.broadcast %sign3A_684 : i32 to vector<16xi32>
    %sign3A_686 = arith.cmpi slt, %add3A_676, %sign3A_685 : vector<16xi32>
    %sign3A_687 = arith.extui %sign3A_686 : vector<16xi1> to vector<16xi32>
    %sign3A_688 = arith.subi %sign3A_683, %sign3A_687 : vector<16xi32>
    %sign3A_689 = arith.constant 0 : i32
    %sign3A_690 = arith.cmpi sgt, %jit3A_677, %sign3A_689 : i32
    %sign3A_691 = arith.extui %sign3A_690 : i1 to i32
    %sign3A_692 = arith.constant 0 : i32
    %sign3A_693 = arith.cmpi slt, %jit3A_677, %sign3A_692 : i32
    %sign3A_694 = arith.extui %sign3A_693 : i1 to i32
    %sign3A_695 = arith.subi %sign3A_691, %sign3A_694 : i32
    %ne3A_696 = vector.broadcast %sign3A_695 : i32 to vector<16xi32>
    %ne3A_697 = arith.cmpi ne, %sign3A_688, %ne3A_696 : vector<16xi32>
    %rem3A_698 = vector.broadcast %jit3A_677 : i32 to vector<16xi32>
    %rem3A_699 = arith.remsi %add3A_676, %rem3A_698 : vector<16xi32>
    %ne3A_700 = arith.constant 0 : i32
    %ne3A_701 = vector.broadcast %ne3A_700 : i32 to vector<16xi32>
    %ne3A_702 = arith.cmpi ne, %rem3A_699, %ne3A_701 : vector<16xi32>
    %and3A_703 = arith.andi %ne3A_697, %ne3A_702 : vector<16xi1>
    %sub3A_704 = arith.constant 1 : i32
    %sub3A_705 = vector.broadcast %sub3A_704 : i32 to vector<16xi32>
    %sub3A_706 = arith.subi %div3A_679, %sub3A_705 : vector<16xi32>
    %select_n3A_707 = arith.select %and3A_703, %sub3A_706, %div3A_679 : vector<16xi1>, vector<16xi32>
    %mul3A_708 = arith.constant 200 : i32
    %mul3A_709 = vector.broadcast %mul3A_708 : i32 to vector<16xi32>
    %mul3A_710 = arith.muli %select_n3A_707, %mul3A_709 : vector<16xi32>
    %sub3A_711 = arith.subi %add3A_676, %mul3A_710 : vector<16xi32>
    %gather3A_712 = tpu.vector_load_idx %arg5[%sub3A_711, %select_n3A_707] : memref<200x128xi32, #tpu.memory_space<vmem>>[vector<16xi32>, vector<16xi32>], vector<16xi32>,
    %swap3A_713 = arith.constant 0 : index
    %swap3A_714 = tpu.vector_load %arg8[%swap3A_713] {strides = array<i32>} : memref<128xi32, #tpu.memory_space<vmem>>, vector<16xi32>,
    tpu.vector_store %arg8[%swap3A_713], %gather3A_712 {strides = array<i32>} : memref<128xi32, #tpu.memory_space<vmem>>, vector<16xi32>,
    %iota3A_715 = tpu.iota {dimensions = array<i32: 0>} : vector<16xi32>
    %add3A_716 = arith.constant 272 : i32
    %add3A_717 = vector.broadcast %add3A_716 : i32 to vector<16xi32>
    %add3A_718 = arith.addi %iota3A_715, %add3A_717 : vector<16xi32>
    %jit3A_719 = arith.constant 200 : i32
    %div3A_720 = vector.broadcast %jit3A_719 : i32 to vector<16xi32>
    %div3A_721 = arith.divsi %add3A_718, %div3A_720 : vector<16xi32>
    %sign3A_722 = arith.constant 0 : i32
    %sign3A_723 = vector.broadcast %sign3A_722 : i32 to vector<16xi32>
    %sign3A_724 = arith.cmpi sgt, %add3A_718, %sign3A_723 : vector<16xi32>
    %sign3A_725 = arith.extui %sign3A_724 : vector<16xi1> to vector<16xi32>
    %sign3A_726 = arith.constant 0 : i32
    %sign3A_727 = vector.broadcast %sign3A_726 : i32 to vector<16xi32>
    %sign3A_728 = arith.cmpi slt, %add3A_718, %sign3A_727 : vector<16xi32>
    %sign3A_729 = arith.extui %sign3A_728 : vector<16xi1> to vector<16xi32>
    %sign3A_730 = arith.subi %sign3A_725, %sign3A_729 : vector<16xi32>
    %sign3A_731 = arith.constant 0 : i32
    %sign3A_732 = arith.cmpi sgt, %jit3A_719, %sign3A_731 : i32
    %sign3A_733 = arith.extui %sign3A_732 : i1 to i32
    %sign3A_734 = arith.constant 0 : i32
    %sign3A_735 = arith.cmpi slt, %jit3A_719, %sign3A_734 : i32
    %sign3A_736 = arith.extui %sign3A_735 : i1 to i32
    %sign3A_737 = arith.subi %sign3A_733, %sign3A_736 : i32
    %ne3A_738 = vector.broadcast %sign3A_737 : i32 to vector<16xi32>
    %ne3A_739 = arith.cmpi ne, %sign3A_730, %ne3A_738 : vector<16xi32>
    %rem3A_740 = vector.broadcast %jit3A_719 : i32 to vector<16xi32>
    %rem3A_741 = arith.remsi %add3A_718, %rem3A_740 : vector<16xi32>
    %ne3A_742 = arith.constant 0 : i32
    %ne3A_743 = vector.broadcast %ne3A_742 : i32 to vector<16xi32>
    %ne3A_744 = arith.cmpi ne, %rem3A_741, %ne3A_743 : vector<16xi32>
    %and3A_745 = arith.andi %ne3A_739, %ne3A_744 : vector<16xi1>
    %sub3A_746 = arith.constant 1 : i32
    %sub3A_747 = vector.broadcast %sub3A_746 : i32 to vector<16xi32>
    %sub3A_748 = arith.subi %div3A_721, %sub3A_747 : vector<16xi32>
    %select_n3A_749 = arith.select %and3A_745, %sub3A_748, %div3A_721 : vector<16xi1>, vector<16xi32>
    %mul3A_750 = arith.constant 200 : i32
    %mul3A_751 = vector.broadcast %mul3A_750 : i32 to vector<16xi32>
    %mul3A_752 = arith.muli %select_n3A_749, %mul3A_751 : vector<16xi32>
    %sub3A_753 = arith.subi %add3A_718, %mul3A_752 : vector<16xi32>
    %gather3A_754 = tpu.vector_load_idx %arg5[%sub3A_753, %select_n3A_749] : memref<200x128xi32, #tpu.memory_space<vmem>>[vector<16xi32>, vector<16xi32>], vector<16xi32>,
    %swap3A_755 = arith.constant 16 : index
    %swap3A_756 = tpu.vector_load %arg8[%swap3A_755] {strides = array<i32>} : memref<128xi32, #tpu.memory_space<vmem>>, vector<16xi32>,
    tpu.vector_store %arg8[%swap3A_755], %gather3A_754 {strides = array<i32>} : memref<128xi32, #tpu.memory_space<vmem>>, vector<16xi32>,
    %iota3A_757 = tpu.iota {dimensions = array<i32: 0>} : vector<16xi32>
    %add3A_758 = arith.constant 288 : i32
    %add3A_759 = vector.broadcast %add3A_758 : i32 to vector<16xi32>
    %add3A_760 = arith.addi %iota3A_757, %add3A_759 : vector<16xi32>
    %jit3A_761 = arith.constant 200 : i32
    %div3A_762 = vector.broadcast %jit3A_761 : i32 to vector<16xi32>
    %div3A_763 = arith.divsi %add3A_760, %div3A_762 : vector<16xi32>
    %sign3A_764 = arith.constant 0 : i32
    %sign3A_765 = vector.broadcast %sign3A_764 : i32 to vector<16xi32>
    %sign3A_766 = arith.cmpi sgt, %add3A_760, %sign3A_765 : vector<16xi32>
    %sign3A_767 = arith.extui %sign3A_766 : vector<16xi1> to vector<16xi32>
    %sign3A_768 = arith.constant 0 : i32
    %sign3A_769 = vector.broadcast %sign3A_768 : i32 to vector<16xi32>
    %sign3A_770 = arith.cmpi slt, %add3A_760, %sign3A_769 : vector<16xi32>
    %sign3A_771 = arith.extui %sign3A_770 : vector<16xi1> to vector<16xi32>
    %sign3A_772 = arith.subi %sign3A_767, %sign3A_771 : vector<16xi32>
    %sign3A_773 = arith.constant 0 : i32
    %sign3A_774 = arith.cmpi sgt, %jit3A_761, %sign3A_773 : i32
    %sign3A_775 = arith.extui %sign3A_774 : i1 to i32
    %sign3A_776 = arith.constant 0 : i32
    %sign3A_777 = arith.cmpi slt, %jit3A_761, %sign3A_776 : i32
    %sign3A_778 = arith.extui %sign3A_777 : i1 to i32
    %sign3A_779 = arith.subi %sign3A_775, %sign3A_778 : i32
    %ne3A_780 = vector.broadcast %sign3A_779 : i32 to vector<16xi32>
    %ne3A_781 = arith.cmpi ne, %sign3A_772, %ne3A_780 : vector<16xi32>
    %rem3A_782 = vector.broadcast %jit3A_761 : i32 to vector<16xi32>
    %rem3A_783 = arith.remsi %add3A_760, %rem3A_782 : vector<16xi32>
    %ne3A_784 = arith.constant 0 : i32
    %ne3A_785 = vector.broadcast %ne3A_784 : i32 to vector<16xi32>
    %ne3A_786 = arith.cmpi ne, %rem3A_783, %ne3A_785 : vector<16xi32>
    %and3A_787 = arith.andi %ne3A_781, %ne3A_786 : vector<16xi1>
    %sub3A_788 = arith.constant 1 : i32
    %sub3A_789 = vector.broadcast %sub3A_788 : i32 to vector<16xi32>
    %sub3A_790 = arith.subi %div3A_763, %sub3A_789 : vector<16xi32>
    %select_n3A_791 = arith.select %and3A_787, %sub3A_790, %div3A_763 : vector<16xi1>, vector<16xi32>
    %mul3A_792 = arith.constant 200 : i32
    %mul3A_793 = vector.broadcast %mul3A_792 : i32 to vector<16xi32>
    %mul3A_794 = arith.muli %select_n3A_791, %mul3A_793 : vector<16xi32>
    %sub3A_795 = arith.subi %add3A_760, %mul3A_794 : vector<16xi32>
    %gather3A_796 = tpu.vector_load_idx %arg5[%sub3A_795, %select_n3A_791] : memref<200x128xi32, #tpu.memory_space<vmem>>[vector<16xi32>, vector<16xi32>], vector<16xi32>,
    %swap3A_797 = arith.constant 32 : index
    %swap3A_798 = tpu.vector_load %arg8[%swap3A_797] {strides = array<i32>} : memref<128xi32, #tpu.memory_space<vmem>>, vector<16xi32>,
    tpu.vector_store %arg8[%swap3A_797], %gather3A_796 {strides = array<i32>} : memref<128xi32, #tpu.memory_space<vmem>>, vector<16xi32>,
    %iota3A_799 = tpu.iota {dimensions = array<i32: 0>} : vector<16xi32>
    %add3A_800 = arith.constant 304 : i32
    %add3A_801 = vector.broadcast %add3A_800 : i32 to vector<16xi32>
    %add3A_802 = arith.addi %iota3A_799, %add3A_801 : vector<16xi32>
    %jit3A_803 = arith.constant 200 : i32
    %div3A_804 = vector.broadcast %jit3A_803 : i32 to vector<16xi32>
    %div3A_805 = arith.divsi %add3A_802, %div3A_804 : vector<16xi32>
    %sign3A_806 = arith.constant 0 : i32
    %sign3A_807 = vector.broadcast %sign3A_806 : i32 to vector<16xi32>
    %sign3A_808 = arith.cmpi sgt, %add3A_802, %sign3A_807 : vector<16xi32>
    %sign3A_809 = arith.extui %sign3A_808 : vector<16xi1> to vector<16xi32>
    %sign3A_810 = arith.constant 0 : i32
    %sign3A_811 = vector.broadcast %sign3A_810 : i32 to vector<16xi32>
    %sign3A_812 = arith.cmpi slt, %add3A_802, %sign3A_811 : vector<16xi32>
    %sign3A_813 = arith.extui %sign3A_812 : vector<16xi1> to vector<16xi32>
    %sign3A_814 = arith.subi %sign3A_809, %sign3A_813 : vector<16xi32>
    %sign3A_815 = arith.constant 0 : i32
    %sign3A_816 = arith.cmpi sgt, %jit3A_803, %sign3A_815 : i32
    %sign3A_817 = arith.extui %sign3A_816 : i1 to i32
    %sign3A_818 = arith.constant 0 : i32
    %sign3A_819 = arith.cmpi slt, %jit3A_803, %sign3A_818 : i32
    %sign3A_820 = arith.extui %sign3A_819 : i1 to i32
    %sign3A_821 = arith.subi %sign3A_817, %sign3A_820 : i32
    %ne3A_822 = vector.broadcast %sign3A_821 : i32 to vector<16xi32>
    %ne3A_823 = arith.cmpi ne, %sign3A_814, %ne3A_822 : vector<16xi32>
    %rem3A_824 = vector.broadcast %jit3A_803 : i32 to vector<16xi32>
    %rem3A_825 = arith.remsi %add3A_802, %rem3A_824 : vector<16xi32>
    %ne3A_826 = arith.constant 0 : i32
    %ne3A_827 = vector.broadcast %ne3A_826 : i32 to vector<16xi32>
    %ne3A_828 = arith.cmpi ne, %rem3A_825, %ne3A_827 : vector<16xi32>
    %and3A_829 = arith.andi %ne3A_823, %ne3A_828 : vector<16xi1>
    %sub3A_830 = arith.constant 1 : i32
    %sub3A_831 = vector.broadcast %sub3A_830 : i32 to vector<16xi32>
    %sub3A_832 = arith.subi %div3A_805, %sub3A_831 : vector<16xi32>
    %select_n3A_833 = arith.select %and3A_829, %sub3A_832, %div3A_805 : vector<16xi1>, vector<16xi32>
    %mul3A_834 = arith.constant 200 : i32
    %mul3A_835 = vector.broadcast %mul3A_834 : i32 to vector<16xi32>
    %mul3A_836 = arith.muli %select_n3A_833, %mul3A_835 : vector<16xi32>
    %sub3A_837 = arith.subi %add3A_802, %mul3A_836 : vector<16xi32>
    %gather3A_838 = tpu.vector_load_idx %arg5[%sub3A_837, %select_n3A_833] : memref<200x128xi32, #tpu.memory_space<vmem>>[vector<16xi32>, vector<16xi32>], vector<16xi32>,
    %swap3A_839 = arith.constant 48 : index
    %swap3A_840 = tpu.vector_load %arg8[%swap3A_839] {strides = array<i32>} : memref<128xi32, #tpu.memory_space<vmem>>, vector<16xi32>,
    tpu.vector_store %arg8[%swap3A_839], %gather3A_838 {strides = array<i32>} : memref<128xi32, #tpu.memory_space<vmem>>, vector<16xi32>,
    %iota3A_841 = tpu.iota {dimensions = array<i32: 0>} : vector<16xi32>
    %add3A_842 = arith.constant 320 : i32
    %add3A_843 = vector.broadcast %add3A_842 : i32 to vector<16xi32>
    %add3A_844 = arith.addi %iota3A_841, %add3A_843 : vector<16xi32>
    %jit3A_845 = arith.constant 200 : i32
    %div3A_846 = vector.broadcast %jit3A_845 : i32 to vector<16xi32>
    %div3A_847 = arith.divsi %add3A_844, %div3A_846 : vector<16xi32>
    %sign3A_848 = arith.constant 0 : i32
    %sign3A_849 = vector.broadcast %sign3A_848 : i32 to vector<16xi32>
    %sign3A_850 = arith.cmpi sgt, %add3A_844, %sign3A_849 : vector<16xi32>
    %sign3A_851 = arith.extui %sign3A_850 : vector<16xi1> to vector<16xi32>
    %sign3A_852 = arith.constant 0 : i32
    %sign3A_853 = vector.broadcast %sign3A_852 : i32 to vector<16xi32>
    %sign3A_854 = arith.cmpi slt, %add3A_844, %sign3A_853 : vector<16xi32>
    %sign3A_855 = arith.extui %sign3A_854 : vector<16xi1> to vector<16xi32>
    %sign3A_856 = arith.subi %sign3A_851, %sign3A_855 : vector<16xi32>
    %sign3A_857 = arith.constant 0 : i32
    %sign3A_858 = arith.cmpi sgt, %jit3A_845, %sign3A_857 : i32
    %sign3A_859 = arith.extui %sign3A_858 : i1 to i32
    %sign3A_860 = arith.constant 0 : i32
    %sign3A_861 = arith.cmpi slt, %jit3A_845, %sign3A_860 : i32
    %sign3A_862 = arith.extui %sign3A_861 : i1 to i32
    %sign3A_863 = arith.subi %sign3A_859, %sign3A_862 : i32
    %ne3A_864 = vector.broadcast %sign3A_863 : i32 to vector<16xi32>
    %ne3A_865 = arith.cmpi ne, %sign3A_856, %ne3A_864 : vector<16xi32>
    %rem3A_866 = vector.broadcast %jit3A_845 : i32 to vector<16xi32>
    %rem3A_867 = arith.remsi %add3A_844, %rem3A_866 : vector<16xi32>
    %ne3A_868 = arith.constant 0 : i32
    %ne3A_869 = vector.broadcast %ne3A_868 : i32 to vector<16xi32>
    %ne3A_870 = arith.cmpi ne, %rem3A_867, %ne3A_869 : vector<16xi32>
    %and3A_871 = arith.andi %ne3A_865, %ne3A_870 : vector<16xi1>
    %sub3A_872 = arith.constant 1 : i32
    %sub3A_873 = vector.broadcast %sub3A_872 : i32 to vector<16xi32>
    %sub3A_874 = arith.subi %div3A_847, %sub3A_873 : vector<16xi32>
    %select_n3A_875 = arith.select %and3A_871, %sub3A_874, %div3A_847 : vector<16xi1>, vector<16xi32>
    %mul3A_876 = arith.constant 200 : i32
    %mul3A_877 = vector.broadcast %mul3A_876 : i32 to vector<16xi32>
    %mul3A_878 = arith.muli %select_n3A_875, %mul3A_877 : vector<16xi32>
    %sub3A_879 = arith.subi %add3A_844, %mul3A_878 : vector<16xi32>
    %gather3A_880 = tpu.vector_load_idx %arg5[%sub3A_879, %select_n3A_875] : memref<200x128xi32, #tpu.memory_space<vmem>>[vector<16xi32>, vector<16xi32>], vector<16xi32>,
    %swap3A_881 = arith.constant 64 : index
    %swap3A_882 = tpu.vector_load %arg8[%swap3A_881] {strides = array<i32>} : memref<128xi32, #tpu.memory_space<vmem>>, vector<16xi32>,
    tpu.vector_store %arg8[%swap3A_881], %gather3A_880 {strides = array<i32>} : memref<128xi32, #tpu.memory_space<vmem>>, vector<16xi32>,
    %iota3A_883 = tpu.iota {dimensions = array<i32: 0>} : vector<16xi32>
    %add3A_884 = arith.constant 336 : i32
    %add3A_885 = vector.broadcast %add3A_884 : i32 to vector<16xi32>
    %add3A_886 = arith.addi %iota3A_883, %add3A_885 : vector<16xi32>
    %jit3A_887 = arith.constant 200 : i32
    %div3A_888 = vector.broadcast %jit3A_887 : i32 to vector<16xi32>
    %div3A_889 = arith.divsi %add3A_886, %div3A_888 : vector<16xi32>
    %sign3A_890 = arith.constant 0 : i32
    %sign3A_891 = vector.broadcast %sign3A_890 : i32 to vector<16xi32>
    %sign3A_892 = arith.cmpi sgt, %add3A_886, %sign3A_891 : vector<16xi32>
    %sign3A_893 = arith.extui %sign3A_892 : vector<16xi1> to vector<16xi32>
    %sign3A_894 = arith.constant 0 : i32
    %sign3A_895 = vector.broadcast %sign3A_894 : i32 to vector<16xi32>
    %sign3A_896 = arith.cmpi slt, %add3A_886, %sign3A_895 : vector<16xi32>
    %sign3A_897 = arith.extui %sign3A_896 : vector<16xi1> to vector<16xi32>
    %sign3A_898 = arith.subi %sign3A_893, %sign3A_897 : vector<16xi32>
    %sign3A_899 = arith.constant 0 : i32
    %sign3A_900 = arith.cmpi sgt, %jit3A_887, %sign3A_899 : i32
    %sign3A_901 = arith.extui %sign3A_900 : i1 to i32
    %sign3A_902 = arith.constant 0 : i32
    %sign3A_903 = arith.cmpi slt, %jit3A_887, %sign3A_902 : i32
    %sign3A_904 = arith.extui %sign3A_903 : i1 to i32
    %sign3A_905 = arith.subi %sign3A_901, %sign3A_904 : i32
    %ne3A_906 = vector.broadcast %sign3A_905 : i32 to vector<16xi32>
    %ne3A_907 = arith.cmpi ne, %sign3A_898, %ne3A_906 : vector<16xi32>
    %rem3A_908 = vector.broadcast %jit3A_887 : i32 to vector<16xi32>
    %rem3A_909 = arith.remsi %add3A_886, %rem3A_908 : vector<16xi32>
    %ne3A_910 = arith.constant 0 : i32
    %ne3A_911 = vector.broadcast %ne3A_910 : i32 to vector<16xi32>
    %ne3A_912 = arith.cmpi ne, %rem3A_909, %ne3A_911 : vector<16xi32>
    %and3A_913 = arith.andi %ne3A_907, %ne3A_912 : vector<16xi1>
    %sub3A_914 = arith.constant 1 : i32
    %sub3A_915 = vector.broadcast %sub3A_914 : i32 to vector<16xi32>
    %sub3A_916 = arith.subi %div3A_889, %sub3A_915 : vector<16xi32>
    %select_n3A_917 = arith.select %and3A_913, %sub3A_916, %div3A_889 : vector<16xi1>, vector<16xi32>
    %mul3A_918 = arith.constant 200 : i32
    %mul3A_919 = vector.broadcast %mul3A_918 : i32 to vector<16xi32>
    %mul3A_920 = arith.muli %select_n3A_917, %mul3A_919 : vector<16xi32>
    %sub3A_921 = arith.subi %add3A_886, %mul3A_920 : vector<16xi32>
    %gather3A_922 = tpu.vector_load_idx %arg5[%sub3A_921, %select_n3A_917] : memref<200x128xi32, #tpu.memory_space<vmem>>[vector<16xi32>, vector<16xi32>], vector<16xi32>,
    %swap3A_923 = arith.constant 80 : index
    %swap3A_924 = tpu.vector_load %arg8[%swap3A_923] {strides = array<i32>} : memref<128xi32, #tpu.memory_space<vmem>>, vector<16xi32>,
    tpu.vector_store %arg8[%swap3A_923], %gather3A_922 {strides = array<i32>} : memref<128xi32, #tpu.memory_space<vmem>>, vector<16xi32>,
    %iota3A_925 = tpu.iota {dimensions = array<i32: 0>} : vector<16xi32>
    %add3A_926 = arith.constant 352 : i32
    %add3A_927 = vector.broadcast %add3A_926 : i32 to vector<16xi32>
    %add3A_928 = arith.addi %iota3A_925, %add3A_927 : vector<16xi32>
    %jit3A_929 = arith.constant 200 : i32
    %div3A_930 = vector.broadcast %jit3A_929 : i32 to vector<16xi32>
    %div3A_931 = arith.divsi %add3A_928, %div3A_930 : vector<16xi32>
    %sign3A_932 = arith.constant 0 : i32
    %sign3A_933 = vector.broadcast %sign3A_932 : i32 to vector<16xi32>
    %sign3A_934 = arith.cmpi sgt, %add3A_928, %sign3A_933 : vector<16xi32>
    %sign3A_935 = arith.extui %sign3A_934 : vector<16xi1> to vector<16xi32>
    %sign3A_936 = arith.constant 0 : i32
    %sign3A_937 = vector.broadcast %sign3A_936 : i32 to vector<16xi32>
    %sign3A_938 = arith.cmpi slt, %add3A_928, %sign3A_937 : vector<16xi32>
    %sign3A_939 = arith.extui %sign3A_938 : vector<16xi1> to vector<16xi32>
    %sign3A_940 = arith.subi %sign3A_935, %sign3A_939 : vector<16xi32>
    %sign3A_941 = arith.constant 0 : i32
    %sign3A_942 = arith.cmpi sgt, %jit3A_929, %sign3A_941 : i32
    %sign3A_943 = arith.extui %sign3A_942 : i1 to i32
    %sign3A_944 = arith.constant 0 : i32
    %sign3A_945 = arith.cmpi slt, %jit3A_929, %sign3A_944 : i32
    %sign3A_946 = arith.extui %sign3A_945 : i1 to i32
    %sign3A_947 = arith.subi %sign3A_943, %sign3A_946 : i32
    %ne3A_948 = vector.broadcast %sign3A_947 : i32 to vector<16xi32>
    %ne3A_949 = arith.cmpi ne, %sign3A_940, %ne3A_948 : vector<16xi32>
    %rem3A_950 = vector.broadcast %jit3A_929 : i32 to vector<16xi32>
    %rem3A_951 = arith.remsi %add3A_928, %rem3A_950 : vector<16xi32>
    %ne3A_952 = arith.constant 0 : i32
    %ne3A_953 = vector.broadcast %ne3A_952 : i32 to vector<16xi32>
    %ne3A_954 = arith.cmpi ne, %rem3A_951, %ne3A_953 : vector<16xi32>
    %and3A_955 = arith.andi %ne3A_949, %ne3A_954 : vector<16xi1>
    %sub3A_956 = arith.constant 1 : i32
    %sub3A_957 = vector.broadcast %sub3A_956 : i32 to vector<16xi32>
    %sub3A_958 = arith.subi %div3A_931, %sub3A_957 : vector<16xi32>
    %select_n3A_959 = arith.select %and3A_955, %sub3A_958, %div3A_931 : vector<16xi1>, vector<16xi32>
    %mul3A_960 = arith.constant 200 : i32
    %mul3A_961 = vector.broadcast %mul3A_960 : i32 to vector<16xi32>
    %mul3A_962 = arith.muli %select_n3A_959, %mul3A_961 : vector<16xi32>
    %sub3A_963 = arith.subi %add3A_928, %mul3A_962 : vector<16xi32>
    %gather3A_964 = tpu.vector_load_idx %arg5[%sub3A_963, %select_n3A_959] : memref<200x128xi32, #tpu.memory_space<vmem>>[vector<16xi32>, vector<16xi32>], vector<16xi32>,
    %swap3A_965 = arith.constant 96 : index
    %swap3A_966 = tpu.vector_load %arg8[%swap3A_965] {strides = array<i32>} : memref<128xi32, #tpu.memory_space<vmem>>, vector<16xi32>,
    tpu.vector_store %arg8[%swap3A_965], %gather3A_964 {strides = array<i32>} : memref<128xi32, #tpu.memory_space<vmem>>, vector<16xi32>,
    %iota3A_967 = tpu.iota {dimensions = array<i32: 0>} : vector<16xi32>
    %add3A_968 = arith.constant 368 : i32
    %add3A_969 = vector.broadcast %add3A_968 : i32 to vector<16xi32>
    %add3A_970 = arith.addi %iota3A_967, %add3A_969 : vector<16xi32>
    %jit3A_971 = arith.constant 200 : i32
    %div3A_972 = vector.broadcast %jit3A_971 : i32 to vector<16xi32>
    %div3A_973 = arith.divsi %add3A_970, %div3A_972 : vector<16xi32>
    %sign3A_974 = arith.constant 0 : i32
    %sign3A_975 = vector.broadcast %sign3A_974 : i32 to vector<16xi32>
    %sign3A_976 = arith.cmpi sgt, %add3A_970, %sign3A_975 : vector<16xi32>
    %sign3A_977 = arith.extui %sign3A_976 : vector<16xi1> to vector<16xi32>
    %sign3A_978 = arith.constant 0 : i32
    %sign3A_979 = vector.broadcast %sign3A_978 : i32 to vector<16xi32>
    %sign3A_980 = arith.cmpi slt, %add3A_970, %sign3A_979 : vector<16xi32>
    %sign3A_981 = arith.extui %sign3A_980 : vector<16xi1> to vector<16xi32>
    %sign3A_982 = arith.subi %sign3A_977, %sign3A_981 : vector<16xi32>
    %sign3A_983 = arith.constant 0 : i32
    %sign3A_984 = arith.cmpi sgt, %jit3A_971, %sign3A_983 : i32
    %sign3A_985 = arith.extui %sign3A_984 : i1 to i32
    %sign3A_986 = arith.constant 0 : i32
    %sign3A_987 = arith.cmpi slt, %jit3A_971, %sign3A_986 : i32
    %sign3A_988 = arith.extui %sign3A_987 : i1 to i32
    %sign3A_989 = arith.subi %sign3A_985, %sign3A_988 : i32
    %ne3A_990 = vector.broadcast %sign3A_989 : i32 to vector<16xi32>
    %ne3A_991 = arith.cmpi ne, %sign3A_982, %ne3A_990 : vector<16xi32>
    %rem3A_992 = vector.broadcast %jit3A_971 : i32 to vector<16xi32>
    %rem3A_993 = arith.remsi %add3A_970, %rem3A_992 : vector<16xi32>
    %ne3A_994 = arith.constant 0 : i32
    %ne3A_995 = vector.broadcast %ne3A_994 : i32 to vector<16xi32>
    %ne3A_996 = arith.cmpi ne, %rem3A_993, %ne3A_995 : vector<16xi32>
    %and3A_997 = arith.andi %ne3A_991, %ne3A_996 : vector<16xi1>
    %sub3A_998 = arith.constant 1 : i32
    %sub3A_999 = vector.broadcast %sub3A_998 : i32 to vector<16xi32>
    %sub3A_1000 = arith.subi %div3A_973, %sub3A_999 : vector<16xi32>
    %select_n3A_1001 = arith.select %and3A_997, %sub3A_1000, %div3A_973 : vector<16xi1>, vector<16xi32>
    %mul3A_1002 = arith.constant 200 : i32
    %mul3A_1003 = vector.broadcast %mul3A_1002 : i32 to vector<16xi32>
    %mul3A_1004 = arith.muli %select_n3A_1001, %mul3A_1003 : vector<16xi32>
    %sub3A_1005 = arith.subi %add3A_970, %mul3A_1004 : vector<16xi32>
    %gather3A_1006 = tpu.vector_load_idx %arg5[%sub3A_1005, %select_n3A_1001] : memref<200x128xi32, #tpu.memory_space<vmem>>[vector<16xi32>, vector<16xi32>], vector<16xi32>,
    %swap3A_1007 = arith.constant 112 : index
    %swap3A_1008 = tpu.vector_load %arg8[%swap3A_1007] {strides = array<i32>} : memref<128xi32, #tpu.memory_space<vmem>>, vector<16xi32>,
    tpu.vector_store %arg8[%swap3A_1007], %gather3A_1006 {strides = array<i32>} : memref<128xi32, #tpu.memory_space<vmem>>, vector<16xi32>,
    %dma_start3A_1009 = arith.constant 0 : i32
    %dma_start3A_1010 = arith.constant 0 : i32
    %dma_start3A_1011 = tpu.memref_slice %arg26[%dma_start3A_1009, %dma_start3A_1010] : memref<1440x128xf32, #tpu.memory_space<vmem_shared>> -> memref<1440x128xf32, #tpu.memory_space<vmem_shared>>
    tpu.enqueue_indirect_dma source(%dma_start3A_1011 : memref<1440x128xf32, #tpu.memory_space<vmem_shared>>) target(%arg13 : memref<128x128xf32, #tpu.memory_space<vmem>>) offsets(%arg8 : memref<128xi32, #tpu.memory_space<vmem>>) semaphore(%arg18 : memref<!tpu.dma_semaphore, #tpu.memory_space<semaphore_mem>>)
    %iota3A_1012 = tpu.iota {dimensions = array<i32: 0>} : vector<16xi32>
    %add3A_1013 = arith.constant 384 : i32
    %add3A_1014 = vector.broadcast %add3A_1013 : i32 to vector<16xi32>
    %add3A_1015 = arith.addi %iota3A_1012, %add3A_1014 : vector<16xi32>
    %jit3A_1016 = arith.constant 200 : i32
    %div3A_1017 = vector.broadcast %jit3A_1016 : i32 to vector<16xi32>
    %div3A_1018 = arith.divsi %add3A_1015, %div3A_1017 : vector<16xi32>
    %sign3A_1019 = arith.constant 0 : i32
    %sign3A_1020 = vector.broadcast %sign3A_1019 : i32 to vector<16xi32>
    %sign3A_1021 = arith.cmpi sgt, %add3A_1015, %sign3A_1020 : vector<16xi32>
    %sign3A_1022 = arith.extui %sign3A_1021 : vector<16xi1> to vector<16xi32>
    %sign3A_1023 = arith.constant 0 : i32
    %sign3A_1024 = vector.broadcast %sign3A_1023 : i32 to vector<16xi32>
    %sign3A_1025 = arith.cmpi slt, %add3A_1015, %sign3A_1024 : vector<16xi32>
    %sign3A_1026 = arith.extui %sign3A_1025 : vector<16xi1> to vector<16xi32>
    %sign3A_1027 = arith.subi %sign3A_1022, %sign3A_1026 : vector<16xi32>
    %sign3A_1028 = arith.constant 0 : i32
    %sign3A_1029 = arith.cmpi sgt, %jit3A_1016, %sign3A_1028 : i32
    %sign3A_1030 = arith.extui %sign3A_1029 : i1 to i32
    %sign3A_1031 = arith.constant 0 : i32
    %sign3A_1032 = arith.cmpi slt, %jit3A_1016, %sign3A_1031 : i32
    %sign3A_1033 = arith.extui %sign3A_1032 : i1 to i32
    %sign3A_1034 = arith.subi %sign3A_1030, %sign3A_1033 : i32
    %ne3A_1035 = vector.broadcast %sign3A_1034 : i32 to vector<16xi32>
    %ne3A_1036 = arith.cmpi ne, %sign3A_1027, %ne3A_1035 : vector<16xi32>
    %rem3A_1037 = vector.broadcast %jit3A_1016 : i32 to vector<16xi32>
    %rem3A_1038 = arith.remsi %add3A_1015, %rem3A_1037 : vector<16xi32>
    %ne3A_1039 = arith.constant 0 : i32
    %ne3A_1040 = vector.broadcast %ne3A_1039 : i32 to vector<16xi32>
    %ne3A_1041 = arith.cmpi ne, %rem3A_1038, %ne3A_1040 : vector<16xi32>
    %and3A_1042 = arith.andi %ne3A_1036, %ne3A_1041 : vector<16xi1>
    %sub3A_1043 = arith.constant 1 : i32
    %sub3A_1044 = vector.broadcast %sub3A_1043 : i32 to vector<16xi32>
    %sub3A_1045 = arith.subi %div3A_1018, %sub3A_1044 : vector<16xi32>
    %select_n3A_1046 = arith.select %and3A_1042, %sub3A_1045, %div3A_1018 : vector<16xi1>, vector<16xi32>
    %mul3A_1047 = arith.constant 200 : i32
    %mul3A_1048 = vector.broadcast %mul3A_1047 : i32 to vector<16xi32>
    %mul3A_1049 = arith.muli %select_n3A_1046, %mul3A_1048 : vector<16xi32>
    %sub3A_1050 = arith.subi %add3A_1015, %mul3A_1049 : vector<16xi32>
    %gather3A_1051 = tpu.vector_load_idx %arg5[%sub3A_1050, %select_n3A_1046] : memref<200x128xi32, #tpu.memory_space<vmem>>[vector<16xi32>, vector<16xi32>], vector<16xi32>,
    %swap3A_1052 = arith.constant 0 : index
    %swap3A_1053 = tpu.vector_load %arg9[%swap3A_1052] {strides = array<i32>} : memref<128xi32, #tpu.memory_space<vmem>>, vector<16xi32>,
    tpu.vector_store %arg9[%swap3A_1052], %gather3A_1051 {strides = array<i32>} : memref<128xi32, #tpu.memory_space<vmem>>, vector<16xi32>,
    %iota3A_1054 = tpu.iota {dimensions = array<i32: 0>} : vector<16xi32>
    %add3A_1055 = arith.constant 400 : i32
    %add3A_1056 = vector.broadcast %add3A_1055 : i32 to vector<16xi32>
    %add3A_1057 = arith.addi %iota3A_1054, %add3A_1056 : vector<16xi32>
    %jit3A_1058 = arith.constant 200 : i32
    %div3A_1059 = vector.broadcast %jit3A_1058 : i32 to vector<16xi32>
    %div3A_1060 = arith.divsi %add3A_1057, %div3A_1059 : vector<16xi32>
    %sign3A_1061 = arith.constant 0 : i32
    %sign3A_1062 = vector.broadcast %sign3A_1061 : i32 to vector<16xi32>
    %sign3A_1063 = arith.cmpi sgt, %add3A_1057, %sign3A_1062 : vector<16xi32>
    %sign3A_1064 = arith.extui %sign3A_1063 : vector<16xi1> to vector<16xi32>
    %sign3A_1065 = arith.constant 0 : i32
    %sign3A_1066 = vector.broadcast %sign3A_1065 : i32 to vector<16xi32>
    %sign3A_1067 = arith.cmpi slt, %add3A_1057, %sign3A_1066 : vector<16xi32>
    %sign3A_1068 = arith.extui %sign3A_1067 : vector<16xi1> to vector<16xi32>
    %sign3A_1069 = arith.subi %sign3A_1064, %sign3A_1068 : vector<16xi32>
    %sign3A_1070 = arith.constant 0 : i32
    %sign3A_1071 = arith.cmpi sgt, %jit3A_1058, %sign3A_1070 : i32
    %sign3A_1072 = arith.extui %sign3A_1071 : i1 to i32
    %sign3A_1073 = arith.constant 0 : i32
    %sign3A_1074 = arith.cmpi slt, %jit3A_1058, %sign3A_1073 : i32
    %sign3A_1075 = arith.extui %sign3A_1074 : i1 to i32
    %sign3A_1076 = arith.subi %sign3A_1072, %sign3A_1075 : i32
    %ne3A_1077 = vector.broadcast %sign3A_1076 : i32 to vector<16xi32>
    %ne3A_1078 = arith.cmpi ne, %sign3A_1069, %ne3A_1077 : vector<16xi32>
    %rem3A_1079 = vector.broadcast %jit3A_1058 : i32 to vector<16xi32>
    %rem3A_1080 = arith.remsi %add3A_1057, %rem3A_1079 : vector<16xi32>
    %ne3A_1081 = arith.constant 0 : i32
    %ne3A_1082 = vector.broadcast %ne3A_1081 : i32 to vector<16xi32>
    %ne3A_1083 = arith.cmpi ne, %rem3A_1080, %ne3A_1082 : vector<16xi32>
    %and3A_1084 = arith.andi %ne3A_1078, %ne3A_1083 : vector<16xi1>
    %sub3A_1085 = arith.constant 1 : i32
    %sub3A_1086 = vector.broadcast %sub3A_1085 : i32 to vector<16xi32>
    %sub3A_1087 = arith.subi %div3A_1060, %sub3A_1086 : vector<16xi32>
    %select_n3A_1088 = arith.select %and3A_1084, %sub3A_1087, %div3A_1060 : vector<16xi1>, vector<16xi32>
    %mul3A_1089 = arith.constant 200 : i32
    %mul3A_1090 = vector.broadcast %mul3A_1089 : i32 to vector<16xi32>
    %mul3A_1091 = arith.muli %select_n3A_1088, %mul3A_1090 : vector<16xi32>
    %sub3A_1092 = arith.subi %add3A_1057, %mul3A_1091 : vector<16xi32>
    %gather3A_1093 = tpu.vector_load_idx %arg5[%sub3A_1092, %select_n3A_1088] : memref<200x128xi32, #tpu.memory_space<vmem>>[vector<16xi32>, vector<16xi32>], vector<16xi32>,
    %swap3A_1094 = arith.constant 16 : index
    %swap3A_1095 = tpu.vector_load %arg9[%swap3A_1094] {strides = array<i32>} : memref<128xi32, #tpu.memory_space<vmem>>, vector<16xi32>,
    tpu.vector_store %arg9[%swap3A_1094], %gather3A_1093 {strides = array<i32>} : memref<128xi32, #tpu.memory_space<vmem>>, vector<16xi32>,
    %iota3A_1096 = tpu.iota {dimensions = array<i32: 0>} : vector<16xi32>
    %add3A_1097 = arith.constant 416 : i32
    %add3A_1098 = vector.broadcast %add3A_1097 : i32 to vector<16xi32>
    %add3A_1099 = arith.addi %iota3A_1096, %add3A_1098 : vector<16xi32>
    %jit3A_1100 = arith.constant 200 : i32
    %div3A_1101 = vector.broadcast %jit3A_1100 : i32 to vector<16xi32>
    %div3A_1102 = arith.divsi %add3A_1099, %div3A_1101 : vector<16xi32>
    %sign3A_1103 = arith.constant 0 : i32
    %sign3A_1104 = vector.broadcast %sign3A_1103 : i32 to vector<16xi32>
    %sign3A_1105 = arith.cmpi sgt, %add3A_1099, %sign3A_1104 : vector<16xi32>
    %sign3A_1106 = arith.extui %sign3A_1105 : vector<16xi1> to vector<16xi32>
    %sign3A_1107 = arith.constant 0 : i32
    %sign3A_1108 = vector.broadcast %sign3A_1107 : i32 to vector<16xi32>
    %sign3A_1109 = arith.cmpi slt, %add3A_1099, %sign3A_1108 : vector<16xi32>
    %sign3A_1110 = arith.extui %sign3A_1109 : vector<16xi1> to vector<16xi32>
    %sign3A_1111 = arith.subi %sign3A_1106, %sign3A_1110 : vector<16xi32>
    %sign3A_1112 = arith.constant 0 : i32
    %sign3A_1113 = arith.cmpi sgt, %jit3A_1100, %sign3A_1112 : i32
    %sign3A_1114 = arith.extui %sign3A_1113 : i1 to i32
    %sign3A_1115 = arith.constant 0 : i32
    %sign3A_1116 = arith.cmpi slt, %jit3A_1100, %sign3A_1115 : i32
    %sign3A_1117 = arith.extui %sign3A_1116 : i1 to i32
    %sign3A_1118 = arith.subi %sign3A_1114, %sign3A_1117 : i32
    %ne3A_1119 = vector.broadcast %sign3A_1118 : i32 to vector<16xi32>
    %ne3A_1120 = arith.cmpi ne, %sign3A_1111, %ne3A_1119 : vector<16xi32>
    %rem3A_1121 = vector.broadcast %jit3A_1100 : i32 to vector<16xi32>
    %rem3A_1122 = arith.remsi %add3A_1099, %rem3A_1121 : vector<16xi32>
    %ne3A_1123 = arith.constant 0 : i32
    %ne3A_1124 = vector.broadcast %ne3A_1123 : i32 to vector<16xi32>
    %ne3A_1125 = arith.cmpi ne, %rem3A_1122, %ne3A_1124 : vector<16xi32>
    %and3A_1126 = arith.andi %ne3A_1120, %ne3A_1125 : vector<16xi1>
    %sub3A_1127 = arith.constant 1 : i32
    %sub3A_1128 = vector.broadcast %sub3A_1127 : i32 to vector<16xi32>
    %sub3A_1129 = arith.subi %div3A_1102, %sub3A_1128 : vector<16xi32>
    %select_n3A_1130 = arith.select %and3A_1126, %sub3A_1129, %div3A_1102 : vector<16xi1>, vector<16xi32>
    %mul3A_1131 = arith.constant 200 : i32
    %mul3A_1132 = vector.broadcast %mul3A_1131 : i32 to vector<16xi32>
    %mul3A_1133 = arith.muli %select_n3A_1130, %mul3A_1132 : vector<16xi32>
    %sub3A_1134 = arith.subi %add3A_1099, %mul3A_1133 : vector<16xi32>
    %gather3A_1135 = tpu.vector_load_idx %arg5[%sub3A_1134, %select_n3A_1130] : memref<200x128xi32, #tpu.memory_space<vmem>>[vector<16xi32>, vector<16xi32>], vector<16xi32>,
    %swap3A_1136 = arith.constant 32 : index
    %swap3A_1137 = tpu.vector_load %arg9[%swap3A_1136] {strides = array<i32>} : memref<128xi32, #tpu.memory_space<vmem>>, vector<16xi32>,
    tpu.vector_store %arg9[%swap3A_1136], %gather3A_1135 {strides = array<i32>} : memref<128xi32, #tpu.memory_space<vmem>>, vector<16xi32>,
    %iota3A_1138 = tpu.iota {dimensions = array<i32: 0>} : vector<16xi32>
    %add3A_1139 = arith.constant 432 : i32
    %add3A_1140 = vector.broadcast %add3A_1139 : i32 to vector<16xi32>
    %add3A_1141 = arith.addi %iota3A_1138, %add3A_1140 : vector<16xi32>
    %jit3A_1142 = arith.constant 200 : i32
    %div3A_1143 = vector.broadcast %jit3A_1142 : i32 to vector<16xi32>
    %div3A_1144 = arith.divsi %add3A_1141, %div3A_1143 : vector<16xi32>
    %sign3A_1145 = arith.constant 0 : i32
    %sign3A_1146 = vector.broadcast %sign3A_1145 : i32 to vector<16xi32>
    %sign3A_1147 = arith.cmpi sgt, %add3A_1141, %sign3A_1146 : vector<16xi32>
    %sign3A_1148 = arith.extui %sign3A_1147 : vector<16xi1> to vector<16xi32>
    %sign3A_1149 = arith.constant 0 : i32
    %sign3A_1150 = vector.broadcast %sign3A_1149 : i32 to vector<16xi32>
    %sign3A_1151 = arith.cmpi slt, %add3A_1141, %sign3A_1150 : vector<16xi32>
    %sign3A_1152 = arith.extui %sign3A_1151 : vector<16xi1> to vector<16xi32>
    %sign3A_1153 = arith.subi %sign3A_1148, %sign3A_1152 : vector<16xi32>
    %sign3A_1154 = arith.constant 0 : i32
    %sign3A_1155 = arith.cmpi sgt, %jit3A_1142, %sign3A_1154 : i32
    %sign3A_1156 = arith.extui %sign3A_1155 : i1 to i32
    %sign3A_1157 = arith.constant 0 : i32
    %sign3A_1158 = arith.cmpi slt, %jit3A_1142, %sign3A_1157 : i32
    %sign3A_1159 = arith.extui %sign3A_1158 : i1 to i32
    %sign3A_1160 = arith.subi %sign3A_1156, %sign3A_1159 : i32
    %ne3A_1161 = vector.broadcast %sign3A_1160 : i32 to vector<16xi32>
    %ne3A_1162 = arith.cmpi ne, %sign3A_1153, %ne3A_1161 : vector<16xi32>
    %rem3A_1163 = vector.broadcast %jit3A_1142 : i32 to vector<16xi32>
    %rem3A_1164 = arith.remsi %add3A_1141, %rem3A_1163 : vector<16xi32>
    %ne3A_1165 = arith.constant 0 : i32
    %ne3A_1166 = vector.broadcast %ne3A_1165 : i32 to vector<16xi32>
    %ne3A_1167 = arith.cmpi ne, %rem3A_1164, %ne3A_1166 : vector<16xi32>
    %and3A_1168 = arith.andi %ne3A_1162, %ne3A_1167 : vector<16xi1>
    %sub3A_1169 = arith.constant 1 : i32
    %sub3A_1170 = vector.broadcast %sub3A_1169 : i32 to vector<16xi32>
    %sub3A_1171 = arith.subi %div3A_1144, %sub3A_1170 : vector<16xi32>
    %select_n3A_1172 = arith.select %and3A_1168, %sub3A_1171, %div3A_1144 : vector<16xi1>, vector<16xi32>
    %mul3A_1173 = arith.constant 200 : i32
    %mul3A_1174 = vector.broadcast %mul3A_1173 : i32 to vector<16xi32>
    %mul3A_1175 = arith.muli %select_n3A_1172, %mul3A_1174 : vector<16xi32>
    %sub3A_1176 = arith.subi %add3A_1141, %mul3A_1175 : vector<16xi32>
    %gather3A_1177 = tpu.vector_load_idx %arg5[%sub3A_1176, %select_n3A_1172] : memref<200x128xi32, #tpu.memory_space<vmem>>[vector<16xi32>, vector<16xi32>], vector<16xi32>,
    %swap3A_1178 = arith.constant 48 : index
    %swap3A_1179 = tpu.vector_load %arg9[%swap3A_1178] {strides = array<i32>} : memref<128xi32, #tpu.memory_space<vmem>>, vector<16xi32>,
    tpu.vector_store %arg9[%swap3A_1178], %gather3A_1177 {strides = array<i32>} : memref<128xi32, #tpu.memory_space<vmem>>, vector<16xi32>,
    %iota3A_1180 = tpu.iota {dimensions = array<i32: 0>} : vector<16xi32>
    %add3A_1181 = arith.constant 448 : i32
    %add3A_1182 = vector.broadcast %add3A_1181 : i32 to vector<16xi32>
    %add3A_1183 = arith.addi %iota3A_1180, %add3A_1182 : vector<16xi32>
    %jit3A_1184 = arith.constant 200 : i32
    %div3A_1185 = vector.broadcast %jit3A_1184 : i32 to vector<16xi32>
    %div3A_1186 = arith.divsi %add3A_1183, %div3A_1185 : vector<16xi32>
    %sign3A_1187 = arith.constant 0 : i32
    %sign3A_1188 = vector.broadcast %sign3A_1187 : i32 to vector<16xi32>
    %sign3A_1189 = arith.cmpi sgt, %add3A_1183, %sign3A_1188 : vector<16xi32>
    %sign3A_1190 = arith.extui %sign3A_1189 : vector<16xi1> to vector<16xi32>
    %sign3A_1191 = arith.constant 0 : i32
    %sign3A_1192 = vector.broadcast %sign3A_1191 : i32 to vector<16xi32>
    %sign3A_1193 = arith.cmpi slt, %add3A_1183, %sign3A_1192 : vector<16xi32>
    %sign3A_1194 = arith.extui %sign3A_1193 : vector<16xi1> to vector<16xi32>
    %sign3A_1195 = arith.subi %sign3A_1190, %sign3A_1194 : vector<16xi32>
    %sign3A_1196 = arith.constant 0 : i32
    %sign3A_1197 = arith.cmpi sgt, %jit3A_1184, %sign3A_1196 : i32
    %sign3A_1198 = arith.extui %sign3A_1197 : i1 to i32
    %sign3A_1199 = arith.constant 0 : i32
    %sign3A_1200 = arith.cmpi slt, %jit3A_1184, %sign3A_1199 : i32
    %sign3A_1201 = arith.extui %sign3A_1200 : i1 to i32
    %sign3A_1202 = arith.subi %sign3A_1198, %sign3A_1201 : i32
    %ne3A_1203 = vector.broadcast %sign3A_1202 : i32 to vector<16xi32>
    %ne3A_1204 = arith.cmpi ne, %sign3A_1195, %ne3A_1203 : vector<16xi32>
    %rem3A_1205 = vector.broadcast %jit3A_1184 : i32 to vector<16xi32>
    %rem3A_1206 = arith.remsi %add3A_1183, %rem3A_1205 : vector<16xi32>
    %ne3A_1207 = arith.constant 0 : i32
    %ne3A_1208 = vector.broadcast %ne3A_1207 : i32 to vector<16xi32>
    %ne3A_1209 = arith.cmpi ne, %rem3A_1206, %ne3A_1208 : vector<16xi32>
    %and3A_1210 = arith.andi %ne3A_1204, %ne3A_1209 : vector<16xi1>
    %sub3A_1211 = arith.constant 1 : i32
    %sub3A_1212 = vector.broadcast %sub3A_1211 : i32 to vector<16xi32>
    %sub3A_1213 = arith.subi %div3A_1186, %sub3A_1212 : vector<16xi32>
    %select_n3A_1214 = arith.select %and3A_1210, %sub3A_1213, %div3A_1186 : vector<16xi1>, vector<16xi32>
    %mul3A_1215 = arith.constant 200 : i32
    %mul3A_1216 = vector.broadcast %mul3A_1215 : i32 to vector<16xi32>
    %mul3A_1217 = arith.muli %select_n3A_1214, %mul3A_1216 : vector<16xi32>
    %sub3A_1218 = arith.subi %add3A_1183, %mul3A_1217 : vector<16xi32>
    %gather3A_1219 = tpu.vector_load_idx %arg5[%sub3A_1218, %select_n3A_1214] : memref<200x128xi32, #tpu.memory_space<vmem>>[vector<16xi32>, vector<16xi32>], vector<16xi32>,
    %swap3A_1220 = arith.constant 64 : index
    %swap3A_1221 = tpu.vector_load %arg9[%swap3A_1220] {strides = array<i32>} : memref<128xi32, #tpu.memory_space<vmem>>, vector<16xi32>,
    tpu.vector_store %arg9[%swap3A_1220], %gather3A_1219 {strides = array<i32>} : memref<128xi32, #tpu.memory_space<vmem>>, vector<16xi32>,
    %iota3A_1222 = tpu.iota {dimensions = array<i32: 0>} : vector<16xi32>
    %add3A_1223 = arith.constant 464 : i32
    %add3A_1224 = vector.broadcast %add3A_1223 : i32 to vector<16xi32>
    %add3A_1225 = arith.addi %iota3A_1222, %add3A_1224 : vector<16xi32>
    %jit3A_1226 = arith.constant 200 : i32
    %div3A_1227 = vector.broadcast %jit3A_1226 : i32 to vector<16xi32>
    %div3A_1228 = arith.divsi %add3A_1225, %div3A_1227 : vector<16xi32>
    %sign3A_1229 = arith.constant 0 : i32
    %sign3A_1230 = vector.broadcast %sign3A_1229 : i32 to vector<16xi32>
    %sign3A_1231 = arith.cmpi sgt, %add3A_1225, %sign3A_1230 : vector<16xi32>
    %sign3A_1232 = arith.extui %sign3A_1231 : vector<16xi1> to vector<16xi32>
    %sign3A_1233 = arith.constant 0 : i32
    %sign3A_1234 = vector.broadcast %sign3A_1233 : i32 to vector<16xi32>
    %sign3A_1235 = arith.cmpi slt, %add3A_1225, %sign3A_1234 : vector<16xi32>
    %sign3A_1236 = arith.extui %sign3A_1235 : vector<16xi1> to vector<16xi32>
    %sign3A_1237 = arith.subi %sign3A_1232, %sign3A_1236 : vector<16xi32>
    %sign3A_1238 = arith.constant 0 : i32
    %sign3A_1239 = arith.cmpi sgt, %jit3A_1226, %sign3A_1238 : i32
    %sign3A_1240 = arith.extui %sign3A_1239 : i1 to i32
    %sign3A_1241 = arith.constant 0 : i32
    %sign3A_1242 = arith.cmpi slt, %jit3A_1226, %sign3A_1241 : i32
    %sign3A_1243 = arith.extui %sign3A_1242 : i1 to i32
    %sign3A_1244 = arith.subi %sign3A_1240, %sign3A_1243 : i32
    %ne3A_1245 = vector.broadcast %sign3A_1244 : i32 to vector<16xi32>
    %ne3A_1246 = arith.cmpi ne, %sign3A_1237, %ne3A_1245 : vector<16xi32>
    %rem3A_1247 = vector.broadcast %jit3A_1226 : i32 to vector<16xi32>
    %rem3A_1248 = arith.remsi %add3A_1225, %rem3A_1247 : vector<16xi32>
    %ne3A_1249 = arith.constant 0 : i32
    %ne3A_1250 = vector.broadcast %ne3A_1249 : i32 to vector<16xi32>
    %ne3A_1251 = arith.cmpi ne, %rem3A_1248, %ne3A_1250 : vector<16xi32>
    %and3A_1252 = arith.andi %ne3A_1246, %ne3A_1251 : vector<16xi1>
    %sub3A_1253 = arith.constant 1 : i32
    %sub3A_1254 = vector.broadcast %sub3A_1253 : i32 to vector<16xi32>
    %sub3A_1255 = arith.subi %div3A_1228, %sub3A_1254 : vector<16xi32>
    %select_n3A_1256 = arith.select %and3A_1252, %sub3A_1255, %div3A_1228 : vector<16xi1>, vector<16xi32>
    %mul3A_1257 = arith.constant 200 : i32
    %mul3A_1258 = vector.broadcast %mul3A_1257 : i32 to vector<16xi32>
    %mul3A_1259 = arith.muli %select_n3A_1256, %mul3A_1258 : vector<16xi32>
    %sub3A_1260 = arith.subi %add3A_1225, %mul3A_1259 : vector<16xi32>
    %gather3A_1261 = tpu.vector_load_idx %arg5[%sub3A_1260, %select_n3A_1256] : memref<200x128xi32, #tpu.memory_space<vmem>>[vector<16xi32>, vector<16xi32>], vector<16xi32>,
    %swap3A_1262 = arith.constant 80 : index
    %swap3A_1263 = tpu.vector_load %arg9[%swap3A_1262] {strides = array<i32>} : memref<128xi32, #tpu.memory_space<vmem>>, vector<16xi32>,
    tpu.vector_store %arg9[%swap3A_1262], %gather3A_1261 {strides = array<i32>} : memref<128xi32, #tpu.memory_space<vmem>>, vector<16xi32>,
    %iota3A_1264 = tpu.iota {dimensions = array<i32: 0>} : vector<16xi32>
    %add3A_1265 = arith.constant 480 : i32
    %add3A_1266 = vector.broadcast %add3A_1265 : i32 to vector<16xi32>
    %add3A_1267 = arith.addi %iota3A_1264, %add3A_1266 : vector<16xi32>
    %jit3A_1268 = arith.constant 200 : i32
    %div3A_1269 = vector.broadcast %jit3A_1268 : i32 to vector<16xi32>
    %div3A_1270 = arith.divsi %add3A_1267, %div3A_1269 : vector<16xi32>
    %sign3A_1271 = arith.constant 0 : i32
    %sign3A_1272 = vector.broadcast %sign3A_1271 : i32 to vector<16xi32>
    %sign3A_1273 = arith.cmpi sgt, %add3A_1267, %sign3A_1272 : vector<16xi32>
    %sign3A_1274 = arith.extui %sign3A_1273 : vector<16xi1> to vector<16xi32>
    %sign3A_1275 = arith.constant 0 : i32
    %sign3A_1276 = vector.broadcast %sign3A_1275 : i32 to vector<16xi32>
    %sign3A_1277 = arith.cmpi slt, %add3A_1267, %sign3A_1276 : vector<16xi32>
    %sign3A_1278 = arith.extui %sign3A_1277 : vector<16xi1> to vector<16xi32>
    %sign3A_1279 = arith.subi %sign3A_1274, %sign3A_1278 : vector<16xi32>
    %sign3A_1280 = arith.constant 0 : i32
    %sign3A_1281 = arith.cmpi sgt, %jit3A_1268, %sign3A_1280 : i32
    %sign3A_1282 = arith.extui %sign3A_1281 : i1 to i32
    %sign3A_1283 = arith.constant 0 : i32
    %sign3A_1284 = arith.cmpi slt, %jit3A_1268, %sign3A_1283 : i32
    %sign3A_1285 = arith.extui %sign3A_1284 : i1 to i32
    %sign3A_1286 = arith.subi %sign3A_1282, %sign3A_1285 : i32
    %ne3A_1287 = vector.broadcast %sign3A_1286 : i32 to vector<16xi32>
    %ne3A_1288 = arith.cmpi ne, %sign3A_1279, %ne3A_1287 : vector<16xi32>
    %rem3A_1289 = vector.broadcast %jit3A_1268 : i32 to vector<16xi32>
    %rem3A_1290 = arith.remsi %add3A_1267, %rem3A_1289 : vector<16xi32>
    %ne3A_1291 = arith.constant 0 : i32
    %ne3A_1292 = vector.broadcast %ne3A_1291 : i32 to vector<16xi32>
    %ne3A_1293 = arith.cmpi ne, %rem3A_1290, %ne3A_1292 : vector<16xi32>
    %and3A_1294 = arith.andi %ne3A_1288, %ne3A_1293 : vector<16xi1>
    %sub3A_1295 = arith.constant 1 : i32
    %sub3A_1296 = vector.broadcast %sub3A_1295 : i32 to vector<16xi32>
    %sub3A_1297 = arith.subi %div3A_1270, %sub3A_1296 : vector<16xi32>
    %select_n3A_1298 = arith.select %and3A_1294, %sub3A_1297, %div3A_1270 : vector<16xi1>, vector<16xi32>
    %mul3A_1299 = arith.constant 200 : i32
    %mul3A_1300 = vector.broadcast %mul3A_1299 : i32 to vector<16xi32>
    %mul3A_1301 = arith.muli %select_n3A_1298, %mul3A_1300 : vector<16xi32>
    %sub3A_1302 = arith.subi %add3A_1267, %mul3A_1301 : vector<16xi32>
    %gather3A_1303 = tpu.vector_load_idx %arg5[%sub3A_1302, %select_n3A_1298] : memref<200x128xi32, #tpu.memory_space<vmem>>[vector<16xi32>, vector<16xi32>], vector<16xi32>,
    %swap3A_1304 = arith.constant 96 : index
    %swap3A_1305 = tpu.vector_load %arg9[%swap3A_1304] {strides = array<i32>} : memref<128xi32, #tpu.memory_space<vmem>>, vector<16xi32>,
    tpu.vector_store %arg9[%swap3A_1304], %gather3A_1303 {strides = array<i32>} : memref<128xi32, #tpu.memory_space<vmem>>, vector<16xi32>,
    %iota3A_1306 = tpu.iota {dimensions = array<i32: 0>} : vector<16xi32>
    %add3A_1307 = arith.constant 496 : i32
    %add3A_1308 = vector.broadcast %add3A_1307 : i32 to vector<16xi32>
    %add3A_1309 = arith.addi %iota3A_1306, %add3A_1308 : vector<16xi32>
    %jit3A_1310 = arith.constant 200 : i32
    %div3A_1311 = vector.broadcast %jit3A_1310 : i32 to vector<16xi32>
    %div3A_1312 = arith.divsi %add3A_1309, %div3A_1311 : vector<16xi32>
    %sign3A_1313 = arith.constant 0 : i32
    %sign3A_1314 = vector.broadcast %sign3A_1313 : i32 to vector<16xi32>
    %sign3A_1315 = arith.cmpi sgt, %add3A_1309, %sign3A_1314 : vector<16xi32>
    %sign3A_1316 = arith.extui %sign3A_1315 : vector<16xi1> to vector<16xi32>
    %sign3A_1317 = arith.constant 0 : i32
    %sign3A_1318 = vector.broadcast %sign3A_1317 : i32 to vector<16xi32>
    %sign3A_1319 = arith.cmpi slt, %add3A_1309, %sign3A_1318 : vector<16xi32>
    %sign3A_1320 = arith.extui %sign3A_1319 : vector<16xi1> to vector<16xi32>
    %sign3A_1321 = arith.subi %sign3A_1316, %sign3A_1320 : vector<16xi32>
    %sign3A_1322 = arith.constant 0 : i32
    %sign3A_1323 = arith.cmpi sgt, %jit3A_1310, %sign3A_1322 : i32
    %sign3A_1324 = arith.extui %sign3A_1323 : i1 to i32
    %sign3A_1325 = arith.constant 0 : i32
    %sign3A_1326 = arith.cmpi slt, %jit3A_1310, %sign3A_1325 : i32
    %sign3A_1327 = arith.extui %sign3A_1326 : i1 to i32
    %sign3A_1328 = arith.subi %sign3A_1324, %sign3A_1327 : i32
    %ne3A_1329 = vector.broadcast %sign3A_1328 : i32 to vector<16xi32>
    %ne3A_1330 = arith.cmpi ne, %sign3A_1321, %ne3A_1329 : vector<16xi32>
    %rem3A_1331 = vector.broadcast %jit3A_1310 : i32 to vector<16xi32>
    %rem3A_1332 = arith.remsi %add3A_1309, %rem3A_1331 : vector<16xi32>
    %ne3A_1333 = arith.constant 0 : i32
    %ne3A_1334 = vector.broadcast %ne3A_1333 : i32 to vector<16xi32>
    %ne3A_1335 = arith.cmpi ne, %rem3A_1332, %ne3A_1334 : vector<16xi32>
    %and3A_1336 = arith.andi %ne3A_1330, %ne3A_1335 : vector<16xi1>
    %sub3A_1337 = arith.constant 1 : i32
    %sub3A_1338 = vector.broadcast %sub3A_1337 : i32 to vector<16xi32>
    %sub3A_1339 = arith.subi %div3A_1312, %sub3A_1338 : vector<16xi32>
    %select_n3A_1340 = arith.select %and3A_1336, %sub3A_1339, %div3A_1312 : vector<16xi1>, vector<16xi32>
    %mul3A_1341 = arith.constant 200 : i32
    %mul3A_1342 = vector.broadcast %mul3A_1341 : i32 to vector<16xi32>
    %mul3A_1343 = arith.muli %select_n3A_1340, %mul3A_1342 : vector<16xi32>
    %sub3A_1344 = arith.subi %add3A_1309, %mul3A_1343 : vector<16xi32>
    %gather3A_1345 = tpu.vector_load_idx %arg5[%sub3A_1344, %select_n3A_1340] : memref<200x128xi32, #tpu.memory_space<vmem>>[vector<16xi32>, vector<16xi32>], vector<16xi32>,
    %swap3A_1346 = arith.constant 112 : index
    %swap3A_1347 = tpu.vector_load %arg9[%swap3A_1346] {strides = array<i32>} : memref<128xi32, #tpu.memory_space<vmem>>, vector<16xi32>,
    tpu.vector_store %arg9[%swap3A_1346], %gather3A_1345 {strides = array<i32>} : memref<128xi32, #tpu.memory_space<vmem>>, vector<16xi32>,
    %dma_start3A_1348 = arith.constant 0 : i32
    %dma_start3A_1349 = arith.constant 0 : i32
    %dma_start3A_1350 = tpu.memref_slice %arg26[%dma_start3A_1348, %dma_start3A_1349] : memref<1440x128xf32, #tpu.memory_space<vmem_shared>> -> memref<1440x128xf32, #tpu.memory_space<vmem_shared>>
    tpu.enqueue_indirect_dma source(%dma_start3A_1350 : memref<1440x128xf32, #tpu.memory_space<vmem_shared>>) target(%arg14 : memref<128x128xf32, #tpu.memory_space<vmem>>) offsets(%arg9 : memref<128xi32, #tpu.memory_space<vmem>>) semaphore(%arg19 : memref<!tpu.dma_semaphore, #tpu.memory_space<semaphore_mem>>)
    %scan3A = arith.constant 0 : i32
    %scan3A_1351 = arith.constant 0 : i32
    %scan3A_1352 = arith.constant 40 : i32
    %scan3A_1353 = arith.addi %scan3A_1351, %scan3A_1352 : i32
    %scan3A_1354 = arith.constant 1 : i32
    scf.for %scan3A_1385 = %scan3A_1351 to %scan3A_1353 step %scan3A_1354  : i32 {
      %mul3A_1386 = arith.constant 5 : i32
      %mul3A_1387 = arith.muli %mul3A_1386, %scan3A_1385 : i32
      %add3A_1388 = arith.constant 0 : i32
      %add3A_1389 = arith.addi %mul3A_1387, %add3A_1388 : i32
      %dma_wait3A_1390 = arith.constant 0 : i32
      %dma_wait3A_1391 = arith.constant 0 : i32
      %dma_wait3A_1392 = tpu.memref_slice %arg26[%dma_wait3A_1390, %dma_wait3A_1391] : memref<1440x128xf32, #tpu.memory_space<vmem_shared>> -> memref<1440x128xf32, #tpu.memory_space<vmem_shared>>
      tpu.wait_indirect_dma semaphore(%arg16 : memref<!tpu.dma_semaphore, #tpu.memory_space<semaphore_mem>>) src(%dma_wait3A_1392 : memref<1440x128xf32, #tpu.memory_space<vmem_shared>>) dst(%arg11 : memref<128x128xf32, #tpu.memory_space<vmem>>)
      %mul3A_1393 = arith.constant 128 : i32
      %mul3A_1394 = arith.muli %add3A_1389, %mul3A_1393 : i32
      %add3A_1395 = arith.addi %mul3A_4, %mul3A_1394 : i32
      %dma_start3A_1396 = arith.constant 0 : i32
      %dma_start3A_1397 = tpu.memref_slice %arg4[%add3A_1395, %dma_start3A_1396] : memref<819200x128xf32, #tpu.memory_space<hbm>> -> memref<128x128xf32, #tpu.memory_space<hbm>>
      %dma_start3A_1398 = arith.constant 0 : i32
      %dma_start3A_1399 = tpu.memref_slice %arg4[%add3A_1395, %dma_start3A_1398] : memref<819200x128xf32, #tpu.memory_space<hbm>> -> memref<128x128xf32, #tpu.memory_space<hbm>>
      tpu.enqueue_dma source(%arg11 : memref<128x128xf32, #tpu.memory_space<vmem>>) target(%dma_start3A_1399 : memref<128x128xf32, #tpu.memory_space<hbm>>) target_semaphore(%arg21 : memref<!tpu.dma_semaphore, #tpu.memory_space<semaphore_mem>>)
      %add3A_1400 = arith.constant 5 : i32
      %add3A_1401 = arith.addi %add3A_1389, %add3A_1400 : i32
      %sub3A_1402 = arith.constant 1 : i32
      %sub3A_1403 = arith.subi %add3A_1401, %sub3A_1402 : i32
      %lt3A = arith.constant 200 : i32
      %lt3A_1404 = arith.cmpi slt, %sub3A_1403, %lt3A : i32
      %convert_element_type3A_1405 = arith.extui %lt3A_1404 : i1 to i32
      %cond3A_1406 = arith.constant 0 : i32
      %cond3A_1407 = arith.cmpi ne, %convert_element_type3A_1405, %cond3A_1406 : i32
      scf.if %cond3A_1407 {
        %ge3A = arith.constant 1 : i32
        %ge3A_1492 = arith.cmpi sge, %add3A_1389, %ge3A : i32
        %convert_element_type3A_1493 = arith.extui %ge3A_1492 : i1 to i32
        %cond3A_1494 = arith.constant 0 : i32
        %cond3A_1495 = arith.cmpi ne, %convert_element_type3A_1493, %cond3A_1494 : i32
        scf.if %cond3A_1495 {
          %sub3A_1863 = arith.constant 1 : i32
          %sub3A_1864 = arith.subi %add3A_1389, %sub3A_1863 : i32
          %mul3A_1865 = arith.constant 128 : i32
          %mul3A_1866 = arith.muli %sub3A_1864, %mul3A_1865 : i32
          %add3A_1867 = arith.addi %mul3A_4, %mul3A_1866 : i32
          %dma_wait3A_1868 = arith.constant 0 : i32
          %dma_wait3A_1869 = tpu.memref_slice %arg4[%add3A_1867, %dma_wait3A_1868] : memref<819200x128xf32, #tpu.memory_space<hbm>> -> memref<128x128xf32, #tpu.memory_space<hbm>>
          %dma_wait3A_1870 = arith.constant 0 : i32
          %dma_wait3A_1871 = tpu.memref_slice %arg4[%add3A_1867, %dma_wait3A_1870] : memref<819200x128xf32, #tpu.memory_space<hbm>> -> memref<128x128xf32, #tpu.memory_space<hbm>>
          tpu.wait_dma2 semaphore(%arg25 : memref<!tpu.dma_semaphore, #tpu.memory_space<semaphore_mem>>) src(%arg15 : memref<128x128xf32, #tpu.memory_space<vmem>>) dst(%dma_wait3A_1871 : memref<128x128xf32, #tpu.memory_space<hbm>>)
        } else {
        }
        %add3A_1496 = arith.constant 5 : i32
        %add3A_1497 = arith.addi %add3A_1389, %add3A_1496 : i32
        %sub3A_1498 = arith.constant 1 : i32
        %sub3A_1499 = arith.subi %add3A_1497, %sub3A_1498 : i32
        %iota3A_1500 = tpu.iota {dimensions = array<i32: 0>} : vector<16xi32>
        %mul3A_1501 = arith.constant 128 : i32
        %mul3A_1502 = arith.muli %mul3A_1501, %sub3A_1499 : i32
        %add3A_1503 = arith.constant 0 : i32
        %add3A_1504 = arith.addi %mul3A_1502, %add3A_1503 : i32
        %add3A_1505 = vector.broadcast %add3A_1504 : i32 to vector<16xi32>
        %add3A_1506 = arith.addi %iota3A_1500, %add3A_1505 : vector<16xi32>
        %jit3A_1507 = arith.constant 200 : i32
        %div3A_1508 = vector.broadcast %jit3A_1507 : i32 to vector<16xi32>
        %div3A_1509 = arith.divsi %add3A_1506, %div3A_1508 : vector<16xi32>
        %sign3A_1510 = arith.constant 0 : i32
        %sign3A_1511 = vector.broadcast %sign3A_1510 : i32 to vector<16xi32>
        %sign3A_1512 = arith.cmpi sgt, %add3A_1506, %sign3A_1511 : vector<16xi32>
        %sign3A_1513 = arith.extui %sign3A_1512 : vector<16xi1> to vector<16xi32>
        %sign3A_1514 = arith.constant 0 : i32
        %sign3A_1515 = vector.broadcast %sign3A_1514 : i32 to vector<16xi32>
        %sign3A_1516 = arith.cmpi slt, %add3A_1506, %sign3A_1515 : vector<16xi32>
        %sign3A_1517 = arith.extui %sign3A_1516 : vector<16xi1> to vector<16xi32>
        %sign3A_1518 = arith.subi %sign3A_1513, %sign3A_1517 : vector<16xi32>
        %sign3A_1519 = arith.constant 0 : i32
        %sign3A_1520 = arith.cmpi sgt, %jit3A_1507, %sign3A_1519 : i32
        %sign3A_1521 = arith.extui %sign3A_1520 : i1 to i32
        %sign3A_1522 = arith.constant 0 : i32
        %sign3A_1523 = arith.cmpi slt, %jit3A_1507, %sign3A_1522 : i32
        %sign3A_1524 = arith.extui %sign3A_1523 : i1 to i32
        %sign3A_1525 = arith.subi %sign3A_1521, %sign3A_1524 : i32
        %ne3A_1526 = vector.broadcast %sign3A_1525 : i32 to vector<16xi32>
        %ne3A_1527 = arith.cmpi ne, %sign3A_1518, %ne3A_1526 : vector<16xi32>
        %rem3A_1528 = vector.broadcast %jit3A_1507 : i32 to vector<16xi32>
        %rem3A_1529 = arith.remsi %add3A_1506, %rem3A_1528 : vector<16xi32>
        %ne3A_1530 = arith.constant 0 : i32
        %ne3A_1531 = vector.broadcast %ne3A_1530 : i32 to vector<16xi32>
        %ne3A_1532 = arith.cmpi ne, %rem3A_1529, %ne3A_1531 : vector<16xi32>
        %and3A_1533 = arith.andi %ne3A_1527, %ne3A_1532 : vector<16xi1>
        %sub3A_1534 = arith.constant 1 : i32
        %sub3A_1535 = vector.broadcast %sub3A_1534 : i32 to vector<16xi32>
        %sub3A_1536 = arith.subi %div3A_1509, %sub3A_1535 : vector<16xi32>
        %select_n3A_1537 = arith.select %and3A_1533, %sub3A_1536, %div3A_1509 : vector<16xi1>, vector<16xi32>
        %mul3A_1538 = arith.constant 200 : i32
        %mul3A_1539 = vector.broadcast %mul3A_1538 : i32 to vector<16xi32>
        %mul3A_1540 = arith.muli %select_n3A_1537, %mul3A_1539 : vector<16xi32>
        %sub3A_1541 = arith.subi %add3A_1506, %mul3A_1540 : vector<16xi32>
        %gather3A_1542 = tpu.vector_load_idx %arg5[%sub3A_1541, %select_n3A_1537] : memref<200x128xi32, #tpu.memory_space<vmem>>[vector<16xi32>, vector<16xi32>], vector<16xi32>,
        %swap3A_1543 = arith.constant 0 : index
        %swap3A_1544 = tpu.vector_load %arg10[%swap3A_1543] {strides = array<i32>} : memref<128xi32, #tpu.memory_space<vmem>>, vector<16xi32>,
        tpu.vector_store %arg10[%swap3A_1543], %gather3A_1542 {strides = array<i32>} : memref<128xi32, #tpu.memory_space<vmem>>, vector<16xi32>,
        %iota3A_1545 = tpu.iota {dimensions = array<i32: 0>} : vector<16xi32>
        %mul3A_1546 = arith.constant 128 : i32
        %mul3A_1547 = arith.muli %mul3A_1546, %sub3A_1499 : i32
        %add3A_1548 = arith.constant 16 : i32
        %add3A_1549 = arith.addi %mul3A_1547, %add3A_1548 : i32
        %add3A_1550 = vector.broadcast %add3A_1549 : i32 to vector<16xi32>
        %add3A_1551 = arith.addi %iota3A_1545, %add3A_1550 : vector<16xi32>
        %jit3A_1552 = arith.constant 200 : i32
        %div3A_1553 = vector.broadcast %jit3A_1552 : i32 to vector<16xi32>
        %div3A_1554 = arith.divsi %add3A_1551, %div3A_1553 : vector<16xi32>
        %sign3A_1555 = arith.constant 0 : i32
        %sign3A_1556 = vector.broadcast %sign3A_1555 : i32 to vector<16xi32>
        %sign3A_1557 = arith.cmpi sgt, %add3A_1551, %sign3A_1556 : vector<16xi32>
        %sign3A_1558 = arith.extui %sign3A_1557 : vector<16xi1> to vector<16xi32>
        %sign3A_1559 = arith.constant 0 : i32
        %sign3A_1560 = vector.broadcast %sign3A_1559 : i32 to vector<16xi32>
        %sign3A_1561 = arith.cmpi slt, %add3A_1551, %sign3A_1560 : vector<16xi32>
        %sign3A_1562 = arith.extui %sign3A_1561 : vector<16xi1> to vector<16xi32>
        %sign3A_1563 = arith.subi %sign3A_1558, %sign3A_1562 : vector<16xi32>
        %sign3A_1564 = arith.constant 0 : i32
        %sign3A_1565 = arith.cmpi sgt, %jit3A_1552, %sign3A_1564 : i32
        %sign3A_1566 = arith.extui %sign3A_1565 : i1 to i32
        %sign3A_1567 = arith.constant 0 : i32
        %sign3A_1568 = arith.cmpi slt, %jit3A_1552, %sign3A_1567 : i32
        %sign3A_1569 = arith.extui %sign3A_1568 : i1 to i32
        %sign3A_1570 = arith.subi %sign3A_1566, %sign3A_1569 : i32
        %ne3A_1571 = vector.broadcast %sign3A_1570 : i32 to vector<16xi32>
        %ne3A_1572 = arith.cmpi ne, %sign3A_1563, %ne3A_1571 : vector<16xi32>
        %rem3A_1573 = vector.broadcast %jit3A_1552 : i32 to vector<16xi32>
        %rem3A_1574 = arith.remsi %add3A_1551, %rem3A_1573 : vector<16xi32>
        %ne3A_1575 = arith.constant 0 : i32
        %ne3A_1576 = vector.broadcast %ne3A_1575 : i32 to vector<16xi32>
        %ne3A_1577 = arith.cmpi ne, %rem3A_1574, %ne3A_1576 : vector<16xi32>
        %and3A_1578 = arith.andi %ne3A_1572, %ne3A_1577 : vector<16xi1>
        %sub3A_1579 = arith.constant 1 : i32
        %sub3A_1580 = vector.broadcast %sub3A_1579 : i32 to vector<16xi32>
        %sub3A_1581 = arith.subi %div3A_1554, %sub3A_1580 : vector<16xi32>
        %select_n3A_1582 = arith.select %and3A_1578, %sub3A_1581, %div3A_1554 : vector<16xi1>, vector<16xi32>
        %mul3A_1583 = arith.constant 200 : i32
        %mul3A_1584 = vector.broadcast %mul3A_1583 : i32 to vector<16xi32>
        %mul3A_1585 = arith.muli %select_n3A_1582, %mul3A_1584 : vector<16xi32>
        %sub3A_1586 = arith.subi %add3A_1551, %mul3A_1585 : vector<16xi32>
        %gather3A_1587 = tpu.vector_load_idx %arg5[%sub3A_1586, %select_n3A_1582] : memref<200x128xi32, #tpu.memory_space<vmem>>[vector<16xi32>, vector<16xi32>], vector<16xi32>,
        %swap3A_1588 = arith.constant 16 : index
        %swap3A_1589 = tpu.vector_load %arg10[%swap3A_1588] {strides = array<i32>} : memref<128xi32, #tpu.memory_space<vmem>>, vector<16xi32>,
        tpu.vector_store %arg10[%swap3A_1588], %gather3A_1587 {strides = array<i32>} : memref<128xi32, #tpu.memory_space<vmem>>, vector<16xi32>,
        %iota3A_1590 = tpu.iota {dimensions = array<i32: 0>} : vector<16xi32>
        %mul3A_1591 = arith.constant 128 : i32
        %mul3A_1592 = arith.muli %mul3A_1591, %sub3A_1499 : i32
        %add3A_1593 = arith.constant 32 : i32
        %add3A_1594 = arith.addi %mul3A_1592, %add3A_1593 : i32
        %add3A_1595 = vector.broadcast %add3A_1594 : i32 to vector<16xi32>
        %add3A_1596 = arith.addi %iota3A_1590, %add3A_1595 : vector<16xi32>
        %jit3A_1597 = arith.constant 200 : i32
        %div3A_1598 = vector.broadcast %jit3A_1597 : i32 to vector<16xi32>
        %div3A_1599 = arith.divsi %add3A_1596, %div3A_1598 : vector<16xi32>
        %sign3A_1600 = arith.constant 0 : i32
        %sign3A_1601 = vector.broadcast %sign3A_1600 : i32 to vector<16xi32>
        %sign3A_1602 = arith.cmpi sgt, %add3A_1596, %sign3A_1601 : vector<16xi32>
        %sign3A_1603 = arith.extui %sign3A_1602 : vector<16xi1> to vector<16xi32>
        %sign3A_1604 = arith.constant 0 : i32
        %sign3A_1605 = vector.broadcast %sign3A_1604 : i32 to vector<16xi32>
        %sign3A_1606 = arith.cmpi slt, %add3A_1596, %sign3A_1605 : vector<16xi32>
        %sign3A_1607 = arith.extui %sign3A_1606 : vector<16xi1> to vector<16xi32>
        %sign3A_1608 = arith.subi %sign3A_1603, %sign3A_1607 : vector<16xi32>
        %sign3A_1609 = arith.constant 0 : i32
        %sign3A_1610 = arith.cmpi sgt, %jit3A_1597, %sign3A_1609 : i32
        %sign3A_1611 = arith.extui %sign3A_1610 : i1 to i32
        %sign3A_1612 = arith.constant 0 : i32
        %sign3A_1613 = arith.cmpi slt, %jit3A_1597, %sign3A_1612 : i32
        %sign3A_1614 = arith.extui %sign3A_1613 : i1 to i32
        %sign3A_1615 = arith.subi %sign3A_1611, %sign3A_1614 : i32
        %ne3A_1616 = vector.broadcast %sign3A_1615 : i32 to vector<16xi32>
        %ne3A_1617 = arith.cmpi ne, %sign3A_1608, %ne3A_1616 : vector<16xi32>
        %rem3A_1618 = vector.broadcast %jit3A_1597 : i32 to vector<16xi32>
        %rem3A_1619 = arith.remsi %add3A_1596, %rem3A_1618 : vector<16xi32>
        %ne3A_1620 = arith.constant 0 : i32
        %ne3A_1621 = vector.broadcast %ne3A_1620 : i32 to vector<16xi32>
        %ne3A_1622 = arith.cmpi ne, %rem3A_1619, %ne3A_1621 : vector<16xi32>
        %and3A_1623 = arith.andi %ne3A_1617, %ne3A_1622 : vector<16xi1>
        %sub3A_1624 = arith.constant 1 : i32
        %sub3A_1625 = vector.broadcast %sub3A_1624 : i32 to vector<16xi32>
        %sub3A_1626 = arith.subi %div3A_1599, %sub3A_1625 : vector<16xi32>
        %select_n3A_1627 = arith.select %and3A_1623, %sub3A_1626, %div3A_1599 : vector<16xi1>, vector<16xi32>
        %mul3A_1628 = arith.constant 200 : i32
        %mul3A_1629 = vector.broadcast %mul3A_1628 : i32 to vector<16xi32>
        %mul3A_1630 = arith.muli %select_n3A_1627, %mul3A_1629 : vector<16xi32>
        %sub3A_1631 = arith.subi %add3A_1596, %mul3A_1630 : vector<16xi32>
        %gather3A_1632 = tpu.vector_load_idx %arg5[%sub3A_1631, %select_n3A_1627] : memref<200x128xi32, #tpu.memory_space<vmem>>[vector<16xi32>, vector<16xi32>], vector<16xi32>,
        %swap3A_1633 = arith.constant 32 : index
        %swap3A_1634 = tpu.vector_load %arg10[%swap3A_1633] {strides = array<i32>} : memref<128xi32, #tpu.memory_space<vmem>>, vector<16xi32>,
        tpu.vector_store %arg10[%swap3A_1633], %gather3A_1632 {strides = array<i32>} : memref<128xi32, #tpu.memory_space<vmem>>, vector<16xi32>,
        %iota3A_1635 = tpu.iota {dimensions = array<i32: 0>} : vector<16xi32>
        %mul3A_1636 = arith.constant 128 : i32
        %mul3A_1637 = arith.muli %mul3A_1636, %sub3A_1499 : i32
        %add3A_1638 = arith.constant 48 : i32
        %add3A_1639 = arith.addi %mul3A_1637, %add3A_1638 : i32
        %add3A_1640 = vector.broadcast %add3A_1639 : i32 to vector<16xi32>
        %add3A_1641 = arith.addi %iota3A_1635, %add3A_1640 : vector<16xi32>
        %jit3A_1642 = arith.constant 200 : i32
        %div3A_1643 = vector.broadcast %jit3A_1642 : i32 to vector<16xi32>
        %div3A_1644 = arith.divsi %add3A_1641, %div3A_1643 : vector<16xi32>
        %sign3A_1645 = arith.constant 0 : i32
        %sign3A_1646 = vector.broadcast %sign3A_1645 : i32 to vector<16xi32>
        %sign3A_1647 = arith.cmpi sgt, %add3A_1641, %sign3A_1646 : vector<16xi32>
        %sign3A_1648 = arith.extui %sign3A_1647 : vector<16xi1> to vector<16xi32>
        %sign3A_1649 = arith.constant 0 : i32
        %sign3A_1650 = vector.broadcast %sign3A_1649 : i32 to vector<16xi32>
        %sign3A_1651 = arith.cmpi slt, %add3A_1641, %sign3A_1650 : vector<16xi32>
        %sign3A_1652 = arith.extui %sign3A_1651 : vector<16xi1> to vector<16xi32>
        %sign3A_1653 = arith.subi %sign3A_1648, %sign3A_1652 : vector<16xi32>
        %sign3A_1654 = arith.constant 0 : i32
        %sign3A_1655 = arith.cmpi sgt, %jit3A_1642, %sign3A_1654 : i32
        %sign3A_1656 = arith.extui %sign3A_1655 : i1 to i32
        %sign3A_1657 = arith.constant 0 : i32
        %sign3A_1658 = arith.cmpi slt, %jit3A_1642, %sign3A_1657 : i32
        %sign3A_1659 = arith.extui %sign3A_1658 : i1 to i32
        %sign3A_1660 = arith.subi %sign3A_1656, %sign3A_1659 : i32
        %ne3A_1661 = vector.broadcast %sign3A_1660 : i32 to vector<16xi32>
        %ne3A_1662 = arith.cmpi ne, %sign3A_1653, %ne3A_1661 : vector<16xi32>
        %rem3A_1663 = vector.broadcast %jit3A_1642 : i32 to vector<16xi32>
        %rem3A_1664 = arith.remsi %add3A_1641, %rem3A_1663 : vector<16xi32>
        %ne3A_1665 = arith.constant 0 : i32
        %ne3A_1666 = vector.broadcast %ne3A_1665 : i32 to vector<16xi32>
        %ne3A_1667 = arith.cmpi ne, %rem3A_1664, %ne3A_1666 : vector<16xi32>
        %and3A_1668 = arith.andi %ne3A_1662, %ne3A_1667 : vector<16xi1>
        %sub3A_1669 = arith.constant 1 : i32
        %sub3A_1670 = vector.broadcast %sub3A_1669 : i32 to vector<16xi32>
        %sub3A_1671 = arith.subi %div3A_1644, %sub3A_1670 : vector<16xi32>
        %select_n3A_1672 = arith.select %and3A_1668, %sub3A_1671, %div3A_1644 : vector<16xi1>, vector<16xi32>
        %mul3A_1673 = arith.constant 200 : i32
        %mul3A_1674 = vector.broadcast %mul3A_1673 : i32 to vector<16xi32>
        %mul3A_1675 = arith.muli %select_n3A_1672, %mul3A_1674 : vector<16xi32>
        %sub3A_1676 = arith.subi %add3A_1641, %mul3A_1675 : vector<16xi32>
        %gather3A_1677 = tpu.vector_load_idx %arg5[%sub3A_1676, %select_n3A_1672] : memref<200x128xi32, #tpu.memory_space<vmem>>[vector<16xi32>, vector<16xi32>], vector<16xi32>,
        %swap3A_1678 = arith.constant 48 : index
        %swap3A_1679 = tpu.vector_load %arg10[%swap3A_1678] {strides = array<i32>} : memref<128xi32, #tpu.memory_space<vmem>>, vector<16xi32>,
        tpu.vector_store %arg10[%swap3A_1678], %gather3A_1677 {strides = array<i32>} : memref<128xi32, #tpu.memory_space<vmem>>, vector<16xi32>,
        %iota3A_1680 = tpu.iota {dimensions = array<i32: 0>} : vector<16xi32>
        %mul3A_1681 = arith.constant 128 : i32
        %mul3A_1682 = arith.muli %mul3A_1681, %sub3A_1499 : i32
        %add3A_1683 = arith.constant 64 : i32
        %add3A_1684 = arith.addi %mul3A_1682, %add3A_1683 : i32
        %add3A_1685 = vector.broadcast %add3A_1684 : i32 to vector<16xi32>
        %add3A_1686 = arith.addi %iota3A_1680, %add3A_1685 : vector<16xi32>
        %jit3A_1687 = arith.constant 200 : i32
        %div3A_1688 = vector.broadcast %jit3A_1687 : i32 to vector<16xi32>
        %div3A_1689 = arith.divsi %add3A_1686, %div3A_1688 : vector<16xi32>
        %sign3A_1690 = arith.constant 0 : i32
        %sign3A_1691 = vector.broadcast %sign3A_1690 : i32 to vector<16xi32>
        %sign3A_1692 = arith.cmpi sgt, %add3A_1686, %sign3A_1691 : vector<16xi32>
        %sign3A_1693 = arith.extui %sign3A_1692 : vector<16xi1> to vector<16xi32>
        %sign3A_1694 = arith.constant 0 : i32
        %sign3A_1695 = vector.broadcast %sign3A_1694 : i32 to vector<16xi32>
        %sign3A_1696 = arith.cmpi slt, %add3A_1686, %sign3A_1695 : vector<16xi32>
        %sign3A_1697 = arith.extui %sign3A_1696 : vector<16xi1> to vector<16xi32>
        %sign3A_1698 = arith.subi %sign3A_1693, %sign3A_1697 : vector<16xi32>
        %sign3A_1699 = arith.constant 0 : i32
        %sign3A_1700 = arith.cmpi sgt, %jit3A_1687, %sign3A_1699 : i32
        %sign3A_1701 = arith.extui %sign3A_1700 : i1 to i32
        %sign3A_1702 = arith.constant 0 : i32
        %sign3A_1703 = arith.cmpi slt, %jit3A_1687, %sign3A_1702 : i32
        %sign3A_1704 = arith.extui %sign3A_1703 : i1 to i32
        %sign3A_1705 = arith.subi %sign3A_1701, %sign3A_1704 : i32
        %ne3A_1706 = vector.broadcast %sign3A_1705 : i32 to vector<16xi32>
        %ne3A_1707 = arith.cmpi ne, %sign3A_1698, %ne3A_1706 : vector<16xi32>
        %rem3A_1708 = vector.broadcast %jit3A_1687 : i32 to vector<16xi32>
        %rem3A_1709 = arith.remsi %add3A_1686, %rem3A_1708 : vector<16xi32>
        %ne3A_1710 = arith.constant 0 : i32
        %ne3A_1711 = vector.broadcast %ne3A_1710 : i32 to vector<16xi32>
        %ne3A_1712 = arith.cmpi ne, %rem3A_1709, %ne3A_1711 : vector<16xi32>
        %and3A_1713 = arith.andi %ne3A_1707, %ne3A_1712 : vector<16xi1>
        %sub3A_1714 = arith.constant 1 : i32
        %sub3A_1715 = vector.broadcast %sub3A_1714 : i32 to vector<16xi32>
        %sub3A_1716 = arith.subi %div3A_1689, %sub3A_1715 : vector<16xi32>
        %select_n3A_1717 = arith.select %and3A_1713, %sub3A_1716, %div3A_1689 : vector<16xi1>, vector<16xi32>
        %mul3A_1718 = arith.constant 200 : i32
        %mul3A_1719 = vector.broadcast %mul3A_1718 : i32 to vector<16xi32>
        %mul3A_1720 = arith.muli %select_n3A_1717, %mul3A_1719 : vector<16xi32>
        %sub3A_1721 = arith.subi %add3A_1686, %mul3A_1720 : vector<16xi32>
        %gather3A_1722 = tpu.vector_load_idx %arg5[%sub3A_1721, %select_n3A_1717] : memref<200x128xi32, #tpu.memory_space<vmem>>[vector<16xi32>, vector<16xi32>], vector<16xi32>,
        %swap3A_1723 = arith.constant 64 : index
        %swap3A_1724 = tpu.vector_load %arg10[%swap3A_1723] {strides = array<i32>} : memref<128xi32, #tpu.memory_space<vmem>>, vector<16xi32>,
        tpu.vector_store %arg10[%swap3A_1723], %gather3A_1722 {strides = array<i32>} : memref<128xi32, #tpu.memory_space<vmem>>, vector<16xi32>,
        %iota3A_1725 = tpu.iota {dimensions = array<i32: 0>} : vector<16xi32>
        %mul3A_1726 = arith.constant 128 : i32
        %mul3A_1727 = arith.muli %mul3A_1726, %sub3A_1499 : i32
        %add3A_1728 = arith.constant 80 : i32
        %add3A_1729 = arith.addi %mul3A_1727, %add3A_1728 : i32
        %add3A_1730 = vector.broadcast %add3A_1729 : i32 to vector<16xi32>
        %add3A_1731 = arith.addi %iota3A_1725, %add3A_1730 : vector<16xi32>
        %jit3A_1732 = arith.constant 200 : i32
        %div3A_1733 = vector.broadcast %jit3A_1732 : i32 to vector<16xi32>
        %div3A_1734 = arith.divsi %add3A_1731, %div3A_1733 : vector<16xi32>
        %sign3A_1735 = arith.constant 0 : i32
        %sign3A_1736 = vector.broadcast %sign3A_1735 : i32 to vector<16xi32>
        %sign3A_1737 = arith.cmpi sgt, %add3A_1731, %sign3A_1736 : vector<16xi32>
        %sign3A_1738 = arith.extui %sign3A_1737 : vector<16xi1> to vector<16xi32>
        %sign3A_1739 = arith.constant 0 : i32
        %sign3A_1740 = vector.broadcast %sign3A_1739 : i32 to vector<16xi32>
        %sign3A_1741 = arith.cmpi slt, %add3A_1731, %sign3A_1740 : vector<16xi32>
        %sign3A_1742 = arith.extui %sign3A_1741 : vector<16xi1> to vector<16xi32>
        %sign3A_1743 = arith.subi %sign3A_1738, %sign3A_1742 : vector<16xi32>
        %sign3A_1744 = arith.constant 0 : i32
        %sign3A_1745 = arith.cmpi sgt, %jit3A_1732, %sign3A_1744 : i32
        %sign3A_1746 = arith.extui %sign3A_1745 : i1 to i32
        %sign3A_1747 = arith.constant 0 : i32
        %sign3A_1748 = arith.cmpi slt, %jit3A_1732, %sign3A_1747 : i32
        %sign3A_1749 = arith.extui %sign3A_1748 : i1 to i32
        %sign3A_1750 = arith.subi %sign3A_1746, %sign3A_1749 : i32
        %ne3A_1751 = vector.broadcast %sign3A_1750 : i32 to vector<16xi32>
        %ne3A_1752 = arith.cmpi ne, %sign3A_1743, %ne3A_1751 : vector<16xi32>
        %rem3A_1753 = vector.broadcast %jit3A_1732 : i32 to vector<16xi32>
        %rem3A_1754 = arith.remsi %add3A_1731, %rem3A_1753 : vector<16xi32>
        %ne3A_1755 = arith.constant 0 : i32
        %ne3A_1756 = vector.broadcast %ne3A_1755 : i32 to vector<16xi32>
        %ne3A_1757 = arith.cmpi ne, %rem3A_1754, %ne3A_1756 : vector<16xi32>
        %and3A_1758 = arith.andi %ne3A_1752, %ne3A_1757 : vector<16xi1>
        %sub3A_1759 = arith.constant 1 : i32
        %sub3A_1760 = vector.broadcast %sub3A_1759 : i32 to vector<16xi32>
        %sub3A_1761 = arith.subi %div3A_1734, %sub3A_1760 : vector<16xi32>
        %select_n3A_1762 = arith.select %and3A_1758, %sub3A_1761, %div3A_1734 : vector<16xi1>, vector<16xi32>
        %mul3A_1763 = arith.constant 200 : i32
        %mul3A_1764 = vector.broadcast %mul3A_1763 : i32 to vector<16xi32>
        %mul3A_1765 = arith.muli %select_n3A_1762, %mul3A_1764 : vector<16xi32>
        %sub3A_1766 = arith.subi %add3A_1731, %mul3A_1765 : vector<16xi32>
        %gather3A_1767 = tpu.vector_load_idx %arg5[%sub3A_1766, %select_n3A_1762] : memref<200x128xi32, #tpu.memory_space<vmem>>[vector<16xi32>, vector<16xi32>], vector<16xi32>,
        %swap3A_1768 = arith.constant 80 : index
        %swap3A_1769 = tpu.vector_load %arg10[%swap3A_1768] {strides = array<i32>} : memref<128xi32, #tpu.memory_space<vmem>>, vector<16xi32>,
        tpu.vector_store %arg10[%swap3A_1768], %gather3A_1767 {strides = array<i32>} : memref<128xi32, #tpu.memory_space<vmem>>, vector<16xi32>,
        %iota3A_1770 = tpu.iota {dimensions = array<i32: 0>} : vector<16xi32>
        %mul3A_1771 = arith.constant 128 : i32
        %mul3A_1772 = arith.muli %mul3A_1771, %sub3A_1499 : i32
        %add3A_1773 = arith.constant 96 : i32
        %add3A_1774 = arith.addi %mul3A_1772, %add3A_1773 : i32
        %add3A_1775 = vector.broadcast %add3A_1774 : i32 to vector<16xi32>
        %add3A_1776 = arith.addi %iota3A_1770, %add3A_1775 : vector<16xi32>
        %jit3A_1777 = arith.constant 200 : i32
        %div3A_1778 = vector.broadcast %jit3A_1777 : i32 to vector<16xi32>
        %div3A_1779 = arith.divsi %add3A_1776, %div3A_1778 : vector<16xi32>
        %sign3A_1780 = arith.constant 0 : i32
        %sign3A_1781 = vector.broadcast %sign3A_1780 : i32 to vector<16xi32>
        %sign3A_1782 = arith.cmpi sgt, %add3A_1776, %sign3A_1781 : vector<16xi32>
        %sign3A_1783 = arith.extui %sign3A_1782 : vector<16xi1> to vector<16xi32>
        %sign3A_1784 = arith.constant 0 : i32
        %sign3A_1785 = vector.broadcast %sign3A_1784 : i32 to vector<16xi32>
        %sign3A_1786 = arith.cmpi slt, %add3A_1776, %sign3A_1785 : vector<16xi32>
        %sign3A_1787 = arith.extui %sign3A_1786 : vector<16xi1> to vector<16xi32>
        %sign3A_1788 = arith.subi %sign3A_1783, %sign3A_1787 : vector<16xi32>
        %sign3A_1789 = arith.constant 0 : i32
        %sign3A_1790 = arith.cmpi sgt, %jit3A_1777, %sign3A_1789 : i32
        %sign3A_1791 = arith.extui %sign3A_1790 : i1 to i32
        %sign3A_1792 = arith.constant 0 : i32
        %sign3A_1793 = arith.cmpi slt, %jit3A_1777, %sign3A_1792 : i32
        %sign3A_1794 = arith.extui %sign3A_1793 : i1 to i32
        %sign3A_1795 = arith.subi %sign3A_1791, %sign3A_1794 : i32
        %ne3A_1796 = vector.broadcast %sign3A_1795 : i32 to vector<16xi32>
        %ne3A_1797 = arith.cmpi ne, %sign3A_1788, %ne3A_1796 : vector<16xi32>
        %rem3A_1798 = vector.broadcast %jit3A_1777 : i32 to vector<16xi32>
        %rem3A_1799 = arith.remsi %add3A_1776, %rem3A_1798 : vector<16xi32>
        %ne3A_1800 = arith.constant 0 : i32
        %ne3A_1801 = vector.broadcast %ne3A_1800 : i32 to vector<16xi32>
        %ne3A_1802 = arith.cmpi ne, %rem3A_1799, %ne3A_1801 : vector<16xi32>
        %and3A_1803 = arith.andi %ne3A_1797, %ne3A_1802 : vector<16xi1>
        %sub3A_1804 = arith.constant 1 : i32
        %sub3A_1805 = vector.broadcast %sub3A_1804 : i32 to vector<16xi32>
        %sub3A_1806 = arith.subi %div3A_1779, %sub3A_1805 : vector<16xi32>
        %select_n3A_1807 = arith.select %and3A_1803, %sub3A_1806, %div3A_1779 : vector<16xi1>, vector<16xi32>
        %mul3A_1808 = arith.constant 200 : i32
        %mul3A_1809 = vector.broadcast %mul3A_1808 : i32 to vector<16xi32>
        %mul3A_1810 = arith.muli %select_n3A_1807, %mul3A_1809 : vector<16xi32>
        %sub3A_1811 = arith.subi %add3A_1776, %mul3A_1810 : vector<16xi32>
        %gather3A_1812 = tpu.vector_load_idx %arg5[%sub3A_1811, %select_n3A_1807] : memref<200x128xi32, #tpu.memory_space<vmem>>[vector<16xi32>, vector<16xi32>], vector<16xi32>,
        %swap3A_1813 = arith.constant 96 : index
        %swap3A_1814 = tpu.vector_load %arg10[%swap3A_1813] {strides = array<i32>} : memref<128xi32, #tpu.memory_space<vmem>>, vector<16xi32>,
        tpu.vector_store %arg10[%swap3A_1813], %gather3A_1812 {strides = array<i32>} : memref<128xi32, #tpu.memory_space<vmem>>, vector<16xi32>,
        %iota3A_1815 = tpu.iota {dimensions = array<i32: 0>} : vector<16xi32>
        %mul3A_1816 = arith.constant 128 : i32
        %mul3A_1817 = arith.muli %mul3A_1816, %sub3A_1499 : i32
        %add3A_1818 = arith.constant 112 : i32
        %add3A_1819 = arith.addi %mul3A_1817, %add3A_1818 : i32
        %add3A_1820 = vector.broadcast %add3A_1819 : i32 to vector<16xi32>
        %add3A_1821 = arith.addi %iota3A_1815, %add3A_1820 : vector<16xi32>
        %jit3A_1822 = arith.constant 200 : i32
        %div3A_1823 = vector.broadcast %jit3A_1822 : i32 to vector<16xi32>
        %div3A_1824 = arith.divsi %add3A_1821, %div3A_1823 : vector<16xi32>
        %sign3A_1825 = arith.constant 0 : i32
        %sign3A_1826 = vector.broadcast %sign3A_1825 : i32 to vector<16xi32>
        %sign3A_1827 = arith.cmpi sgt, %add3A_1821, %sign3A_1826 : vector<16xi32>
        %sign3A_1828 = arith.extui %sign3A_1827 : vector<16xi1> to vector<16xi32>
        %sign3A_1829 = arith.constant 0 : i32
        %sign3A_1830 = vector.broadcast %sign3A_1829 : i32 to vector<16xi32>
        %sign3A_1831 = arith.cmpi slt, %add3A_1821, %sign3A_1830 : vector<16xi32>
        %sign3A_1832 = arith.extui %sign3A_1831 : vector<16xi1> to vector<16xi32>
        %sign3A_1833 = arith.subi %sign3A_1828, %sign3A_1832 : vector<16xi32>
        %sign3A_1834 = arith.constant 0 : i32
        %sign3A_1835 = arith.cmpi sgt, %jit3A_1822, %sign3A_1834 : i32
        %sign3A_1836 = arith.extui %sign3A_1835 : i1 to i32
        %sign3A_1837 = arith.constant 0 : i32
        %sign3A_1838 = arith.cmpi slt, %jit3A_1822, %sign3A_1837 : i32
        %sign3A_1839 = arith.extui %sign3A_1838 : i1 to i32
        %sign3A_1840 = arith.subi %sign3A_1836, %sign3A_1839 : i32
        %ne3A_1841 = vector.broadcast %sign3A_1840 : i32 to vector<16xi32>
        %ne3A_1842 = arith.cmpi ne, %sign3A_1833, %ne3A_1841 : vector<16xi32>
        %rem3A_1843 = vector.broadcast %jit3A_1822 : i32 to vector<16xi32>
        %rem3A_1844 = arith.remsi %add3A_1821, %rem3A_1843 : vector<16xi32>
        %ne3A_1845 = arith.constant 0 : i32
        %ne3A_1846 = vector.broadcast %ne3A_1845 : i32 to vector<16xi32>
        %ne3A_1847 = arith.cmpi ne, %rem3A_1844, %ne3A_1846 : vector<16xi32>
        %and3A_1848 = arith.andi %ne3A_1842, %ne3A_1847 : vector<16xi1>
        %sub3A_1849 = arith.constant 1 : i32
        %sub3A_1850 = vector.broadcast %sub3A_1849 : i32 to vector<16xi32>
        %sub3A_1851 = arith.subi %div3A_1824, %sub3A_1850 : vector<16xi32>
        %select_n3A_1852 = arith.select %and3A_1848, %sub3A_1851, %div3A_1824 : vector<16xi1>, vector<16xi32>
        %mul3A_1853 = arith.constant 200 : i32
        %mul3A_1854 = vector.broadcast %mul3A_1853 : i32 to vector<16xi32>
        %mul3A_1855 = arith.muli %select_n3A_1852, %mul3A_1854 : vector<16xi32>
        %sub3A_1856 = arith.subi %add3A_1821, %mul3A_1855 : vector<16xi32>
        %gather3A_1857 = tpu.vector_load_idx %arg5[%sub3A_1856, %select_n3A_1852] : memref<200x128xi32, #tpu.memory_space<vmem>>[vector<16xi32>, vector<16xi32>], vector<16xi32>,
        %swap3A_1858 = arith.constant 112 : index
        %swap3A_1859 = tpu.vector_load %arg10[%swap3A_1858] {strides = array<i32>} : memref<128xi32, #tpu.memory_space<vmem>>, vector<16xi32>,
        tpu.vector_store %arg10[%swap3A_1858], %gather3A_1857 {strides = array<i32>} : memref<128xi32, #tpu.memory_space<vmem>>, vector<16xi32>,
        %dma_start3A_1860 = arith.constant 0 : i32
        %dma_start3A_1861 = arith.constant 0 : i32
        %dma_start3A_1862 = tpu.memref_slice %arg26[%dma_start3A_1860, %dma_start3A_1861] : memref<1440x128xf32, #tpu.memory_space<vmem_shared>> -> memref<1440x128xf32, #tpu.memory_space<vmem_shared>>
        tpu.enqueue_indirect_dma source(%dma_start3A_1862 : memref<1440x128xf32, #tpu.memory_space<vmem_shared>>) target(%arg15 : memref<128x128xf32, #tpu.memory_space<vmem>>) offsets(%arg10 : memref<128xi32, #tpu.memory_space<vmem>>) semaphore(%arg20 : memref<!tpu.dma_semaphore, #tpu.memory_space<semaphore_mem>>)
      } else {
      }
      %add3A_1408 = arith.constant 1 : i32
      %add3A_1409 = arith.addi %mul3A_1387, %add3A_1408 : i32
      %dma_wait3A_1410 = arith.constant 0 : i32
      %dma_wait3A_1411 = arith.constant 0 : i32
      %dma_wait3A_1412 = tpu.memref_slice %arg26[%dma_wait3A_1410, %dma_wait3A_1411] : memref<1440x128xf32, #tpu.memory_space<vmem_shared>> -> memref<1440x128xf32, #tpu.memory_space<vmem_shared>>
      tpu.wait_indirect_dma semaphore(%arg17 : memref<!tpu.dma_semaphore, #tpu.memory_space<semaphore_mem>>) src(%dma_wait3A_1412 : memref<1440x128xf32, #tpu.memory_space<vmem_shared>>) dst(%arg12 : memref<128x128xf32, #tpu.memory_space<vmem>>)
      %mul3A_1413 = arith.constant 128 : i32
      %mul3A_1414 = arith.muli %add3A_1409, %mul3A_1413 : i32
      %add3A_1415 = arith.addi %mul3A_4, %mul3A_1414 : i32
      %dma_start3A_1416 = arith.constant 0 : i32
      %dma_start3A_1417 = tpu.memref_slice %arg4[%add3A_1415, %dma_start3A_1416] : memref<819200x128xf32, #tpu.memory_space<hbm>> -> memref<128x128xf32, #tpu.memory_space<hbm>>
      %dma_start3A_1418 = arith.constant 0 : i32
      %dma_start3A_1419 = tpu.memref_slice %arg4[%add3A_1415, %dma_start3A_1418] : memref<819200x128xf32, #tpu.memory_space<hbm>> -> memref<128x128xf32, #tpu.memory_space<hbm>>
      tpu.enqueue_dma source(%arg12 : memref<128x128xf32, #tpu.memory_space<vmem>>) target(%dma_start3A_1419 : memref<128x128xf32, #tpu.memory_space<hbm>>) target_semaphore(%arg22 : memref<!tpu.dma_semaphore, #tpu.memory_space<semaphore_mem>>)
      %add3A_1420 = arith.constant 5 : i32
      %add3A_1421 = arith.addi %add3A_1409, %add3A_1420 : i32
      %sub3A_1422 = arith.constant 1 : i32
      %sub3A_1423 = arith.subi %add3A_1421, %sub3A_1422 : i32
      %lt3A_1424 = arith.constant 200 : i32
      %lt3A_1425 = arith.cmpi slt, %sub3A_1423, %lt3A_1424 : i32
      %convert_element_type3A_1426 = arith.extui %lt3A_1425 : i1 to i32
      %cond3A_1427 = arith.constant 0 : i32
      %cond3A_1428 = arith.cmpi ne, %convert_element_type3A_1426, %cond3A_1427 : i32
      scf.if %cond3A_1428 {
        %ge3A = arith.constant 1 : i32
        %ge3A_1492 = arith.cmpi sge, %add3A_1409, %ge3A : i32
        %convert_element_type3A_1493 = arith.extui %ge3A_1492 : i1 to i32
        %cond3A_1494 = arith.constant 0 : i32
        %cond3A_1495 = arith.cmpi ne, %convert_element_type3A_1493, %cond3A_1494 : i32
        scf.if %cond3A_1495 {
          %sub3A_1863 = arith.constant 1 : i32
          %sub3A_1864 = arith.subi %add3A_1409, %sub3A_1863 : i32
          %mul3A_1865 = arith.constant 128 : i32
          %mul3A_1866 = arith.muli %sub3A_1864, %mul3A_1865 : i32
          %add3A_1867 = arith.addi %mul3A_4, %mul3A_1866 : i32
          %dma_wait3A_1868 = arith.constant 0 : i32
          %dma_wait3A_1869 = tpu.memref_slice %arg4[%add3A_1867, %dma_wait3A_1868] : memref<819200x128xf32, #tpu.memory_space<hbm>> -> memref<128x128xf32, #tpu.memory_space<hbm>>
          %dma_wait3A_1870 = arith.constant 0 : i32
          %dma_wait3A_1871 = tpu.memref_slice %arg4[%add3A_1867, %dma_wait3A_1870] : memref<819200x128xf32, #tpu.memory_space<hbm>> -> memref<128x128xf32, #tpu.memory_space<hbm>>
          tpu.wait_dma2 semaphore(%arg21 : memref<!tpu.dma_semaphore, #tpu.memory_space<semaphore_mem>>) src(%arg11 : memref<128x128xf32, #tpu.memory_space<vmem>>) dst(%dma_wait3A_1871 : memref<128x128xf32, #tpu.memory_space<hbm>>)
        } else {
        }
        %add3A_1496 = arith.constant 5 : i32
        %add3A_1497 = arith.addi %add3A_1409, %add3A_1496 : i32
        %sub3A_1498 = arith.constant 1 : i32
        %sub3A_1499 = arith.subi %add3A_1497, %sub3A_1498 : i32
        %iota3A_1500 = tpu.iota {dimensions = array<i32: 0>} : vector<16xi32>
        %mul3A_1501 = arith.constant 128 : i32
        %mul3A_1502 = arith.muli %mul3A_1501, %sub3A_1499 : i32
        %add3A_1503 = arith.constant 0 : i32
        %add3A_1504 = arith.addi %mul3A_1502, %add3A_1503 : i32
        %add3A_1505 = vector.broadcast %add3A_1504 : i32 to vector<16xi32>
        %add3A_1506 = arith.addi %iota3A_1500, %add3A_1505 : vector<16xi32>
        %jit3A_1507 = arith.constant 200 : i32
        %div3A_1508 = vector.broadcast %jit3A_1507 : i32 to vector<16xi32>
        %div3A_1509 = arith.divsi %add3A_1506, %div3A_1508 : vector<16xi32>
        %sign3A_1510 = arith.constant 0 : i32
        %sign3A_1511 = vector.broadcast %sign3A_1510 : i32 to vector<16xi32>
        %sign3A_1512 = arith.cmpi sgt, %add3A_1506, %sign3A_1511 : vector<16xi32>
        %sign3A_1513 = arith.extui %sign3A_1512 : vector<16xi1> to vector<16xi32>
        %sign3A_1514 = arith.constant 0 : i32
        %sign3A_1515 = vector.broadcast %sign3A_1514 : i32 to vector<16xi32>
        %sign3A_1516 = arith.cmpi slt, %add3A_1506, %sign3A_1515 : vector<16xi32>
        %sign3A_1517 = arith.extui %sign3A_1516 : vector<16xi1> to vector<16xi32>
        %sign3A_1518 = arith.subi %sign3A_1513, %sign3A_1517 : vector<16xi32>
        %sign3A_1519 = arith.constant 0 : i32
        %sign3A_1520 = arith.cmpi sgt, %jit3A_1507, %sign3A_1519 : i32
        %sign3A_1521 = arith.extui %sign3A_1520 : i1 to i32
        %sign3A_1522 = arith.constant 0 : i32
        %sign3A_1523 = arith.cmpi slt, %jit3A_1507, %sign3A_1522 : i32
        %sign3A_1524 = arith.extui %sign3A_1523 : i1 to i32
        %sign3A_1525 = arith.subi %sign3A_1521, %sign3A_1524 : i32
        %ne3A_1526 = vector.broadcast %sign3A_1525 : i32 to vector<16xi32>
        %ne3A_1527 = arith.cmpi ne, %sign3A_1518, %ne3A_1526 : vector<16xi32>
        %rem3A_1528 = vector.broadcast %jit3A_1507 : i32 to vector<16xi32>
        %rem3A_1529 = arith.remsi %add3A_1506, %rem3A_1528 : vector<16xi32>
        %ne3A_1530 = arith.constant 0 : i32
        %ne3A_1531 = vector.broadcast %ne3A_1530 : i32 to vector<16xi32>
        %ne3A_1532 = arith.cmpi ne, %rem3A_1529, %ne3A_1531 : vector<16xi32>
        %and3A_1533 = arith.andi %ne3A_1527, %ne3A_1532 : vector<16xi1>
        %sub3A_1534 = arith.constant 1 : i32
        %sub3A_1535 = vector.broadcast %sub3A_1534 : i32 to vector<16xi32>
        %sub3A_1536 = arith.subi %div3A_1509, %sub3A_1535 : vector<16xi32>
        %select_n3A_1537 = arith.select %and3A_1533, %sub3A_1536, %div3A_1509 : vector<16xi1>, vector<16xi32>
        %mul3A_1538 = arith.constant 200 : i32
        %mul3A_1539 = vector.broadcast %mul3A_1538 : i32 to vector<16xi32>
        %mul3A_1540 = arith.muli %select_n3A_1537, %mul3A_1539 : vector<16xi32>
        %sub3A_1541 = arith.subi %add3A_1506, %mul3A_1540 : vector<16xi32>
        %gather3A_1542 = tpu.vector_load_idx %arg5[%sub3A_1541, %select_n3A_1537] : memref<200x128xi32, #tpu.memory_space<vmem>>[vector<16xi32>, vector<16xi32>], vector<16xi32>,
        %swap3A_1543 = arith.constant 0 : index
        %swap3A_1544 = tpu.vector_load %arg6[%swap3A_1543] {strides = array<i32>} : memref<128xi32, #tpu.memory_space<vmem>>, vector<16xi32>,
        tpu.vector_store %arg6[%swap3A_1543], %gather3A_1542 {strides = array<i32>} : memref<128xi32, #tpu.memory_space<vmem>>, vector<16xi32>,
        %iota3A_1545 = tpu.iota {dimensions = array<i32: 0>} : vector<16xi32>
        %mul3A_1546 = arith.constant 128 : i32
        %mul3A_1547 = arith.muli %mul3A_1546, %sub3A_1499 : i32
        %add3A_1548 = arith.constant 16 : i32
        %add3A_1549 = arith.addi %mul3A_1547, %add3A_1548 : i32
        %add3A_1550 = vector.broadcast %add3A_1549 : i32 to vector<16xi32>
        %add3A_1551 = arith.addi %iota3A_1545, %add3A_1550 : vector<16xi32>
        %jit3A_1552 = arith.constant 200 : i32
        %div3A_1553 = vector.broadcast %jit3A_1552 : i32 to vector<16xi32>
        %div3A_1554 = arith.divsi %add3A_1551, %div3A_1553 : vector<16xi32>
        %sign3A_1555 = arith.constant 0 : i32
        %sign3A_1556 = vector.broadcast %sign3A_1555 : i32 to vector<16xi32>
        %sign3A_1557 = arith.cmpi sgt, %add3A_1551, %sign3A_1556 : vector<16xi32>
        %sign3A_1558 = arith.extui %sign3A_1557 : vector<16xi1> to vector<16xi32>
        %sign3A_1559 = arith.constant 0 : i32
        %sign3A_1560 = vector.broadcast %sign3A_1559 : i32 to vector<16xi32>
        %sign3A_1561 = arith.cmpi slt, %add3A_1551, %sign3A_1560 : vector<16xi32>
        %sign3A_1562 = arith.extui %sign3A_1561 : vector<16xi1> to vector<16xi32>
        %sign3A_1563 = arith.subi %sign3A_1558, %sign3A_1562 : vector<16xi32>
        %sign3A_1564 = arith.constant 0 : i32
        %sign3A_1565 = arith.cmpi sgt, %jit3A_1552, %sign3A_1564 : i32
        %sign3A_1566 = arith.extui %sign3A_1565 : i1 to i32
        %sign3A_1567 = arith.constant 0 : i32
        %sign3A_1568 = arith.cmpi slt, %jit3A_1552, %sign3A_1567 : i32
        %sign3A_1569 = arith.extui %sign3A_1568 : i1 to i32
        %sign3A_1570 = arith.subi %sign3A_1566, %sign3A_1569 : i32
        %ne3A_1571 = vector.broadcast %sign3A_1570 : i32 to vector<16xi32>
        %ne3A_1572 = arith.cmpi ne, %sign3A_1563, %ne3A_1571 : vector<16xi32>
        %rem3A_1573 = vector.broadcast %jit3A_1552 : i32 to vector<16xi32>
        %rem3A_1574 = arith.remsi %add3A_1551, %rem3A_1573 : vector<16xi32>
        %ne3A_1575 = arith.constant 0 : i32
        %ne3A_1576 = vector.broadcast %ne3A_1575 : i32 to vector<16xi32>
        %ne3A_1577 = arith.cmpi ne, %rem3A_1574, %ne3A_1576 : vector<16xi32>
        %and3A_1578 = arith.andi %ne3A_1572, %ne3A_1577 : vector<16xi1>
        %sub3A_1579 = arith.constant 1 : i32
        %sub3A_1580 = vector.broadcast %sub3A_1579 : i32 to vector<16xi32>
        %sub3A_1581 = arith.subi %div3A_1554, %sub3A_1580 : vector<16xi32>
        %select_n3A_1582 = arith.select %and3A_1578, %sub3A_1581, %div3A_1554 : vector<16xi1>, vector<16xi32>
        %mul3A_1583 = arith.constant 200 : i32
        %mul3A_1584 = vector.broadcast %mul3A_1583 : i32 to vector<16xi32>
        %mul3A_1585 = arith.muli %select_n3A_1582, %mul3A_1584 : vector<16xi32>
        %sub3A_1586 = arith.subi %add3A_1551, %mul3A_1585 : vector<16xi32>
        %gather3A_1587 = tpu.vector_load_idx %arg5[%sub3A_1586, %select_n3A_1582] : memref<200x128xi32, #tpu.memory_space<vmem>>[vector<16xi32>, vector<16xi32>], vector<16xi32>,
        %swap3A_1588 = arith.constant 16 : index
        %swap3A_1589 = tpu.vector_load %arg6[%swap3A_1588] {strides = array<i32>} : memref<128xi32, #tpu.memory_space<vmem>>, vector<16xi32>,
        tpu.vector_store %arg6[%swap3A_1588], %gather3A_1587 {strides = array<i32>} : memref<128xi32, #tpu.memory_space<vmem>>, vector<16xi32>,
        %iota3A_1590 = tpu.iota {dimensions = array<i32: 0>} : vector<16xi32>
        %mul3A_1591 = arith.constant 128 : i32
        %mul3A_1592 = arith.muli %mul3A_1591, %sub3A_1499 : i32
        %add3A_1593 = arith.constant 32 : i32
        %add3A_1594 = arith.addi %mul3A_1592, %add3A_1593 : i32
        %add3A_1595 = vector.broadcast %add3A_1594 : i32 to vector<16xi32>
        %add3A_1596 = arith.addi %iota3A_1590, %add3A_1595 : vector<16xi32>
        %jit3A_1597 = arith.constant 200 : i32
        %div3A_1598 = vector.broadcast %jit3A_1597 : i32 to vector<16xi32>
        %div3A_1599 = arith.divsi %add3A_1596, %div3A_1598 : vector<16xi32>
        %sign3A_1600 = arith.constant 0 : i32
        %sign3A_1601 = vector.broadcast %sign3A_1600 : i32 to vector<16xi32>
        %sign3A_1602 = arith.cmpi sgt, %add3A_1596, %sign3A_1601 : vector<16xi32>
        %sign3A_1603 = arith.extui %sign3A_1602 : vector<16xi1> to vector<16xi32>
        %sign3A_1604 = arith.constant 0 : i32
        %sign3A_1605 = vector.broadcast %sign3A_1604 : i32 to vector<16xi32>
        %sign3A_1606 = arith.cmpi slt, %add3A_1596, %sign3A_1605 : vector<16xi32>
        %sign3A_1607 = arith.extui %sign3A_1606 : vector<16xi1> to vector<16xi32>
        %sign3A_1608 = arith.subi %sign3A_1603, %sign3A_1607 : vector<16xi32>
        %sign3A_1609 = arith.constant 0 : i32
        %sign3A_1610 = arith.cmpi sgt, %jit3A_1597, %sign3A_1609 : i32
        %sign3A_1611 = arith.extui %sign3A_1610 : i1 to i32
        %sign3A_1612 = arith.constant 0 : i32
        %sign3A_1613 = arith.cmpi slt, %jit3A_1597, %sign3A_1612 : i32
        %sign3A_1614 = arith.extui %sign3A_1613 : i1 to i32
        %sign3A_1615 = arith.subi %sign3A_1611, %sign3A_1614 : i32
        %ne3A_1616 = vector.broadcast %sign3A_1615 : i32 to vector<16xi32>
        %ne3A_1617 = arith.cmpi ne, %sign3A_1608, %ne3A_1616 : vector<16xi32>
        %rem3A_1618 = vector.broadcast %jit3A_1597 : i32 to vector<16xi32>
        %rem3A_1619 = arith.remsi %add3A_1596, %rem3A_1618 : vector<16xi32>
        %ne3A_1620 = arith.constant 0 : i32
        %ne3A_1621 = vector.broadcast %ne3A_1620 : i32 to vector<16xi32>
        %ne3A_1622 = arith.cmpi ne, %rem3A_1619, %ne3A_1621 : vector<16xi32>
        %and3A_1623 = arith.andi %ne3A_1617, %ne3A_1622 : vector<16xi1>
        %sub3A_1624 = arith.constant 1 : i32
        %sub3A_1625 = vector.broadcast %sub3A_1624 : i32 to vector<16xi32>
        %sub3A_1626 = arith.subi %div3A_1599, %sub3A_1625 : vector<16xi32>
        %select_n3A_1627 = arith.select %and3A_1623, %sub3A_1626, %div3A_1599 : vector<16xi1>, vector<16xi32>
        %mul3A_1628 = arith.constant 200 : i32
        %mul3A_1629 = vector.broadcast %mul3A_1628 : i32 to vector<16xi32>
        %mul3A_1630 = arith.muli %select_n3A_1627, %mul3A_1629 : vector<16xi32>
        %sub3A_1631 = arith.subi %add3A_1596, %mul3A_1630 : vector<16xi32>
        %gather3A_1632 = tpu.vector_load_idx %arg5[%sub3A_1631, %select_n3A_1627] : memref<200x128xi32, #tpu.memory_space<vmem>>[vector<16xi32>, vector<16xi32>], vector<16xi32>,
        %swap3A_1633 = arith.constant 32 : index
        %swap3A_1634 = tpu.vector_load %arg6[%swap3A_1633] {strides = array<i32>} : memref<128xi32, #tpu.memory_space<vmem>>, vector<16xi32>,
        tpu.vector_store %arg6[%swap3A_1633], %gather3A_1632 {strides = array<i32>} : memref<128xi32, #tpu.memory_space<vmem>>, vector<16xi32>,
        %iota3A_1635 = tpu.iota {dimensions = array<i32: 0>} : vector<16xi32>
        %mul3A_1636 = arith.constant 128 : i32
        %mul3A_1637 = arith.muli %mul3A_1636, %sub3A_1499 : i32
        %add3A_1638 = arith.constant 48 : i32
        %add3A_1639 = arith.addi %mul3A_1637, %add3A_1638 : i32
        %add3A_1640 = vector.broadcast %add3A_1639 : i32 to vector<16xi32>
        %add3A_1641 = arith.addi %iota3A_1635, %add3A_1640 : vector<16xi32>
        %jit3A_1642 = arith.constant 200 : i32
        %div3A_1643 = vector.broadcast %jit3A_1642 : i32 to vector<16xi32>
        %div3A_1644 = arith.divsi %add3A_1641, %div3A_1643 : vector<16xi32>
        %sign3A_1645 = arith.constant 0 : i32
        %sign3A_1646 = vector.broadcast %sign3A_1645 : i32 to vector<16xi32>
        %sign3A_1647 = arith.cmpi sgt, %add3A_1641, %sign3A_1646 : vector<16xi32>
        %sign3A_1648 = arith.extui %sign3A_1647 : vector<16xi1> to vector<16xi32>
        %sign3A_1649 = arith.constant 0 : i32
        %sign3A_1650 = vector.broadcast %sign3A_1649 : i32 to vector<16xi32>
        %sign3A_1651 = arith.cmpi slt, %add3A_1641, %sign3A_1650 : vector<16xi32>
        %sign3A_1652 = arith.extui %sign3A_1651 : vector<16xi1> to vector<16xi32>
        %sign3A_1653 = arith.subi %sign3A_1648, %sign3A_1652 : vector<16xi32>
        %sign3A_1654 = arith.constant 0 : i32
        %sign3A_1655 = arith.cmpi sgt, %jit3A_1642, %sign3A_1654 : i32
        %sign3A_1656 = arith.extui %sign3A_1655 : i1 to i32
        %sign3A_1657 = arith.constant 0 : i32
        %sign3A_1658 = arith.cmpi slt, %jit3A_1642, %sign3A_1657 : i32
        %sign3A_1659 = arith.extui %sign3A_1658 : i1 to i32
        %sign3A_1660 = arith.subi %sign3A_1656, %sign3A_1659 : i32
        %ne3A_1661 = vector.broadcast %sign3A_1660 : i32 to vector<16xi32>
        %ne3A_1662 = arith.cmpi ne, %sign3A_1653, %ne3A_1661 : vector<16xi32>
        %rem3A_1663 = vector.broadcast %jit3A_1642 : i32 to vector<16xi32>
        %rem3A_1664 = arith.remsi %add3A_1641, %rem3A_1663 : vector<16xi32>
        %ne3A_1665 = arith.constant 0 : i32
        %ne3A_1666 = vector.broadcast %ne3A_1665 : i32 to vector<16xi32>
        %ne3A_1667 = arith.cmpi ne, %rem3A_1664, %ne3A_1666 : vector<16xi32>
        %and3A_1668 = arith.andi %ne3A_1662, %ne3A_1667 : vector<16xi1>
        %sub3A_1669 = arith.constant 1 : i32
        %sub3A_1670 = vector.broadcast %sub3A_1669 : i32 to vector<16xi32>
        %sub3A_1671 = arith.subi %div3A_1644, %sub3A_1670 : vector<16xi32>
        %select_n3A_1672 = arith.select %and3A_1668, %sub3A_1671, %div3A_1644 : vector<16xi1>, vector<16xi32>
        %mul3A_1673 = arith.constant 200 : i32
        %mul3A_1674 = vector.broadcast %mul3A_1673 : i32 to vector<16xi32>
        %mul3A_1675 = arith.muli %select_n3A_1672, %mul3A_1674 : vector<16xi32>
        %sub3A_1676 = arith.subi %add3A_1641, %mul3A_1675 : vector<16xi32>
        %gather3A_1677 = tpu.vector_load_idx %arg5[%sub3A_1676, %select_n3A_1672] : memref<200x128xi32, #tpu.memory_space<vmem>>[vector<16xi32>, vector<16xi32>], vector<16xi32>,
        %swap3A_1678 = arith.constant 48 : index
        %swap3A_1679 = tpu.vector_load %arg6[%swap3A_1678] {strides = array<i32>} : memref<128xi32, #tpu.memory_space<vmem>>, vector<16xi32>,
        tpu.vector_store %arg6[%swap3A_1678], %gather3A_1677 {strides = array<i32>} : memref<128xi32, #tpu.memory_space<vmem>>, vector<16xi32>,
        %iota3A_1680 = tpu.iota {dimensions = array<i32: 0>} : vector<16xi32>
        %mul3A_1681 = arith.constant 128 : i32
        %mul3A_1682 = arith.muli %mul3A_1681, %sub3A_1499 : i32
        %add3A_1683 = arith.constant 64 : i32
        %add3A_1684 = arith.addi %mul3A_1682, %add3A_1683 : i32
        %add3A_1685 = vector.broadcast %add3A_1684 : i32 to vector<16xi32>
        %add3A_1686 = arith.addi %iota3A_1680, %add3A_1685 : vector<16xi32>
        %jit3A_1687 = arith.constant 200 : i32
        %div3A_1688 = vector.broadcast %jit3A_1687 : i32 to vector<16xi32>
        %div3A_1689 = arith.divsi %add3A_1686, %div3A_1688 : vector<16xi32>
        %sign3A_1690 = arith.constant 0 : i32
        %sign3A_1691 = vector.broadcast %sign3A_1690 : i32 to vector<16xi32>
        %sign3A_1692 = arith.cmpi sgt, %add3A_1686, %sign3A_1691 : vector<16xi32>
        %sign3A_1693 = arith.extui %sign3A_1692 : vector<16xi1> to vector<16xi32>
        %sign3A_1694 = arith.constant 0 : i32
        %sign3A_1695 = vector.broadcast %sign3A_1694 : i32 to vector<16xi32>
        %sign3A_1696 = arith.cmpi slt, %add3A_1686, %sign3A_1695 : vector<16xi32>
        %sign3A_1697 = arith.extui %sign3A_1696 : vector<16xi1> to vector<16xi32>
        %sign3A_1698 = arith.subi %sign3A_1693, %sign3A_1697 : vector<16xi32>
        %sign3A_1699 = arith.constant 0 : i32
        %sign3A_1700 = arith.cmpi sgt, %jit3A_1687, %sign3A_1699 : i32
        %sign3A_1701 = arith.extui %sign3A_1700 : i1 to i32
        %sign3A_1702 = arith.constant 0 : i32
        %sign3A_1703 = arith.cmpi slt, %jit3A_1687, %sign3A_1702 : i32
        %sign3A_1704 = arith.extui %sign3A_1703 : i1 to i32
        %sign3A_1705 = arith.subi %sign3A_1701, %sign3A_1704 : i32
        %ne3A_1706 = vector.broadcast %sign3A_1705 : i32 to vector<16xi32>
        %ne3A_1707 = arith.cmpi ne, %sign3A_1698, %ne3A_1706 : vector<16xi32>
        %rem3A_1708 = vector.broadcast %jit3A_1687 : i32 to vector<16xi32>
        %rem3A_1709 = arith.remsi %add3A_1686, %rem3A_1708 : vector<16xi32>
        %ne3A_1710 = arith.constant 0 : i32
        %ne3A_1711 = vector.broadcast %ne3A_1710 : i32 to vector<16xi32>
        %ne3A_1712 = arith.cmpi ne, %rem3A_1709, %ne3A_1711 : vector<16xi32>
        %and3A_1713 = arith.andi %ne3A_1707, %ne3A_1712 : vector<16xi1>
        %sub3A_1714 = arith.constant 1 : i32
        %sub3A_1715 = vector.broadcast %sub3A_1714 : i32 to vector<16xi32>
        %sub3A_1716 = arith.subi %div3A_1689, %sub3A_1715 : vector<16xi32>
        %select_n3A_1717 = arith.select %and3A_1713, %sub3A_1716, %div3A_1689 : vector<16xi1>, vector<16xi32>
        %mul3A_1718 = arith.constant 200 : i32
        %mul3A_1719 = vector.broadcast %mul3A_1718 : i32 to vector<16xi32>
        %mul3A_1720 = arith.muli %select_n3A_1717, %mul3A_1719 : vector<16xi32>
        %sub3A_1721 = arith.subi %add3A_1686, %mul3A_1720 : vector<16xi32>
        %gather3A_1722 = tpu.vector_load_idx %arg5[%sub3A_1721, %select_n3A_1717] : memref<200x128xi32, #tpu.memory_space<vmem>>[vector<16xi32>, vector<16xi32>], vector<16xi32>,
        %swap3A_1723 = arith.constant 64 : index
        %swap3A_1724 = tpu.vector_load %arg6[%swap3A_1723] {strides = array<i32>} : memref<128xi32, #tpu.memory_space<vmem>>, vector<16xi32>,
        tpu.vector_store %arg6[%swap3A_1723], %gather3A_1722 {strides = array<i32>} : memref<128xi32, #tpu.memory_space<vmem>>, vector<16xi32>,
        %iota3A_1725 = tpu.iota {dimensions = array<i32: 0>} : vector<16xi32>
        %mul3A_1726 = arith.constant 128 : i32
        %mul3A_1727 = arith.muli %mul3A_1726, %sub3A_1499 : i32
        %add3A_1728 = arith.constant 80 : i32
        %add3A_1729 = arith.addi %mul3A_1727, %add3A_1728 : i32
        %add3A_1730 = vector.broadcast %add3A_1729 : i32 to vector<16xi32>
        %add3A_1731 = arith.addi %iota3A_1725, %add3A_1730 : vector<16xi32>
        %jit3A_1732 = arith.constant 200 : i32
        %div3A_1733 = vector.broadcast %jit3A_1732 : i32 to vector<16xi32>
        %div3A_1734 = arith.divsi %add3A_1731, %div3A_1733 : vector<16xi32>
        %sign3A_1735 = arith.constant 0 : i32
        %sign3A_1736 = vector.broadcast %sign3A_1735 : i32 to vector<16xi32>
        %sign3A_1737 = arith.cmpi sgt, %add3A_1731, %sign3A_1736 : vector<16xi32>
        %sign3A_1738 = arith.extui %sign3A_1737 : vector<16xi1> to vector<16xi32>
        %sign3A_1739 = arith.constant 0 : i32
        %sign3A_1740 = vector.broadcast %sign3A_1739 : i32 to vector<16xi32>
        %sign3A_1741 = arith.cmpi slt, %add3A_1731, %sign3A_1740 : vector<16xi32>
        %sign3A_1742 = arith.extui %sign3A_1741 : vector<16xi1> to vector<16xi32>
        %sign3A_1743 = arith.subi %sign3A_1738, %sign3A_1742 : vector<16xi32>
        %sign3A_1744 = arith.constant 0 : i32
        %sign3A_1745 = arith.cmpi sgt, %jit3A_1732, %sign3A_1744 : i32
        %sign3A_1746 = arith.extui %sign3A_1745 : i1 to i32
        %sign3A_1747 = arith.constant 0 : i32
        %sign3A_1748 = arith.cmpi slt, %jit3A_1732, %sign3A_1747 : i32
        %sign3A_1749 = arith.extui %sign3A_1748 : i1 to i32
        %sign3A_1750 = arith.subi %sign3A_1746, %sign3A_1749 : i32
        %ne3A_1751 = vector.broadcast %sign3A_1750 : i32 to vector<16xi32>
        %ne3A_1752 = arith.cmpi ne, %sign3A_1743, %ne3A_1751 : vector<16xi32>
        %rem3A_1753 = vector.broadcast %jit3A_1732 : i32 to vector<16xi32>
        %rem3A_1754 = arith.remsi %add3A_1731, %rem3A_1753 : vector<16xi32>
        %ne3A_1755 = arith.constant 0 : i32
        %ne3A_1756 = vector.broadcast %ne3A_1755 : i32 to vector<16xi32>
        %ne3A_1757 = arith.cmpi ne, %rem3A_1754, %ne3A_1756 : vector<16xi32>
        %and3A_1758 = arith.andi %ne3A_1752, %ne3A_1757 : vector<16xi1>
        %sub3A_1759 = arith.constant 1 : i32
        %sub3A_1760 = vector.broadcast %sub3A_1759 : i32 to vector<16xi32>
        %sub3A_1761 = arith.subi %div3A_1734, %sub3A_1760 : vector<16xi32>
        %select_n3A_1762 = arith.select %and3A_1758, %sub3A_1761, %div3A_1734 : vector<16xi1>, vector<16xi32>
        %mul3A_1763 = arith.constant 200 : i32
        %mul3A_1764 = vector.broadcast %mul3A_1763 : i32 to vector<16xi32>
        %mul3A_1765 = arith.muli %select_n3A_1762, %mul3A_1764 : vector<16xi32>
        %sub3A_1766 = arith.subi %add3A_1731, %mul3A_1765 : vector<16xi32>
        %gather3A_1767 = tpu.vector_load_idx %arg5[%sub3A_1766, %select_n3A_1762] : memref<200x128xi32, #tpu.memory_space<vmem>>[vector<16xi32>, vector<16xi32>], vector<16xi32>,
        %swap3A_1768 = arith.constant 80 : index
        %swap3A_1769 = tpu.vector_load %arg6[%swap3A_1768] {strides = array<i32>} : memref<128xi32, #tpu.memory_space<vmem>>, vector<16xi32>,
        tpu.vector_store %arg6[%swap3A_1768], %gather3A_1767 {strides = array<i32>} : memref<128xi32, #tpu.memory_space<vmem>>, vector<16xi32>,
        %iota3A_1770 = tpu.iota {dimensions = array<i32: 0>} : vector<16xi32>
        %mul3A_1771 = arith.constant 128 : i32
        %mul3A_1772 = arith.muli %mul3A_1771, %sub3A_1499 : i32
        %add3A_1773 = arith.constant 96 : i32
        %add3A_1774 = arith.addi %mul3A_1772, %add3A_1773 : i32
        %add3A_1775 = vector.broadcast %add3A_1774 : i32 to vector<16xi32>
        %add3A_1776 = arith.addi %iota3A_1770, %add3A_1775 : vector<16xi32>
        %jit3A_1777 = arith.constant 200 : i32
        %div3A_1778 = vector.broadcast %jit3A_1777 : i32 to vector<16xi32>
        %div3A_1779 = arith.divsi %add3A_1776, %div3A_1778 : vector<16xi32>
        %sign3A_1780 = arith.constant 0 : i32
        %sign3A_1781 = vector.broadcast %sign3A_1780 : i32 to vector<16xi32>
        %sign3A_1782 = arith.cmpi sgt, %add3A_1776, %sign3A_1781 : vector<16xi32>
        %sign3A_1783 = arith.extui %sign3A_1782 : vector<16xi1> to vector<16xi32>
        %sign3A_1784 = arith.constant 0 : i32
        %sign3A_1785 = vector.broadcast %sign3A_1784 : i32 to vector<16xi32>
        %sign3A_1786 = arith.cmpi slt, %add3A_1776, %sign3A_1785 : vector<16xi32>
        %sign3A_1787 = arith.extui %sign3A_1786 : vector<16xi1> to vector<16xi32>
        %sign3A_1788 = arith.subi %sign3A_1783, %sign3A_1787 : vector<16xi32>
        %sign3A_1789 = arith.constant 0 : i32
        %sign3A_1790 = arith.cmpi sgt, %jit3A_1777, %sign3A_1789 : i32
        %sign3A_1791 = arith.extui %sign3A_1790 : i1 to i32
        %sign3A_1792 = arith.constant 0 : i32
        %sign3A_1793 = arith.cmpi slt, %jit3A_1777, %sign3A_1792 : i32
        %sign3A_1794 = arith.extui %sign3A_1793 : i1 to i32
        %sign3A_1795 = arith.subi %sign3A_1791, %sign3A_1794 : i32
        %ne3A_1796 = vector.broadcast %sign3A_1795 : i32 to vector<16xi32>
        %ne3A_1797 = arith.cmpi ne, %sign3A_1788, %ne3A_1796 : vector<16xi32>
        %rem3A_1798 = vector.broadcast %jit3A_1777 : i32 to vector<16xi32>
        %rem3A_1799 = arith.remsi %add3A_1776, %rem3A_1798 : vector<16xi32>
        %ne3A_1800 = arith.constant 0 : i32
        %ne3A_1801 = vector.broadcast %ne3A_1800 : i32 to vector<16xi32>
        %ne3A_1802 = arith.cmpi ne, %rem3A_1799, %ne3A_1801 : vector<16xi32>
        %and3A_1803 = arith.andi %ne3A_1797, %ne3A_1802 : vector<16xi1>
        %sub3A_1804 = arith.constant 1 : i32
        %sub3A_1805 = vector.broadcast %sub3A_1804 : i32 to vector<16xi32>
        %sub3A_1806 = arith.subi %div3A_1779, %sub3A_1805 : vector<16xi32>
        %select_n3A_1807 = arith.select %and3A_1803, %sub3A_1806, %div3A_1779 : vector<16xi1>, vector<16xi32>
        %mul3A_1808 = arith.constant 200 : i32
        %mul3A_1809 = vector.broadcast %mul3A_1808 : i32 to vector<16xi32>
        %mul3A_1810 = arith.muli %select_n3A_1807, %mul3A_1809 : vector<16xi32>
        %sub3A_1811 = arith.subi %add3A_1776, %mul3A_1810 : vector<16xi32>
        %gather3A_1812 = tpu.vector_load_idx %arg5[%sub3A_1811, %select_n3A_1807] : memref<200x128xi32, #tpu.memory_space<vmem>>[vector<16xi32>, vector<16xi32>], vector<16xi32>,
        %swap3A_1813 = arith.constant 96 : index
        %swap3A_1814 = tpu.vector_load %arg6[%swap3A_1813] {strides = array<i32>} : memref<128xi32, #tpu.memory_space<vmem>>, vector<16xi32>,
        tpu.vector_store %arg6[%swap3A_1813], %gather3A_1812 {strides = array<i32>} : memref<128xi32, #tpu.memory_space<vmem>>, vector<16xi32>,
        %iota3A_1815 = tpu.iota {dimensions = array<i32: 0>} : vector<16xi32>
        %mul3A_1816 = arith.constant 128 : i32
        %mul3A_1817 = arith.muli %mul3A_1816, %sub3A_1499 : i32
        %add3A_1818 = arith.constant 112 : i32
        %add3A_1819 = arith.addi %mul3A_1817, %add3A_1818 : i32
        %add3A_1820 = vector.broadcast %add3A_1819 : i32 to vector<16xi32>
        %add3A_1821 = arith.addi %iota3A_1815, %add3A_1820 : vector<16xi32>
        %jit3A_1822 = arith.constant 200 : i32
        %div3A_1823 = vector.broadcast %jit3A_1822 : i32 to vector<16xi32>
        %div3A_1824 = arith.divsi %add3A_1821, %div3A_1823 : vector<16xi32>
        %sign3A_1825 = arith.constant 0 : i32
        %sign3A_1826 = vector.broadcast %sign3A_1825 : i32 to vector<16xi32>
        %sign3A_1827 = arith.cmpi sgt, %add3A_1821, %sign3A_1826 : vector<16xi32>
        %sign3A_1828 = arith.extui %sign3A_1827 : vector<16xi1> to vector<16xi32>
        %sign3A_1829 = arith.constant 0 : i32
        %sign3A_1830 = vector.broadcast %sign3A_1829 : i32 to vector<16xi32>
        %sign3A_1831 = arith.cmpi slt, %add3A_1821, %sign3A_1830 : vector<16xi32>
        %sign3A_1832 = arith.extui %sign3A_1831 : vector<16xi1> to vector<16xi32>
        %sign3A_1833 = arith.subi %sign3A_1828, %sign3A_1832 : vector<16xi32>
        %sign3A_1834 = arith.constant 0 : i32
        %sign3A_1835 = arith.cmpi sgt, %jit3A_1822, %sign3A_1834 : i32
        %sign3A_1836 = arith.extui %sign3A_1835 : i1 to i32
        %sign3A_1837 = arith.constant 0 : i32
        %sign3A_1838 = arith.cmpi slt, %jit3A_1822, %sign3A_1837 : i32
        %sign3A_1839 = arith.extui %sign3A_1838 : i1 to i32
        %sign3A_1840 = arith.subi %sign3A_1836, %sign3A_1839 : i32
        %ne3A_1841 = vector.broadcast %sign3A_1840 : i32 to vector<16xi32>
        %ne3A_1842 = arith.cmpi ne, %sign3A_1833, %ne3A_1841 : vector<16xi32>
        %rem3A_1843 = vector.broadcast %jit3A_1822 : i32 to vector<16xi32>
        %rem3A_1844 = arith.remsi %add3A_1821, %rem3A_1843 : vector<16xi32>
        %ne3A_1845 = arith.constant 0 : i32
        %ne3A_1846 = vector.broadcast %ne3A_1845 : i32 to vector<16xi32>
        %ne3A_1847 = arith.cmpi ne, %rem3A_1844, %ne3A_1846 : vector<16xi32>
        %and3A_1848 = arith.andi %ne3A_1842, %ne3A_1847 : vector<16xi1>
        %sub3A_1849 = arith.constant 1 : i32
        %sub3A_1850 = vector.broadcast %sub3A_1849 : i32 to vector<16xi32>
        %sub3A_1851 = arith.subi %div3A_1824, %sub3A_1850 : vector<16xi32>
        %select_n3A_1852 = arith.select %and3A_1848, %sub3A_1851, %div3A_1824 : vector<16xi1>, vector<16xi32>
        %mul3A_1853 = arith.constant 200 : i32
        %mul3A_1854 = vector.broadcast %mul3A_1853 : i32 to vector<16xi32>
        %mul3A_1855 = arith.muli %select_n3A_1852, %mul3A_1854 : vector<16xi32>
        %sub3A_1856 = arith.subi %add3A_1821, %mul3A_1855 : vector<16xi32>
        %gather3A_1857 = tpu.vector_load_idx %arg5[%sub3A_1856, %select_n3A_1852] : memref<200x128xi32, #tpu.memory_space<vmem>>[vector<16xi32>, vector<16xi32>], vector<16xi32>,
        %swap3A_1858 = arith.constant 112 : index
        %swap3A_1859 = tpu.vector_load %arg6[%swap3A_1858] {strides = array<i32>} : memref<128xi32, #tpu.memory_space<vmem>>, vector<16xi32>,
        tpu.vector_store %arg6[%swap3A_1858], %gather3A_1857 {strides = array<i32>} : memref<128xi32, #tpu.memory_space<vmem>>, vector<16xi32>,
        %dma_start3A_1860 = arith.constant 0 : i32
        %dma_start3A_1861 = arith.constant 0 : i32
        %dma_start3A_1862 = tpu.memref_slice %arg26[%dma_start3A_1860, %dma_start3A_1861] : memref<1440x128xf32, #tpu.memory_space<vmem_shared>> -> memref<1440x128xf32, #tpu.memory_space<vmem_shared>>
        tpu.enqueue_indirect_dma source(%dma_start3A_1862 : memref<1440x128xf32, #tpu.memory_space<vmem_shared>>) target(%arg11 : memref<128x128xf32, #tpu.memory_space<vmem>>) offsets(%arg6 : memref<128xi32, #tpu.memory_space<vmem>>) semaphore(%arg16 : memref<!tpu.dma_semaphore, #tpu.memory_space<semaphore_mem>>)
      } else {
      }
      %add3A_1429 = arith.constant 2 : i32
      %add3A_1430 = arith.addi %mul3A_1387, %add3A_1429 : i32
      %dma_wait3A_1431 = arith.constant 0 : i32
      %dma_wait3A_1432 = arith.constant 0 : i32
      %dma_wait3A_1433 = tpu.memref_slice %arg26[%dma_wait3A_1431, %dma_wait3A_1432] : memref<1440x128xf32, #tpu.memory_space<vmem_shared>> -> memref<1440x128xf32, #tpu.memory_space<vmem_shared>>
      tpu.wait_indirect_dma semaphore(%arg18 : memref<!tpu.dma_semaphore, #tpu.memory_space<semaphore_mem>>) src(%dma_wait3A_1433 : memref<1440x128xf32, #tpu.memory_space<vmem_shared>>) dst(%arg13 : memref<128x128xf32, #tpu.memory_space<vmem>>)
      %mul3A_1434 = arith.constant 128 : i32
      %mul3A_1435 = arith.muli %add3A_1430, %mul3A_1434 : i32
      %add3A_1436 = arith.addi %mul3A_4, %mul3A_1435 : i32
      %dma_start3A_1437 = arith.constant 0 : i32
      %dma_start3A_1438 = tpu.memref_slice %arg4[%add3A_1436, %dma_start3A_1437] : memref<819200x128xf32, #tpu.memory_space<hbm>> -> memref<128x128xf32, #tpu.memory_space<hbm>>
      %dma_start3A_1439 = arith.constant 0 : i32
      %dma_start3A_1440 = tpu.memref_slice %arg4[%add3A_1436, %dma_start3A_1439] : memref<819200x128xf32, #tpu.memory_space<hbm>> -> memref<128x128xf32, #tpu.memory_space<hbm>>
      tpu.enqueue_dma source(%arg13 : memref<128x128xf32, #tpu.memory_space<vmem>>) target(%dma_start3A_1440 : memref<128x128xf32, #tpu.memory_space<hbm>>) target_semaphore(%arg23 : memref<!tpu.dma_semaphore, #tpu.memory_space<semaphore_mem>>)
      %add3A_1441 = arith.constant 5 : i32
      %add3A_1442 = arith.addi %add3A_1430, %add3A_1441 : i32
      %sub3A_1443 = arith.constant 1 : i32
      %sub3A_1444 = arith.subi %add3A_1442, %sub3A_1443 : i32
      %lt3A_1445 = arith.constant 200 : i32
      %lt3A_1446 = arith.cmpi slt, %sub3A_1444, %lt3A_1445 : i32
      %convert_element_type3A_1447 = arith.extui %lt3A_1446 : i1 to i32
      %cond3A_1448 = arith.constant 0 : i32
      %cond3A_1449 = arith.cmpi ne, %convert_element_type3A_1447, %cond3A_1448 : i32
      scf.if %cond3A_1449 {
        %ge3A = arith.constant 1 : i32
        %ge3A_1492 = arith.cmpi sge, %add3A_1430, %ge3A : i32
        %convert_element_type3A_1493 = arith.extui %ge3A_1492 : i1 to i32
        %cond3A_1494 = arith.constant 0 : i32
        %cond3A_1495 = arith.cmpi ne, %convert_element_type3A_1493, %cond3A_1494 : i32
        scf.if %cond3A_1495 {
          %sub3A_1863 = arith.constant 1 : i32
          %sub3A_1864 = arith.subi %add3A_1430, %sub3A_1863 : i32
          %mul3A_1865 = arith.constant 128 : i32
          %mul3A_1866 = arith.muli %sub3A_1864, %mul3A_1865 : i32
          %add3A_1867 = arith.addi %mul3A_4, %mul3A_1866 : i32
          %dma_wait3A_1868 = arith.constant 0 : i32
          %dma_wait3A_1869 = tpu.memref_slice %arg4[%add3A_1867, %dma_wait3A_1868] : memref<819200x128xf32, #tpu.memory_space<hbm>> -> memref<128x128xf32, #tpu.memory_space<hbm>>
          %dma_wait3A_1870 = arith.constant 0 : i32
          %dma_wait3A_1871 = tpu.memref_slice %arg4[%add3A_1867, %dma_wait3A_1870] : memref<819200x128xf32, #tpu.memory_space<hbm>> -> memref<128x128xf32, #tpu.memory_space<hbm>>
          tpu.wait_dma2 semaphore(%arg22 : memref<!tpu.dma_semaphore, #tpu.memory_space<semaphore_mem>>) src(%arg12 : memref<128x128xf32, #tpu.memory_space<vmem>>) dst(%dma_wait3A_1871 : memref<128x128xf32, #tpu.memory_space<hbm>>)
        } else {
        }
        %add3A_1496 = arith.constant 5 : i32
        %add3A_1497 = arith.addi %add3A_1430, %add3A_1496 : i32
        %sub3A_1498 = arith.constant 1 : i32
        %sub3A_1499 = arith.subi %add3A_1497, %sub3A_1498 : i32
        %iota3A_1500 = tpu.iota {dimensions = array<i32: 0>} : vector<16xi32>
        %mul3A_1501 = arith.constant 128 : i32
        %mul3A_1502 = arith.muli %mul3A_1501, %sub3A_1499 : i32
        %add3A_1503 = arith.constant 0 : i32
        %add3A_1504 = arith.addi %mul3A_1502, %add3A_1503 : i32
        %add3A_1505 = vector.broadcast %add3A_1504 : i32 to vector<16xi32>
        %add3A_1506 = arith.addi %iota3A_1500, %add3A_1505 : vector<16xi32>
        %jit3A_1507 = arith.constant 200 : i32
        %div3A_1508 = vector.broadcast %jit3A_1507 : i32 to vector<16xi32>
        %div3A_1509 = arith.divsi %add3A_1506, %div3A_1508 : vector<16xi32>
        %sign3A_1510 = arith.constant 0 : i32
        %sign3A_1511 = vector.broadcast %sign3A_1510 : i32 to vector<16xi32>
        %sign3A_1512 = arith.cmpi sgt, %add3A_1506, %sign3A_1511 : vector<16xi32>
        %sign3A_1513 = arith.extui %sign3A_1512 : vector<16xi1> to vector<16xi32>
        %sign3A_1514 = arith.constant 0 : i32
        %sign3A_1515 = vector.broadcast %sign3A_1514 : i32 to vector<16xi32>
        %sign3A_1516 = arith.cmpi slt, %add3A_1506, %sign3A_1515 : vector<16xi32>
        %sign3A_1517 = arith.extui %sign3A_1516 : vector<16xi1> to vector<16xi32>
        %sign3A_1518 = arith.subi %sign3A_1513, %sign3A_1517 : vector<16xi32>
        %sign3A_1519 = arith.constant 0 : i32
        %sign3A_1520 = arith.cmpi sgt, %jit3A_1507, %sign3A_1519 : i32
        %sign3A_1521 = arith.extui %sign3A_1520 : i1 to i32
        %sign3A_1522 = arith.constant 0 : i32
        %sign3A_1523 = arith.cmpi slt, %jit3A_1507, %sign3A_1522 : i32
        %sign3A_1524 = arith.extui %sign3A_1523 : i1 to i32
        %sign3A_1525 = arith.subi %sign3A_1521, %sign3A_1524 : i32
        %ne3A_1526 = vector.broadcast %sign3A_1525 : i32 to vector<16xi32>
        %ne3A_1527 = arith.cmpi ne, %sign3A_1518, %ne3A_1526 : vector<16xi32>
        %rem3A_1528 = vector.broadcast %jit3A_1507 : i32 to vector<16xi32>
        %rem3A_1529 = arith.remsi %add3A_1506, %rem3A_1528 : vector<16xi32>
        %ne3A_1530 = arith.constant 0 : i32
        %ne3A_1531 = vector.broadcast %ne3A_1530 : i32 to vector<16xi32>
        %ne3A_1532 = arith.cmpi ne, %rem3A_1529, %ne3A_1531 : vector<16xi32>
        %and3A_1533 = arith.andi %ne3A_1527, %ne3A_1532 : vector<16xi1>
        %sub3A_1534 = arith.constant 1 : i32
        %sub3A_1535 = vector.broadcast %sub3A_1534 : i32 to vector<16xi32>
        %sub3A_1536 = arith.subi %div3A_1509, %sub3A_1535 : vector<16xi32>
        %select_n3A_1537 = arith.select %and3A_1533, %sub3A_1536, %div3A_1509 : vector<16xi1>, vector<16xi32>
        %mul3A_1538 = arith.constant 200 : i32
        %mul3A_1539 = vector.broadcast %mul3A_1538 : i32 to vector<16xi32>
        %mul3A_1540 = arith.muli %select_n3A_1537, %mul3A_1539 : vector<16xi32>
        %sub3A_1541 = arith.subi %add3A_1506, %mul3A_1540 : vector<16xi32>
        %gather3A_1542 = tpu.vector_load_idx %arg5[%sub3A_1541, %select_n3A_1537] : memref<200x128xi32, #tpu.memory_space<vmem>>[vector<16xi32>, vector<16xi32>], vector<16xi32>,
        %swap3A_1543 = arith.constant 0 : index
        %swap3A_1544 = tpu.vector_load %arg7[%swap3A_1543] {strides = array<i32>} : memref<128xi32, #tpu.memory_space<vmem>>, vector<16xi32>,
        tpu.vector_store %arg7[%swap3A_1543], %gather3A_1542 {strides = array<i32>} : memref<128xi32, #tpu.memory_space<vmem>>, vector<16xi32>,
        %iota3A_1545 = tpu.iota {dimensions = array<i32: 0>} : vector<16xi32>
        %mul3A_1546 = arith.constant 128 : i32
        %mul3A_1547 = arith.muli %mul3A_1546, %sub3A_1499 : i32
        %add3A_1548 = arith.constant 16 : i32
        %add3A_1549 = arith.addi %mul3A_1547, %add3A_1548 : i32
        %add3A_1550 = vector.broadcast %add3A_1549 : i32 to vector<16xi32>
        %add3A_1551 = arith.addi %iota3A_1545, %add3A_1550 : vector<16xi32>
        %jit3A_1552 = arith.constant 200 : i32
        %div3A_1553 = vector.broadcast %jit3A_1552 : i32 to vector<16xi32>
        %div3A_1554 = arith.divsi %add3A_1551, %div3A_1553 : vector<16xi32>
        %sign3A_1555 = arith.constant 0 : i32
        %sign3A_1556 = vector.broadcast %sign3A_1555 : i32 to vector<16xi32>
        %sign3A_1557 = arith.cmpi sgt, %add3A_1551, %sign3A_1556 : vector<16xi32>
        %sign3A_1558 = arith.extui %sign3A_1557 : vector<16xi1> to vector<16xi32>
        %sign3A_1559 = arith.constant 0 : i32
        %sign3A_1560 = vector.broadcast %sign3A_1559 : i32 to vector<16xi32>
        %sign3A_1561 = arith.cmpi slt, %add3A_1551, %sign3A_1560 : vector<16xi32>
        %sign3A_1562 = arith.extui %sign3A_1561 : vector<16xi1> to vector<16xi32>
        %sign3A_1563 = arith.subi %sign3A_1558, %sign3A_1562 : vector<16xi32>
        %sign3A_1564 = arith.constant 0 : i32
        %sign3A_1565 = arith.cmpi sgt, %jit3A_1552, %sign3A_1564 : i32
        %sign3A_1566 = arith.extui %sign3A_1565 : i1 to i32
        %sign3A_1567 = arith.constant 0 : i32
        %sign3A_1568 = arith.cmpi slt, %jit3A_1552, %sign3A_1567 : i32
        %sign3A_1569 = arith.extui %sign3A_1568 : i1 to i32
        %sign3A_1570 = arith.subi %sign3A_1566, %sign3A_1569 : i32
        %ne3A_1571 = vector.broadcast %sign3A_1570 : i32 to vector<16xi32>
        %ne3A_1572 = arith.cmpi ne, %sign3A_1563, %ne3A_1571 : vector<16xi32>
        %rem3A_1573 = vector.broadcast %jit3A_1552 : i32 to vector<16xi32>
        %rem3A_1574 = arith.remsi %add3A_1551, %rem3A_1573 : vector<16xi32>
        %ne3A_1575 = arith.constant 0 : i32
        %ne3A_1576 = vector.broadcast %ne3A_1575 : i32 to vector<16xi32>
        %ne3A_1577 = arith.cmpi ne, %rem3A_1574, %ne3A_1576 : vector<16xi32>
        %and3A_1578 = arith.andi %ne3A_1572, %ne3A_1577 : vector<16xi1>
        %sub3A_1579 = arith.constant 1 : i32
        %sub3A_1580 = vector.broadcast %sub3A_1579 : i32 to vector<16xi32>
        %sub3A_1581 = arith.subi %div3A_1554, %sub3A_1580 : vector<16xi32>
        %select_n3A_1582 = arith.select %and3A_1578, %sub3A_1581, %div3A_1554 : vector<16xi1>, vector<16xi32>
        %mul3A_1583 = arith.constant 200 : i32
        %mul3A_1584 = vector.broadcast %mul3A_1583 : i32 to vector<16xi32>
        %mul3A_1585 = arith.muli %select_n3A_1582, %mul3A_1584 : vector<16xi32>
        %sub3A_1586 = arith.subi %add3A_1551, %mul3A_1585 : vector<16xi32>
        %gather3A_1587 = tpu.vector_load_idx %arg5[%sub3A_1586, %select_n3A_1582] : memref<200x128xi32, #tpu.memory_space<vmem>>[vector<16xi32>, vector<16xi32>], vector<16xi32>,
        %swap3A_1588 = arith.constant 16 : index
        %swap3A_1589 = tpu.vector_load %arg7[%swap3A_1588] {strides = array<i32>} : memref<128xi32, #tpu.memory_space<vmem>>, vector<16xi32>,
        tpu.vector_store %arg7[%swap3A_1588], %gather3A_1587 {strides = array<i32>} : memref<128xi32, #tpu.memory_space<vmem>>, vector<16xi32>,
        %iota3A_1590 = tpu.iota {dimensions = array<i32: 0>} : vector<16xi32>
        %mul3A_1591 = arith.constant 128 : i32
        %mul3A_1592 = arith.muli %mul3A_1591, %sub3A_1499 : i32
        %add3A_1593 = arith.constant 32 : i32
        %add3A_1594 = arith.addi %mul3A_1592, %add3A_1593 : i32
        %add3A_1595 = vector.broadcast %add3A_1594 : i32 to vector<16xi32>
        %add3A_1596 = arith.addi %iota3A_1590, %add3A_1595 : vector<16xi32>
        %jit3A_1597 = arith.constant 200 : i32
        %div3A_1598 = vector.broadcast %jit3A_1597 : i32 to vector<16xi32>
        %div3A_1599 = arith.divsi %add3A_1596, %div3A_1598 : vector<16xi32>
        %sign3A_1600 = arith.constant 0 : i32
        %sign3A_1601 = vector.broadcast %sign3A_1600 : i32 to vector<16xi32>
        %sign3A_1602 = arith.cmpi sgt, %add3A_1596, %sign3A_1601 : vector<16xi32>
        %sign3A_1603 = arith.extui %sign3A_1602 : vector<16xi1> to vector<16xi32>
        %sign3A_1604 = arith.constant 0 : i32
        %sign3A_1605 = vector.broadcast %sign3A_1604 : i32 to vector<16xi32>
        %sign3A_1606 = arith.cmpi slt, %add3A_1596, %sign3A_1605 : vector<16xi32>
        %sign3A_1607 = arith.extui %sign3A_1606 : vector<16xi1> to vector<16xi32>
        %sign3A_1608 = arith.subi %sign3A_1603, %sign3A_1607 : vector<16xi32>
        %sign3A_1609 = arith.constant 0 : i32
        %sign3A_1610 = arith.cmpi sgt, %jit3A_1597, %sign3A_1609 : i32
        %sign3A_1611 = arith.extui %sign3A_1610 : i1 to i32
        %sign3A_1612 = arith.constant 0 : i32
        %sign3A_1613 = arith.cmpi slt, %jit3A_1597, %sign3A_1612 : i32
        %sign3A_1614 = arith.extui %sign3A_1613 : i1 to i32
        %sign3A_1615 = arith.subi %sign3A_1611, %sign3A_1614 : i32
        %ne3A_1616 = vector.broadcast %sign3A_1615 : i32 to vector<16xi32>
        %ne3A_1617 = arith.cmpi ne, %sign3A_1608, %ne3A_1616 : vector<16xi32>
        %rem3A_1618 = vector.broadcast %jit3A_1597 : i32 to vector<16xi32>
        %rem3A_1619 = arith.remsi %add3A_1596, %rem3A_1618 : vector<16xi32>
        %ne3A_1620 = arith.constant 0 : i32
        %ne3A_1621 = vector.broadcast %ne3A_1620 : i32 to vector<16xi32>
        %ne3A_1622 = arith.cmpi ne, %rem3A_1619, %ne3A_1621 : vector<16xi32>
        %and3A_1623 = arith.andi %ne3A_1617, %ne3A_1622 : vector<16xi1>
        %sub3A_1624 = arith.constant 1 : i32
        %sub3A_1625 = vector.broadcast %sub3A_1624 : i32 to vector<16xi32>
        %sub3A_1626 = arith.subi %div3A_1599, %sub3A_1625 : vector<16xi32>
        %select_n3A_1627 = arith.select %and3A_1623, %sub3A_1626, %div3A_1599 : vector<16xi1>, vector<16xi32>
        %mul3A_1628 = arith.constant 200 : i32
        %mul3A_1629 = vector.broadcast %mul3A_1628 : i32 to vector<16xi32>
        %mul3A_1630 = arith.muli %select_n3A_1627, %mul3A_1629 : vector<16xi32>
        %sub3A_1631 = arith.subi %add3A_1596, %mul3A_1630 : vector<16xi32>
        %gather3A_1632 = tpu.vector_load_idx %arg5[%sub3A_1631, %select_n3A_1627] : memref<200x128xi32, #tpu.memory_space<vmem>>[vector<16xi32>, vector<16xi32>], vector<16xi32>,
        %swap3A_1633 = arith.constant 32 : index
        %swap3A_1634 = tpu.vector_load %arg7[%swap3A_1633] {strides = array<i32>} : memref<128xi32, #tpu.memory_space<vmem>>, vector<16xi32>,
        tpu.vector_store %arg7[%swap3A_1633], %gather3A_1632 {strides = array<i32>} : memref<128xi32, #tpu.memory_space<vmem>>, vector<16xi32>,
        %iota3A_1635 = tpu.iota {dimensions = array<i32: 0>} : vector<16xi32>
        %mul3A_1636 = arith.constant 128 : i32
        %mul3A_1637 = arith.muli %mul3A_1636, %sub3A_1499 : i32
        %add3A_1638 = arith.constant 48 : i32
        %add3A_1639 = arith.addi %mul3A_1637, %add3A_1638 : i32
        %add3A_1640 = vector.broadcast %add3A_1639 : i32 to vector<16xi32>
        %add3A_1641 = arith.addi %iota3A_1635, %add3A_1640 : vector<16xi32>
        %jit3A_1642 = arith.constant 200 : i32
        %div3A_1643 = vector.broadcast %jit3A_1642 : i32 to vector<16xi32>
        %div3A_1644 = arith.divsi %add3A_1641, %div3A_1643 : vector<16xi32>
        %sign3A_1645 = arith.constant 0 : i32
        %sign3A_1646 = vector.broadcast %sign3A_1645 : i32 to vector<16xi32>
        %sign3A_1647 = arith.cmpi sgt, %add3A_1641, %sign3A_1646 : vector<16xi32>
        %sign3A_1648 = arith.extui %sign3A_1647 : vector<16xi1> to vector<16xi32>
        %sign3A_1649 = arith.constant 0 : i32
        %sign3A_1650 = vector.broadcast %sign3A_1649 : i32 to vector<16xi32>
        %sign3A_1651 = arith.cmpi slt, %add3A_1641, %sign3A_1650 : vector<16xi32>
        %sign3A_1652 = arith.extui %sign3A_1651 : vector<16xi1> to vector<16xi32>
        %sign3A_1653 = arith.subi %sign3A_1648, %sign3A_1652 : vector<16xi32>
        %sign3A_1654 = arith.constant 0 : i32
        %sign3A_1655 = arith.cmpi sgt, %jit3A_1642, %sign3A_1654 : i32
        %sign3A_1656 = arith.extui %sign3A_1655 : i1 to i32
        %sign3A_1657 = arith.constant 0 : i32
        %sign3A_1658 = arith.cmpi slt, %jit3A_1642, %sign3A_1657 : i32
        %sign3A_1659 = arith.extui %sign3A_1658 : i1 to i32
        %sign3A_1660 = arith.subi %sign3A_1656, %sign3A_1659 : i32
        %ne3A_1661 = vector.broadcast %sign3A_1660 : i32 to vector<16xi32>
        %ne3A_1662 = arith.cmpi ne, %sign3A_1653, %ne3A_1661 : vector<16xi32>
        %rem3A_1663 = vector.broadcast %jit3A_1642 : i32 to vector<16xi32>
        %rem3A_1664 = arith.remsi %add3A_1641, %rem3A_1663 : vector<16xi32>
        %ne3A_1665 = arith.constant 0 : i32
        %ne3A_1666 = vector.broadcast %ne3A_1665 : i32 to vector<16xi32>
        %ne3A_1667 = arith.cmpi ne, %rem3A_1664, %ne3A_1666 : vector<16xi32>
        %and3A_1668 = arith.andi %ne3A_1662, %ne3A_1667 : vector<16xi1>
        %sub3A_1669 = arith.constant 1 : i32
        %sub3A_1670 = vector.broadcast %sub3A_1669 : i32 to vector<16xi32>
        %sub3A_1671 = arith.subi %div3A_1644, %sub3A_1670 : vector<16xi32>
        %select_n3A_1672 = arith.select %and3A_1668, %sub3A_1671, %div3A_1644 : vector<16xi1>, vector<16xi32>
        %mul3A_1673 = arith.constant 200 : i32
        %mul3A_1674 = vector.broadcast %mul3A_1673 : i32 to vector<16xi32>
        %mul3A_1675 = arith.muli %select_n3A_1672, %mul3A_1674 : vector<16xi32>
        %sub3A_1676 = arith.subi %add3A_1641, %mul3A_1675 : vector<16xi32>
        %gather3A_1677 = tpu.vector_load_idx %arg5[%sub3A_1676, %select_n3A_1672] : memref<200x128xi32, #tpu.memory_space<vmem>>[vector<16xi32>, vector<16xi32>], vector<16xi32>,
        %swap3A_1678 = arith.constant 48 : index
        %swap3A_1679 = tpu.vector_load %arg7[%swap3A_1678] {strides = array<i32>} : memref<128xi32, #tpu.memory_space<vmem>>, vector<16xi32>,
        tpu.vector_store %arg7[%swap3A_1678], %gather3A_1677 {strides = array<i32>} : memref<128xi32, #tpu.memory_space<vmem>>, vector<16xi32>,
        %iota3A_1680 = tpu.iota {dimensions = array<i32: 0>} : vector<16xi32>
        %mul3A_1681 = arith.constant 128 : i32
        %mul3A_1682 = arith.muli %mul3A_1681, %sub3A_1499 : i32
        %add3A_1683 = arith.constant 64 : i32
        %add3A_1684 = arith.addi %mul3A_1682, %add3A_1683 : i32
        %add3A_1685 = vector.broadcast %add3A_1684 : i32 to vector<16xi32>
        %add3A_1686 = arith.addi %iota3A_1680, %add3A_1685 : vector<16xi32>
        %jit3A_1687 = arith.constant 200 : i32
        %div3A_1688 = vector.broadcast %jit3A_1687 : i32 to vector<16xi32>
        %div3A_1689 = arith.divsi %add3A_1686, %div3A_1688 : vector<16xi32>
        %sign3A_1690 = arith.constant 0 : i32
        %sign3A_1691 = vector.broadcast %sign3A_1690 : i32 to vector<16xi32>
        %sign3A_1692 = arith.cmpi sgt, %add3A_1686, %sign3A_1691 : vector<16xi32>
        %sign3A_1693 = arith.extui %sign3A_1692 : vector<16xi1> to vector<16xi32>
        %sign3A_1694 = arith.constant 0 : i32
        %sign3A_1695 = vector.broadcast %sign3A_1694 : i32 to vector<16xi32>
        %sign3A_1696 = arith.cmpi slt, %add3A_1686, %sign3A_1695 : vector<16xi32>
        %sign3A_1697 = arith.extui %sign3A_1696 : vector<16xi1> to vector<16xi32>
        %sign3A_1698 = arith.subi %sign3A_1693, %sign3A_1697 : vector<16xi32>
        %sign3A_1699 = arith.constant 0 : i32
        %sign3A_1700 = arith.cmpi sgt, %jit3A_1687, %sign3A_1699 : i32
        %sign3A_1701 = arith.extui %sign3A_1700 : i1 to i32
        %sign3A_1702 = arith.constant 0 : i32
        %sign3A_1703 = arith.cmpi slt, %jit3A_1687, %sign3A_1702 : i32
        %sign3A_1704 = arith.extui %sign3A_1703 : i1 to i32
        %sign3A_1705 = arith.subi %sign3A_1701, %sign3A_1704 : i32
        %ne3A_1706 = vector.broadcast %sign3A_1705 : i32 to vector<16xi32>
        %ne3A_1707 = arith.cmpi ne, %sign3A_1698, %ne3A_1706 : vector<16xi32>
        %rem3A_1708 = vector.broadcast %jit3A_1687 : i32 to vector<16xi32>
        %rem3A_1709 = arith.remsi %add3A_1686, %rem3A_1708 : vector<16xi32>
        %ne3A_1710 = arith.constant 0 : i32
        %ne3A_1711 = vector.broadcast %ne3A_1710 : i32 to vector<16xi32>
        %ne3A_1712 = arith.cmpi ne, %rem3A_1709, %ne3A_1711 : vector<16xi32>
        %and3A_1713 = arith.andi %ne3A_1707, %ne3A_1712 : vector<16xi1>
        %sub3A_1714 = arith.constant 1 : i32
        %sub3A_1715 = vector.broadcast %sub3A_1714 : i32 to vector<16xi32>
        %sub3A_1716 = arith.subi %div3A_1689, %sub3A_1715 : vector<16xi32>
        %select_n3A_1717 = arith.select %and3A_1713, %sub3A_1716, %div3A_1689 : vector<16xi1>, vector<16xi32>
        %mul3A_1718 = arith.constant 200 : i32
        %mul3A_1719 = vector.broadcast %mul3A_1718 : i32 to vector<16xi32>
        %mul3A_1720 = arith.muli %select_n3A_1717, %mul3A_1719 : vector<16xi32>
        %sub3A_1721 = arith.subi %add3A_1686, %mul3A_1720 : vector<16xi32>
        %gather3A_1722 = tpu.vector_load_idx %arg5[%sub3A_1721, %select_n3A_1717] : memref<200x128xi32, #tpu.memory_space<vmem>>[vector<16xi32>, vector<16xi32>], vector<16xi32>,
        %swap3A_1723 = arith.constant 64 : index
        %swap3A_1724 = tpu.vector_load %arg7[%swap3A_1723] {strides = array<i32>} : memref<128xi32, #tpu.memory_space<vmem>>, vector<16xi32>,
        tpu.vector_store %arg7[%swap3A_1723], %gather3A_1722 {strides = array<i32>} : memref<128xi32, #tpu.memory_space<vmem>>, vector<16xi32>,
        %iota3A_1725 = tpu.iota {dimensions = array<i32: 0>} : vector<16xi32>
        %mul3A_1726 = arith.constant 128 : i32
        %mul3A_1727 = arith.muli %mul3A_1726, %sub3A_1499 : i32
        %add3A_1728 = arith.constant 80 : i32
        %add3A_1729 = arith.addi %mul3A_1727, %add3A_1728 : i32
        %add3A_1730 = vector.broadcast %add3A_1729 : i32 to vector<16xi32>
        %add3A_1731 = arith.addi %iota3A_1725, %add3A_1730 : vector<16xi32>
        %jit3A_1732 = arith.constant 200 : i32
        %div3A_1733 = vector.broadcast %jit3A_1732 : i32 to vector<16xi32>
        %div3A_1734 = arith.divsi %add3A_1731, %div3A_1733 : vector<16xi32>
        %sign3A_1735 = arith.constant 0 : i32
        %sign3A_1736 = vector.broadcast %sign3A_1735 : i32 to vector<16xi32>
        %sign3A_1737 = arith.cmpi sgt, %add3A_1731, %sign3A_1736 : vector<16xi32>
        %sign3A_1738 = arith.extui %sign3A_1737 : vector<16xi1> to vector<16xi32>
        %sign3A_1739 = arith.constant 0 : i32
        %sign3A_1740 = vector.broadcast %sign3A_1739 : i32 to vector<16xi32>
        %sign3A_1741 = arith.cmpi slt, %add3A_1731, %sign3A_1740 : vector<16xi32>
        %sign3A_1742 = arith.extui %sign3A_1741 : vector<16xi1> to vector<16xi32>
        %sign3A_1743 = arith.subi %sign3A_1738, %sign3A_1742 : vector<16xi32>
        %sign3A_1744 = arith.constant 0 : i32
        %sign3A_1745 = arith.cmpi sgt, %jit3A_1732, %sign3A_1744 : i32
        %sign3A_1746 = arith.extui %sign3A_1745 : i1 to i32
        %sign3A_1747 = arith.constant 0 : i32
        %sign3A_1748 = arith.cmpi slt, %jit3A_1732, %sign3A_1747 : i32
        %sign3A_1749 = arith.extui %sign3A_1748 : i1 to i32
        %sign3A_1750 = arith.subi %sign3A_1746, %sign3A_1749 : i32
        %ne3A_1751 = vector.broadcast %sign3A_1750 : i32 to vector<16xi32>
        %ne3A_1752 = arith.cmpi ne, %sign3A_1743, %ne3A_1751 : vector<16xi32>
        %rem3A_1753 = vector.broadcast %jit3A_1732 : i32 to vector<16xi32>
        %rem3A_1754 = arith.remsi %add3A_1731, %rem3A_1753 : vector<16xi32>
        %ne3A_1755 = arith.constant 0 : i32
        %ne3A_1756 = vector.broadcast %ne3A_1755 : i32 to vector<16xi32>
        %ne3A_1757 = arith.cmpi ne, %rem3A_1754, %ne3A_1756 : vector<16xi32>
        %and3A_1758 = arith.andi %ne3A_1752, %ne3A_1757 : vector<16xi1>
        %sub3A_1759 = arith.constant 1 : i32
        %sub3A_1760 = vector.broadcast %sub3A_1759 : i32 to vector<16xi32>
        %sub3A_1761 = arith.subi %div3A_1734, %sub3A_1760 : vector<16xi32>
        %select_n3A_1762 = arith.select %and3A_1758, %sub3A_1761, %div3A_1734 : vector<16xi1>, vector<16xi32>
        %mul3A_1763 = arith.constant 200 : i32
        %mul3A_1764 = vector.broadcast %mul3A_1763 : i32 to vector<16xi32>
        %mul3A_1765 = arith.muli %select_n3A_1762, %mul3A_1764 : vector<16xi32>
        %sub3A_1766 = arith.subi %add3A_1731, %mul3A_1765 : vector<16xi32>
        %gather3A_1767 = tpu.vector_load_idx %arg5[%sub3A_1766, %select_n3A_1762] : memref<200x128xi32, #tpu.memory_space<vmem>>[vector<16xi32>, vector<16xi32>], vector<16xi32>,
        %swap3A_1768 = arith.constant 80 : index
        %swap3A_1769 = tpu.vector_load %arg7[%swap3A_1768] {strides = array<i32>} : memref<128xi32, #tpu.memory_space<vmem>>, vector<16xi32>,
        tpu.vector_store %arg7[%swap3A_1768], %gather3A_1767 {strides = array<i32>} : memref<128xi32, #tpu.memory_space<vmem>>, vector<16xi32>,
        %iota3A_1770 = tpu.iota {dimensions = array<i32: 0>} : vector<16xi32>
        %mul3A_1771 = arith.constant 128 : i32
        %mul3A_1772 = arith.muli %mul3A_1771, %sub3A_1499 : i32
        %add3A_1773 = arith.constant 96 : i32
        %add3A_1774 = arith.addi %mul3A_1772, %add3A_1773 : i32
        %add3A_1775 = vector.broadcast %add3A_1774 : i32 to vector<16xi32>
        %add3A_1776 = arith.addi %iota3A_1770, %add3A_1775 : vector<16xi32>
        %jit3A_1777 = arith.constant 200 : i32
        %div3A_1778 = vector.broadcast %jit3A_1777 : i32 to vector<16xi32>
        %div3A_1779 = arith.divsi %add3A_1776, %div3A_1778 : vector<16xi32>
        %sign3A_1780 = arith.constant 0 : i32
        %sign3A_1781 = vector.broadcast %sign3A_1780 : i32 to vector<16xi32>
        %sign3A_1782 = arith.cmpi sgt, %add3A_1776, %sign3A_1781 : vector<16xi32>
        %sign3A_1783 = arith.extui %sign3A_1782 : vector<16xi1> to vector<16xi32>
        %sign3A_1784 = arith.constant 0 : i32
        %sign3A_1785 = vector.broadcast %sign3A_1784 : i32 to vector<16xi32>
        %sign3A_1786 = arith.cmpi slt, %add3A_1776, %sign3A_1785 : vector<16xi32>
        %sign3A_1787 = arith.extui %sign3A_1786 : vector<16xi1> to vector<16xi32>
        %sign3A_1788 = arith.subi %sign3A_1783, %sign3A_1787 : vector<16xi32>
        %sign3A_1789 = arith.constant 0 : i32
        %sign3A_1790 = arith.cmpi sgt, %jit3A_1777, %sign3A_1789 : i32
        %sign3A_1791 = arith.extui %sign3A_1790 : i1 to i32
        %sign3A_1792 = arith.constant 0 : i32
        %sign3A_1793 = arith.cmpi slt, %jit3A_1777, %sign3A_1792 : i32
        %sign3A_1794 = arith.extui %sign3A_1793 : i1 to i32
        %sign3A_1795 = arith.subi %sign3A_1791, %sign3A_1794 : i32
        %ne3A_1796 = vector.broadcast %sign3A_1795 : i32 to vector<16xi32>
        %ne3A_1797 = arith.cmpi ne, %sign3A_1788, %ne3A_1796 : vector<16xi32>
        %rem3A_1798 = vector.broadcast %jit3A_1777 : i32 to vector<16xi32>
        %rem3A_1799 = arith.remsi %add3A_1776, %rem3A_1798 : vector<16xi32>
        %ne3A_1800 = arith.constant 0 : i32
        %ne3A_1801 = vector.broadcast %ne3A_1800 : i32 to vector<16xi32>
        %ne3A_1802 = arith.cmpi ne, %rem3A_1799, %ne3A_1801 : vector<16xi32>
        %and3A_1803 = arith.andi %ne3A_1797, %ne3A_1802 : vector<16xi1>
        %sub3A_1804 = arith.constant 1 : i32
        %sub3A_1805 = vector.broadcast %sub3A_1804 : i32 to vector<16xi32>
        %sub3A_1806 = arith.subi %div3A_1779, %sub3A_1805 : vector<16xi32>
        %select_n3A_1807 = arith.select %and3A_1803, %sub3A_1806, %div3A_1779 : vector<16xi1>, vector<16xi32>
        %mul3A_1808 = arith.constant 200 : i32
        %mul3A_1809 = vector.broadcast %mul3A_1808 : i32 to vector<16xi32>
        %mul3A_1810 = arith.muli %select_n3A_1807, %mul3A_1809 : vector<16xi32>
        %sub3A_1811 = arith.subi %add3A_1776, %mul3A_1810 : vector<16xi32>
        %gather3A_1812 = tpu.vector_load_idx %arg5[%sub3A_1811, %select_n3A_1807] : memref<200x128xi32, #tpu.memory_space<vmem>>[vector<16xi32>, vector<16xi32>], vector<16xi32>,
        %swap3A_1813 = arith.constant 96 : index
        %swap3A_1814 = tpu.vector_load %arg7[%swap3A_1813] {strides = array<i32>} : memref<128xi32, #tpu.memory_space<vmem>>, vector<16xi32>,
        tpu.vector_store %arg7[%swap3A_1813], %gather3A_1812 {strides = array<i32>} : memref<128xi32, #tpu.memory_space<vmem>>, vector<16xi32>,
        %iota3A_1815 = tpu.iota {dimensions = array<i32: 0>} : vector<16xi32>
        %mul3A_1816 = arith.constant 128 : i32
        %mul3A_1817 = arith.muli %mul3A_1816, %sub3A_1499 : i32
        %add3A_1818 = arith.constant 112 : i32
        %add3A_1819 = arith.addi %mul3A_1817, %add3A_1818 : i32
        %add3A_1820 = vector.broadcast %add3A_1819 : i32 to vector<16xi32>
        %add3A_1821 = arith.addi %iota3A_1815, %add3A_1820 : vector<16xi32>
        %jit3A_1822 = arith.constant 200 : i32
        %div3A_1823 = vector.broadcast %jit3A_1822 : i32 to vector<16xi32>
        %div3A_1824 = arith.divsi %add3A_1821, %div3A_1823 : vector<16xi32>
        %sign3A_1825 = arith.constant 0 : i32
        %sign3A_1826 = vector.broadcast %sign3A_1825 : i32 to vector<16xi32>
        %sign3A_1827 = arith.cmpi sgt, %add3A_1821, %sign3A_1826 : vector<16xi32>
        %sign3A_1828 = arith.extui %sign3A_1827 : vector<16xi1> to vector<16xi32>
        %sign3A_1829 = arith.constant 0 : i32
        %sign3A_1830 = vector.broadcast %sign3A_1829 : i32 to vector<16xi32>
        %sign3A_1831 = arith.cmpi slt, %add3A_1821, %sign3A_1830 : vector<16xi32>
        %sign3A_1832 = arith.extui %sign3A_1831 : vector<16xi1> to vector<16xi32>
        %sign3A_1833 = arith.subi %sign3A_1828, %sign3A_1832 : vector<16xi32>
        %sign3A_1834 = arith.constant 0 : i32
        %sign3A_1835 = arith.cmpi sgt, %jit3A_1822, %sign3A_1834 : i32
        %sign3A_1836 = arith.extui %sign3A_1835 : i1 to i32
        %sign3A_1837 = arith.constant 0 : i32
        %sign3A_1838 = arith.cmpi slt, %jit3A_1822, %sign3A_1837 : i32
        %sign3A_1839 = arith.extui %sign3A_1838 : i1 to i32
        %sign3A_1840 = arith.subi %sign3A_1836, %sign3A_1839 : i32
        %ne3A_1841 = vector.broadcast %sign3A_1840 : i32 to vector<16xi32>
        %ne3A_1842 = arith.cmpi ne, %sign3A_1833, %ne3A_1841 : vector<16xi32>
        %rem3A_1843 = vector.broadcast %jit3A_1822 : i32 to vector<16xi32>
        %rem3A_1844 = arith.remsi %add3A_1821, %rem3A_1843 : vector<16xi32>
        %ne3A_1845 = arith.constant 0 : i32
        %ne3A_1846 = vector.broadcast %ne3A_1845 : i32 to vector<16xi32>
        %ne3A_1847 = arith.cmpi ne, %rem3A_1844, %ne3A_1846 : vector<16xi32>
        %and3A_1848 = arith.andi %ne3A_1842, %ne3A_1847 : vector<16xi1>
        %sub3A_1849 = arith.constant 1 : i32
        %sub3A_1850 = vector.broadcast %sub3A_1849 : i32 to vector<16xi32>
        %sub3A_1851 = arith.subi %div3A_1824, %sub3A_1850 : vector<16xi32>
        %select_n3A_1852 = arith.select %and3A_1848, %sub3A_1851, %div3A_1824 : vector<16xi1>, vector<16xi32>
        %mul3A_1853 = arith.constant 200 : i32
        %mul3A_1854 = vector.broadcast %mul3A_1853 : i32 to vector<16xi32>
        %mul3A_1855 = arith.muli %select_n3A_1852, %mul3A_1854 : vector<16xi32>
        %sub3A_1856 = arith.subi %add3A_1821, %mul3A_1855 : vector<16xi32>
        %gather3A_1857 = tpu.vector_load_idx %arg5[%sub3A_1856, %select_n3A_1852] : memref<200x128xi32, #tpu.memory_space<vmem>>[vector<16xi32>, vector<16xi32>], vector<16xi32>,
        %swap3A_1858 = arith.constant 112 : index
        %swap3A_1859 = tpu.vector_load %arg7[%swap3A_1858] {strides = array<i32>} : memref<128xi32, #tpu.memory_space<vmem>>, vector<16xi32>,
        tpu.vector_store %arg7[%swap3A_1858], %gather3A_1857 {strides = array<i32>} : memref<128xi32, #tpu.memory_space<vmem>>, vector<16xi32>,
        %dma_start3A_1860 = arith.constant 0 : i32
        %dma_start3A_1861 = arith.constant 0 : i32
        %dma_start3A_1862 = tpu.memref_slice %arg26[%dma_start3A_1860, %dma_start3A_1861] : memref<1440x128xf32, #tpu.memory_space<vmem_shared>> -> memref<1440x128xf32, #tpu.memory_space<vmem_shared>>
        tpu.enqueue_indirect_dma source(%dma_start3A_1862 : memref<1440x128xf32, #tpu.memory_space<vmem_shared>>) target(%arg12 : memref<128x128xf32, #tpu.memory_space<vmem>>) offsets(%arg7 : memref<128xi32, #tpu.memory_space<vmem>>) semaphore(%arg17 : memref<!tpu.dma_semaphore, #tpu.memory_space<semaphore_mem>>)
      } else {
      }
      %add3A_1450 = arith.constant 3 : i32
      %add3A_1451 = arith.addi %mul3A_1387, %add3A_1450 : i32
      %dma_wait3A_1452 = arith.constant 0 : i32
      %dma_wait3A_1453 = arith.constant 0 : i32
      %dma_wait3A_1454 = tpu.memref_slice %arg26[%dma_wait3A_1452, %dma_wait3A_1453] : memref<1440x128xf32, #tpu.memory_space<vmem_shared>> -> memref<1440x128xf32, #tpu.memory_space<vmem_shared>>
      tpu.wait_indirect_dma semaphore(%arg19 : memref<!tpu.dma_semaphore, #tpu.memory_space<semaphore_mem>>) src(%dma_wait3A_1454 : memref<1440x128xf32, #tpu.memory_space<vmem_shared>>) dst(%arg14 : memref<128x128xf32, #tpu.memory_space<vmem>>)
      %mul3A_1455 = arith.constant 128 : i32
      %mul3A_1456 = arith.muli %add3A_1451, %mul3A_1455 : i32
      %add3A_1457 = arith.addi %mul3A_4, %mul3A_1456 : i32
      %dma_start3A_1458 = arith.constant 0 : i32
      %dma_start3A_1459 = tpu.memref_slice %arg4[%add3A_1457, %dma_start3A_1458] : memref<819200x128xf32, #tpu.memory_space<hbm>> -> memref<128x128xf32, #tpu.memory_space<hbm>>
      %dma_start3A_1460 = arith.constant 0 : i32
      %dma_start3A_1461 = tpu.memref_slice %arg4[%add3A_1457, %dma_start3A_1460] : memref<819200x128xf32, #tpu.memory_space<hbm>> -> memref<128x128xf32, #tpu.memory_space<hbm>>
      tpu.enqueue_dma source(%arg14 : memref<128x128xf32, #tpu.memory_space<vmem>>) target(%dma_start3A_1461 : memref<128x128xf32, #tpu.memory_space<hbm>>) target_semaphore(%arg24 : memref<!tpu.dma_semaphore, #tpu.memory_space<semaphore_mem>>)
      %add3A_1462 = arith.constant 5 : i32
      %add3A_1463 = arith.addi %add3A_1451, %add3A_1462 : i32
      %sub3A_1464 = arith.constant 1 : i32
      %sub3A_1465 = arith.subi %add3A_1463, %sub3A_1464 : i32
      %lt3A_1466 = arith.constant 200 : i32
      %lt3A_1467 = arith.cmpi slt, %sub3A_1465, %lt3A_1466 : i32
      %convert_element_type3A_1468 = arith.extui %lt3A_1467 : i1 to i32
      %cond3A_1469 = arith.constant 0 : i32
      %cond3A_1470 = arith.cmpi ne, %convert_element_type3A_1468, %cond3A_1469 : i32
      scf.if %cond3A_1470 {
        %ge3A = arith.constant 1 : i32
        %ge3A_1492 = arith.cmpi sge, %add3A_1451, %ge3A : i32
        %convert_element_type3A_1493 = arith.extui %ge3A_1492 : i1 to i32
        %cond3A_1494 = arith.constant 0 : i32
        %cond3A_1495 = arith.cmpi ne, %convert_element_type3A_1493, %cond3A_1494 : i32
        scf.if %cond3A_1495 {
          %sub3A_1863 = arith.constant 1 : i32
          %sub3A_1864 = arith.subi %add3A_1451, %sub3A_1863 : i32
          %mul3A_1865 = arith.constant 128 : i32
          %mul3A_1866 = arith.muli %sub3A_1864, %mul3A_1865 : i32
          %add3A_1867 = arith.addi %mul3A_4, %mul3A_1866 : i32
          %dma_wait3A_1868 = arith.constant 0 : i32
          %dma_wait3A_1869 = tpu.memref_slice %arg4[%add3A_1867, %dma_wait3A_1868] : memref<819200x128xf32, #tpu.memory_space<hbm>> -> memref<128x128xf32, #tpu.memory_space<hbm>>
          %dma_wait3A_1870 = arith.constant 0 : i32
          %dma_wait3A_1871 = tpu.memref_slice %arg4[%add3A_1867, %dma_wait3A_1870] : memref<819200x128xf32, #tpu.memory_space<hbm>> -> memref<128x128xf32, #tpu.memory_space<hbm>>
          tpu.wait_dma2 semaphore(%arg23 : memref<!tpu.dma_semaphore, #tpu.memory_space<semaphore_mem>>) src(%arg13 : memref<128x128xf32, #tpu.memory_space<vmem>>) dst(%dma_wait3A_1871 : memref<128x128xf32, #tpu.memory_space<hbm>>)
        } else {
        }
        %add3A_1496 = arith.constant 5 : i32
        %add3A_1497 = arith.addi %add3A_1451, %add3A_1496 : i32
        %sub3A_1498 = arith.constant 1 : i32
        %sub3A_1499 = arith.subi %add3A_1497, %sub3A_1498 : i32
        %iota3A_1500 = tpu.iota {dimensions = array<i32: 0>} : vector<16xi32>
        %mul3A_1501 = arith.constant 128 : i32
        %mul3A_1502 = arith.muli %mul3A_1501, %sub3A_1499 : i32
        %add3A_1503 = arith.constant 0 : i32
        %add3A_1504 = arith.addi %mul3A_1502, %add3A_1503 : i32
        %add3A_1505 = vector.broadcast %add3A_1504 : i32 to vector<16xi32>
        %add3A_1506 = arith.addi %iota3A_1500, %add3A_1505 : vector<16xi32>
        %jit3A_1507 = arith.constant 200 : i32
        %div3A_1508 = vector.broadcast %jit3A_1507 : i32 to vector<16xi32>
        %div3A_1509 = arith.divsi %add3A_1506, %div3A_1508 : vector<16xi32>
        %sign3A_1510 = arith.constant 0 : i32
        %sign3A_1511 = vector.broadcast %sign3A_1510 : i32 to vector<16xi32>
        %sign3A_1512 = arith.cmpi sgt, %add3A_1506, %sign3A_1511 : vector<16xi32>
        %sign3A_1513 = arith.extui %sign3A_1512 : vector<16xi1> to vector<16xi32>
        %sign3A_1514 = arith.constant 0 : i32
        %sign3A_1515 = vector.broadcast %sign3A_1514 : i32 to vector<16xi32>
        %sign3A_1516 = arith.cmpi slt, %add3A_1506, %sign3A_1515 : vector<16xi32>
        %sign3A_1517 = arith.extui %sign3A_1516 : vector<16xi1> to vector<16xi32>
        %sign3A_1518 = arith.subi %sign3A_1513, %sign3A_1517 : vector<16xi32>
        %sign3A_1519 = arith.constant 0 : i32
        %sign3A_1520 = arith.cmpi sgt, %jit3A_1507, %sign3A_1519 : i32
        %sign3A_1521 = arith.extui %sign3A_1520 : i1 to i32
        %sign3A_1522 = arith.constant 0 : i32
        %sign3A_1523 = arith.cmpi slt, %jit3A_1507, %sign3A_1522 : i32
        %sign3A_1524 = arith.extui %sign3A_1523 : i1 to i32
        %sign3A_1525 = arith.subi %sign3A_1521, %sign3A_1524 : i32
        %ne3A_1526 = vector.broadcast %sign3A_1525 : i32 to vector<16xi32>
        %ne3A_1527 = arith.cmpi ne, %sign3A_1518, %ne3A_1526 : vector<16xi32>
        %rem3A_1528 = vector.broadcast %jit3A_1507 : i32 to vector<16xi32>
        %rem3A_1529 = arith.remsi %add3A_1506, %rem3A_1528 : vector<16xi32>
        %ne3A_1530 = arith.constant 0 : i32
        %ne3A_1531 = vector.broadcast %ne3A_1530 : i32 to vector<16xi32>
        %ne3A_1532 = arith.cmpi ne, %rem3A_1529, %ne3A_1531 : vector<16xi32>
        %and3A_1533 = arith.andi %ne3A_1527, %ne3A_1532 : vector<16xi1>
        %sub3A_1534 = arith.constant 1 : i32
        %sub3A_1535 = vector.broadcast %sub3A_1534 : i32 to vector<16xi32>
        %sub3A_1536 = arith.subi %div3A_1509, %sub3A_1535 : vector<16xi32>
        %select_n3A_1537 = arith.select %and3A_1533, %sub3A_1536, %div3A_1509 : vector<16xi1>, vector<16xi32>
        %mul3A_1538 = arith.constant 200 : i32
        %mul3A_1539 = vector.broadcast %mul3A_1538 : i32 to vector<16xi32>
        %mul3A_1540 = arith.muli %select_n3A_1537, %mul3A_1539 : vector<16xi32>
        %sub3A_1541 = arith.subi %add3A_1506, %mul3A_1540 : vector<16xi32>
        %gather3A_1542 = tpu.vector_load_idx %arg5[%sub3A_1541, %select_n3A_1537] : memref<200x128xi32, #tpu.memory_space<vmem>>[vector<16xi32>, vector<16xi32>], vector<16xi32>,
        %swap3A_1543 = arith.constant 0 : index
        %swap3A_1544 = tpu.vector_load %arg8[%swap3A_1543] {strides = array<i32>} : memref<128xi32, #tpu.memory_space<vmem>>, vector<16xi32>,
        tpu.vector_store %arg8[%swap3A_1543], %gather3A_1542 {strides = array<i32>} : memref<128xi32, #tpu.memory_space<vmem>>, vector<16xi32>,
        %iota3A_1545 = tpu.iota {dimensions = array<i32: 0>} : vector<16xi32>
        %mul3A_1546 = arith.constant 128 : i32
        %mul3A_1547 = arith.muli %mul3A_1546, %sub3A_1499 : i32
        %add3A_1548 = arith.constant 16 : i32
        %add3A_1549 = arith.addi %mul3A_1547, %add3A_1548 : i32
        %add3A_1550 = vector.broadcast %add3A_1549 : i32 to vector<16xi32>
        %add3A_1551 = arith.addi %iota3A_1545, %add3A_1550 : vector<16xi32>
        %jit3A_1552 = arith.constant 200 : i32
        %div3A_1553 = vector.broadcast %jit3A_1552 : i32 to vector<16xi32>
        %div3A_1554 = arith.divsi %add3A_1551, %div3A_1553 : vector<16xi32>
        %sign3A_1555 = arith.constant 0 : i32
        %sign3A_1556 = vector.broadcast %sign3A_1555 : i32 to vector<16xi32>
        %sign3A_1557 = arith.cmpi sgt, %add3A_1551, %sign3A_1556 : vector<16xi32>
        %sign3A_1558 = arith.extui %sign3A_1557 : vector<16xi1> to vector<16xi32>
        %sign3A_1559 = arith.constant 0 : i32
        %sign3A_1560 = vector.broadcast %sign3A_1559 : i32 to vector<16xi32>
        %sign3A_1561 = arith.cmpi slt, %add3A_1551, %sign3A_1560 : vector<16xi32>
        %sign3A_1562 = arith.extui %sign3A_1561 : vector<16xi1> to vector<16xi32>
        %sign3A_1563 = arith.subi %sign3A_1558, %sign3A_1562 : vector<16xi32>
        %sign3A_1564 = arith.constant 0 : i32
        %sign3A_1565 = arith.cmpi sgt, %jit3A_1552, %sign3A_1564 : i32
        %sign3A_1566 = arith.extui %sign3A_1565 : i1 to i32
        %sign3A_1567 = arith.constant 0 : i32
        %sign3A_1568 = arith.cmpi slt, %jit3A_1552, %sign3A_1567 : i32
        %sign3A_1569 = arith.extui %sign3A_1568 : i1 to i32
        %sign3A_1570 = arith.subi %sign3A_1566, %sign3A_1569 : i32
        %ne3A_1571 = vector.broadcast %sign3A_1570 : i32 to vector<16xi32>
        %ne3A_1572 = arith.cmpi ne, %sign3A_1563, %ne3A_1571 : vector<16xi32>
        %rem3A_1573 = vector.broadcast %jit3A_1552 : i32 to vector<16xi32>
        %rem3A_1574 = arith.remsi %add3A_1551, %rem3A_1573 : vector<16xi32>
        %ne3A_1575 = arith.constant 0 : i32
        %ne3A_1576 = vector.broadcast %ne3A_1575 : i32 to vector<16xi32>
        %ne3A_1577 = arith.cmpi ne, %rem3A_1574, %ne3A_1576 : vector<16xi32>
        %and3A_1578 = arith.andi %ne3A_1572, %ne3A_1577 : vector<16xi1>
        %sub3A_1579 = arith.constant 1 : i32
        %sub3A_1580 = vector.broadcast %sub3A_1579 : i32 to vector<16xi32>
        %sub3A_1581 = arith.subi %div3A_1554, %sub3A_1580 : vector<16xi32>
        %select_n3A_1582 = arith.select %and3A_1578, %sub3A_1581, %div3A_1554 : vector<16xi1>, vector<16xi32>
        %mul3A_1583 = arith.constant 200 : i32
        %mul3A_1584 = vector.broadcast %mul3A_1583 : i32 to vector<16xi32>
        %mul3A_1585 = arith.muli %select_n3A_1582, %mul3A_1584 : vector<16xi32>
        %sub3A_1586 = arith.subi %add3A_1551, %mul3A_1585 : vector<16xi32>
        %gather3A_1587 = tpu.vector_load_idx %arg5[%sub3A_1586, %select_n3A_1582] : memref<200x128xi32, #tpu.memory_space<vmem>>[vector<16xi32>, vector<16xi32>], vector<16xi32>,
        %swap3A_1588 = arith.constant 16 : index
        %swap3A_1589 = tpu.vector_load %arg8[%swap3A_1588] {strides = array<i32>} : memref<128xi32, #tpu.memory_space<vmem>>, vector<16xi32>,
        tpu.vector_store %arg8[%swap3A_1588], %gather3A_1587 {strides = array<i32>} : memref<128xi32, #tpu.memory_space<vmem>>, vector<16xi32>,
        %iota3A_1590 = tpu.iota {dimensions = array<i32: 0>} : vector<16xi32>
        %mul3A_1591 = arith.constant 128 : i32
        %mul3A_1592 = arith.muli %mul3A_1591, %sub3A_1499 : i32
        %add3A_1593 = arith.constant 32 : i32
        %add3A_1594 = arith.addi %mul3A_1592, %add3A_1593 : i32
        %add3A_1595 = vector.broadcast %add3A_1594 : i32 to vector<16xi32>
        %add3A_1596 = arith.addi %iota3A_1590, %add3A_1595 : vector<16xi32>
        %jit3A_1597 = arith.constant 200 : i32
        %div3A_1598 = vector.broadcast %jit3A_1597 : i32 to vector<16xi32>
        %div3A_1599 = arith.divsi %add3A_1596, %div3A_1598 : vector<16xi32>
        %sign3A_1600 = arith.constant 0 : i32
        %sign3A_1601 = vector.broadcast %sign3A_1600 : i32 to vector<16xi32>
        %sign3A_1602 = arith.cmpi sgt, %add3A_1596, %sign3A_1601 : vector<16xi32>
        %sign3A_1603 = arith.extui %sign3A_1602 : vector<16xi1> to vector<16xi32>
        %sign3A_1604 = arith.constant 0 : i32
        %sign3A_1605 = vector.broadcast %sign3A_1604 : i32 to vector<16xi32>
        %sign3A_1606 = arith.cmpi slt, %add3A_1596, %sign3A_1605 : vector<16xi32>
        %sign3A_1607 = arith.extui %sign3A_1606 : vector<16xi1> to vector<16xi32>
        %sign3A_1608 = arith.subi %sign3A_1603, %sign3A_1607 : vector<16xi32>
        %sign3A_1609 = arith.constant 0 : i32
        %sign3A_1610 = arith.cmpi sgt, %jit3A_1597, %sign3A_1609 : i32
        %sign3A_1611 = arith.extui %sign3A_1610 : i1 to i32
        %sign3A_1612 = arith.constant 0 : i32
        %sign3A_1613 = arith.cmpi slt, %jit3A_1597, %sign3A_1612 : i32
        %sign3A_1614 = arith.extui %sign3A_1613 : i1 to i32
        %sign3A_1615 = arith.subi %sign3A_1611, %sign3A_1614 : i32
        %ne3A_1616 = vector.broadcast %sign3A_1615 : i32 to vector<16xi32>
        %ne3A_1617 = arith.cmpi ne, %sign3A_1608, %ne3A_1616 : vector<16xi32>
        %rem3A_1618 = vector.broadcast %jit3A_1597 : i32 to vector<16xi32>
        %rem3A_1619 = arith.remsi %add3A_1596, %rem3A_1618 : vector<16xi32>
        %ne3A_1620 = arith.constant 0 : i32
        %ne3A_1621 = vector.broadcast %ne3A_1620 : i32 to vector<16xi32>
        %ne3A_1622 = arith.cmpi ne, %rem3A_1619, %ne3A_1621 : vector<16xi32>
        %and3A_1623 = arith.andi %ne3A_1617, %ne3A_1622 : vector<16xi1>
        %sub3A_1624 = arith.constant 1 : i32
        %sub3A_1625 = vector.broadcast %sub3A_1624 : i32 to vector<16xi32>
        %sub3A_1626 = arith.subi %div3A_1599, %sub3A_1625 : vector<16xi32>
        %select_n3A_1627 = arith.select %and3A_1623, %sub3A_1626, %div3A_1599 : vector<16xi1>, vector<16xi32>
        %mul3A_1628 = arith.constant 200 : i32
        %mul3A_1629 = vector.broadcast %mul3A_1628 : i32 to vector<16xi32>
        %mul3A_1630 = arith.muli %select_n3A_1627, %mul3A_1629 : vector<16xi32>
        %sub3A_1631 = arith.subi %add3A_1596, %mul3A_1630 : vector<16xi32>
        %gather3A_1632 = tpu.vector_load_idx %arg5[%sub3A_1631, %select_n3A_1627] : memref<200x128xi32, #tpu.memory_space<vmem>>[vector<16xi32>, vector<16xi32>], vector<16xi32>,
        %swap3A_1633 = arith.constant 32 : index
        %swap3A_1634 = tpu.vector_load %arg8[%swap3A_1633] {strides = array<i32>} : memref<128xi32, #tpu.memory_space<vmem>>, vector<16xi32>,
        tpu.vector_store %arg8[%swap3A_1633], %gather3A_1632 {strides = array<i32>} : memref<128xi32, #tpu.memory_space<vmem>>, vector<16xi32>,
        %iota3A_1635 = tpu.iota {dimensions = array<i32: 0>} : vector<16xi32>
        %mul3A_1636 = arith.constant 128 : i32
        %mul3A_1637 = arith.muli %mul3A_1636, %sub3A_1499 : i32
        %add3A_1638 = arith.constant 48 : i32
        %add3A_1639 = arith.addi %mul3A_1637, %add3A_1638 : i32
        %add3A_1640 = vector.broadcast %add3A_1639 : i32 to vector<16xi32>
        %add3A_1641 = arith.addi %iota3A_1635, %add3A_1640 : vector<16xi32>
        %jit3A_1642 = arith.constant 200 : i32
        %div3A_1643 = vector.broadcast %jit3A_1642 : i32 to vector<16xi32>
        %div3A_1644 = arith.divsi %add3A_1641, %div3A_1643 : vector<16xi32>
        %sign3A_1645 = arith.constant 0 : i32
        %sign3A_1646 = vector.broadcast %sign3A_1645 : i32 to vector<16xi32>
        %sign3A_1647 = arith.cmpi sgt, %add3A_1641, %sign3A_1646 : vector<16xi32>
        %sign3A_1648 = arith.extui %sign3A_1647 : vector<16xi1> to vector<16xi32>
        %sign3A_1649 = arith.constant 0 : i32
        %sign3A_1650 = vector.broadcast %sign3A_1649 : i32 to vector<16xi32>
        %sign3A_1651 = arith.cmpi slt, %add3A_1641, %sign3A_1650 : vector<16xi32>
        %sign3A_1652 = arith.extui %sign3A_1651 : vector<16xi1> to vector<16xi32>
        %sign3A_1653 = arith.subi %sign3A_1648, %sign3A_1652 : vector<16xi32>
        %sign3A_1654 = arith.constant 0 : i32
        %sign3A_1655 = arith.cmpi sgt, %jit3A_1642, %sign3A_1654 : i32
        %sign3A_1656 = arith.extui %sign3A_1655 : i1 to i32
        %sign3A_1657 = arith.constant 0 : i32
        %sign3A_1658 = arith.cmpi slt, %jit3A_1642, %sign3A_1657 : i32
        %sign3A_1659 = arith.extui %sign3A_1658 : i1 to i32
        %sign3A_1660 = arith.subi %sign3A_1656, %sign3A_1659 : i32
        %ne3A_1661 = vector.broadcast %sign3A_1660 : i32 to vector<16xi32>
        %ne3A_1662 = arith.cmpi ne, %sign3A_1653, %ne3A_1661 : vector<16xi32>
        %rem3A_1663 = vector.broadcast %jit3A_1642 : i32 to vector<16xi32>
        %rem3A_1664 = arith.remsi %add3A_1641, %rem3A_1663 : vector<16xi32>
        %ne3A_1665 = arith.constant 0 : i32
        %ne3A_1666 = vector.broadcast %ne3A_1665 : i32 to vector<16xi32>
        %ne3A_1667 = arith.cmpi ne, %rem3A_1664, %ne3A_1666 : vector<16xi32>
        %and3A_1668 = arith.andi %ne3A_1662, %ne3A_1667 : vector<16xi1>
        %sub3A_1669 = arith.constant 1 : i32
        %sub3A_1670 = vector.broadcast %sub3A_1669 : i32 to vector<16xi32>
        %sub3A_1671 = arith.subi %div3A_1644, %sub3A_1670 : vector<16xi32>
        %select_n3A_1672 = arith.select %and3A_1668, %sub3A_1671, %div3A_1644 : vector<16xi1>, vector<16xi32>
        %mul3A_1673 = arith.constant 200 : i32
        %mul3A_1674 = vector.broadcast %mul3A_1673 : i32 to vector<16xi32>
        %mul3A_1675 = arith.muli %select_n3A_1672, %mul3A_1674 : vector<16xi32>
        %sub3A_1676 = arith.subi %add3A_1641, %mul3A_1675 : vector<16xi32>
        %gather3A_1677 = tpu.vector_load_idx %arg5[%sub3A_1676, %select_n3A_1672] : memref<200x128xi32, #tpu.memory_space<vmem>>[vector<16xi32>, vector<16xi32>], vector<16xi32>,
        %swap3A_1678 = arith.constant 48 : index
        %swap3A_1679 = tpu.vector_load %arg8[%swap3A_1678] {strides = array<i32>} : memref<128xi32, #tpu.memory_space<vmem>>, vector<16xi32>,
        tpu.vector_store %arg8[%swap3A_1678], %gather3A_1677 {strides = array<i32>} : memref<128xi32, #tpu.memory_space<vmem>>, vector<16xi32>,
        %iota3A_1680 = tpu.iota {dimensions = array<i32: 0>} : vector<16xi32>
        %mul3A_1681 = arith.constant 128 : i32
        %mul3A_1682 = arith.muli %mul3A_1681, %sub3A_1499 : i32
        %add3A_1683 = arith.constant 64 : i32
        %add3A_1684 = arith.addi %mul3A_1682, %add3A_1683 : i32
        %add3A_1685 = vector.broadcast %add3A_1684 : i32 to vector<16xi32>
        %add3A_1686 = arith.addi %iota3A_1680, %add3A_1685 : vector<16xi32>
        %jit3A_1687 = arith.constant 200 : i32
        %div3A_1688 = vector.broadcast %jit3A_1687 : i32 to vector<16xi32>
        %div3A_1689 = arith.divsi %add3A_1686, %div3A_1688 : vector<16xi32>
        %sign3A_1690 = arith.constant 0 : i32
        %sign3A_1691 = vector.broadcast %sign3A_1690 : i32 to vector<16xi32>
        %sign3A_1692 = arith.cmpi sgt, %add3A_1686, %sign3A_1691 : vector<16xi32>
        %sign3A_1693 = arith.extui %sign3A_1692 : vector<16xi1> to vector<16xi32>
        %sign3A_1694 = arith.constant 0 : i32
        %sign3A_1695 = vector.broadcast %sign3A_1694 : i32 to vector<16xi32>
        %sign3A_1696 = arith.cmpi slt, %add3A_1686, %sign3A_1695 : vector<16xi32>
        %sign3A_1697 = arith.extui %sign3A_1696 : vector<16xi1> to vector<16xi32>
        %sign3A_1698 = arith.subi %sign3A_1693, %sign3A_1697 : vector<16xi32>
        %sign3A_1699 = arith.constant 0 : i32
        %sign3A_1700 = arith.cmpi sgt, %jit3A_1687, %sign3A_1699 : i32
        %sign3A_1701 = arith.extui %sign3A_1700 : i1 to i32
        %sign3A_1702 = arith.constant 0 : i32
        %sign3A_1703 = arith.cmpi slt, %jit3A_1687, %sign3A_1702 : i32
        %sign3A_1704 = arith.extui %sign3A_1703 : i1 to i32
        %sign3A_1705 = arith.subi %sign3A_1701, %sign3A_1704 : i32
        %ne3A_1706 = vector.broadcast %sign3A_1705 : i32 to vector<16xi32>
        %ne3A_1707 = arith.cmpi ne, %sign3A_1698, %ne3A_1706 : vector<16xi32>
        %rem3A_1708 = vector.broadcast %jit3A_1687 : i32 to vector<16xi32>
        %rem3A_1709 = arith.remsi %add3A_1686, %rem3A_1708 : vector<16xi32>
        %ne3A_1710 = arith.constant 0 : i32
        %ne3A_1711 = vector.broadcast %ne3A_1710 : i32 to vector<16xi32>
        %ne3A_1712 = arith.cmpi ne, %rem3A_1709, %ne3A_1711 : vector<16xi32>
        %and3A_1713 = arith.andi %ne3A_1707, %ne3A_1712 : vector<16xi1>
        %sub3A_1714 = arith.constant 1 : i32
        %sub3A_1715 = vector.broadcast %sub3A_1714 : i32 to vector<16xi32>
        %sub3A_1716 = arith.subi %div3A_1689, %sub3A_1715 : vector<16xi32>
        %select_n3A_1717 = arith.select %and3A_1713, %sub3A_1716, %div3A_1689 : vector<16xi1>, vector<16xi32>
        %mul3A_1718 = arith.constant 200 : i32
        %mul3A_1719 = vector.broadcast %mul3A_1718 : i32 to vector<16xi32>
        %mul3A_1720 = arith.muli %select_n3A_1717, %mul3A_1719 : vector<16xi32>
        %sub3A_1721 = arith.subi %add3A_1686, %mul3A_1720 : vector<16xi32>
        %gather3A_1722 = tpu.vector_load_idx %arg5[%sub3A_1721, %select_n3A_1717] : memref<200x128xi32, #tpu.memory_space<vmem>>[vector<16xi32>, vector<16xi32>], vector<16xi32>,
        %swap3A_1723 = arith.constant 64 : index
        %swap3A_1724 = tpu.vector_load %arg8[%swap3A_1723] {strides = array<i32>} : memref<128xi32, #tpu.memory_space<vmem>>, vector<16xi32>,
        tpu.vector_store %arg8[%swap3A_1723], %gather3A_1722 {strides = array<i32>} : memref<128xi32, #tpu.memory_space<vmem>>, vector<16xi32>,
        %iota3A_1725 = tpu.iota {dimensions = array<i32: 0>} : vector<16xi32>
        %mul3A_1726 = arith.constant 128 : i32
        %mul3A_1727 = arith.muli %mul3A_1726, %sub3A_1499 : i32
        %add3A_1728 = arith.constant 80 : i32
        %add3A_1729 = arith.addi %mul3A_1727, %add3A_1728 : i32
        %add3A_1730 = vector.broadcast %add3A_1729 : i32 to vector<16xi32>
        %add3A_1731 = arith.addi %iota3A_1725, %add3A_1730 : vector<16xi32>
        %jit3A_1732 = arith.constant 200 : i32
        %div3A_1733 = vector.broadcast %jit3A_1732 : i32 to vector<16xi32>
        %div3A_1734 = arith.divsi %add3A_1731, %div3A_1733 : vector<16xi32>
        %sign3A_1735 = arith.constant 0 : i32
        %sign3A_1736 = vector.broadcast %sign3A_1735 : i32 to vector<16xi32>
        %sign3A_1737 = arith.cmpi sgt, %add3A_1731, %sign3A_1736 : vector<16xi32>
        %sign3A_1738 = arith.extui %sign3A_1737 : vector<16xi1> to vector<16xi32>
        %sign3A_1739 = arith.constant 0 : i32
        %sign3A_1740 = vector.broadcast %sign3A_1739 : i32 to vector<16xi32>
        %sign3A_1741 = arith.cmpi slt, %add3A_1731, %sign3A_1740 : vector<16xi32>
        %sign3A_1742 = arith.extui %sign3A_1741 : vector<16xi1> to vector<16xi32>
        %sign3A_1743 = arith.subi %sign3A_1738, %sign3A_1742 : vector<16xi32>
        %sign3A_1744 = arith.constant 0 : i32
        %sign3A_1745 = arith.cmpi sgt, %jit3A_1732, %sign3A_1744 : i32
        %sign3A_1746 = arith.extui %sign3A_1745 : i1 to i32
        %sign3A_1747 = arith.constant 0 : i32
        %sign3A_1748 = arith.cmpi slt, %jit3A_1732, %sign3A_1747 : i32
        %sign3A_1749 = arith.extui %sign3A_1748 : i1 to i32
        %sign3A_1750 = arith.subi %sign3A_1746, %sign3A_1749 : i32
        %ne3A_1751 = vector.broadcast %sign3A_1750 : i32 to vector<16xi32>
        %ne3A_1752 = arith.cmpi ne, %sign3A_1743, %ne3A_1751 : vector<16xi32>
        %rem3A_1753 = vector.broadcast %jit3A_1732 : i32 to vector<16xi32>
        %rem3A_1754 = arith.remsi %add3A_1731, %rem3A_1753 : vector<16xi32>
        %ne3A_1755 = arith.constant 0 : i32
        %ne3A_1756 = vector.broadcast %ne3A_1755 : i32 to vector<16xi32>
        %ne3A_1757 = arith.cmpi ne, %rem3A_1754, %ne3A_1756 : vector<16xi32>
        %and3A_1758 = arith.andi %ne3A_1752, %ne3A_1757 : vector<16xi1>
        %sub3A_1759 = arith.constant 1 : i32
        %sub3A_1760 = vector.broadcast %sub3A_1759 : i32 to vector<16xi32>
        %sub3A_1761 = arith.subi %div3A_1734, %sub3A_1760 : vector<16xi32>
        %select_n3A_1762 = arith.select %and3A_1758, %sub3A_1761, %div3A_1734 : vector<16xi1>, vector<16xi32>
        %mul3A_1763 = arith.constant 200 : i32
        %mul3A_1764 = vector.broadcast %mul3A_1763 : i32 to vector<16xi32>
        %mul3A_1765 = arith.muli %select_n3A_1762, %mul3A_1764 : vector<16xi32>
        %sub3A_1766 = arith.subi %add3A_1731, %mul3A_1765 : vector<16xi32>
        %gather3A_1767 = tpu.vector_load_idx %arg5[%sub3A_1766, %select_n3A_1762] : memref<200x128xi32, #tpu.memory_space<vmem>>[vector<16xi32>, vector<16xi32>], vector<16xi32>,
        %swap3A_1768 = arith.constant 80 : index
        %swap3A_1769 = tpu.vector_load %arg8[%swap3A_1768] {strides = array<i32>} : memref<128xi32, #tpu.memory_space<vmem>>, vector<16xi32>,
        tpu.vector_store %arg8[%swap3A_1768], %gather3A_1767 {strides = array<i32>} : memref<128xi32, #tpu.memory_space<vmem>>, vector<16xi32>,
        %iota3A_1770 = tpu.iota {dimensions = array<i32: 0>} : vector<16xi32>
        %mul3A_1771 = arith.constant 128 : i32
        %mul3A_1772 = arith.muli %mul3A_1771, %sub3A_1499 : i32
        %add3A_1773 = arith.constant 96 : i32
        %add3A_1774 = arith.addi %mul3A_1772, %add3A_1773 : i32
        %add3A_1775 = vector.broadcast %add3A_1774 : i32 to vector<16xi32>
        %add3A_1776 = arith.addi %iota3A_1770, %add3A_1775 : vector<16xi32>
        %jit3A_1777 = arith.constant 200 : i32
        %div3A_1778 = vector.broadcast %jit3A_1777 : i32 to vector<16xi32>
        %div3A_1779 = arith.divsi %add3A_1776, %div3A_1778 : vector<16xi32>
        %sign3A_1780 = arith.constant 0 : i32
        %sign3A_1781 = vector.broadcast %sign3A_1780 : i32 to vector<16xi32>
        %sign3A_1782 = arith.cmpi sgt, %add3A_1776, %sign3A_1781 : vector<16xi32>
        %sign3A_1783 = arith.extui %sign3A_1782 : vector<16xi1> to vector<16xi32>
        %sign3A_1784 = arith.constant 0 : i32
        %sign3A_1785 = vector.broadcast %sign3A_1784 : i32 to vector<16xi32>
        %sign3A_1786 = arith.cmpi slt, %add3A_1776, %sign3A_1785 : vector<16xi32>
        %sign3A_1787 = arith.extui %sign3A_1786 : vector<16xi1> to vector<16xi32>
        %sign3A_1788 = arith.subi %sign3A_1783, %sign3A_1787 : vector<16xi32>
        %sign3A_1789 = arith.constant 0 : i32
        %sign3A_1790 = arith.cmpi sgt, %jit3A_1777, %sign3A_1789 : i32
        %sign3A_1791 = arith.extui %sign3A_1790 : i1 to i32
        %sign3A_1792 = arith.constant 0 : i32
        %sign3A_1793 = arith.cmpi slt, %jit3A_1777, %sign3A_1792 : i32
        %sign3A_1794 = arith.extui %sign3A_1793 : i1 to i32
        %sign3A_1795 = arith.subi %sign3A_1791, %sign3A_1794 : i32
        %ne3A_1796 = vector.broadcast %sign3A_1795 : i32 to vector<16xi32>
        %ne3A_1797 = arith.cmpi ne, %sign3A_1788, %ne3A_1796 : vector<16xi32>
        %rem3A_1798 = vector.broadcast %jit3A_1777 : i32 to vector<16xi32>
        %rem3A_1799 = arith.remsi %add3A_1776, %rem3A_1798 : vector<16xi32>
        %ne3A_1800 = arith.constant 0 : i32
        %ne3A_1801 = vector.broadcast %ne3A_1800 : i32 to vector<16xi32>
        %ne3A_1802 = arith.cmpi ne, %rem3A_1799, %ne3A_1801 : vector<16xi32>
        %and3A_1803 = arith.andi %ne3A_1797, %ne3A_1802 : vector<16xi1>
        %sub3A_1804 = arith.constant 1 : i32
        %sub3A_1805 = vector.broadcast %sub3A_1804 : i32 to vector<16xi32>
        %sub3A_1806 = arith.subi %div3A_1779, %sub3A_1805 : vector<16xi32>
        %select_n3A_1807 = arith.select %and3A_1803, %sub3A_1806, %div3A_1779 : vector<16xi1>, vector<16xi32>
        %mul3A_1808 = arith.constant 200 : i32
        %mul3A_1809 = vector.broadcast %mul3A_1808 : i32 to vector<16xi32>
        %mul3A_1810 = arith.muli %select_n3A_1807, %mul3A_1809 : vector<16xi32>
        %sub3A_1811 = arith.subi %add3A_1776, %mul3A_1810 : vector<16xi32>
        %gather3A_1812 = tpu.vector_load_idx %arg5[%sub3A_1811, %select_n3A_1807] : memref<200x128xi32, #tpu.memory_space<vmem>>[vector<16xi32>, vector<16xi32>], vector<16xi32>,
        %swap3A_1813 = arith.constant 96 : index
        %swap3A_1814 = tpu.vector_load %arg8[%swap3A_1813] {strides = array<i32>} : memref<128xi32, #tpu.memory_space<vmem>>, vector<16xi32>,
        tpu.vector_store %arg8[%swap3A_1813], %gather3A_1812 {strides = array<i32>} : memref<128xi32, #tpu.memory_space<vmem>>, vector<16xi32>,
        %iota3A_1815 = tpu.iota {dimensions = array<i32: 0>} : vector<16xi32>
        %mul3A_1816 = arith.constant 128 : i32
        %mul3A_1817 = arith.muli %mul3A_1816, %sub3A_1499 : i32
        %add3A_1818 = arith.constant 112 : i32
        %add3A_1819 = arith.addi %mul3A_1817, %add3A_1818 : i32
        %add3A_1820 = vector.broadcast %add3A_1819 : i32 to vector<16xi32>
        %add3A_1821 = arith.addi %iota3A_1815, %add3A_1820 : vector<16xi32>
        %jit3A_1822 = arith.constant 200 : i32
        %div3A_1823 = vector.broadcast %jit3A_1822 : i32 to vector<16xi32>
        %div3A_1824 = arith.divsi %add3A_1821, %div3A_1823 : vector<16xi32>
        %sign3A_1825 = arith.constant 0 : i32
        %sign3A_1826 = vector.broadcast %sign3A_1825 : i32 to vector<16xi32>
        %sign3A_1827 = arith.cmpi sgt, %add3A_1821, %sign3A_1826 : vector<16xi32>
        %sign3A_1828 = arith.extui %sign3A_1827 : vector<16xi1> to vector<16xi32>
        %sign3A_1829 = arith.constant 0 : i32
        %sign3A_1830 = vector.broadcast %sign3A_1829 : i32 to vector<16xi32>
        %sign3A_1831 = arith.cmpi slt, %add3A_1821, %sign3A_1830 : vector<16xi32>
        %sign3A_1832 = arith.extui %sign3A_1831 : vector<16xi1> to vector<16xi32>
        %sign3A_1833 = arith.subi %sign3A_1828, %sign3A_1832 : vector<16xi32>
        %sign3A_1834 = arith.constant 0 : i32
        %sign3A_1835 = arith.cmpi sgt, %jit3A_1822, %sign3A_1834 : i32
        %sign3A_1836 = arith.extui %sign3A_1835 : i1 to i32
        %sign3A_1837 = arith.constant 0 : i32
        %sign3A_1838 = arith.cmpi slt, %jit3A_1822, %sign3A_1837 : i32
        %sign3A_1839 = arith.extui %sign3A_1838 : i1 to i32
        %sign3A_1840 = arith.subi %sign3A_1836, %sign3A_1839 : i32
        %ne3A_1841 = vector.broadcast %sign3A_1840 : i32 to vector<16xi32>
        %ne3A_1842 = arith.cmpi ne, %sign3A_1833, %ne3A_1841 : vector<16xi32>
        %rem3A_1843 = vector.broadcast %jit3A_1822 : i32 to vector<16xi32>
        %rem3A_1844 = arith.remsi %add3A_1821, %rem3A_1843 : vector<16xi32>
        %ne3A_1845 = arith.constant 0 : i32
        %ne3A_1846 = vector.broadcast %ne3A_1845 : i32 to vector<16xi32>
        %ne3A_1847 = arith.cmpi ne, %rem3A_1844, %ne3A_1846 : vector<16xi32>
        %and3A_1848 = arith.andi %ne3A_1842, %ne3A_1847 : vector<16xi1>
        %sub3A_1849 = arith.constant 1 : i32
        %sub3A_1850 = vector.broadcast %sub3A_1849 : i32 to vector<16xi32>
        %sub3A_1851 = arith.subi %div3A_1824, %sub3A_1850 : vector<16xi32>
        %select_n3A_1852 = arith.select %and3A_1848, %sub3A_1851, %div3A_1824 : vector<16xi1>, vector<16xi32>
        %mul3A_1853 = arith.constant 200 : i32
        %mul3A_1854 = vector.broadcast %mul3A_1853 : i32 to vector<16xi32>
        %mul3A_1855 = arith.muli %select_n3A_1852, %mul3A_1854 : vector<16xi32>
        %sub3A_1856 = arith.subi %add3A_1821, %mul3A_1855 : vector<16xi32>
        %gather3A_1857 = tpu.vector_load_idx %arg5[%sub3A_1856, %select_n3A_1852] : memref<200x128xi32, #tpu.memory_space<vmem>>[vector<16xi32>, vector<16xi32>], vector<16xi32>,
        %swap3A_1858 = arith.constant 112 : index
        %swap3A_1859 = tpu.vector_load %arg8[%swap3A_1858] {strides = array<i32>} : memref<128xi32, #tpu.memory_space<vmem>>, vector<16xi32>,
        tpu.vector_store %arg8[%swap3A_1858], %gather3A_1857 {strides = array<i32>} : memref<128xi32, #tpu.memory_space<vmem>>, vector<16xi32>,
        %dma_start3A_1860 = arith.constant 0 : i32
        %dma_start3A_1861 = arith.constant 0 : i32
        %dma_start3A_1862 = tpu.memref_slice %arg26[%dma_start3A_1860, %dma_start3A_1861] : memref<1440x128xf32, #tpu.memory_space<vmem_shared>> -> memref<1440x128xf32, #tpu.memory_space<vmem_shared>>
        tpu.enqueue_indirect_dma source(%dma_start3A_1862 : memref<1440x128xf32, #tpu.memory_space<vmem_shared>>) target(%arg13 : memref<128x128xf32, #tpu.memory_space<vmem>>) offsets(%arg8 : memref<128xi32, #tpu.memory_space<vmem>>) semaphore(%arg18 : memref<!tpu.dma_semaphore, #tpu.memory_space<semaphore_mem>>)
      } else {
      }
      %add3A_1471 = arith.constant 4 : i32
      %add3A_1472 = arith.addi %mul3A_1387, %add3A_1471 : i32
      %dma_wait3A_1473 = arith.constant 0 : i32
      %dma_wait3A_1474 = arith.constant 0 : i32
      %dma_wait3A_1475 = tpu.memref_slice %arg26[%dma_wait3A_1473, %dma_wait3A_1474] : memref<1440x128xf32, #tpu.memory_space<vmem_shared>> -> memref<1440x128xf32, #tpu.memory_space<vmem_shared>>
      tpu.wait_indirect_dma semaphore(%arg20 : memref<!tpu.dma_semaphore, #tpu.memory_space<semaphore_mem>>) src(%dma_wait3A_1475 : memref<1440x128xf32, #tpu.memory_space<vmem_shared>>) dst(%arg15 : memref<128x128xf32, #tpu.memory_space<vmem>>)
      %mul3A_1476 = arith.constant 128 : i32
      %mul3A_1477 = arith.muli %add3A_1472, %mul3A_1476 : i32
      %add3A_1478 = arith.addi %mul3A_4, %mul3A_1477 : i32
      %dma_start3A_1479 = arith.constant 0 : i32
      %dma_start3A_1480 = tpu.memref_slice %arg4[%add3A_1478, %dma_start3A_1479] : memref<819200x128xf32, #tpu.memory_space<hbm>> -> memref<128x128xf32, #tpu.memory_space<hbm>>
      %dma_start3A_1481 = arith.constant 0 : i32
      %dma_start3A_1482 = tpu.memref_slice %arg4[%add3A_1478, %dma_start3A_1481] : memref<819200x128xf32, #tpu.memory_space<hbm>> -> memref<128x128xf32, #tpu.memory_space<hbm>>
      tpu.enqueue_dma source(%arg15 : memref<128x128xf32, #tpu.memory_space<vmem>>) target(%dma_start3A_1482 : memref<128x128xf32, #tpu.memory_space<hbm>>) target_semaphore(%arg25 : memref<!tpu.dma_semaphore, #tpu.memory_space<semaphore_mem>>)
      %add3A_1483 = arith.constant 5 : i32
      %add3A_1484 = arith.addi %add3A_1472, %add3A_1483 : i32
      %sub3A_1485 = arith.constant 1 : i32
      %sub3A_1486 = arith.subi %add3A_1484, %sub3A_1485 : i32
      %lt3A_1487 = arith.constant 200 : i32
      %lt3A_1488 = arith.cmpi slt, %sub3A_1486, %lt3A_1487 : i32
      %convert_element_type3A_1489 = arith.extui %lt3A_1488 : i1 to i32
      %cond3A_1490 = arith.constant 0 : i32
      %cond3A_1491 = arith.cmpi ne, %convert_element_type3A_1489, %cond3A_1490 : i32
      scf.if %cond3A_1491 {
        %ge3A = arith.constant 1 : i32
        %ge3A_1492 = arith.cmpi sge, %add3A_1472, %ge3A : i32
        %convert_element_type3A_1493 = arith.extui %ge3A_1492 : i1 to i32
        %cond3A_1494 = arith.constant 0 : i32
        %cond3A_1495 = arith.cmpi ne, %convert_element_type3A_1493, %cond3A_1494 : i32
        scf.if %cond3A_1495 {
          %sub3A_1863 = arith.constant 1 : i32
          %sub3A_1864 = arith.subi %add3A_1472, %sub3A_1863 : i32
          %mul3A_1865 = arith.constant 128 : i32
          %mul3A_1866 = arith.muli %sub3A_1864, %mul3A_1865 : i32
          %add3A_1867 = arith.addi %mul3A_4, %mul3A_1866 : i32
          %dma_wait3A_1868 = arith.constant 0 : i32
          %dma_wait3A_1869 = tpu.memref_slice %arg4[%add3A_1867, %dma_wait3A_1868] : memref<819200x128xf32, #tpu.memory_space<hbm>> -> memref<128x128xf32, #tpu.memory_space<hbm>>
          %dma_wait3A_1870 = arith.constant 0 : i32
          %dma_wait3A_1871 = tpu.memref_slice %arg4[%add3A_1867, %dma_wait3A_1870] : memref<819200x128xf32, #tpu.memory_space<hbm>> -> memref<128x128xf32, #tpu.memory_space<hbm>>
          tpu.wait_dma2 semaphore(%arg24 : memref<!tpu.dma_semaphore, #tpu.memory_space<semaphore_mem>>) src(%arg14 : memref<128x128xf32, #tpu.memory_space<vmem>>) dst(%dma_wait3A_1871 : memref<128x128xf32, #tpu.memory_space<hbm>>)
        } else {
        }
        %add3A_1496 = arith.constant 5 : i32
        %add3A_1497 = arith.addi %add3A_1472, %add3A_1496 : i32
        %sub3A_1498 = arith.constant 1 : i32
        %sub3A_1499 = arith.subi %add3A_1497, %sub3A_1498 : i32
        %iota3A_1500 = tpu.iota {dimensions = array<i32: 0>} : vector<16xi32>
        %mul3A_1501 = arith.constant 128 : i32
        %mul3A_1502 = arith.muli %mul3A_1501, %sub3A_1499 : i32
        %add3A_1503 = arith.constant 0 : i32
        %add3A_1504 = arith.addi %mul3A_1502, %add3A_1503 : i32
        %add3A_1505 = vector.broadcast %add3A_1504 : i32 to vector<16xi32>
        %add3A_1506 = arith.addi %iota3A_1500, %add3A_1505 : vector<16xi32>
        %jit3A_1507 = arith.constant 200 : i32
        %div3A_1508 = vector.broadcast %jit3A_1507 : i32 to vector<16xi32>
        %div3A_1509 = arith.divsi %add3A_1506, %div3A_1508 : vector<16xi32>
        %sign3A_1510 = arith.constant 0 : i32
        %sign3A_1511 = vector.broadcast %sign3A_1510 : i32 to vector<16xi32>
        %sign3A_1512 = arith.cmpi sgt, %add3A_1506, %sign3A_1511 : vector<16xi32>
        %sign3A_1513 = arith.extui %sign3A_1512 : vector<16xi1> to vector<16xi32>
        %sign3A_1514 = arith.constant 0 : i32
        %sign3A_1515 = vector.broadcast %sign3A_1514 : i32 to vector<16xi32>
        %sign3A_1516 = arith.cmpi slt, %add3A_1506, %sign3A_1515 : vector<16xi32>
        %sign3A_1517 = arith.extui %sign3A_1516 : vector<16xi1> to vector<16xi32>
        %sign3A_1518 = arith.subi %sign3A_1513, %sign3A_1517 : vector<16xi32>
        %sign3A_1519 = arith.constant 0 : i32
        %sign3A_1520 = arith.cmpi sgt, %jit3A_1507, %sign3A_1519 : i32
        %sign3A_1521 = arith.extui %sign3A_1520 : i1 to i32
        %sign3A_1522 = arith.constant 0 : i32
        %sign3A_1523 = arith.cmpi slt, %jit3A_1507, %sign3A_1522 : i32
        %sign3A_1524 = arith.extui %sign3A_1523 : i1 to i32
        %sign3A_1525 = arith.subi %sign3A_1521, %sign3A_1524 : i32
        %ne3A_1526 = vector.broadcast %sign3A_1525 : i32 to vector<16xi32>
        %ne3A_1527 = arith.cmpi ne, %sign3A_1518, %ne3A_1526 : vector<16xi32>
        %rem3A_1528 = vector.broadcast %jit3A_1507 : i32 to vector<16xi32>
        %rem3A_1529 = arith.remsi %add3A_1506, %rem3A_1528 : vector<16xi32>
        %ne3A_1530 = arith.constant 0 : i32
        %ne3A_1531 = vector.broadcast %ne3A_1530 : i32 to vector<16xi32>
        %ne3A_1532 = arith.cmpi ne, %rem3A_1529, %ne3A_1531 : vector<16xi32>
        %and3A_1533 = arith.andi %ne3A_1527, %ne3A_1532 : vector<16xi1>
        %sub3A_1534 = arith.constant 1 : i32
        %sub3A_1535 = vector.broadcast %sub3A_1534 : i32 to vector<16xi32>
        %sub3A_1536 = arith.subi %div3A_1509, %sub3A_1535 : vector<16xi32>
        %select_n3A_1537 = arith.select %and3A_1533, %sub3A_1536, %div3A_1509 : vector<16xi1>, vector<16xi32>
        %mul3A_1538 = arith.constant 200 : i32
        %mul3A_1539 = vector.broadcast %mul3A_1538 : i32 to vector<16xi32>
        %mul3A_1540 = arith.muli %select_n3A_1537, %mul3A_1539 : vector<16xi32>
        %sub3A_1541 = arith.subi %add3A_1506, %mul3A_1540 : vector<16xi32>
        %gather3A_1542 = tpu.vector_load_idx %arg5[%sub3A_1541, %select_n3A_1537] : memref<200x128xi32, #tpu.memory_space<vmem>>[vector<16xi32>, vector<16xi32>], vector<16xi32>,
        %swap3A_1543 = arith.constant 0 : index
        %swap3A_1544 = tpu.vector_load %arg9[%swap3A_1543] {strides = array<i32>} : memref<128xi32, #tpu.memory_space<vmem>>, vector<16xi32>,
        tpu.vector_store %arg9[%swap3A_1543], %gather3A_1542 {strides = array<i32>} : memref<128xi32, #tpu.memory_space<vmem>>, vector<16xi32>,
        %iota3A_1545 = tpu.iota {dimensions = array<i32: 0>} : vector<16xi32>
        %mul3A_1546 = arith.constant 128 : i32
        %mul3A_1547 = arith.muli %mul3A_1546, %sub3A_1499 : i32
        %add3A_1548 = arith.constant 16 : i32
        %add3A_1549 = arith.addi %mul3A_1547, %add3A_1548 : i32
        %add3A_1550 = vector.broadcast %add3A_1549 : i32 to vector<16xi32>
        %add3A_1551 = arith.addi %iota3A_1545, %add3A_1550 : vector<16xi32>
        %jit3A_1552 = arith.constant 200 : i32
        %div3A_1553 = vector.broadcast %jit3A_1552 : i32 to vector<16xi32>
        %div3A_1554 = arith.divsi %add3A_1551, %div3A_1553 : vector<16xi32>
        %sign3A_1555 = arith.constant 0 : i32
        %sign3A_1556 = vector.broadcast %sign3A_1555 : i32 to vector<16xi32>
        %sign3A_1557 = arith.cmpi sgt, %add3A_1551, %sign3A_1556 : vector<16xi32>
        %sign3A_1558 = arith.extui %sign3A_1557 : vector<16xi1> to vector<16xi32>
        %sign3A_1559 = arith.constant 0 : i32
        %sign3A_1560 = vector.broadcast %sign3A_1559 : i32 to vector<16xi32>
        %sign3A_1561 = arith.cmpi slt, %add3A_1551, %sign3A_1560 : vector<16xi32>
        %sign3A_1562 = arith.extui %sign3A_1561 : vector<16xi1> to vector<16xi32>
        %sign3A_1563 = arith.subi %sign3A_1558, %sign3A_1562 : vector<16xi32>
        %sign3A_1564 = arith.constant 0 : i32
        %sign3A_1565 = arith.cmpi sgt, %jit3A_1552, %sign3A_1564 : i32
        %sign3A_1566 = arith.extui %sign3A_1565 : i1 to i32
        %sign3A_1567 = arith.constant 0 : i32
        %sign3A_1568 = arith.cmpi slt, %jit3A_1552, %sign3A_1567 : i32
        %sign3A_1569 = arith.extui %sign3A_1568 : i1 to i32
        %sign3A_1570 = arith.subi %sign3A_1566, %sign3A_1569 : i32
        %ne3A_1571 = vector.broadcast %sign3A_1570 : i32 to vector<16xi32>
        %ne3A_1572 = arith.cmpi ne, %sign3A_1563, %ne3A_1571 : vector<16xi32>
        %rem3A_1573 = vector.broadcast %jit3A_1552 : i32 to vector<16xi32>
        %rem3A_1574 = arith.remsi %add3A_1551, %rem3A_1573 : vector<16xi32>
        %ne3A_1575 = arith.constant 0 : i32
        %ne3A_1576 = vector.broadcast %ne3A_1575 : i32 to vector<16xi32>
        %ne3A_1577 = arith.cmpi ne, %rem3A_1574, %ne3A_1576 : vector<16xi32>
        %and3A_1578 = arith.andi %ne3A_1572, %ne3A_1577 : vector<16xi1>
        %sub3A_1579 = arith.constant 1 : i32
        %sub3A_1580 = vector.broadcast %sub3A_1579 : i32 to vector<16xi32>
        %sub3A_1581 = arith.subi %div3A_1554, %sub3A_1580 : vector<16xi32>
        %select_n3A_1582 = arith.select %and3A_1578, %sub3A_1581, %div3A_1554 : vector<16xi1>, vector<16xi32>
        %mul3A_1583 = arith.constant 200 : i32
        %mul3A_1584 = vector.broadcast %mul3A_1583 : i32 to vector<16xi32>
        %mul3A_1585 = arith.muli %select_n3A_1582, %mul3A_1584 : vector<16xi32>
        %sub3A_1586 = arith.subi %add3A_1551, %mul3A_1585 : vector<16xi32>
        %gather3A_1587 = tpu.vector_load_idx %arg5[%sub3A_1586, %select_n3A_1582] : memref<200x128xi32, #tpu.memory_space<vmem>>[vector<16xi32>, vector<16xi32>], vector<16xi32>,
        %swap3A_1588 = arith.constant 16 : index
        %swap3A_1589 = tpu.vector_load %arg9[%swap3A_1588] {strides = array<i32>} : memref<128xi32, #tpu.memory_space<vmem>>, vector<16xi32>,
        tpu.vector_store %arg9[%swap3A_1588], %gather3A_1587 {strides = array<i32>} : memref<128xi32, #tpu.memory_space<vmem>>, vector<16xi32>,
        %iota3A_1590 = tpu.iota {dimensions = array<i32: 0>} : vector<16xi32>
        %mul3A_1591 = arith.constant 128 : i32
        %mul3A_1592 = arith.muli %mul3A_1591, %sub3A_1499 : i32
        %add3A_1593 = arith.constant 32 : i32
        %add3A_1594 = arith.addi %mul3A_1592, %add3A_1593 : i32
        %add3A_1595 = vector.broadcast %add3A_1594 : i32 to vector<16xi32>
        %add3A_1596 = arith.addi %iota3A_1590, %add3A_1595 : vector<16xi32>
        %jit3A_1597 = arith.constant 200 : i32
        %div3A_1598 = vector.broadcast %jit3A_1597 : i32 to vector<16xi32>
        %div3A_1599 = arith.divsi %add3A_1596, %div3A_1598 : vector<16xi32>
        %sign3A_1600 = arith.constant 0 : i32
        %sign3A_1601 = vector.broadcast %sign3A_1600 : i32 to vector<16xi32>
        %sign3A_1602 = arith.cmpi sgt, %add3A_1596, %sign3A_1601 : vector<16xi32>
        %sign3A_1603 = arith.extui %sign3A_1602 : vector<16xi1> to vector<16xi32>
        %sign3A_1604 = arith.constant 0 : i32
        %sign3A_1605 = vector.broadcast %sign3A_1604 : i32 to vector<16xi32>
        %sign3A_1606 = arith.cmpi slt, %add3A_1596, %sign3A_1605 : vector<16xi32>
        %sign3A_1607 = arith.extui %sign3A_1606 : vector<16xi1> to vector<16xi32>
        %sign3A_1608 = arith.subi %sign3A_1603, %sign3A_1607 : vector<16xi32>
        %sign3A_1609 = arith.constant 0 : i32
        %sign3A_1610 = arith.cmpi sgt, %jit3A_1597, %sign3A_1609 : i32
        %sign3A_1611 = arith.extui %sign3A_1610 : i1 to i32
        %sign3A_1612 = arith.constant 0 : i32
        %sign3A_1613 = arith.cmpi slt, %jit3A_1597, %sign3A_1612 : i32
        %sign3A_1614 = arith.extui %sign3A_1613 : i1 to i32
        %sign3A_1615 = arith.subi %sign3A_1611, %sign3A_1614 : i32
        %ne3A_1616 = vector.broadcast %sign3A_1615 : i32 to vector<16xi32>
        %ne3A_1617 = arith.cmpi ne, %sign3A_1608, %ne3A_1616 : vector<16xi32>
        %rem3A_1618 = vector.broadcast %jit3A_1597 : i32 to vector<16xi32>
        %rem3A_1619 = arith.remsi %add3A_1596, %rem3A_1618 : vector<16xi32>
        %ne3A_1620 = arith.constant 0 : i32
        %ne3A_1621 = vector.broadcast %ne3A_1620 : i32 to vector<16xi32>
        %ne3A_1622 = arith.cmpi ne, %rem3A_1619, %ne3A_1621 : vector<16xi32>
        %and3A_1623 = arith.andi %ne3A_1617, %ne3A_1622 : vector<16xi1>
        %sub3A_1624 = arith.constant 1 : i32
        %sub3A_1625 = vector.broadcast %sub3A_1624 : i32 to vector<16xi32>
        %sub3A_1626 = arith.subi %div3A_1599, %sub3A_1625 : vector<16xi32>
        %select_n3A_1627 = arith.select %and3A_1623, %sub3A_1626, %div3A_1599 : vector<16xi1>, vector<16xi32>
        %mul3A_1628 = arith.constant 200 : i32
        %mul3A_1629 = vector.broadcast %mul3A_1628 : i32 to vector<16xi32>
        %mul3A_1630 = arith.muli %select_n3A_1627, %mul3A_1629 : vector<16xi32>
        %sub3A_1631 = arith.subi %add3A_1596, %mul3A_1630 : vector<16xi32>
        %gather3A_1632 = tpu.vector_load_idx %arg5[%sub3A_1631, %select_n3A_1627] : memref<200x128xi32, #tpu.memory_space<vmem>>[vector<16xi32>, vector<16xi32>], vector<16xi32>,
        %swap3A_1633 = arith.constant 32 : index
        %swap3A_1634 = tpu.vector_load %arg9[%swap3A_1633] {strides = array<i32>} : memref<128xi32, #tpu.memory_space<vmem>>, vector<16xi32>,
        tpu.vector_store %arg9[%swap3A_1633], %gather3A_1632 {strides = array<i32>} : memref<128xi32, #tpu.memory_space<vmem>>, vector<16xi32>,
        %iota3A_1635 = tpu.iota {dimensions = array<i32: 0>} : vector<16xi32>
        %mul3A_1636 = arith.constant 128 : i32
        %mul3A_1637 = arith.muli %mul3A_1636, %sub3A_1499 : i32
        %add3A_1638 = arith.constant 48 : i32
        %add3A_1639 = arith.addi %mul3A_1637, %add3A_1638 : i32
        %add3A_1640 = vector.broadcast %add3A_1639 : i32 to vector<16xi32>
        %add3A_1641 = arith.addi %iota3A_1635, %add3A_1640 : vector<16xi32>
        %jit3A_1642 = arith.constant 200 : i32
        %div3A_1643 = vector.broadcast %jit3A_1642 : i32 to vector<16xi32>
        %div3A_1644 = arith.divsi %add3A_1641, %div3A_1643 : vector<16xi32>
        %sign3A_1645 = arith.constant 0 : i32
        %sign3A_1646 = vector.broadcast %sign3A_1645 : i32 to vector<16xi32>
        %sign3A_1647 = arith.cmpi sgt, %add3A_1641, %sign3A_1646 : vector<16xi32>
        %sign3A_1648 = arith.extui %sign3A_1647 : vector<16xi1> to vector<16xi32>
        %sign3A_1649 = arith.constant 0 : i32
        %sign3A_1650 = vector.broadcast %sign3A_1649 : i32 to vector<16xi32>
        %sign3A_1651 = arith.cmpi slt, %add3A_1641, %sign3A_1650 : vector<16xi32>
        %sign3A_1652 = arith.extui %sign3A_1651 : vector<16xi1> to vector<16xi32>
        %sign3A_1653 = arith.subi %sign3A_1648, %sign3A_1652 : vector<16xi32>
        %sign3A_1654 = arith.constant 0 : i32
        %sign3A_1655 = arith.cmpi sgt, %jit3A_1642, %sign3A_1654 : i32
        %sign3A_1656 = arith.extui %sign3A_1655 : i1 to i32
        %sign3A_1657 = arith.constant 0 : i32
        %sign3A_1658 = arith.cmpi slt, %jit3A_1642, %sign3A_1657 : i32
        %sign3A_1659 = arith.extui %sign3A_1658 : i1 to i32
        %sign3A_1660 = arith.subi %sign3A_1656, %sign3A_1659 : i32
        %ne3A_1661 = vector.broadcast %sign3A_1660 : i32 to vector<16xi32>
        %ne3A_1662 = arith.cmpi ne, %sign3A_1653, %ne3A_1661 : vector<16xi32>
        %rem3A_1663 = vector.broadcast %jit3A_1642 : i32 to vector<16xi32>
        %rem3A_1664 = arith.remsi %add3A_1641, %rem3A_1663 : vector<16xi32>
        %ne3A_1665 = arith.constant 0 : i32
        %ne3A_1666 = vector.broadcast %ne3A_1665 : i32 to vector<16xi32>
        %ne3A_1667 = arith.cmpi ne, %rem3A_1664, %ne3A_1666 : vector<16xi32>
        %and3A_1668 = arith.andi %ne3A_1662, %ne3A_1667 : vector<16xi1>
        %sub3A_1669 = arith.constant 1 : i32
        %sub3A_1670 = vector.broadcast %sub3A_1669 : i32 to vector<16xi32>
        %sub3A_1671 = arith.subi %div3A_1644, %sub3A_1670 : vector<16xi32>
        %select_n3A_1672 = arith.select %and3A_1668, %sub3A_1671, %div3A_1644 : vector<16xi1>, vector<16xi32>
        %mul3A_1673 = arith.constant 200 : i32
        %mul3A_1674 = vector.broadcast %mul3A_1673 : i32 to vector<16xi32>
        %mul3A_1675 = arith.muli %select_n3A_1672, %mul3A_1674 : vector<16xi32>
        %sub3A_1676 = arith.subi %add3A_1641, %mul3A_1675 : vector<16xi32>
        %gather3A_1677 = tpu.vector_load_idx %arg5[%sub3A_1676, %select_n3A_1672] : memref<200x128xi32, #tpu.memory_space<vmem>>[vector<16xi32>, vector<16xi32>], vector<16xi32>,
        %swap3A_1678 = arith.constant 48 : index
        %swap3A_1679 = tpu.vector_load %arg9[%swap3A_1678] {strides = array<i32>} : memref<128xi32, #tpu.memory_space<vmem>>, vector<16xi32>,
        tpu.vector_store %arg9[%swap3A_1678], %gather3A_1677 {strides = array<i32>} : memref<128xi32, #tpu.memory_space<vmem>>, vector<16xi32>,
        %iota3A_1680 = tpu.iota {dimensions = array<i32: 0>} : vector<16xi32>
        %mul3A_1681 = arith.constant 128 : i32
        %mul3A_1682 = arith.muli %mul3A_1681, %sub3A_1499 : i32
        %add3A_1683 = arith.constant 64 : i32
        %add3A_1684 = arith.addi %mul3A_1682, %add3A_1683 : i32
        %add3A_1685 = vector.broadcast %add3A_1684 : i32 to vector<16xi32>
        %add3A_1686 = arith.addi %iota3A_1680, %add3A_1685 : vector<16xi32>
        %jit3A_1687 = arith.constant 200 : i32
        %div3A_1688 = vector.broadcast %jit3A_1687 : i32 to vector<16xi32>
        %div3A_1689 = arith.divsi %add3A_1686, %div3A_1688 : vector<16xi32>
        %sign3A_1690 = arith.constant 0 : i32
        %sign3A_1691 = vector.broadcast %sign3A_1690 : i32 to vector<16xi32>
        %sign3A_1692 = arith.cmpi sgt, %add3A_1686, %sign3A_1691 : vector<16xi32>
        %sign3A_1693 = arith.extui %sign3A_1692 : vector<16xi1> to vector<16xi32>
        %sign3A_1694 = arith.constant 0 : i32
        %sign3A_1695 = vector.broadcast %sign3A_1694 : i32 to vector<16xi32>
        %sign3A_1696 = arith.cmpi slt, %add3A_1686, %sign3A_1695 : vector<16xi32>
        %sign3A_1697 = arith.extui %sign3A_1696 : vector<16xi1> to vector<16xi32>
        %sign3A_1698 = arith.subi %sign3A_1693, %sign3A_1697 : vector<16xi32>
        %sign3A_1699 = arith.constant 0 : i32
        %sign3A_1700 = arith.cmpi sgt, %jit3A_1687, %sign3A_1699 : i32
        %sign3A_1701 = arith.extui %sign3A_1700 : i1 to i32
        %sign3A_1702 = arith.constant 0 : i32
        %sign3A_1703 = arith.cmpi slt, %jit3A_1687, %sign3A_1702 : i32
        %sign3A_1704 = arith.extui %sign3A_1703 : i1 to i32
        %sign3A_1705 = arith.subi %sign3A_1701, %sign3A_1704 : i32
        %ne3A_1706 = vector.broadcast %sign3A_1705 : i32 to vector<16xi32>
        %ne3A_1707 = arith.cmpi ne, %sign3A_1698, %ne3A_1706 : vector<16xi32>
        %rem3A_1708 = vector.broadcast %jit3A_1687 : i32 to vector<16xi32>
        %rem3A_1709 = arith.remsi %add3A_1686, %rem3A_1708 : vector<16xi32>
        %ne3A_1710 = arith.constant 0 : i32
        %ne3A_1711 = vector.broadcast %ne3A_1710 : i32 to vector<16xi32>
        %ne3A_1712 = arith.cmpi ne, %rem3A_1709, %ne3A_1711 : vector<16xi32>
        %and3A_1713 = arith.andi %ne3A_1707, %ne3A_1712 : vector<16xi1>
        %sub3A_1714 = arith.constant 1 : i32
        %sub3A_1715 = vector.broadcast %sub3A_1714 : i32 to vector<16xi32>
        %sub3A_1716 = arith.subi %div3A_1689, %sub3A_1715 : vector<16xi32>
        %select_n3A_1717 = arith.select %and3A_1713, %sub3A_1716, %div3A_1689 : vector<16xi1>, vector<16xi32>
        %mul3A_1718 = arith.constant 200 : i32
        %mul3A_1719 = vector.broadcast %mul3A_1718 : i32 to vector<16xi32>
        %mul3A_1720 = arith.muli %select_n3A_1717, %mul3A_1719 : vector<16xi32>
        %sub3A_1721 = arith.subi %add3A_1686, %mul3A_1720 : vector<16xi32>
        %gather3A_1722 = tpu.vector_load_idx %arg5[%sub3A_1721, %select_n3A_1717] : memref<200x128xi32, #tpu.memory_space<vmem>>[vector<16xi32>, vector<16xi32>], vector<16xi32>,
        %swap3A_1723 = arith.constant 64 : index
        %swap3A_1724 = tpu.vector_load %arg9[%swap3A_1723] {strides = array<i32>} : memref<128xi32, #tpu.memory_space<vmem>>, vector<16xi32>,
        tpu.vector_store %arg9[%swap3A_1723], %gather3A_1722 {strides = array<i32>} : memref<128xi32, #tpu.memory_space<vmem>>, vector<16xi32>,
        %iota3A_1725 = tpu.iota {dimensions = array<i32: 0>} : vector<16xi32>
        %mul3A_1726 = arith.constant 128 : i32
        %mul3A_1727 = arith.muli %mul3A_1726, %sub3A_1499 : i32
        %add3A_1728 = arith.constant 80 : i32
        %add3A_1729 = arith.addi %mul3A_1727, %add3A_1728 : i32
        %add3A_1730 = vector.broadcast %add3A_1729 : i32 to vector<16xi32>
        %add3A_1731 = arith.addi %iota3A_1725, %add3A_1730 : vector<16xi32>
        %jit3A_1732 = arith.constant 200 : i32
        %div3A_1733 = vector.broadcast %jit3A_1732 : i32 to vector<16xi32>
        %div3A_1734 = arith.divsi %add3A_1731, %div3A_1733 : vector<16xi32>
        %sign3A_1735 = arith.constant 0 : i32
        %sign3A_1736 = vector.broadcast %sign3A_1735 : i32 to vector<16xi32>
        %sign3A_1737 = arith.cmpi sgt, %add3A_1731, %sign3A_1736 : vector<16xi32>
        %sign3A_1738 = arith.extui %sign3A_1737 : vector<16xi1> to vector<16xi32>
        %sign3A_1739 = arith.constant 0 : i32
        %sign3A_1740 = vector.broadcast %sign3A_1739 : i32 to vector<16xi32>
        %sign3A_1741 = arith.cmpi slt, %add3A_1731, %sign3A_1740 : vector<16xi32>
        %sign3A_1742 = arith.extui %sign3A_1741 : vector<16xi1> to vector<16xi32>
        %sign3A_1743 = arith.subi %sign3A_1738, %sign3A_1742 : vector<16xi32>
        %sign3A_1744 = arith.constant 0 : i32
        %sign3A_1745 = arith.cmpi sgt, %jit3A_1732, %sign3A_1744 : i32
        %sign3A_1746 = arith.extui %sign3A_1745 : i1 to i32
        %sign3A_1747 = arith.constant 0 : i32
        %sign3A_1748 = arith.cmpi slt, %jit3A_1732, %sign3A_1747 : i32
        %sign3A_1749 = arith.extui %sign3A_1748 : i1 to i32
        %sign3A_1750 = arith.subi %sign3A_1746, %sign3A_1749 : i32
        %ne3A_1751 = vector.broadcast %sign3A_1750 : i32 to vector<16xi32>
        %ne3A_1752 = arith.cmpi ne, %sign3A_1743, %ne3A_1751 : vector<16xi32>
        %rem3A_1753 = vector.broadcast %jit3A_1732 : i32 to vector<16xi32>
        %rem3A_1754 = arith.remsi %add3A_1731, %rem3A_1753 : vector<16xi32>
        %ne3A_1755 = arith.constant 0 : i32
        %ne3A_1756 = vector.broadcast %ne3A_1755 : i32 to vector<16xi32>
        %ne3A_1757 = arith.cmpi ne, %rem3A_1754, %ne3A_1756 : vector<16xi32>
        %and3A_1758 = arith.andi %ne3A_1752, %ne3A_1757 : vector<16xi1>
        %sub3A_1759 = arith.constant 1 : i32
        %sub3A_1760 = vector.broadcast %sub3A_1759 : i32 to vector<16xi32>
        %sub3A_1761 = arith.subi %div3A_1734, %sub3A_1760 : vector<16xi32>
        %select_n3A_1762 = arith.select %and3A_1758, %sub3A_1761, %div3A_1734 : vector<16xi1>, vector<16xi32>
        %mul3A_1763 = arith.constant 200 : i32
        %mul3A_1764 = vector.broadcast %mul3A_1763 : i32 to vector<16xi32>
        %mul3A_1765 = arith.muli %select_n3A_1762, %mul3A_1764 : vector<16xi32>
        %sub3A_1766 = arith.subi %add3A_1731, %mul3A_1765 : vector<16xi32>
        %gather3A_1767 = tpu.vector_load_idx %arg5[%sub3A_1766, %select_n3A_1762] : memref<200x128xi32, #tpu.memory_space<vmem>>[vector<16xi32>, vector<16xi32>], vector<16xi32>,
        %swap3A_1768 = arith.constant 80 : index
        %swap3A_1769 = tpu.vector_load %arg9[%swap3A_1768] {strides = array<i32>} : memref<128xi32, #tpu.memory_space<vmem>>, vector<16xi32>,
        tpu.vector_store %arg9[%swap3A_1768], %gather3A_1767 {strides = array<i32>} : memref<128xi32, #tpu.memory_space<vmem>>, vector<16xi32>,
        %iota3A_1770 = tpu.iota {dimensions = array<i32: 0>} : vector<16xi32>
        %mul3A_1771 = arith.constant 128 : i32
        %mul3A_1772 = arith.muli %mul3A_1771, %sub3A_1499 : i32
        %add3A_1773 = arith.constant 96 : i32
        %add3A_1774 = arith.addi %mul3A_1772, %add3A_1773 : i32
        %add3A_1775 = vector.broadcast %add3A_1774 : i32 to vector<16xi32>
        %add3A_1776 = arith.addi %iota3A_1770, %add3A_1775 : vector<16xi32>
        %jit3A_1777 = arith.constant 200 : i32
        %div3A_1778 = vector.broadcast %jit3A_1777 : i32 to vector<16xi32>
        %div3A_1779 = arith.divsi %add3A_1776, %div3A_1778 : vector<16xi32>
        %sign3A_1780 = arith.constant 0 : i32
        %sign3A_1781 = vector.broadcast %sign3A_1780 : i32 to vector<16xi32>
        %sign3A_1782 = arith.cmpi sgt, %add3A_1776, %sign3A_1781 : vector<16xi32>
        %sign3A_1783 = arith.extui %sign3A_1782 : vector<16xi1> to vector<16xi32>
        %sign3A_1784 = arith.constant 0 : i32
        %sign3A_1785 = vector.broadcast %sign3A_1784 : i32 to vector<16xi32>
        %sign3A_1786 = arith.cmpi slt, %add3A_1776, %sign3A_1785 : vector<16xi32>
        %sign3A_1787 = arith.extui %sign3A_1786 : vector<16xi1> to vector<16xi32>
        %sign3A_1788 = arith.subi %sign3A_1783, %sign3A_1787 : vector<16xi32>
        %sign3A_1789 = arith.constant 0 : i32
        %sign3A_1790 = arith.cmpi sgt, %jit3A_1777, %sign3A_1789 : i32
        %sign3A_1791 = arith.extui %sign3A_1790 : i1 to i32
        %sign3A_1792 = arith.constant 0 : i32
        %sign3A_1793 = arith.cmpi slt, %jit3A_1777, %sign3A_1792 : i32
        %sign3A_1794 = arith.extui %sign3A_1793 : i1 to i32
        %sign3A_1795 = arith.subi %sign3A_1791, %sign3A_1794 : i32
        %ne3A_1796 = vector.broadcast %sign3A_1795 : i32 to vector<16xi32>
        %ne3A_1797 = arith.cmpi ne, %sign3A_1788, %ne3A_1796 : vector<16xi32>
        %rem3A_1798 = vector.broadcast %jit3A_1777 : i32 to vector<16xi32>
        %rem3A_1799 = arith.remsi %add3A_1776, %rem3A_1798 : vector<16xi32>
        %ne3A_1800 = arith.constant 0 : i32
        %ne3A_1801 = vector.broadcast %ne3A_1800 : i32 to vector<16xi32>
        %ne3A_1802 = arith.cmpi ne, %rem3A_1799, %ne3A_1801 : vector<16xi32>
        %and3A_1803 = arith.andi %ne3A_1797, %ne3A_1802 : vector<16xi1>
        %sub3A_1804 = arith.constant 1 : i32
        %sub3A_1805 = vector.broadcast %sub3A_1804 : i32 to vector<16xi32>
        %sub3A_1806 = arith.subi %div3A_1779, %sub3A_1805 : vector<16xi32>
        %select_n3A_1807 = arith.select %and3A_1803, %sub3A_1806, %div3A_1779 : vector<16xi1>, vector<16xi32>
        %mul3A_1808 = arith.constant 200 : i32
        %mul3A_1809 = vector.broadcast %mul3A_1808 : i32 to vector<16xi32>
        %mul3A_1810 = arith.muli %select_n3A_1807, %mul3A_1809 : vector<16xi32>
        %sub3A_1811 = arith.subi %add3A_1776, %mul3A_1810 : vector<16xi32>
        %gather3A_1812 = tpu.vector_load_idx %arg5[%sub3A_1811, %select_n3A_1807] : memref<200x128xi32, #tpu.memory_space<vmem>>[vector<16xi32>, vector<16xi32>], vector<16xi32>,
        %swap3A_1813 = arith.constant 96 : index
        %swap3A_1814 = tpu.vector_load %arg9[%swap3A_1813] {strides = array<i32>} : memref<128xi32, #tpu.memory_space<vmem>>, vector<16xi32>,
        tpu.vector_store %arg9[%swap3A_1813], %gather3A_1812 {strides = array<i32>} : memref<128xi32, #tpu.memory_space<vmem>>, vector<16xi32>,
        %iota3A_1815 = tpu.iota {dimensions = array<i32: 0>} : vector<16xi32>
        %mul3A_1816 = arith.constant 128 : i32
        %mul3A_1817 = arith.muli %mul3A_1816, %sub3A_1499 : i32
        %add3A_1818 = arith.constant 112 : i32
        %add3A_1819 = arith.addi %mul3A_1817, %add3A_1818 : i32
        %add3A_1820 = vector.broadcast %add3A_1819 : i32 to vector<16xi32>
        %add3A_1821 = arith.addi %iota3A_1815, %add3A_1820 : vector<16xi32>
        %jit3A_1822 = arith.constant 200 : i32
        %div3A_1823 = vector.broadcast %jit3A_1822 : i32 to vector<16xi32>
        %div3A_1824 = arith.divsi %add3A_1821, %div3A_1823 : vector<16xi32>
        %sign3A_1825 = arith.constant 0 : i32
        %sign3A_1826 = vector.broadcast %sign3A_1825 : i32 to vector<16xi32>
        %sign3A_1827 = arith.cmpi sgt, %add3A_1821, %sign3A_1826 : vector<16xi32>
        %sign3A_1828 = arith.extui %sign3A_1827 : vector<16xi1> to vector<16xi32>
        %sign3A_1829 = arith.constant 0 : i32
        %sign3A_1830 = vector.broadcast %sign3A_1829 : i32 to vector<16xi32>
        %sign3A_1831 = arith.cmpi slt, %add3A_1821, %sign3A_1830 : vector<16xi32>
        %sign3A_1832 = arith.extui %sign3A_1831 : vector<16xi1> to vector<16xi32>
        %sign3A_1833 = arith.subi %sign3A_1828, %sign3A_1832 : vector<16xi32>
        %sign3A_1834 = arith.constant 0 : i32
        %sign3A_1835 = arith.cmpi sgt, %jit3A_1822, %sign3A_1834 : i32
        %sign3A_1836 = arith.extui %sign3A_1835 : i1 to i32
        %sign3A_1837 = arith.constant 0 : i32
        %sign3A_1838 = arith.cmpi slt, %jit3A_1822, %sign3A_1837 : i32
        %sign3A_1839 = arith.extui %sign3A_1838 : i1 to i32
        %sign3A_1840 = arith.subi %sign3A_1836, %sign3A_1839 : i32
        %ne3A_1841 = vector.broadcast %sign3A_1840 : i32 to vector<16xi32>
        %ne3A_1842 = arith.cmpi ne, %sign3A_1833, %ne3A_1841 : vector<16xi32>
        %rem3A_1843 = vector.broadcast %jit3A_1822 : i32 to vector<16xi32>
        %rem3A_1844 = arith.remsi %add3A_1821, %rem3A_1843 : vector<16xi32>
        %ne3A_1845 = arith.constant 0 : i32
        %ne3A_1846 = vector.broadcast %ne3A_1845 : i32 to vector<16xi32>
        %ne3A_1847 = arith.cmpi ne, %rem3A_1844, %ne3A_1846 : vector<16xi32>
        %and3A_1848 = arith.andi %ne3A_1842, %ne3A_1847 : vector<16xi1>
        %sub3A_1849 = arith.constant 1 : i32
        %sub3A_1850 = vector.broadcast %sub3A_1849 : i32 to vector<16xi32>
        %sub3A_1851 = arith.subi %div3A_1824, %sub3A_1850 : vector<16xi32>
        %select_n3A_1852 = arith.select %and3A_1848, %sub3A_1851, %div3A_1824 : vector<16xi1>, vector<16xi32>
        %mul3A_1853 = arith.constant 200 : i32
        %mul3A_1854 = vector.broadcast %mul3A_1853 : i32 to vector<16xi32>
        %mul3A_1855 = arith.muli %select_n3A_1852, %mul3A_1854 : vector<16xi32>
        %sub3A_1856 = arith.subi %add3A_1821, %mul3A_1855 : vector<16xi32>
        %gather3A_1857 = tpu.vector_load_idx %arg5[%sub3A_1856, %select_n3A_1852] : memref<200x128xi32, #tpu.memory_space<vmem>>[vector<16xi32>, vector<16xi32>], vector<16xi32>,
        %swap3A_1858 = arith.constant 112 : index
        %swap3A_1859 = tpu.vector_load %arg9[%swap3A_1858] {strides = array<i32>} : memref<128xi32, #tpu.memory_space<vmem>>, vector<16xi32>,
        tpu.vector_store %arg9[%swap3A_1858], %gather3A_1857 {strides = array<i32>} : memref<128xi32, #tpu.memory_space<vmem>>, vector<16xi32>,
        %dma_start3A_1860 = arith.constant 0 : i32
        %dma_start3A_1861 = arith.constant 0 : i32
        %dma_start3A_1862 = tpu.memref_slice %arg26[%dma_start3A_1860, %dma_start3A_1861] : memref<1440x128xf32, #tpu.memory_space<vmem_shared>> -> memref<1440x128xf32, #tpu.memory_space<vmem_shared>>
        tpu.enqueue_indirect_dma source(%dma_start3A_1862 : memref<1440x128xf32, #tpu.memory_space<vmem_shared>>) target(%arg14 : memref<128x128xf32, #tpu.memory_space<vmem>>) offsets(%arg9 : memref<128xi32, #tpu.memory_space<vmem>>) semaphore(%arg19 : memref<!tpu.dma_semaphore, #tpu.memory_space<semaphore_mem>>)
      } else {
      }
    }
    %scan3A_1355 = arith.constant 40 : i32
    %add3A_1356 = arith.constant 24960 : i32
    %add3A_1357 = arith.addi %mul3A_4, %add3A_1356 : i32
    %dma_wait3A = arith.constant 0 : i32
    %dma_wait3A_1358 = tpu.memref_slice %arg4[%add3A_1357, %dma_wait3A] : memref<819200x128xf32, #tpu.memory_space<hbm>> -> memref<128x128xf32, #tpu.memory_space<hbm>>
    %dma_wait3A_1359 = arith.constant 0 : i32
    %dma_wait3A_1360 = tpu.memref_slice %arg4[%add3A_1357, %dma_wait3A_1359] : memref<819200x128xf32, #tpu.memory_space<hbm>> -> memref<128x128xf32, #tpu.memory_space<hbm>>
    tpu.wait_dma2 semaphore(%arg21 : memref<!tpu.dma_semaphore, #tpu.memory_space<semaphore_mem>>) src(%arg11 : memref<128x128xf32, #tpu.memory_space<vmem>>) dst(%dma_wait3A_1360 : memref<128x128xf32, #tpu.memory_space<hbm>>)
    %add3A_1361 = arith.constant 25088 : i32
    %add3A_1362 = arith.addi %mul3A_4, %add3A_1361 : i32
    %dma_wait3A_1363 = arith.constant 0 : i32
    %dma_wait3A_1364 = tpu.memref_slice %arg4[%add3A_1362, %dma_wait3A_1363] : memref<819200x128xf32, #tpu.memory_space<hbm>> -> memref<128x128xf32, #tpu.memory_space<hbm>>
    %dma_wait3A_1365 = arith.constant 0 : i32
    %dma_wait3A_1366 = tpu.memref_slice %arg4[%add3A_1362, %dma_wait3A_1365] : memref<819200x128xf32, #tpu.memory_space<hbm>> -> memref<128x128xf32, #tpu.memory_space<hbm>>
    tpu.wait_dma2 semaphore(%arg22 : memref<!tpu.dma_semaphore, #tpu.memory_space<semaphore_mem>>) src(%arg12 : memref<128x128xf32, #tpu.memory_space<vmem>>) dst(%dma_wait3A_1366 : memref<128x128xf32, #tpu.memory_space<hbm>>)
    %add3A_1367 = arith.constant 25216 : i32
    %add3A_1368 = arith.addi %mul3A_4, %add3A_1367 : i32
    %dma_wait3A_1369 = arith.constant 0 : i32
    %dma_wait3A_1370 = tpu.memref_slice %arg4[%add3A_1368, %dma_wait3A_1369] : memref<819200x128xf32, #tpu.memory_space<hbm>> -> memref<128x128xf32, #tpu.memory_space<hbm>>
    %dma_wait3A_1371 = arith.constant 0 : i32
    %dma_wait3A_1372 = tpu.memref_slice %arg4[%add3A_1368, %dma_wait3A_1371] : memref<819200x128xf32, #tpu.memory_space<hbm>> -> memref<128x128xf32, #tpu.memory_space<hbm>>
    tpu.wait_dma2 semaphore(%arg23 : memref<!tpu.dma_semaphore, #tpu.memory_space<semaphore_mem>>) src(%arg13 : memref<128x128xf32, #tpu.memory_space<vmem>>) dst(%dma_wait3A_1372 : memref<128x128xf32, #tpu.memory_space<hbm>>)
    %add3A_1373 = arith.constant 25344 : i32
    %add3A_1374 = arith.addi %mul3A_4, %add3A_1373 : i32
    %dma_wait3A_1375 = arith.constant 0 : i32
    %dma_wait3A_1376 = tpu.memref_slice %arg4[%add3A_1374, %dma_wait3A_1375] : memref<819200x128xf32, #tpu.memory_space<hbm>> -> memref<128x128xf32, #tpu.memory_space<hbm>>
    %dma_wait3A_1377 = arith.constant 0 : i32
    %dma_wait3A_1378 = tpu.memref_slice %arg4[%add3A_1374, %dma_wait3A_1377] : memref<819200x128xf32, #tpu.memory_space<hbm>> -> memref<128x128xf32, #tpu.memory_space<hbm>>
    tpu.wait_dma2 semaphore(%arg24 : memref<!tpu.dma_semaphore, #tpu.memory_space<semaphore_mem>>) src(%arg14 : memref<128x128xf32, #tpu.memory_space<vmem>>) dst(%dma_wait3A_1378 : memref<128x128xf32, #tpu.memory_space<hbm>>)
    %add3A_1379 = arith.constant 25472 : i32
    %add3A_1380 = arith.addi %mul3A_4, %add3A_1379 : i32
    %dma_wait3A_1381 = arith.constant 0 : i32
    %dma_wait3A_1382 = tpu.memref_slice %arg4[%add3A_1380, %dma_wait3A_1381] : memref<819200x128xf32, #tpu.memory_space<hbm>> -> memref<128x128xf32, #tpu.memory_space<hbm>>
    %dma_wait3A_1383 = arith.constant 0 : i32
    %dma_wait3A_1384 = tpu.memref_slice %arg4[%add3A_1380, %dma_wait3A_1383] : memref<819200x128xf32, #tpu.memory_space<hbm>> -> memref<128x128xf32, #tpu.memory_space<hbm>>
    tpu.wait_dma2 semaphore(%arg25 : memref<!tpu.dma_semaphore, #tpu.memory_space<semaphore_mem>>) src(%arg15 : memref<128x128xf32, #tpu.memory_space<vmem>>) dst(%dma_wait3A_1384 : memref<128x128xf32, #tpu.memory_space<hbm>>)
    return
  }
}

module attributes {stable_mosaic.version = 14 : i64} {
  func.func @_idx_kernel(%arg0: i32, %arg1: memref<5x200x128xf32, #tpu.memory_space<vmem>>, %arg2: memref<60x128xf32, #tpu.memory_space<vmem>>, %arg3: memref<24x128xf32, #tpu.memory_space<vmem>>, %arg4: memref<1x200x128xi32, #tpu.memory_space<vmem>>, %arg5: memref<60x24x128xf32, #tpu.memory_space<vmem>>) attributes {dimension_semantics = [#tpu.dimension_semantics<arbitrary>], iteration_bounds = array<i64: 32>, scalar_prefetch = 0 : i64, scratch_operands = 0 : i64, tpu.core_type = #tpu.core_type<tc>, window_params = [{transform_indices = @transform_0, window_bounds = array<i64: 5, 200, 128>}, {pipeline_mode = #tpu.pipeline_mode<synchronous>, transform_indices = @transform_1, window_bounds = array<i64: 60, 128>}, {pipeline_mode = #tpu.pipeline_mode<synchronous>, transform_indices = @transform_2, window_bounds = array<i64: 24, 128>}, {transform_indices = @transform_3, window_bounds = array<i64: 1, 200, 128>}, {pipeline_mode = #tpu.pipeline_mode<synchronous>, transform_indices = @transform_4, window_bounds = array<i64: 60, 24, 128>}]} {
    %eq3A = arith.constant 0 : i32
    %eq3A_0 = arith.cmpi eq, %arg0, %eq3A : i32
    %convert_element_type3A = arith.extui %eq3A_0 : i1 to i32
    %cond3A = arith.constant 0 : i32
    %cond3A_1 = arith.cmpi ne, %convert_element_type3A, %cond3A : i32
    scf.if %cond3A_1 {
      %get3A_26 = arith.constant 0 : index
      %get3A_27 = arith.constant 0 : index
      %get3A_28 = vector.load %arg2[%get3A_26, %get3A_27] : memref<60x128xf32, #tpu.memory_space<vmem>>, vector<60x128xf32>
      %broadcast_in_dim3A = vector.shape_cast %get3A_28 : vector<60x128xf32> to vector<60x1x128xf32>
      %get3A_29 = arith.constant 0 : index
      %get3A_30 = arith.constant 0 : index
      %get3A_31 = vector.load %arg3[%get3A_29, %get3A_30] : memref<24x128xf32, #tpu.memory_space<vmem>>, vector<24x128xf32>
      %broadcast_in_dim3A_32 = vector.shape_cast %get3A_31 : vector<24x128xf32> to vector<1x24x128xf32>
      %add3A_33 = vector.broadcast %broadcast_in_dim3A : vector<60x1x128xf32> to vector<60x24x128xf32>
      %add3A_34 = vector.broadcast %broadcast_in_dim3A_32 : vector<1x24x128xf32> to vector<60x24x128xf32>
      %add3A_35 = arith.addf %add3A_33, %add3A_34 : vector<60x24x128xf32>
      %swap3A_36 = arith.constant 0 : index
      %swap3A_37 = arith.constant 0 : index
      %swap3A_38 = arith.constant 0 : index
      %swap3A_39 = vector.load %arg5[%swap3A_36, %swap3A_37, %swap3A_38] : memref<60x24x128xf32, #tpu.memory_space<vmem>>, vector<60x24x128xf32>
      tpu.vector_store %arg5[%swap3A_36, %swap3A_37, %swap3A_38], %add3A_35 {strides = array<i32>} : memref<60x24x128xf32, #tpu.memory_space<vmem>>, vector<60x24x128xf32>,
    } else {
    }
    %get3A = arith.constant 3 : index
    %get3A_2 = arith.constant 0 : index
    %get3A_3 = arith.constant 0 : index
    %get3A_4 = vector.load %arg1[%get3A, %get3A_2, %get3A_3] : memref<5x200x128xf32, #tpu.memory_space<vmem>>, vector<1x200x128xf32>
    %get3A_5 = vector.shape_cast %get3A_4 : vector<1x200x128xf32> to vector<200x128xf32>
    %mul3A = arith.constant 5.900000e+01 : f32
    %mul3A_6 = vector.broadcast %mul3A : f32 to vector<200x128xf32>
    %mul3A_7 = arith.mulf %get3A_5, %mul3A_6 : vector<200x128xf32>
    %convert_element_type3A_8 = arith.fptosi %mul3A_7 : vector<200x128xf32> to vector<200x128xi32>
    %get3A_9 = arith.constant 2 : index
    %get3A_10 = arith.constant 0 : index
    %get3A_11 = arith.constant 0 : index
    %get3A_12 = vector.load %arg1[%get3A_9, %get3A_10, %get3A_11] : memref<5x200x128xf32, #tpu.memory_space<vmem>>, vector<1x200x128xf32>
    %get3A_13 = vector.shape_cast %get3A_12 : vector<1x200x128xf32> to vector<200x128xf32>
    %mul3A_14 = arith.constant 2.300000e+01 : f32
    %mul3A_15 = vector.broadcast %mul3A_14 : f32 to vector<200x128xf32>
    %mul3A_16 = arith.mulf %get3A_13, %mul3A_15 : vector<200x128xf32>
    %convert_element_type3A_17 = arith.fptosi %mul3A_16 : vector<200x128xf32> to vector<200x128xi32>
    %mul3A_18 = arith.constant 24 : i32
    %mul3A_19 = vector.broadcast %mul3A_18 : i32 to vector<200x128xi32>
    %mul3A_20 = arith.muli %convert_element_type3A_8, %mul3A_19 : vector<200x128xi32>
    %add3A = arith.addi %mul3A_20, %convert_element_type3A_17 : vector<200x128xi32>
    %swap3A = arith.constant 0 : index
    %swap3A_21 = arith.constant 0 : index
    %swap3A_22 = arith.constant 0 : index
    %swap3A_23 = vector.load %arg4[%swap3A, %swap3A_21, %swap3A_22] : memref<1x200x128xi32, #tpu.memory_space<vmem>>, vector<1x200x128xi32>
    %swap3A_24 = vector.shape_cast %swap3A_23 : vector<1x200x128xi32> to vector<200x128xi32>
    %swap3A_25 = vector.shape_cast %add3A : vector<200x128xi32> to vector<1x200x128xi32>
    tpu.vector_store %arg4[%swap3A, %swap3A_21, %swap3A_22], %swap3A_25 {strides = array<i32>} : memref<1x200x128xi32, #tpu.memory_space<vmem>>, vector<1x200x128xi32>,
    return
  }
  func.func @transform_0(%arg0: i32) -> (i32, i32, i32) {
    %c0_i32 = arith.constant 0 : i32
    %c0_i32_0 = arith.constant 0 : i32
    %c0_i32_1 = arith.constant 0 : i32
    return %c0_i32, %c0_i32_0, %arg0 : i32, i32, i32
  }
  func.func @transform_1(%arg0: i32) -> (i32, i32) {
    %c0_i32 = arith.constant 0 : i32
    %c0_i32_0 = arith.constant 0 : i32
    %c0_i32_1 = arith.constant 0 : i32
    return %c0_i32, %c0_i32_0 : i32, i32
  }
  func.func @transform_2(%arg0: i32) -> (i32, i32) {
    %c0_i32 = arith.constant 0 : i32
    %c0_i32_0 = arith.constant 0 : i32
    %c0_i32_1 = arith.constant 0 : i32
    return %c0_i32, %c0_i32_0 : i32, i32
  }
  func.func @transform_3(%arg0: i32) -> (i32, i32, i32) {
    %c0_i32 = arith.constant 0 : i32
    %c0_i32_0 = arith.constant 0 : i32
    %c0_i32_1 = arith.constant 0 : i32
    return %arg0, %c0_i32, %c0_i32_0 : i32, i32, i32
  }
  func.func @transform_4(%arg0: i32) -> (i32, i32, i32) {
    %c0_i32 = arith.constant 0 : i32
    %c0_i32_0 = arith.constant 0 : i32
    %c0_i32_1 = arith.constant 0 : i32
    %c0_i32_2 = arith.constant 0 : i32
    return %c0_i32, %c0_i32_0, %c0_i32_1 : i32, i32, i32
  }
}

</mosaic_0001>

<sc_bundles>
// kernel: kernel.4.cloned.1.call-start
scs
__scs_entry_jumppad:
0x0: {  	(pc) =	sbr.rel $0x88, $3  }
0x1: {  	(tag) =	ssettag $0x0;
	lr =	simm.s32 $0x1  }
0x2: {  	[smem:$0x3F9E] =	sst lr;
	_ =	strace $0xD0000000  }
0x3: {  	_ = 	snop  }
0x4: {  	_ = 	snop  }
0x5: {  	_ = 	snop  }
0x6: {  	_ = 	snop  }
0x7: {  	_ = 	snop  }
__scs_overlays_trampoline_lowered:
0x8: {  	[smem:$0x3FAD] =	sst s0  }
0x9: {  	[smem:$0x3FAE] =	sst s1  }
0xa: {  	[smem:$0x3FAF] =	sst s2  }
0xb: {  	[smem:$0x3FB0] =	sst s3  }
0xc: {  	[smem:$0x3FB1] =	sst s4  }
0xd: {  	[smem:$0x3FB2] =	sst s5  }
0xe: {  	[smem:$0x3FB3] =	sst s6  }
0xf: {  	[smem:$0x3FB4] =	sst s7  }
0x10: {  	[smem:$0x3FB5] =	sst s8  }
0x11: {  	[smem:$0x3FB6] =	sst s9;
	s0 =	simm.s32 @!p0 $0x0  }
0x12: {  	s1 =	sld [smem:$0x3F9C];
	s0 =	simm.s32 @p0 $0x1  }
0x13: {  	[smem:$0x3FB7] =	sst s0;
	s0 =	simm.s32 @!p1 $0x0  }
0x14: {  	s2 =	sld [smem:$0x3F9B];
	s0 =	simm.s32 @p1 $0x1  }
0x15: {  	[smem:$0x3FB8] =	sst s0;
	s0 =	simm.s32 @!p2 $0x0  }
0x16: {  	s3 =	sld [smem:$0x3FDB];
	s0 =	simm.s32 @p2 $0x1  }
0x17: {  	s4 =	simm.s32 $0x1BF5;
	[smem:$0x3FBA] =	sst s0  }
0x18: {  	s0 =	sld [smem:$0x3F9D];
	_ =	swait.ge [sflag:s4], $0x0  }
0x19: {  	s7 =	sld [smem:$0x3F9E]  }
0x1a: {  	s8 =	sadd.s32 $0xFFFFE003, lr  }
0x1b: {  	s9 =	sadd.s32 $0xFFFFFEF7, lr;
	s5 =	simm.s32 $0xFFFFFFFF;
	p2 =	slt.u32 s8, $0xFFFFF086  }
0x1c: {  	p1 =	slt.u32 s9, $0xF7A;
	s5 =	simm.s32 @!p2 $0x0  }
0x1d: {  	s5 =	simm.s32 @p1 $0x1;
	p0 =	seq.s32 s7, s2  }
0x1e: {  	s7 =	smul.u32 @!p0 $0xF7A, s2;
	p2 =	seq.s32 @!p0 s5, $0x0  }
0x1f: {  	s9 =	smul.u32 $0xF7A, s1;
	s8 =	simm.s32 @!p0 $0x1BF5;
	p2 =	por !p2, p0  }
0x20: {  	[sflag:s8] =	ssyncset.s32 @!p0 $0xFFFFF086;
	s6 =	sadd.s32 @!p0 s3, s7;
	s7 =	simm.s32 @!p0 $0x108  }
0x21: {  	s3 =	sadd.s32 s3, s9;
	s6 =	sadd.s32 @!p0 $0x88, s6;
	s7 =	simm.s32 @p2 $0x1082  }
0x22: {  	[simem:s7], [sflag:s8] =	dma.local @!p0 [hbm:s6], $0xF7A  }
0x23: {  	s9 =	sor.u32 $0xD0000000, s2;
	s6 =	simm.s32 $0x108;
	_ =	swait.ge @!p0 [sflag:s8], $0x0  }
0x24: {  	s3 =	sadd.s32 $0x88, s3;
	s6 =	simm.s32 @!p1 $0x1082;
	[sflag:s4] =	ssyncset.s32 $0xFFFFF086  }
0x25: {  	[simem:s6], [sflag:s4] =	dma.local [hbm:s3], $0xF7A  }
0x26: {  	[smem:$0x3F9E] =	sst s1;
	(tag) =	ssettag s2;
	_ =	strace s9  }
0x27: {  	s1 =	sld [smem:$0x3FAE]  }
0x28: {  	s2 =	sld [smem:$0x3FAF]  }
0x29: {  	s4 =	sld [smem:$0x3FB1]  }
0x2a: {  	p0 =	seq.s32 s5, $0x0;
	s5 =	sld [smem:$0x3FB2]  }
0x2b: {  	s6 =	sld [smem:$0x3FB3]  }
0x2c: {  	s7 =	sld [smem:$0x3FB4]  }
0x2d: {  	s3 =	simm.s32 $0x108;
	s8 =	sld [smem:$0x3FB5]  }
0x2e: {  	s3 =	simm.s32 @!p0 $0x1082;
	s9 =	sld [smem:$0x3FB6]  }
0x2f: {  	lr =	sadd.s32 s0, s3;
	s0 =	sld [smem:$0x3FAD]  }
0x30: {  	s3 =	sld [smem:$0x3FB0]  }
0x31: {  	[smem:$0x3FB9] =	sst s10  }
0x32: {  	s10 =	sld [smem:$0x3FB7];
	_ =	sdelay $0x3  }
0x33: {  	p0 =	seq.s32 s10, $0x1;
	s10 =	sld [smem:$0x3FB9];
	_ =	sdelay $0x3  }
0x34: {  	[smem:$0x3FB9] =	sst s10  }
0x35: {  	s10 =	sld [smem:$0x3FB8];
	_ =	sdelay $0x3  }
0x36: {  	p1 =	seq.s32 s10, $0x1;
	s10 =	sld [smem:$0x3FB9];
	_ =	sdelay $0x3  }
0x37: {  	[smem:$0x3FB9] =	sst s10  }
0x38: {  	s10 =	sld [smem:$0x3FBA]  }
0x39: {  	_ = 	snop;
	(pc) =	sbr.ind lr, $3  }
0x3a: {  	_ = 	snop  }
0x3b: {  	_ = 	snop  }
0x3c: {  	p2 =	seq.s32 s10, $0x1;
	s10 =	sld [smem:$0x3FB9]  }
0x3d: {  	_ =	shalt  }
0x3e: {  	_ =	shalt  }
0x3f: {  	_ =	shalt  }
0x40: {  	_ =	shalt  }
0x41: {  	_ =	shalt  }
0x42: {  	_ =	shalt  }
0x43: {  	_ =	shalt  }
0x44: {  	_ =	shalt  }
0x45: {  	_ =	shalt  }
0x46: {  	_ =	shalt  }
0x47: {  	_ =	shalt  }
0x48: {  	_ =	shalt  }
0x49: {  	_ =	shalt  }
0x4a: {  	_ =	shalt  }
0x4b: {  	_ =	shalt  }
0x4c: {  	_ =	shalt  }
0x4d: {  	_ =	shalt  }
0x4e: {  	_ =	shalt  }
0x4f: {  	_ =	shalt  }
0x50: {  	_ =	shalt  }
0x51: {  	_ =	shalt  }
0x52: {  	_ =	shalt  }
0x53: {  	_ =	shalt  }
0x54: {  	_ =	shalt  }
0x55: {  	_ =	shalt  }
0x56: {  	_ =	shalt  }
0x57: {  	_ =	shalt  }
0x58: {  	_ =	shalt  }
0x59: {  	_ =	shalt  }
0x5a: {  	_ =	shalt  }
0x5b: {  	_ =	shalt  }
0x5c: {  	_ =	shalt  }
0x5d: {  	_ =	shalt  }
0x5e: {  	_ =	shalt  }
0x5f: {  	_ =	shalt  }
0x60: {  	_ =	shalt  }
0x61: {  	_ =	shalt  }
0x62: {  	_ =	shalt  }
0x63: {  	_ =	shalt  }
0x64: {  	_ =	shalt  }
0x65: {  	_ =	shalt  }
0x66: {  	_ =	shalt  }
0x67: {  	_ =	shalt  }
0x68: {  	_ =	shalt  }
0x69: {  	_ =	shalt  }
0x6a: {  	_ =	shalt  }
0x6b: {  	_ =	shalt  }
0x6c: {  	_ =	shalt  }
0x6d: {  	_ =	shalt  }
0x6e: {  	_ =	shalt  }
0x6f: {  	_ =	shalt  }
0x70: {  	_ =	shalt  }
0x71: {  	_ =	shalt  }
0x72: {  	_ =	shalt  }
0x73: {  	_ =	shalt  }
0x74: {  	_ =	shalt  }
0x75: {  	_ =	shalt  }
0x76: {  	_ =	shalt  }
0x77: {  	_ =	shalt  }
0x78: {  	_ =	shalt  }
0x79: {  	_ =	shalt  }
0x7a: {  	_ =	shalt  }
0x7b: {  	_ =	shalt  }
0x7c: {  	_ =	shalt  }
0x7d: {  	_ =	shalt  }
0x7e: {  	_ =	shalt  }
0x7f: {  	_ =	shalt  }
0x80: {  	_ =	shalt  }
0x81: {  	_ =	shalt  }
0x82: {  	_ =	shalt  }
0x83: {  	_ =	shalt  }
0x84: {  	_ =	shalt  }
0x85: {  	_ =	shalt  }
0x86: {  	_ =	shalt  }
0x87: {  	_ =	shalt  }
.Lfunc_end0:
.L_simem_size_0:
called_computation_lowered:
.L_overlay_start_0:
0x88: {  	s2 =	sld [smem:$0x3FD9]  }
0x89: {  	s3 =	sld [smem:$0x3FFE];
	_ =	sdelay $0x1  }
0x8a: {  	s1 =	srdreg.scid  }
0x8b: {  	s0 =	sand.u32 $0x1, s1  }
0x8c: {  	s17 =	sshll.u32 s0, $0xA;
	s2 =	sadd.s32 s3, s2  }
0x8d: {  	s2 =	sadd.s32 s2, s17  }
0x8e: {  	[smem:$0x3FC5] =	sst s2  }
0x8f: {  	_ = 	snop  }
0x90: {  	s2 =	sld [smem:$0x3FD0];
	(tm) =	ssettm $0x1  }
0x91: {  	s18 =	sld [smem:$0x3FFB];
	_ =	sdelay $0x3  }
0x92: {  	_ =	strace s18  }
0x93: {  	s3 =	sld [smem:$0x3FFC];
	_ =	sdelay $0x3  }
0x94: {  	_ =	strace s3  }
0x95: {  	s3 =	sld [smem:$0x3FFD];
	_ =	sdelay $0x3  }
0x96: {  	_ =	strace s3  }
0x97: {  	_ =	strace $0x8FFFFFFF  }
0x98: {  	s19 =	sld [smem:$0x3FDB];
	_ =	sdelay $0x1  }
0x99: {  	s4 =	simm.s32 $_scs_section_size  }
0x9a: {  	s5 =	simm.s32 $_size__tile_overlayer_lowered;
	s6 =	simm.s32 $_tile_overlayer_lowered  }
0x9b: {  	s22 =	simm.s32 $0x1BFF;
	s21 =	sshll.u32 s6, $0x1;
	s3 =	sadd.s32 s4, s19  }
0x9c: {  	s7 =	simm.s32 $0x0;
	s20 =	sshll.u32 s5, $0x1;
	s5 =	sadd.s32 s21, s3  }
0x9d: {  	[timem:s7], [sflag:s22] =	dma.local [hbm:s5], s20  }
0x9e: {  	_ =	swait.ge [sflag:s22], s20  }
0x9f: {  	s4 =	ssub.s32 $0x0, s20;
	[sflag:s22] =	ssyncset.done $0x0  }
0xa0: {  	[sflag:s22] =	ssyncadd.s32 s4;
	_ =	sdelay $0x1  }
0xa1: {  	s23 =	simm.s32 $0x1B8B  }
0xa2: {  	_ =	swait.ge [sflag:s23], $0x1  }
0xa3: {  	[sflag:s23] =	ssyncset.done $0x0  }
0xa4: {  	s25 =	simm.s32 $0x1B8E;
	s24 =	sld [smem:$0x3FFE];
	[sflag:s23] =	ssyncadd.s32 $0xFFFFFFFF  }
0xa5: {  	s26 =	simm.s32 $execute0_lowered;
	[smem:$0x3FD2] =	sst s25  }
0xa6: {  	s5 =	sshll.u32 s26, $0x1;
	_ =	strace $0x80000046;
	[dreg:$0x1] =	wrdreg $0xFFFFFFFF  }
0xa7: {  	s28 =	simm.s32 $_size_execute0_lowered;
	s3 =	sadd.s32 s3, s5;
	[dreg:$0x0] =	wrdreg $0x0  }
0xa8: {  	s5 =	sshll.u32 s28, $0x1;
	[dreg:$0x2] =	wrdreg s3  }
0xa9: {  	[dreg:$0x3] =	wrdreg s5  }
0xaa: {  	[dreg:$0x4] =	wrdreg $0xC0  }
0xab: {  	_ =	task [dreg:s7], $0x5FFFF  }
0xac: {  	[dreg:$0x1] =	wrdreg $0xFFFFFFFF  }
0xad: {  	[dreg:$0x0] =	wrdreg $0x60  }
0xae: {  	[dreg:$0x2] =	wrdreg s24  }
0xaf: {  	[dreg:$0x3] =	wrdreg s2  }
0xb0: {  	[dreg:$0x4] =	wrdreg $0x1A6800  }
0xb1: {  	[dreg:$0x5] =	wrdreg $0x9  }
0xb2: {  	_ =	task.clear_ibuf [dreg:s7], $0x6FFFF;
	_ =	strace $0x90000046  }
0xb3: {  	s29 =	simm.s32 $0x9;
	_ =	strace $0x80000048  }
0xb4: {  	_ =	swait.ge [sflag:s29], $0x1  }
0xb5: {  	[sflag:s29] =	ssyncadd.s32 $0xFFFFFFFF  }
0xb6: {  	_ =	strace $0x90000048  }
0xb7: {  	_ =	sfence  }
0xb8: {  	s30 =	sld [smem:$0x0];
	_ =	sdelay $0x2  }
0xb9: {  	s31 =	sshll.u32 s1, $0xD;
	s1 =	sshrl.u32 s1, $0x2  }
0xba: {  	s3 =	sand.u32 $0x4000, s31;
	s1 =	sadd.s32 s1, s30  }
0xbb: {  	s0 =	sor.u32 s3, s0;
	s1 =	sshll.u32 s1, $0x11  }
0xbc: {  	s0 =	sor.u32 s1, s0  }
0xbd: {  	s0 =	sadd.s32 $0x8F2B, s0  }
0xbe: {  	[sflag:s0] =	ssyncadd.remote.s32 $0x1  }
0xbf: {  	_ =	sfence.sel $0xFFFF  }
0xc0: {  	[dreg:$0x0] =	wrdreg $0xFFFFFFFF;
	(pc) =	sbr.abs _section_cstart, $3  }
0xc1: {  	[dreg:$0x1] =	wrdreg $0xFFFFFFFF  }
0xc2: {  	_ =	task.clear_ibuf [dreg:s7], $0x2FFFF;
	_ =	strace $0x9FFFFFFF  }
0xc3: {  	(tm) =	ssettm $0x7FFFFFFF  }
tec
execute0_lowered:
.L_overlay_start_1:
0x0: {  	(tag) =	ssettag $0x1  }
0x1: {  	s5 =	rddreg [dreg:$0x0];
	s1 =	srdreg.scid  }
0x2: {  	s0 =	stileid.u32;
	s3 =	rddreg [dreg:$0x1]  }
0x3: {  	s14 =	simm.s32 $0x80;
	s15 =	simm.s32 $0x6400;
	s28 =	simm.s32 $0x3  }
0x4: {  	s29 =	simm.s32 $0x4;
	s30 =	simm.s32 $0x5;
	s31 =	simm.s32 $0x6  }
0x5: {  	s4 =	sand.u32 $0x1, s1;
	s2 =	sshll.u32 s0, $0x1;
	s8 =	smul.u32 $0x640000, s0  }
0x6: {  	v0 =	vimm.s32 $0x381;
	vm0 =	vcmask $0x300;
	vm14 =	vcmask $0x704;
	s1 =	rddreg [dreg:$0x2];
	s25 =	smul.u32 $0xC8000, s0;
	p0 =	sne.s32 s0, $0x0  }
0x7: {  	vm15 =	vcmask $0xB08;
	vm4 =	vcmask $0xF0C;
	vm5 =	vcmask $0x1310;
	s6 =	sor.u32 s4, s2;
	s2 =	simm.s32 $0x0;
	s10 =	smul.u32 $0x320000, s4  }
0x8: {  	vm6 =	vcmask $0x1714;
	vm7 =	vcmask $0x1B18;
	vm8 =	vcmask $0x1F1C;
	s9 =	ssub.s32 $0x2, s4;
	s4 =	smul.u32 $0x64000, s4;
	s0 =	sshrl.u32 @!p0 s1, $0x3  }
0x9: {  	vm9 =	vcmask $0x2320;
	vm10 =	vcmask $0x2724;
	vm11 =	vcmask $0x2B28;
	s7 =	smul.u32 $0x6400, s6;
	[smem:$0x7FF] =	sst s2;
	s16 =	sshrl.u32 s9, $0x1  }
0xa: {  	vm12 =	vcmask $0x2F2C;
	v1 =	vsel vm0, $0x6000, v0;
	v0 =	vlaneseq.u32;
	s6 =	smul.u32 $0x320000, s6;
	s26 =	sadd.s32 s25, s3;
	s25 =	simm.s32 $0x16680  }
0xb: {  	vm13 =	vcmask $0x3330;
	v2 =	vsel vm14, $0x6080, v1;
	v1 =	vmul.u32 $0x80, v0;
	_ =	strace $0x80000047;
	s17 =	sadd.s32 s10, s8;
	s4 =	sadd.s32 s4, s26  }
0xc: {  	vm14 =	vcmask $0x3734;
	v2 =	vsel vm15, $0x6100, v2;
	vm15 =	vcmask $0x3B38;
	[dreg:$0xc] =	wrdreg s0;
	s26 =	simm.s32 $0x2;
	s0 =	simm.s32 $0x7  }
0xd: {  	v3 =	vsel vm4, $0x6180, v2;
	v2 =	vor.u32 $0x800, v1;
	v14 =	vadd.s32 $0x401, v1;
	s8 =	simm.s32 $0x0;
	s7 =	sshrl.u32 s7, $0x3;
	s18 =	sshrl.u32 s6, $0x3  }
0xe: {  	v15 =	vadd.s32 $0xC01, v1;
	v16 =	vadd.s32 $0x1401, v1;
	v17 =	vadd.s32 $0x1C01, v1;
	s19 =	sor.u32 $0xC000, s17;
	s21 =	sor.u32 $0x8000, s17;
	s24 =	sor.u32 $0x4000, s17  }
0xf: {  	v18 =	vadd.s32 $0x2401, v1;
	v19 =	vadd.s32 $0x2C01, v1;
	v20 =	vadd.s32 $0x3401, v1;
	[dreg:$0xa] =	wrdreg s4;
	s4 =	simm.s32 $0x9;
	s7 =	sadd.s32 s7, s5  }
0x10: {  	v21 =	vadd.s32 $0x3C01, v1;
	v22 =	vadd.s32 $0x4401, v1;
	v4 =	vsel vm5, $0x6200, v3;
	s5 =	sadd.s32 $0x1A000, s5;
	s20 =	sshrl.u32 s19, $0x3;
	s23 =	sshrl.u32 s21, $0x3  }
0x11: {  	v23 =	vadd.s32 $0x4C01, v1;
	v24 =	vadd.s32 $0x5401, v1;
	v5 =	vsel vm6, $0x6280, v4;
	s19 =	simm.s32 $0x6500;
	s21 =	simm.s32 $0x6580;
	[dreg:$0x4] =	wrdreg s5  }
0x12: {  	v25 =	vadd.s32 $0x5C01, v1;
	v26 =	vor.u32 $0x2, v1;
	s5 =	ssub.s32 s9, s16;
	s7 =	sadd.s32 $0x1000, s7;
	v6 =	vsel vm7, $0x6300, v5;
	s22 =	sadd.s32 s20, s3  }
0x13: {  	v27 =	vor.u32 $0x802, v1;
	v28 =	vor.u32 $0x1002, v1;
	s16 =	simm.s32 $0x6680;
	s20 =	simm.s32 $0xE680;
	[dreg:$0x5] =	wrdreg s7;
	v7 =	vsel vm8, $0x6380, v6  }
0x14: {  	v29 =	vor.u32 $0x1802, v1;
	v30 =	vor.u32 $0x2002, v1;
	s5 =	smax.u32 s5, $0x1;
	[dreg:$0x7] =	wrdreg s22;
	s7 =	sor.u32 $0x10000, s17;
	v8 =	vsel vm9, $0x1, v7  }
0x15: {  	v31 =	vor.u32 $0x2802, v1;
	v32 =	vor.u32 $0x3002, v1;
	s17 =	simm.s32 $0x6480;
	[dreg:$0x6] =	wrdreg s5;
	s5 =	sadd.s32 s3, s18;
	v9 =	vsel vm10, $0x81, v8  }
.Ltmp0:
0x16: {  	v3 =	vor.u32 $0x1000, v1;
	v4 =	vor.u32 $0x1800, v1;
	s6 =	sadd.s32 $0x62800, s5;
	s5 =	sadd.s32 s23, s3;
	v10 =	vsel vm11, $0x101, v9;
	(pc) =	sbr.rel .LBB2_1-.Ltmp0, $4  }
0x17: {  	v5 =	vor.u32 $0x2000, v1;
	v6 =	vor.u32 $0x2800, v1;
	s22 =	simm.s32 $0x12680;
	[dreg:$0x8] =	wrdreg s5;
	s5 =	sshrl.u32 s24, $0x3;
	v11 =	vsel vm12, $0x181, v10  }
0x18: {  	v7 =	vor.u32 $0x3000, v1;
	s7 =	sshrl.u32 s7, $0x3;
	s18 =	simm.s32 $0xA680;
	v8 =	vor.u32 $0x3800, v1;
	s5 =	sadd.s32 s5, s3;
	v12 =	vsel vm13, $0x201, v11  }
0x19: {  	s23 =	simm.s32 $0x1;
	v9 =	vor.u32 $0x4000, v1;
	s3 =	sadd.s32 s7, s3;
	v10 =	vor.u32 $0x4800, v1;
	[dreg:$0x9] =	wrdreg s5;
	v13 =	vsel vm14, $0x281, v12  }
0x1a: {  	s24 =	simm.s32 $0x6600;
	[dreg:$0xb] =	wrdreg s3;
	v11 =	vor.u32 $0x5000, v1;
	s3 =	simm.s32 $0x8;
	v12 =	vor.u32 $0x5800, v1;
	v13 =	vsel vm15, $0x301, v13  }
.LBB2_9:
0x1b: {  	_ =	swait.ge [sflag:s31], $0x4000  }
0x1c: {  	[sflag:s31] =	ssyncset.done $0x0  }
0x1d: {  	[sflag:s31] =	ssyncadd.s32 $0xFFFFC000  }
0x1e: {  	_ =	swait.ge [sflag:s0], $0x4000  }
0x1f: {  	[sflag:s0] =	ssyncset.done $0x0  }
0x20: {  	[sflag:s0] =	ssyncadd.s32 $0xFFFFC000  }
0x21: {  	_ =	swait.ge [sflag:s3], $0x4000  }
0x22: {  	[sflag:s3] =	ssyncset.done $0x0  }
0x23: {  	[sflag:s3] =	ssyncadd.s32 $0xFFFFC000  }
0x24: {  	_ =	swait.ge [sflag:s4], $0x4000  }
0x25: {  	[sflag:s4] =	ssyncset.done $0x0  }
0x26: {  	s7 =	simm.s32 $0xA;
	[sflag:s4] =	ssyncadd.s32 $0xFFFFC000  }
0x27: {  	_ =	swait.ge [sflag:s7], $0x4000  }
0x28: {  	s8 =	rddreg [dreg:$0xd]  }
0x29: {  	s5 =	rddreg [dreg:$0x6];
	s8 =	sadd.s32 $0x1, s8  }
0x2a: {  	p1 =	sne.s32 s8, s5  }
.Ltmp1:
0x2b: {  	_ = 	snop;
	(pc) =	sbr.rel @!p1 .LBB2_10-.Ltmp1, $3  }
0x2c: {  	_ =	sdelay $0x1  }
0x2d: {  	[sflag:s7] =	ssyncset.done $0x0  }
0x2e: {  	[sflag:s7] =	ssyncadd.s32 $0xFFFFC000  }
.LBB2_1:
0x2f: {  	[dreg:$0xd] =	wrdreg s8  }
0x30: {  	s5 =	rddreg [dreg:$0x4]  }
0x31: {  	s8 =	simm.s32 @!p0 $0x1C0B;
	s7 =	rddreg [dreg:$0xc]  }
0x32: {  	[spmem:s7], [sflag:s8] =	dma.local @!p0 [hbm:s5], $0x5A00  }
0x33: {  	s8 =	simm.s32 @!p0 $0xB  }
0x34: {  	_ =	swait.ge @!p0 [sflag:s8], $0x5A00  }
0x35: {  	[sflag:s8] =	ssyncset.done @!p0 $0x0  }
0x36: {  	s13 =	simm.s32 $0xB;
	s12 =	rddreg [dreg:$0x5];
	[sflag:s8] =	ssyncadd.s32 @!p0 $0xFFFFA600  }
0x37: {  	[tilespmem:s2], [sflag:$0xB] =	stream.linear.gather [hbm4b:s12+s2], $0x6400, $0x38;
	[tilespmem:$0x1D380] =	vst v63  }
0x38: {  	_ =	swait.ge [sflag:s13], $0x6400  }
0x39: {  	[sflag:s13] =	ssyncset.done $0x0  }
0x3a: {  	[sflag:s13] =	ssyncadd.s32 $0xFFFF9C00  }
0x3b: {  	[bflag:$0x0] =	sbarrier.arrive $0xFFFF  }
0x3c: {  	v33 =	vld.idx.msk [tilespmem:v1+s2+$0x0], $0xffff;
	_ =	sdelay $0x4  }
0x3d: {  	[tilespmem:$0x6400] =	vst v33  }
0x3e: {  	v33 =	vld.idx.msk [tilespmem:v2+s2+$0x0], $0xffff;
	_ =	sdelay $0x4  }
0x3f: {  	[tilespmem:$0x6410] =	vst v33  }
0x40: {  	v33 =	vld.idx.msk [tilespmem:v3+s2+$0x0], $0xffff;
	_ =	sdelay $0x4  }
0x41: {  	[tilespmem:$0x6420] =	vst v33  }
0x42: {  	v33 =	vld.idx.msk [tilespmem:v4+s2+$0x0], $0xffff;
	_ =	sdelay $0x4  }
0x43: {  	[tilespmem:$0x6430] =	vst v33  }
0x44: {  	v33 =	vld.idx.msk [tilespmem:v5+s2+$0x0], $0xffff;
	_ =	sdelay $0x4  }
0x45: {  	[tilespmem:$0x6440] =	vst v33  }
0x46: {  	v33 =	vld.idx.msk [tilespmem:v6+s2+$0x0], $0xffff;
	_ =	sdelay $0x4  }
0x47: {  	[tilespmem:$0x6450] =	vst v33  }
0x48: {  	v33 =	vld.idx.msk [tilespmem:v7+s2+$0x0], $0xffff;
	_ =	sdelay $0x4  }
0x49: {  	[tilespmem:$0x6460] =	vst v33  }
0x4a: {  	v33 =	vld.idx.msk [tilespmem:v8+s2+$0x0], $0xffff;
	_ =	sdelay $0x4  }
0x4b: {  	[tilespmem:$0x6470] =	vst v33  }
0x4c: {  	[tilespmem:s16], [sflag:$0x1] =	stream.indirect.gather [spmem:s1], $0x80, s15, s14, $0xb8;
	[tilespmem:$0x1D380] =	vst v63  }
0x4d: {  	v33 =	vld.idx.msk [tilespmem:v9+s2+$0x0], $0xffff;
	_ =	sdelay $0x4  }
0x4e: {  	[tilespmem:$0x6480] =	vst v33  }
0x4f: {  	v33 =	vld.idx.msk [tilespmem:v10+s2+$0x0], $0xffff;
	_ =	sdelay $0x4  }
0x50: {  	[tilespmem:$0x6490] =	vst v33  }
0x51: {  	v33 =	vld.idx.msk [tilespmem:v11+s2+$0x0], $0xffff;
	_ =	sdelay $0x4  }
0x52: {  	[tilespmem:$0x64A0] =	vst v33  }
0x53: {  	v33 =	vld.idx.msk [tilespmem:v12+s2+$0x0], $0xffff;
	_ =	sdelay $0x4  }
0x54: {  	[tilespmem:$0x64B0] =	vst v33  }
0x55: {  	v33 =	vld.idx.msk [tilespmem:v13+s2+$0x0], $0xffff;
	_ =	sdelay $0x4  }
0x56: {  	[tilespmem:$0x64C0] =	vst v33  }
0x57: {  	v33 =	vld.idx.msk [tilespmem:v14+s2+$0x0], $0xffff;
	_ =	sdelay $0x4  }
0x58: {  	[tilespmem:$0x64D0] =	vst v33  }
0x59: {  	v33 =	vld.idx.msk [tilespmem:v15+s2+$0x0], $0xffff;
	_ =	sdelay $0x4  }
0x5a: {  	[tilespmem:$0x64E0] =	vst v33  }
0x5b: {  	v33 =	vld.idx.msk [tilespmem:v16+s2+$0x0], $0xffff;
	_ =	sdelay $0x4  }
0x5c: {  	[tilespmem:$0x64F0] =	vst v33  }
0x5d: {  	[tilespmem:s18], [sflag:$0x2] =	stream.indirect.gather [spmem:s1], $0x80, s17, s14, $0xb8;
	[tilespmem:$0x1D380] =	vst v63  }
0x5e: {  	v33 =	vld.idx.msk [tilespmem:v17+s2+$0x0], $0xffff;
	_ =	sdelay $0x4  }
0x5f: {  	[tilespmem:$0x6500] =	vst v33  }
0x60: {  	v33 =	vld.idx.msk [tilespmem:v18+s2+$0x0], $0xffff;
	_ =	sdelay $0x4  }
0x61: {  	[tilespmem:$0x6510] =	vst v33  }
0x62: {  	v33 =	vld.idx.msk [tilespmem:v19+s2+$0x0], $0xffff;
	_ =	sdelay $0x4  }
0x63: {  	[tilespmem:$0x6520] =	vst v33  }
0x64: {  	v33 =	vld.idx.msk [tilespmem:v20+s2+$0x0], $0xffff;
	_ =	sdelay $0x4  }
0x65: {  	[tilespmem:$0x6530] =	vst v33  }
0x66: {  	v33 =	vld.idx.msk [tilespmem:v21+s2+$0x0], $0xffff;
	_ =	sdelay $0x4  }
0x67: {  	[tilespmem:$0x6540] =	vst v33  }
0x68: {  	v33 =	vld.idx.msk [tilespmem:v22+s2+$0x0], $0xffff;
	_ =	sdelay $0x4  }
0x69: {  	[tilespmem:$0x6550] =	vst v33  }
0x6a: {  	v33 =	vld.idx.msk [tilespmem:v23+s2+$0x0], $0xffff;
	_ =	sdelay $0x4  }
0x6b: {  	[tilespmem:$0x6560] =	vst v33  }
0x6c: {  	v33 =	vld.idx.msk [tilespmem:v24+s2+$0x0], $0xffff;
	_ =	sdelay $0x4  }
0x6d: {  	[tilespmem:$0x6570] =	vst v33  }
0x6e: {  	[tilespmem:s20], [sflag:$0x3] =	stream.indirect.gather [spmem:s1], $0x80, s19, s14, $0xb8;
	[tilespmem:$0x1D380] =	vst v63  }
0x6f: {  	v33 =	vld.idx.msk [tilespmem:v25+s2+$0x0], $0xffff;
	_ =	sdelay $0x4  }
0x70: {  	[tilespmem:$0x6580] =	vst v33  }
0x71: {  	v33 =	vld.idx.msk [tilespmem:v26+s2+$0x0], $0xffff;
	_ =	sdelay $0x4  }
0x72: {  	[tilespmem:$0x6590] =	vst v33  }
0x73: {  	v33 =	vld.idx.msk [tilespmem:v27+s2+$0x0], $0xffff;
	_ =	sdelay $0x4  }
0x74: {  	[tilespmem:$0x65A0] =	vst v33  }
0x75: {  	v33 =	vld.idx.msk [tilespmem:v28+s2+$0x0], $0xffff;
	_ =	sdelay $0x4  }
0x76: {  	[tilespmem:$0x65B0] =	vst v33  }
0x77: {  	v33 =	vld.idx.msk [tilespmem:v29+s2+$0x0], $0xffff;
	_ =	sdelay $0x4  }
0x78: {  	[tilespmem:$0x65C0] =	vst v33  }
0x79: {  	v33 =	vld.idx.msk [tilespmem:v30+s2+$0x0], $0xffff;
	_ =	sdelay $0x4  }
0x7a: {  	[tilespmem:$0x65D0] =	vst v33  }
0x7b: {  	v33 =	vld.idx.msk [tilespmem:v31+s2+$0x0], $0xffff;
	_ =	sdelay $0x4  }
0x7c: {  	[tilespmem:$0x65E0] =	vst v33  }
0x7d: {  	v33 =	vld.idx.msk [tilespmem:v32+s2+$0x0], $0xffff  }
0x7e: {  	s11 =	rddreg [dreg:$0xb]  }
0x7f: {  	s10 =	rddreg [dreg:$0xa]  }
0x80: {  	s12 =	rddreg [dreg:$0x9]  }
0x81: {  	s9 =	rddreg [dreg:$0x8]  }
0x82: {  	s8 =	simm.s32 $0x470;
	s13 =	rddreg [dreg:$0x7];
	[tilespmem:$0x65F0] =	vst v33  }
0x83: {  	[tilespmem:s22], [sflag:$0x4] =	stream.indirect.gather [spmem:s1], $0x80, s21, s14, $0xb8;
	[tilespmem:$0x1D380] =	vst v63  }
.LBB2_2:
0x84: {  	s5 =	sadd.s32 $0xFFFFFD90, s8  }
0x85: {  	v33 =	vor.u32 s5, v0  }
0x86: {  	v34 =	vmulhi.u32 $0x51EB851F, v33;
	_ =	sdelay $0x1  }
0x87: {  	v34 =	vshrl.u32 v34, $0x6  }
0x88: {  	v35 =	vmul.u32 $0x1FFFF38, v34  }
0x89: {  	s7 =	sadd.s32 $0xFFFFFDA0, s8  }
0x8a: {  	v55 =	vor.u32 s7, v0;
	v33 =	vadd.s32 v33, v35  }
0x8b: {  	_ =	swait.ge [sflag:s23], $0x4000;
	v37 =	vmulhi.u32 $0x51EB851F, v55;
	v36 =	vand.u32 $0xFFFF80, v34;
	v33 =	vshll.u32 v33, $0x7  }
0x8c: {  	p1 =	seq.s32 s8, $0x470;
	[sflag:s23] =	ssyncset.done $0x0;
	v34 =	vand.u32 $0x7F, v34;
	v33 =	vadd.s32 v36, v33  }
0x8d: {  	s5 =	simm.s32 @!p1 $0xA;
	[sflag:s23] =	ssyncadd.s32 $0xFFFFC000;
	v56 =	vshrl.u32 v37, $0x6;
	v33 =	vor.u32 v34, v33  }
0x8e: {  	[hbm4b:s10+s2] =	stream.linear.scatter [tilespmem:s16], [sflag:$0x6], $0x4000, $0x38;
	v57 =	vmul.u32 $0x1FFFF38, v56;
	[tilespmem:$0x1D380] =	vst v63  }
0x8f: {  	s7 =	sadd.s32 $0xFFFFFDB0, s8;
	_ =	swait.ge @!p1 [sflag:s5], $0x4000  }
0x90: {  	v58 =	vor.u32 s7, v0;
	[sflag:s5] =	ssyncset.done @!p1 $0x0;
	v35 =	vadd.s32 v55, v57  }
0x91: {  	v38 =	vmulhi.u32 $0x51EB851F, v58;
	v59 =	vand.u32 $0xFFFF80, v56;
	[sflag:s5] =	ssyncadd.s32 @!p1 $0xFFFFC000;
	v35 =	vshll.u32 v35, $0x7  }
0x92: {  	v35 =	vadd.s32 v59, v35;
	v34 =	vand.u32 $0x7F, v56;
	v33 =	vld.idx.msk [tilespmem:v33+s2+$0x0], $0xffff  }
0x93: {  	v60 =	vshrl.u32 v38, $0x6;
	v34 =	vor.u32 v34, v35  }
0x94: {  	v61 =	vmul.u32 $0x1FFFF38, v60  }
0x95: {  	s7 =	sadd.s32 $0xFFFFFDC0, s8  }
0x96: {  	v62 =	vor.u32 s7, v0;
	v36 =	vadd.s32 v58, v61  }
0x97: {  	v40 =	vmulhi.u32 $0x51EB851F, v62;
	v63 =	vand.u32 $0xFFFF80, v60;
	v36 =	vshll.u32 v36, $0x7;
	[tilespmem:$0x6600] =	vst v33  }
0x98: {  	v35 =	vand.u32 $0x7F, v60;
	v33 =	vadd.s32 v63, v36;
	v34 =	vld.idx.msk [tilespmem:v34+s2+$0x0], $0xffff  }
0x99: {  	v41 =	vshrl.u32 v40, $0x6;
	v33 =	vor.u32 v35, v33  }
0x9a: {  	v42 =	vmul.u32 $0x1FFFF38, v41  }
0x9b: {  	s7 =	sadd.s32 $0xFFFFFDD0, s8  }
0x9c: {  	v43 =	vor.u32 s7, v0;
	v36 =	vadd.s32 v62, v42  }
0x9d: {  	v45 =	vmulhi.u32 $0x51EB851F, v43;
	v44 =	vand.u32 $0xFFFF80, v41;
	v36 =	vshll.u32 v36, $0x7;
	[tilespmem:$0x6610] =	vst v34  }
0x9e: {  	v35 =	vand.u32 $0x7F, v41;
	v34 =	vadd.s32 v44, v36;
	v33 =	vld.idx.msk [tilespmem:v33+s2+$0x0], $0xffff  }
0x9f: {  	v46 =	vshrl.u32 v45, $0x6;
	v34 =	vor.u32 v35, v34  }
0xa0: {  	v47 =	vmul.u32 $0x1FFFF38, v46  }
0xa1: {  	s7 =	sadd.s32 $0xFFFFFDE0, s8  }
0xa2: {  	v48 =	vor.u32 s7, v0;
	v36 =	vadd.s32 v43, v47  }
0xa3: {  	v50 =	vmulhi.u32 $0x51EB851F, v48;
	v49 =	vand.u32 $0xFFFF80, v46;
	v36 =	vshll.u32 v36, $0x7;
	[tilespmem:$0x6620] =	vst v33  }
0xa4: {  	v35 =	vand.u32 $0x7F, v46;
	v33 =	vadd.s32 v49, v36;
	v34 =	vld.idx.msk [tilespmem:v34+s2+$0x0], $0xffff  }
0xa5: {  	v51 =	vshrl.u32 v50, $0x6;
	v33 =	vor.u32 v35, v33  }
0xa6: {  	v52 =	vmul.u32 $0x1FFFF38, v51  }
0xa7: {  	s7 =	sadd.s32 $0xFFFFFDF0, s8  }
0xa8: {  	v53 =	vor.u32 s7, v0;
	v36 =	vadd.s32 v48, v52  }
0xa9: {  	v55 =	vmulhi.u32 $0x51EB851F, v53;
	v54 =	vand.u32 $0xFFFF80, v51;
	v36 =	vshll.u32 v36, $0x7;
	[tilespmem:$0x6630] =	vst v34  }
0xaa: {  	v35 =	vand.u32 $0x7F, v51;
	v34 =	vadd.s32 v54, v36;
	v33 =	vld.idx.msk [tilespmem:v33+s2+$0x0], $0xffff  }
0xab: {  	v56 =	vshrl.u32 v55, $0x6;
	v34 =	vor.u32 v35, v34  }
0xac: {  	v57 =	vmul.u32 $0x1FFFF38, v56  }
0xad: {  	s7 =	sadd.s32 $0xFFFFFE00, s8  }
0xae: {  	v58 =	vor.u32 s7, v0;
	v36 =	vadd.s32 v53, v57  }
0xaf: {  	v59 =	vand.u32 $0xFFFF80, v56;
	v60 =	vmulhi.u32 $0x51EB851F, v58;
	v36 =	vshll.u32 v36, $0x7;
	[tilespmem:$0x6640] =	vst v33  }
0xb0: {  	v35 =	vand.u32 $0x7F, v56;
	v33 =	vadd.s32 v59, v36;
	v34 =	vld.idx.msk [tilespmem:v34+s2+$0x0], $0xffff  }
0xb1: {  	v61 =	vshrl.u32 v60, $0x6;
	v33 =	vor.u32 v35, v33  }
0xb2: {  	v62 =	vmul.u32 $0x1FFFF38, v61;
	_ =	sdelay $0x1  }
0xb3: {  	v36 =	vadd.s32 v58, v62  }
0xb4: {  	v63 =	vand.u32 $0xFFFF80, v61;
	v36 =	vshll.u32 v36, $0x7;
	[tilespmem:$0x6650] =	vst v34  }
0xb5: {  	v35 =	vand.u32 $0x7F, v61;
	v34 =	vadd.s32 v63, v36;
	v33 =	vld.idx.msk [tilespmem:v33+s2+$0x0], $0xffff  }
0xb6: {  	v34 =	vor.u32 v35, v34;
	_ =	sdelay $0x3  }
0xb7: {  	[tilespmem:$0x6660] =	vst v33  }
0xb8: {  	v33 =	vld.idx.msk [tilespmem:v34+s2+$0x0], $0xffff;
	_ =	sdelay $0x4  }
0xb9: {  	p1 =	seq.s32 s8, $0x65F0;
	[tilespmem:$0x6670] =	vst v33  }
0xba: {  	[tilespmem:s25], [sflag:$0x5] =	stream.indirect.gather [spmem:s1], $0x80, s24, s14, $0xb8;
	[tilespmem:$0x1D380] =	vst v63  }
.Ltmp2:
0xbb: {  	_ = 	snop;
	(pc) =	sbr.rel @!p1 .LBB2_3-.Ltmp2, $4  }
0xbc: {  	_ =	swait.ge [sflag:s26], $0x4000  }
0xbd: {  	[sflag:s26] =	ssyncset.done $0x0  }
0xbe: {  	[sflag:s26] =	ssyncadd.s32 $0xFFFFC000  }
0xbf: {  	[hbm4b:s12+s2] =	stream.linear.scatter [tilespmem:s18], [sflag:$0x7], $0x4000, $0x38;
	[tilespmem:$0x1D380] =	vst v63  }
.Ltmp3:
0xc0: {  	(pc) =	sbr.rel .LBB2_5-.Ltmp3, $4  }
0xc1: {  	_ =	swait.ge [sflag:s28], $0x4000  }
0xc2: {  	[sflag:s28] =	ssyncset.done $0x0  }
0xc3: {  	[sflag:s28] =	ssyncadd.s32 $0xFFFFC000  }
0xc4: {  	[hbm4b:s6+s2] =	stream.linear.scatter [tilespmem:s20], [sflag:$0x8], $0x4000, $0x38;
	[tilespmem:$0x1D380] =	vst v63  }
.LBB2_3:
0xc5: {  	s5 =	sadd.s32 $0xFFFFFE10, s8  }
0xc6: {  	v33 =	vor.u32 s5, v0  }
0xc7: {  	v34 =	vmulhi.u32 $0x51EB851F, v33;
	_ =	sdelay $0x1  }
0xc8: {  	v34 =	vshrl.u32 v34, $0x6  }
0xc9: {  	v35 =	vmul.u32 $0x1FFFF38, v34  }
0xca: {  	s7 =	sadd.s32 $0xFFFFFE20, s8  }
0xcb: {  	v41 =	vor.u32 s7, v0;
	v33 =	vadd.s32 v33, v35  }
0xcc: {  	v37 =	vmulhi.u32 $0x51EB851F, v41;
	v36 =	vand.u32 $0xFFFF80, v34;
	v33 =	vshll.u32 v33, $0x7  }
0xcd: {  	v34 =	vand.u32 $0x7F, v34;
	v33 =	vadd.s32 v36, v33  }
0xce: {  	v42 =	vshrl.u32 v37, $0x6;
	v33 =	vor.u32 v34, v33  }
0xcf: {  	v43 =	vmul.u32 $0x1FFFF38, v42  }
0xd0: {  	_ =	swait.ge [sflag:s31], $0x4000;
	s7 =	sadd.s32 $0xFFFFFE30, s8  }
0xd1: {  	[sflag:s31] =	ssyncset.done $0x0;
	v44 =	vor.u32 s7, v0;
	v35 =	vadd.s32 v41, v43  }
0xd2: {  	[sflag:s31] =	ssyncadd.s32 $0xFFFFC000;
	v38 =	vmulhi.u32 $0x51EB851F, v44;
	v37 =	vand.u32 $0x1FFFF80, v42;
	v35 =	vshll.u32 v35, $0x7  }
0xd3: {  	v35 =	vadd.s32 v37, v35;
	v34 =	vand.u32 $0x7F, v42;
	v33 =	vld.idx.msk [tilespmem:v33+s2+$0x0], $0xffff  }
0xd4: {  	v45 =	vshrl.u32 v38, $0x6;
	v34 =	vor.u32 v34, v35  }
0xd5: {  	v46 =	vmul.u32 $0x1FFFF38, v45  }
0xd6: {  	s7 =	sadd.s32 $0xFFFFFE40, s8  }
0xd7: {  	v47 =	vor.u32 s7, v0;
	v36 =	vadd.s32 v44, v46  }
0xd8: {  	v49 =	vmulhi.u32 $0x51EB851F, v47;
	v48 =	vand.u32 $0x1FFFF80, v45;
	v36 =	vshll.u32 v36, $0x7;
	[tilespmem:$0x6400] =	vst v33  }
0xd9: {  	v35 =	vand.u32 $0x7F, v45;
	v33 =	vadd.s32 v48, v36;
	v34 =	vld.idx.msk [tilespmem:v34+s2+$0x0], $0xffff  }
0xda: {  	v50 =	vshrl.u32 v49, $0x6;
	v33 =	vor.u32 v35, v33  }
0xdb: {  	v51 =	vmul.u32 $0x1FFFF38, v50  }
0xdc: {  	s7 =	sadd.s32 $0xFFFFFE50, s8  }
0xdd: {  	v52 =	vor.u32 s7, v0;
	v36 =	vadd.s32 v47, v51  }
0xde: {  	v54 =	vmulhi.u32 $0x51EB851F, v52;
	v53 =	vand.u32 $0x1FFFF80, v50;
	v36 =	vshll.u32 v36, $0x7;
	[tilespmem:$0x6410] =	vst v34  }
0xdf: {  	v35 =	vand.u32 $0x7F, v50;
	v34 =	vadd.s32 v53, v36;
	v33 =	vld.idx.msk [tilespmem:v33+s2+$0x0], $0xffff  }
0xe0: {  	v55 =	vshrl.u32 v54, $0x6;
	v34 =	vor.u32 v35, v34  }
0xe1: {  	v56 =	vmul.u32 $0x1FFFF38, v55  }
0xe2: {  	s7 =	sadd.s32 $0xFFFFFE60, s8  }
0xe3: {  	v57 =	vor.u32 s7, v0;
	v36 =	vadd.s32 v52, v56  }
0xe4: {  	v59 =	vmulhi.u32 $0x51EB851F, v57;
	v58 =	vand.u32 $0x1FFFF80, v55;
	v36 =	vshll.u32 v36, $0x7;
	[tilespmem:$0x6420] =	vst v33  }
0xe5: {  	v35 =	vand.u32 $0x7F, v55;
	v33 =	vadd.s32 v58, v36;
	v34 =	vld.idx.msk [tilespmem:v34+s2+$0x0], $0xffff  }
0xe6: {  	v60 =	vshrl.u32 v59, $0x6;
	v33 =	vor.u32 v35, v33  }
0xe7: {  	v61 =	vmul.u32 $0x1FFFF38, v60  }
0xe8: {  	s7 =	sadd.s32 $0xFFFFFE70, s8  }
0xe9: {  	v62 =	vor.u32 s7, v0;
	v36 =	vadd.s32 v57, v61  }
0xea: {  	v40 =	vmulhi.u32 $0x51EB851F, v62;
	v63 =	vand.u32 $0x1FFFF80, v60;
	v36 =	vshll.u32 v36, $0x7;
	[tilespmem:$0x6430] =	vst v34  }
0xeb: {  	v35 =	vand.u32 $0x7F, v60;
	v34 =	vadd.s32 v63, v36;
	v33 =	vld.idx.msk [tilespmem:v33+s2+$0x0], $0xffff  }
0xec: {  	v41 =	vshrl.u32 v40, $0x6;
	v34 =	vor.u32 v35, v34  }
0xed: {  	v42 =	vmul.u32 $0x1FFFF38, v41  }
0xee: {  	s7 =	sadd.s32 $0xFFFFFE80, s8  }
0xef: {  	v43 =	vor.u32 s7, v0;
	v36 =	vadd.s32 v62, v42  }
0xf0: {  	v44 =	vand.u32 $0x1FFFF80, v41;
	v45 =	vmulhi.u32 $0x51EB851F, v43;
	v36 =	vshll.u32 v36, $0x7;
	[tilespmem:$0x6440] =	vst v33  }
0xf1: {  	v35 =	vand.u32 $0x7F, v41;
	v33 =	vadd.s32 v44, v36;
	v34 =	vld.idx.msk [tilespmem:v34+s2+$0x0], $0xffff  }
0xf2: {  	v46 =	vshrl.u32 v45, $0x6;
	v33 =	vor.u32 v35, v33  }
0xf3: {  	v47 =	vmul.u32 $0x1FFFF38, v46;
	_ =	sdelay $0x1  }
0xf4: {  	v36 =	vadd.s32 v43, v47  }
0xf5: {  	v48 =	vand.u32 $0x1FFFF80, v46;
	v36 =	vshll.u32 v36, $0x7;
	[tilespmem:$0x6450] =	vst v34  }
0xf6: {  	v35 =	vand.u32 $0x7F, v46;
	v34 =	vadd.s32 v48, v36;
	v33 =	vld.idx.msk [tilespmem:v33+s2+$0x0], $0xffff  }
0xf7: {  	v34 =	vor.u32 v35, v34;
	_ =	sdelay $0x3  }
0xf8: {  	s7 =	sadd.s32 $0xFFFFFE90, s8;
	[tilespmem:$0x6460] =	vst v33  }
0xf9: {  	v49 =	vor.u32 s7, v0;
	v33 =	vld.idx.msk [tilespmem:v34+s2+$0x0], $0xffff  }
0xfa: {  	v50 =	vmulhi.u32 $0x51EB851F, v49;
	_ =	sdelay $0x1  }
0xfb: {  	v35 =	vshrl.u32 v50, $0x6  }
0xfc: {  	v51 =	vmul.u32 $0x1FFFF38, v35  }
0xfd: {  	s7 =	sadd.s32 $0xFFFFFEA0, s8;
	[tilespmem:$0x6470] =	vst v33  }
0xfe: {  	v53 =	vor.u32 s7, v0;
	v52 =	vadd.s32 v49, v51;
	[tilespmem:s16], [sflag:$0x1] =	stream.indirect.gather [spmem:s1], $0x80, s15, s14, $0xb8;
	[tilespmem:$0x1D380] =	vst v63  }
0xff: {  	v55 =	vmulhi.u32 $0x51EB851F, v53;
	v54 =	vand.u32 $0xFFFF80, v35;
	v33 =	vshll.u32 v52, $0x7;
	_ =	swait.ge [sflag:s28], $0x4000  }
0x100: {  	v35 =	vand.u32 $0x7F, v35;
	v33 =	vadd.s32 v54, v33;
	[sflag:s28] =	ssyncset.done $0x0  }
0x101: {  	v56 =	vshrl.u32 v55, $0x6;
	v33 =	vor.u32 v35, v33;
	[sflag:s28] =	ssyncadd.s32 $0xFFFFC000  }
0x102: {  	v57 =	vmul.u32 $0x1FFFF38, v56;
	[hbm4b:s9+s2] =	stream.linear.scatter [tilespmem:s20], [sflag:$0x8], $0x4000, $0x38;
	[tilespmem:$0x1D380] =	vst v63  }
0x103: {  	s7 =	sadd.s32 $0xFFFFFEB0, s8;
	_ =	swait.ge [sflag:s0], $0x4000  }
0x104: {  	v58 =	vor.u32 s7, v0;
	v34 =	vadd.s32 v53, v57;
	[sflag:s0] =	ssyncset.done $0x0  }
0x105: {  	v37 =	vand.u32 $0x1FFFF80, v56;
	v59 =	vmulhi.u32 $0x51EB851F, v58;
	v34 =	vshll.u32 v34, $0x7;
	[sflag:s0] =	ssyncadd.s32 $0xFFFFC000  }
0x106: {  	v34 =	vadd.s32 v37, v34;
	v35 =	vand.u32 $0x7F, v56;
	v33 =	vld.idx.msk [tilespmem:v33+s2+$0x0], $0xffff  }
0x107: {  	v60 =	vshrl.u32 v59, $0x6;
	v34 =	vor.u32 v35, v34  }
0x108: {  	v61 =	vmul.u32 $0x1FFFF38, v60  }
0x109: {  	s7 =	sadd.s32 $0xFFFFFEC0, s8  }
0x10a: {  	v62 =	vor.u32 s7, v0;
	v36 =	vadd.s32 v58, v61  }
0x10b: {  	v63 =	vand.u32 $0x1FFFF80, v60;
	v40 =	vmulhi.u32 $0x51EB851F, v62;
	v36 =	vshll.u32 v36, $0x7;
	[tilespmem:$0x6480] =	vst v33  }
0x10c: {  	v35 =	vand.u32 $0x7F, v60;
	v33 =	vadd.s32 v63, v36;
	v34 =	vld.idx.msk [tilespmem:v34+s2+$0x0], $0xffff  }
0x10d: {  	v41 =	vshrl.u32 v40, $0x6;
	v33 =	vor.u32 v35, v33  }
0x10e: {  	v42 =	vmul.u32 $0x1FFFF38, v41  }
0x10f: {  	s7 =	sadd.s32 $0xFFFFFED0, s8  }
0x110: {  	v43 =	vor.u32 s7, v0;
	v36 =	vadd.s32 v62, v42  }
0x111: {  	v44 =	vand.u32 $0x1FFFF80, v41;
	v45 =	vmulhi.u32 $0x51EB851F, v43;
	v36 =	vshll.u32 v36, $0x7;
	[tilespmem:$0x6490] =	vst v34  }
0x112: {  	v35 =	vand.u32 $0x7F, v41;
	v34 =	vadd.s32 v44, v36;
	v33 =	vld.idx.msk [tilespmem:v33+s2+$0x0], $0xffff  }
0x113: {  	v46 =	vshrl.u32 v45, $0x6;
	v34 =	vor.u32 v35, v34  }
0x114: {  	v47 =	vmul.u32 $0x1FFFF38, v46  }
0x115: {  	s7 =	sadd.s32 $0xFFFFFEE0, s8  }
0x116: {  	v48 =	vor.u32 s7, v0;
	v36 =	vadd.s32 v43, v47  }
0x117: {  	v50 =	vmulhi.u32 $0x51EB851F, v48;
	v49 =	vand.u32 $0x1FFFF80, v46;
	v36 =	vshll.u32 v36, $0x7;
	[tilespmem:$0x64A0] =	vst v33  }
0x118: {  	v35 =	vand.u32 $0x7F, v46;
	v33 =	vadd.s32 v49, v36;
	v34 =	vld.idx.msk [tilespmem:v34+s2+$0x0], $0xffff  }
0x119: {  	v51 =	vshrl.u32 v50, $0x6;
	v33 =	vor.u32 v35, v33  }
0x11a: {  	v52 =	vmul.u32 $0x1FFFF38, v51  }
0x11b: {  	s7 =	sadd.s32 $0xFFFFFEF0, s8  }
0x11c: {  	v53 =	vor.u32 s7, v0;
	v36 =	vadd.s32 v48, v52  }
0x11d: {  	v55 =	vmulhi.u32 $0x51EB851F, v53;
	v54 =	vand.u32 $0x1FFFF80, v51;
	v36 =	vshll.u32 v36, $0x7;
	[tilespmem:$0x64B0] =	vst v34  }
0x11e: {  	v35 =	vand.u32 $0x7F, v51;
	v34 =	vadd.s32 v54, v36;
	v33 =	vld.idx.msk [tilespmem:v33+s2+$0x0], $0xffff  }
0x11f: {  	v56 =	vshrl.u32 v55, $0x6;
	v34 =	vor.u32 v35, v34  }
0x120: {  	v57 =	vmul.u32 $0x1FFFF38, v56  }
0x121: {  	s7 =	sadd.s32 $0xFFFFFF00, s8  }
0x122: {  	v58 =	vor.u32 s7, v0;
	v36 =	vadd.s32 v53, v57  }
0x123: {  	v59 =	vand.u32 $0x1FFFF80, v56;
	v60 =	vmulhi.u32 $0x51EB851F, v58;
	v36 =	vshll.u32 v36, $0x7;
	[tilespmem:$0x64C0] =	vst v33  }
0x124: {  	v35 =	vand.u32 $0x7F, v56;
	v33 =	vadd.s32 v59, v36;
	v34 =	vld.idx.msk [tilespmem:v34+s2+$0x0], $0xffff  }
0x125: {  	v61 =	vshrl.u32 v60, $0x6;
	v33 =	vor.u32 v35, v33  }
0x126: {  	v62 =	vmul.u32 $0x1FFFF38, v61;
	_ =	sdelay $0x1  }
0x127: {  	v36 =	vadd.s32 v58, v62  }
0x128: {  	v63 =	vand.u32 $0x1FFFF80, v61;
	v36 =	vshll.u32 v36, $0x7;
	[tilespmem:$0x64D0] =	vst v34  }
0x129: {  	v35 =	vand.u32 $0x7F, v61;
	v34 =	vadd.s32 v63, v36;
	v33 =	vld.idx.msk [tilespmem:v33+s2+$0x0], $0xffff  }
0x12a: {  	v34 =	vor.u32 v35, v34;
	_ =	sdelay $0x3  }
0x12b: {  	[tilespmem:$0x64E0] =	vst v33  }
0x12c: {  	v33 =	vld.idx.msk [tilespmem:v34+s2+$0x0], $0xffff;
	_ =	sdelay $0x4  }
0x12d: {  	[tilespmem:$0x64F0] =	vst v33  }
0x12e: {  	[tilespmem:s18], [sflag:$0x2] =	stream.indirect.gather [spmem:s1], $0x80, s17, s14, $0xb8;
	[tilespmem:$0x1D380] =	vst v63  }
.LBB2_5:
.Ltmp4:
0x12f: {  	(pc) =	sbr.rel @p1 .LBB2_7-.Ltmp4, $4  }
0x130: {  	_ =	swait.ge [sflag:s29], $0x4000  }
0x131: {  	[sflag:s29] =	ssyncset.done $0x0  }
0x132: {  	[sflag:s29] =	ssyncadd.s32 $0xFFFFC000  }
0x133: {  	[hbm4b:s13+s2] =	stream.linear.scatter [tilespmem:s22], [sflag:$0x9], $0x4000, $0x38;
	[tilespmem:$0x1D380] =	vst v63  }
0x134: {  	s5 =	sadd.s32 $0xFFFFFF10, s8  }
0x135: {  	v33 =	vor.u32 s5, v0  }
0x136: {  	v34 =	vmulhi.u32 $0x51EB851F, v33;
	_ =	sdelay $0x1  }
0x137: {  	v34 =	vshrl.u32 v34, $0x6  }
0x138: {  	v35 =	vmul.u32 $0x1FFFF38, v34  }
0x139: {  	s7 =	sadd.s32 $0xFFFFFF20, s8  }
0x13a: {  	v56 =	vor.u32 s7, v0;
	v33 =	vadd.s32 v33, v35  }
0x13b: {  	v37 =	vmulhi.u32 $0x51EB851F, v56;
	v36 =	vand.u32 $0xFFFF80, v34;
	v33 =	vshll.u32 v33, $0x7  }
0x13c: {  	v34 =	vand.u32 $0x7F, v34;
	v33 =	vadd.s32 v36, v33  }
0x13d: {  	v57 =	vshrl.u32 v37, $0x6;
	v33 =	vor.u32 v34, v33  }
0x13e: {  	v58 =	vmul.u32 $0x1FFFF38, v57  }
0x13f: {  	_ =	swait.ge [sflag:s3], $0x4000;
	s7 =	sadd.s32 $0xFFFFFF30, s8  }
0x140: {  	[sflag:s3] =	ssyncset.done $0x0;
	v59 =	vor.u32 s7, v0;
	v35 =	vadd.s32 v56, v58  }
0x141: {  	[sflag:s3] =	ssyncadd.s32 $0xFFFFC000;
	v38 =	vmulhi.u32 $0x51EB851F, v59;
	v37 =	vand.u32 $0x1FFFF80, v57;
	v35 =	vshll.u32 v35, $0x7  }
0x142: {  	v35 =	vadd.s32 v37, v35;
	v34 =	vand.u32 $0x7F, v57;
	v33 =	vld.idx.msk [tilespmem:v33+s2+$0x0], $0xffff  }
0x143: {  	v60 =	vshrl.u32 v38, $0x6;
	v34 =	vor.u32 v34, v35  }
0x144: {  	v61 =	vmul.u32 $0x1FFFF38, v60  }
0x145: {  	s7 =	sadd.s32 $0xFFFFFF40, s8  }
0x146: {  	v62 =	vor.u32 s7, v0;
	v36 =	vadd.s32 v59, v61  }
0x147: {  	v40 =	vmulhi.u32 $0x51EB851F, v62;
	v63 =	vand.u32 $0x1FFFF80, v60;
	v36 =	vshll.u32 v36, $0x7;
	[tilespmem:$0x6500] =	vst v33  }
0x148: {  	v35 =	vand.u32 $0x7F, v60;
	v33 =	vadd.s32 v63, v36;
	v34 =	vld.idx.msk [tilespmem:v34+s2+$0x0], $0xffff  }
0x149: {  	v41 =	vshrl.u32 v40, $0x6;
	v33 =	vor.u32 v35, v33  }
0x14a: {  	v42 =	vmul.u32 $0x1FFFF38, v41  }
0x14b: {  	s7 =	sadd.s32 $0xFFFFFF50, s8  }
0x14c: {  	v43 =	vor.u32 s7, v0;
	v36 =	vadd.s32 v62, v42  }
0x14d: {  	v45 =	vmulhi.u32 $0x51EB851F, v43;
	v44 =	vand.u32 $0x1FFFF80, v41;
	v36 =	vshll.u32 v36, $0x7;
	[tilespmem:$0x6510] =	vst v34  }
0x14e: {  	v35 =	vand.u32 $0x7F, v41;
	v34 =	vadd.s32 v44, v36;
	v33 =	vld.idx.msk [tilespmem:v33+s2+$0x0], $0xffff  }
0x14f: {  	v46 =	vshrl.u32 v45, $0x6;
	v34 =	vor.u32 v35, v34  }
0x150: {  	v47 =	vmul.u32 $0x1FFFF38, v46  }
0x151: {  	s7 =	sadd.s32 $0xFFFFFF60, s8  }
0x152: {  	v48 =	vor.u32 s7, v0;
	v36 =	vadd.s32 v43, v47  }
0x153: {  	v50 =	vmulhi.u32 $0x51EB851F, v48;
	v49 =	vand.u32 $0x1FFFF80, v46;
	v36 =	vshll.u32 v36, $0x7;
	[tilespmem:$0x6520] =	vst v33  }
0x154: {  	v35 =	vand.u32 $0x7F, v46;
	v33 =	vadd.s32 v49, v36;
	v34 =	vld.idx.msk [tilespmem:v34+s2+$0x0], $0xffff  }
0x155: {  	v51 =	vshrl.u32 v50, $0x6;
	v33 =	vor.u32 v35, v33  }
0x156: {  	v52 =	vmul.u32 $0x1FFFF38, v51  }
0x157: {  	s7 =	sadd.s32 $0xFFFFFF70, s8  }
0x158: {  	v53 =	vor.u32 s7, v0;
	v36 =	vadd.s32 v48, v52  }
0x159: {  	v55 =	vmulhi.u32 $0x51EB851F, v53;
	v54 =	vand.u32 $0x1FFFF80, v51;
	v36 =	vshll.u32 v36, $0x7;
	[tilespmem:$0x6530] =	vst v34  }
0x15a: {  	v35 =	vand.u32 $0x7F, v51;
	v34 =	vadd.s32 v54, v36;
	v33 =	vld.idx.msk [tilespmem:v33+s2+$0x0], $0xffff  }
0x15b: {  	v56 =	vshrl.u32 v55, $0x6;
	v34 =	vor.u32 v35, v34  }
0x15c: {  	v57 =	vmul.u32 $0x1FFFF38, v56  }
0x15d: {  	s7 =	sadd.s32 $0xFFFFFF80, s8  }
0x15e: {  	v58 =	vor.u32 s7, v0;
	v36 =	vadd.s32 v53, v57  }
0x15f: {  	v59 =	vand.u32 $0x1FFFF80, v56;
	v60 =	vmulhi.u32 $0x51EB851F, v58;
	v36 =	vshll.u32 v36, $0x7;
	[tilespmem:$0x6540] =	vst v33  }
0x160: {  	v35 =	vand.u32 $0x7F, v56;
	v33 =	vadd.s32 v59, v36;
	v34 =	vld.idx.msk [tilespmem:v34+s2+$0x0], $0xffff  }
0x161: {  	v61 =	vshrl.u32 v60, $0x6;
	v33 =	vor.u32 v35, v33  }
0x162: {  	v62 =	vmul.u32 $0x1FFFF38, v61;
	_ =	sdelay $0x1  }
0x163: {  	v36 =	vadd.s32 v58, v62  }
0x164: {  	v63 =	vand.u32 $0x1FFFF80, v61;
	v36 =	vshll.u32 v36, $0x7;
	[tilespmem:$0x6550] =	vst v34  }
0x165: {  	v35 =	vand.u32 $0x7F, v61;
	v34 =	vadd.s32 v63, v36;
	v33 =	vld.idx.msk [tilespmem:v33+s2+$0x0], $0xffff  }
0x166: {  	v34 =	vor.u32 v35, v34;
	_ =	sdelay $0x3  }
0x167: {  	[tilespmem:$0x6560] =	vst v33  }
0x168: {  	v33 =	vld.idx.msk [tilespmem:v34+s2+$0x0], $0xffff;
	_ =	sdelay $0x4  }
0x169: {  	[tilespmem:$0x6570] =	vst v33  }
0x16a: {  	[tilespmem:s20], [sflag:$0x3] =	stream.indirect.gather [spmem:s1], $0x80, s19, s14, $0xb8;
	[tilespmem:$0x1D380] =	vst v63  }
.LBB2_7:
.Ltmp5:
0x16b: {  	(pc) =	sbr.rel @p1 .LBB2_9-.Ltmp5, $4  }
0x16c: {  	_ =	swait.ge [sflag:s30], $0x4000  }
0x16d: {  	[sflag:s30] =	ssyncset.done $0x0  }
0x16e: {  	[sflag:s30] =	ssyncadd.s32 $0xFFFFC000  }
0x16f: {  	[hbm4b:s11+s2] =	stream.linear.scatter [tilespmem:s25], [sflag:$0xA], $0x4000, $0x38;
	[tilespmem:$0x1D380] =	vst v63  }
0x170: {  	s5 =	sadd.s32 $0xFFFFFF90, s8  }
0x171: {  	v33 =	vor.u32 s5, v0  }
0x172: {  	v34 =	vmulhi.u32 $0x51EB851F, v33;
	_ =	sdelay $0x1  }
0x173: {  	v34 =	vshrl.u32 v34, $0x6  }
0x174: {  	v35 =	vmul.u32 $0x1FFFF38, v34  }
0x175: {  	s7 =	sadd.s32 $0xFFFFFFA0, s8  }
0x176: {  	v56 =	vor.u32 s7, v0;
	v33 =	vadd.s32 v33, v35  }
0x177: {  	v37 =	vmulhi.u32 $0x51EB851F, v56;
	v36 =	vand.u32 $0xFFFF80, v34;
	v33 =	vshll.u32 v33, $0x7  }
0x178: {  	v34 =	vand.u32 $0x7F, v34;
	v33 =	vadd.s32 v36, v33  }
0x179: {  	v57 =	vshrl.u32 v37, $0x6;
	v33 =	vor.u32 v34, v33  }
0x17a: {  	v58 =	vmul.u32 $0x1FFFF38, v57  }
0x17b: {  	_ =	swait.ge [sflag:s4], $0x4000;
	s7 =	sadd.s32 $0xFFFFFFB0, s8  }
0x17c: {  	[sflag:s4] =	ssyncset.done $0x0;
	v59 =	vor.u32 s7, v0;
	v35 =	vadd.s32 v56, v58  }
0x17d: {  	[sflag:s4] =	ssyncadd.s32 $0xFFFFC000;
	v38 =	vmulhi.u32 $0x51EB851F, v59;
	v37 =	vand.u32 $0x1FFFF80, v57;
	v35 =	vshll.u32 v35, $0x7  }
0x17e: {  	v35 =	vadd.s32 v37, v35;
	v34 =	vand.u32 $0x7F, v57;
	v33 =	vld.idx.msk [tilespmem:v33+s2+$0x0], $0xffff  }
0x17f: {  	v60 =	vshrl.u32 v38, $0x6;
	v34 =	vor.u32 v34, v35  }
0x180: {  	v61 =	vmul.u32 $0x1FFFF38, v60  }
0x181: {  	s7 =	sadd.s32 $0xFFFFFFC0, s8  }
0x182: {  	v62 =	vor.u32 s7, v0;
	v36 =	vadd.s32 v59, v61  }
0x183: {  	v40 =	vmulhi.u32 $0x51EB851F, v62;
	v63 =	vand.u32 $0x1FFFF80, v60;
	v36 =	vshll.u32 v36, $0x7;
	[tilespmem:$0x6580] =	vst v33  }
0x184: {  	v35 =	vand.u32 $0x7F, v60;
	v33 =	vadd.s32 v63, v36;
	v34 =	vld.idx.msk [tilespmem:v34+s2+$0x0], $0xffff  }
0x185: {  	v41 =	vshrl.u32 v40, $0x6;
	v33 =	vor.u32 v35, v33  }
0x186: {  	v42 =	vmul.u32 $0x1FFFF38, v41  }
0x187: {  	s7 =	sadd.s32 $0xFFFFFFD0, s8  }
0x188: {  	v43 =	vor.u32 s7, v0;
	v36 =	vadd.s32 v62, v42  }
0x189: {  	v45 =	vmulhi.u32 $0x51EB851F, v43;
	v44 =	vand.u32 $0x1FFFF80, v41;
	v36 =	vshll.u32 v36, $0x7;
	[tilespmem:$0x6590] =	vst v34  }
0x18a: {  	v35 =	vand.u32 $0x7F, v41;
	v34 =	vadd.s32 v44, v36;
	v33 =	vld.idx.msk [tilespmem:v33+s2+$0x0], $0xffff  }
0x18b: {  	v46 =	vshrl.u32 v45, $0x6;
	v34 =	vor.u32 v35, v34  }
0x18c: {  	v47 =	vmul.u32 $0x1FFFF38, v46  }
0x18d: {  	s7 =	sadd.s32 $0xFFFFFFE0, s8  }
0x18e: {  	v48 =	vor.u32 s7, v0;
	v36 =	vadd.s32 v43, v47  }
0x18f: {  	v50 =	vmulhi.u32 $0x51EB851F, v48;
	v49 =	vand.u32 $0x1FFFF80, v46;
	v36 =	vshll.u32 v36, $0x7;
	[tilespmem:$0x65A0] =	vst v33  }
0x190: {  	v35 =	vand.u32 $0x7F, v46;
	v33 =	vadd.s32 v49, v36;
	v34 =	vld.idx.msk [tilespmem:v34+s2+$0x0], $0xffff  }
0x191: {  	v51 =	vshrl.u32 v50, $0x6;
	v33 =	vor.u32 v35, v33  }
0x192: {  	v52 =	vmul.u32 $0x1FFFF38, v51  }
0x193: {  	s7 =	sadd.s32 $0xFFFFFFF0, s8  }
0x194: {  	v53 =	vor.u32 s7, v0;
	v36 =	vadd.s32 v48, v52  }
0x195: {  	v55 =	vmulhi.u32 $0x51EB851F, v53;
	v54 =	vand.u32 $0x1FFFF80, v51;
	v36 =	vshll.u32 v36, $0x7;
	[tilespmem:$0x65B0] =	vst v34  }
0x196: {  	v35 =	vand.u32 $0x7F, v51;
	v34 =	vadd.s32 v54, v36;
	v33 =	vld.idx.msk [tilespmem:v33+s2+$0x0], $0xffff  }
0x197: {  	v56 =	vshrl.u32 v55, $0x6;
	v34 =	vor.u32 v35, v34  }
0x198: {  	v57 =	vmul.u32 $0x1FFFF38, v56;
	_ =	sdelay $0x1  }
0x199: {  	v58 =	vor.u32 s8, v0;
	v36 =	vadd.s32 v53, v57  }
0x19a: {  	v59 =	vand.u32 $0x1FFFF80, v56;
	v60 =	vmulhi.u32 $0x51EB851F, v58;
	v36 =	vshll.u32 v36, $0x7;
	[tilespmem:$0x65C0] =	vst v33  }
0x19b: {  	v35 =	vand.u32 $0x7F, v56;
	v33 =	vadd.s32 v59, v36;
	v34 =	vld.idx.msk [tilespmem:v34+s2+$0x0], $0xffff  }
0x19c: {  	v61 =	vshrl.u32 v60, $0x6;
	v33 =	vor.u32 v35, v33  }
0x19d: {  	v62 =	vmul.u32 $0x1FFFF38, v61;
	_ =	sdelay $0x1  }
0x19e: {  	v36 =	vadd.s32 v58, v62  }
0x19f: {  	v63 =	vand.u32 $0x1FFFF80, v61;
	v36 =	vshll.u32 v36, $0x7;
	[tilespmem:$0x65D0] =	vst v34  }
0x1a0: {  	v35 =	vand.u32 $0x7F, v61;
	v34 =	vadd.s32 v63, v36;
	v33 =	vld.idx.msk [tilespmem:v33+s2+$0x0], $0xffff  }
0x1a1: {  	v34 =	vor.u32 v35, v34;
	_ =	sdelay $0x3  }
0x1a2: {  	[tilespmem:$0x65E0] =	vst v33  }
0x1a3: {  	v33 =	vld.idx.msk [tilespmem:v34+s2+$0x0], $0xffff;
	_ =	sdelay $0x1  }
.Ltmp6:
0x1a4: {  	_ = 	snop;
	(pc) =	sbr.rel .LBB2_2-.Ltmp6, $4  }
0x1a5: {  	_ = 	snop  }
0x1a6: {  	s13 =	sadd.s32 $0x2800, s13;
	s9 =	sadd.s32 $0x2800, s9;
	s12 =	sadd.s32 $0x2800, s12  }
0x1a7: {  	s10 =	sadd.s32 $0x2800, s10;
	s11 =	sadd.s32 $0x2800, s11;
	s8 =	sadd.s32 $0x280, s8;
	[tilespmem:$0x65F0] =	vst v33  }
0x1a8: {  	[tilespmem:s22], [sflag:$0x4] =	stream.indirect.gather [spmem:s1], $0x80, s21, s14, $0xb8;
	[tilespmem:$0x1D380] =	vst v63  }
.LBB2_10:
0x1a9: {  	_ =	sfence.sel $0x180000  }
0x1aa: {  	[bflag:$0x0] =	sbarrier.arrive $0xFFFF  }
0x1ab: {  	_ =	strace $0x90000047  }
0x1ac: {  	[bflag:$0x2] =	sbarrier.arrive $0xFFFF  }
0x1ad: {  	s0 =	rddreg [dreg:$0x3]  }
0x1ae: {  	s0 =	sadd.s32 @!p0 $0x100000, s0  }
0x1af: {  	[sflag:s0] =	ssyncadd.tile.s32 @!p0 $0x1;
	_ =	shalt  }
.Lfunc_end2:
_tile_overlayer_lowered:
.L_overlay_start_2:
0x1b0: {  	(tag) =	ssettag $0x2  }
0x1b1: {  	s0 =	rddreg [dreg:$0x0];
	s2 =	stileid.u32  }
0x1b2: {  	s1 =	rddreg [dreg:$0x1];
	p0 =	sne.s32 s2, $0x0  }
0x1b3: {  	s3 =	rddreg [dreg:$0x2];
	[bflag:$0x3] =	sbarrier.arrive $0xFFFF;
	s2 =	simm.s32 @!p0 $0x1C0B  }
0x1b4: {  	[timem:s3], [sflag:s2] =	dma.local @!p0 [hbm:s0], s1  }
0x1b5: {  	s0 =	simm.s32 @!p0 $0xB  }
0x1b6: {  	_ =	swait.ge @!p0 [sflag:s0], s1  }
0x1b7: {  	s1 =	ssub.s32 @!p0 $0x0, s1;
	[sflag:s0] =	ssyncset.done @!p0 $0x0  }
0x1b8: {  	[sflag:s0] =	ssyncadd.s32 @!p0 s1  }
0x1b9: {  	[bflag:$0x3] =	sbarrier.arrive $0xFFFF  }
0x1ba: {  	_ =	shalt  }

</sc_bundles>
